<compile_context>
chip_gen: v7x
topology: tpu7x:2x2x1
jax: 0.10.2.dev20260603
libtpu: 0.0.44.dev20260713+nightly
codegen_flags: <defaults>
</compile_context>

<pallas_src>
import functools

import jax
import jax.numpy as jnp
from jax import lax
from jax.experimental import pallas as pl
from jax.experimental.pallas import tpu as pltpu
from jax.experimental.pallas import tpu_sc as plsc

N = 10000
E = 320000
D = 128
H = 8

NC = 2
NS = 16
RW = 128
SWR = 8
EP = 327680
NSW = EP // (RW * SWR)
SW_MAIN = NSW // (NC * NS)
SW_DEG = NSW // NS
NP = 10240
RPT = NP // NS
NB = 2
PF = 0


def _lrelu(v):
    return jnp.where(v >= 0, v, 0.01 * v)


def _rsqrt_newton(d):
    i = lax.bitcast_convert_type(d, jnp.int32)
    i = jnp.int32(0x5F3759DF) - (i >> 1)
    y = lax.bitcast_convert_type(i, jnp.float32)
    for _ in range(3):
        y = y * (1.5 - 0.5 * d * y * y)
    return y


def _sc_aggregate(x, src2d, dst2d, ew2d, zeros2d, zeros1d):
    mesh = plsc.VectorSubcoreMesh(
        core_axis_name="c", subcore_axis_name="s", num_cores=NC,
        num_subcores=NS)

    @functools.partial(
        pl.kernel,
        out_type=[
            jax.ShapeDtypeStruct((NC, NP, D), jnp.float32),
            jax.ShapeDtypeStruct((NC * NP,), jnp.float32),
        ],
        mesh=mesh,
        compiler_params=pltpu.CompilerParams(needs_layout_passes=False),
        scratch_types=[
            pltpu.VMEM((NP,), jnp.float32),
            pltpu.VMEM((SWR, RW), jnp.int32),
            pltpu.VMEM((SWR, RW), jnp.int32),
            pltpu.VMEM((SWR, RW), jnp.float32),
            pltpu.VMEM((RW, D), jnp.float32),
            pltpu.VMEM((RW, D), jnp.float32),
            pltpu.VMEM((RW,), jnp.float32),
            pltpu.VMEM_SHARED((NP, D), jnp.float32),
            pltpu.VMEM_SHARED((NP,), jnp.float32),
            pltpu.SemaphoreType.DMA,
            pltpu.SemaphoreType.DMA,
            pltpu.SemaphoreType.DMA,
            pltpu.SemaphoreType.DMA,
            pltpu.SemaphoreType.DMA,
        ],
    )
    def agg(x_hbm, src_hbm, dst_hbm, ew_hbm, zeros2d_hbm, zeros1d_hbm,
            z_hbm, deg_hbm,
            dinv_t, srcb, dstb, ewb, rows0, rows1, scale_buf,
            z_sh, deg_sh,
            gsem0, gsem1, ssem0, ssem1, dsem):
        c = lax.axis_index("c")
        s = lax.axis_index("s")
        r0 = s * RPT

        pltpu.sync_copy(zeros2d_hbm.at[pl.ds(r0, RPT)],
                        z_sh.at[pl.ds(r0, RPT)])
        pltpu.sync_copy(zeros1d_hbm.at[pl.ds(r0, RPT)],
                        deg_sh.at[pl.ds(r0, RPT)])
        plsc.subcore_barrier()

        def deg_sw(ch, carry):
            row = (s * SW_DEG + ch) * SWR
            pltpu.sync_copy(dst_hbm.at[pl.ds(row, SWR)], dstb)
            pltpu.sync_copy(ew_hbm.at[pl.ds(row, SWR)], ewb)
            descs = [pltpu.async_copy(ewb.at[r], deg_sh.at[dstb.at[r]],
                                      dsem, add=True)
                     for r in range(SWR)]
            for desc in descs:
                desc.wait()
            return carry

        lax.fori_loop(0, SW_DEG, deg_sw, 0)
        plsc.subcore_barrier()

        pltpu.sync_copy(deg_sh, dinv_t)

        def rsqrt_body(i, carry):
            d = dinv_t[pl.ds(i * 16, 16)] + 1.0
            dinv_t[pl.ds(i * 16, 16)] = _rsqrt_newton(d)
            return carry

        lax.fori_loop(0, NP // 16, rsqrt_body, 0)

        bufs = (rows0, rows1)
        gsems = (gsem0, gsem1)
        ssems = (ssem0, ssem1)

        def scale_window(r, buf):
            def mk_scale(k, carry2):
                e0 = k * 16
                src16 = srcb[r, pl.ds(e0, 16)]
                s16 = (ewb[r, pl.ds(e0, 16)]
                       * plsc.load_gather(dinv_t, [src16]))
                scale_buf[pl.ds(e0, 16)] = s16
                return carry2

            lax.fori_loop(0, RW // 16, mk_scale, 0)

            def srow(e, carry2):
                b16 = plsc.load_gather(scale_buf,
                                       [jnp.full((16,), e, jnp.int32)])
                for cc in range(D // 16):
                    sl = pl.ds(cc * 16, 16)
                    buf[e, sl] = buf[e, sl] * b16
                return carry2

            lax.fori_loop(0, RW, srow, 0, unroll=2)

        def sw_main(w, carry):
            row = (((c * NS + s) * SW_MAIN) + w) * SWR
            pltpu.sync_copy(src_hbm.at[pl.ds(row, SWR)], srcb)
            pltpu.sync_copy(dst_hbm.at[pl.ds(row, SWR)], dstb)
            pltpu.sync_copy(ew_hbm.at[pl.ds(row, SWR)], ewb)

            gath = [None] * NB
            scat = [None] * NB
            for p in range(PF + 1):
                gath[p] = pltpu.async_copy(x_hbm.at[srcb.at[p]],
                                           bufs[p], gsems[p])
            for r in range(SWR):
                b = r % NB
                if r + PF + 1 < SWR:
                    nb = (r + PF + 1) % NB
                    if scat[nb] is not None:
                        scat[nb].wait()
                        scat[nb] = None
                    gath[nb] = pltpu.async_copy(x_hbm.at[srcb.at[r + PF + 1]],
                                                bufs[nb], gsems[nb])
                gath[b].wait()
                scale_window(r, bufs[b])
                scat[b] = pltpu.async_copy(bufs[b], z_sh.at[dstb.at[r]],
                                           ssems[b], add=True)
            for b in range(NB):
                if scat[b] is not None:
                    scat[b].wait()
            return carry

        lax.fori_loop(0, SW_MAIN, sw_main, 0)
        plsc.subcore_barrier()

        pltpu.sync_copy(z_sh.at[pl.ds(r0, RPT)],
                        z_hbm.at[c, pl.ds(r0, RPT)])
        pltpu.sync_copy(deg_sh.at[pl.ds(r0, RPT)],
                        deg_hbm.at[pl.ds(c * NP + r0, RPT)])

    return agg(x, src2d, dst2d, ew2d, zeros2d, zeros1d)


BN = 1000
NG = N // BN


def _tc_body(x_ref, z0_ref, z1_ref, deg_ref,
             wca_ref, bca_ref, w1a_ref, b1a_ref, w2a_ref, b2a_ref,
             w3a_ref, b3a_ref,
             wcc_ref, bcc_ref, w1c_ref, b1c_ref, w2c_ref, b2c_ref,
             w3c_ref, b3c_ref,
             conc_ref, val_ref, gacc):
    i = pl.program_id(0)
    xb = x_ref[...]
    dd = deg_ref[...] + 1.0
    dinv = lax.rsqrt(dd)
    dinv = dinv * (1.5 - 0.5 * dd * dinv * dinv)
    y = dinv * (z0_ref[...] + z1_ref[...] + dinv * xb)

    ha = _lrelu(jnp.dot(y, wca_ref[...],
                        preferred_element_type=jnp.float32,
                        precision=lax.Precision.HIGHEST) + bca_ref[...]) + xb
    h1 = _lrelu(jnp.dot(ha, w1a_ref[...],
                        preferred_element_type=jnp.float32,
                        precision=lax.Precision.HIGHEST) + b1a_ref[...])
    h2 = _lrelu(jnp.dot(h1, w2a_ref[...],
                        preferred_element_type=jnp.float32,
                        precision=lax.Precision.HIGHEST) + b2a_ref[...])
    a = jnp.dot(h2, w3a_ref[...],
                preferred_element_type=jnp.float32,
                        precision=lax.Precision.HIGHEST) + b3a_ref[...]
    conc_ref[...] = jax.nn.softplus(a[:, :1]) + 1e-20

    hc = _lrelu(jnp.dot(y, wcc_ref[...],
                        preferred_element_type=jnp.float32,
                        precision=lax.Precision.HIGHEST) + bcc_ref[...]) + xb
    ones = jnp.ones((8, BN), jnp.float32)
    part8 = jnp.dot(ones, hc, preferred_element_type=jnp.float32,
                    precision=lax.Precision.HIGHEST)
    part = part8[:1]

    @pl.when(i == 0)
    def _():
        gacc[...] = part

    @pl.when(i > 0)
    def _():
        gacc[...] = gacc[...] + part

    @pl.when(i == NG - 1)
    def _():
        g1 = _lrelu(jnp.dot(gacc[...], w1c_ref[...],
                            preferred_element_type=jnp.float32,
                        precision=lax.Precision.HIGHEST) + b1c_ref[...])
        g2 = _lrelu(jnp.dot(g1, w2c_ref[...],
                            preferred_element_type=jnp.float32,
                        precision=lax.Precision.HIGHEST) + b2c_ref[...])
        v = jnp.dot(g2, w3c_ref[...],
                    preferred_element_type=jnp.float32,
                        precision=lax.Precision.HIGHEST) + b3c_ref[...]
        val_ref[...] = v[:, :1]


def _tc_head(x, z0, z1, deg, weights):
    row_spec = pl.BlockSpec((BN, D), lambda i: (i, 0))
    col_spec = pl.BlockSpec((BN, 1), lambda i: (i, 0))
    full2 = pl.BlockSpec((D, D), lambda i: (0, 0))
    full1 = pl.BlockSpec((1, D), lambda i: (0, 0))
    wspecs = [full2, full1] * 8

    conc, val = pl.pallas_call(
        _tc_body,
        grid=(NG,),
        in_specs=[row_spec, row_spec, row_spec, col_spec] + wspecs,
        out_specs=[col_spec, pl.BlockSpec((1, 1), lambda i: (0, 0))],
        out_shape=[
            jax.ShapeDtypeStruct((N, 1), jnp.float32),
            jax.ShapeDtypeStruct((1, 1), jnp.float32),
        ],
        scratch_shapes=[pltpu.VMEM((1, D), jnp.float32)],
    )(x, z0, z1, deg.reshape(N, 1), *weights)
    return conc.reshape(-1), val.reshape(1)


def _pad2(w):
    out = jnp.zeros((D, D), jnp.float32)
    return out.at[: w.shape[0], : w.shape[1]].set(w)


def _pad1(b):
    out = jnp.zeros((1, D), jnp.float32)
    return out.at[0, : b.shape[0]].set(b)


def kernel(x, edge_index, edge_attr, Wc_a, bc_a, W1_a, b1_a, W2_a, b2_a,
           W3_a, b3_a, Wc_c, bc_c, W1_c, b1_c, W2_c, b2_c, W3_c, b3_c):
    padE = EP - E
    src2d = jnp.concatenate(
        [edge_index[0], jnp.zeros((padE,), jnp.int32)]).reshape(NSW * SWR, RW)
    dst2d = jnp.concatenate(
        [edge_index[1], jnp.zeros((padE,), jnp.int32)]).reshape(NSW * SWR, RW)
    ew2d = jnp.concatenate(
        [edge_attr, jnp.zeros((padE,), jnp.float32)]).reshape(NSW * SWR, RW)
    zeros2d = jnp.zeros((NP, D), jnp.float32)
    zeros1d = jnp.zeros((NP,), jnp.float32)

    zpart, deg_out = _sc_aggregate(x, src2d, dst2d, ew2d, zeros2d, zeros1d)

    weights = [
        Wc_a, _pad1(bc_a), _pad2(W1_a), _pad1(b1_a), _pad2(W2_a), _pad1(b2_a),
        _pad2(W3_a), _pad1(b3_a),
        Wc_c, _pad1(bc_c), _pad2(W1_c), _pad1(b1_c), _pad2(W2_c), _pad1(b2_c),
        _pad2(W3_c), _pad1(b3_c),
    ]
    return _tc_head(x, zpart[0, :N], zpart[1, :N], deg_out[:N], weights)

# --- scband reference (transcript-rebuilt; emitter-appended) ---
"""Pipeline reference for scband-a2-c-49512382988683 (READ-ONLY COPY).

The authoritative reference and input builder live on the scoring server;
editing this copy changes nothing except your own understanding.
"""

import jax, jax.numpy as jnp
import numpy as np

N = 10000
E = 320000
D = 128
H = 8


def _gcn_conv(x, edge_index, edge_weight, W, b):
    src = edge_index[0]
    dst = edge_index[1]
    loop = jnp.arange(N, dtype=src.dtype)
    src_full = jnp.concatenate([src, loop])
    dst_full = jnp.concatenate([dst, loop])
    ew_full = jnp.concatenate([edge_weight, jnp.ones((N,), dtype=edge_weight.dtype)])
    deg = jax.ops.segment_sum(ew_full, dst_full, num_segments=N)
    deg_inv_sqrt = jnp.where(deg > 0, deg ** -0.5, 0.0)
    norm = deg_inv_sqrt[src_full] * ew_full * deg_inv_sqrt[dst_full]
    xw = x @ W
    msg = xw[src_full] * norm[:, None]
    out = jax.ops.segment_sum(msg, dst_full, num_segments=N)
    return out + b


def setup_inputs(seed: int = 0) -> dict:
    key = jax.random.key(seed)
    ks = jax.random.split(key, 20)
    inp = {}
    inp["x"] = jax.random.normal(ks[0], (N, D), dtype=jnp.float32)
    inp["edge_index"] = jax.random.randint(ks[1], (2, E), 0, N, dtype=jnp.int32)
    inp["edge_attr"] = jax.random.uniform(ks[2], (E,), dtype=jnp.float32)
    s = 1.0 / np.sqrt(D)
    sh = 1.0 / np.sqrt(H)
    # actor params
    inp["Wc_a"] = jax.random.normal(ks[3], (D, D), dtype=jnp.float32) * s
    inp["bc_a"] = jnp.zeros((D,), dtype=jnp.float32)
    inp["W1_a"] = jax.random.normal(ks[4], (D, H), dtype=jnp.float32) * s
    inp["b1_a"] = jnp.zeros((H,), dtype=jnp.float32)
    inp["W2_a"] = jax.random.normal(ks[5], (H, H), dtype=jnp.float32) * sh
    inp["b2_a"] = jnp.zeros((H,), dtype=jnp.float32)
    inp["W3_a"] = jax.random.normal(ks[6], (H, 1), dtype=jnp.float32) * sh
    inp["b3_a"] = jnp.zeros((1,), dtype=jnp.float32)
    # critic params
    inp["Wc_c"] = jax.random.normal(ks[7], (D, D), dtype=jnp.float32) * s
    inp["bc_c"] = jnp.zeros((D,), dtype=jnp.float32)
    inp["W1_c"] = jax.random.normal(ks[8], (D, H), dtype=jnp.float32) * s
    inp["b1_c"] = jnp.zeros((H,), dtype=jnp.float32)
    inp["W2_c"] = jax.random.normal(ks[9], (H, H), dtype=jnp.float32) * sh
    inp["b2_c"] = jnp.zeros((H,), dtype=jnp.float32)
    inp["W3_c"] = jax.random.normal(ks[10], (H, 1), dtype=jnp.float32) * sh
    inp["b3_c"] = jnp.zeros((1,), dtype=jnp.float32)
    return inp


def reference(x, edge_index, edge_attr, Wc_a, bc_a, W1_a, b1_a, W2_a, b2_a, W3_a, b3_a, Wc_c, bc_c, W1_c, b1_c, W2_c, b2_c, W3_c, b3_c):
    lrelu = jax.nn.leaky_relu
    jitter = 1e-20
    # actor
    out_a = lrelu(_gcn_conv(x, edge_index, edge_attr, Wc_a, bc_a))
    h = out_a + x
    h = lrelu(h @ W1_a + b1_a)
    h = lrelu(h @ W2_a + b2_a)
    a_out = h @ W3_a + b3_a
    concentration = jax.nn.softplus(a_out).reshape(-1) + jitter
    # critic
    out_c = lrelu(_gcn_conv(x, edge_index, edge_attr, Wc_c, bc_c))
    g = out_c + x
    g = jnp.sum(g, axis=0)
    g = lrelu(g @ W1_c + b1_c)
    g = lrelu(g @ W2_c + b2_c)
    value = g @ W3_c + b3_c
    return (concentration, value)

if __name__ == "__main__":
    import jax
    _d = setup_inputs()
    print(jax.jit(kernel)(*tuple(_d.values())))

</pallas_src>

<mosaic_0001>
#map = affine_map<(d0, d1) -> (0, 0)>
#map1 = affine_map<(d0, d1) -> (0)>
#map2 = affine_map<(d0, d1) -> (0, 0, 0)>
module attributes {stable_mosaic.version = 14 : i64} {
  func.func @agg(%arg0: i32, %arg1: i32, %arg2: memref<10000x128xf32, #tpu.memory_space<hbm>>, %arg3: memref<2560x128xi32, #tpu.memory_space<hbm>>, %arg4: memref<2560x128xi32, #tpu.memory_space<hbm>>, %arg5: memref<2560x128xf32, #tpu.memory_space<hbm>>, %arg6: memref<10240x128xf32, #tpu.memory_space<hbm>>, %arg7: memref<10240xf32, #tpu.memory_space<hbm>>, %arg8: memref<2x10240x128xf32, #tpu.memory_space<hbm>>, %arg9: memref<20480xf32, #tpu.memory_space<hbm>>, %arg10: memref<10240xf32, #tpu.memory_space<vmem>>, %arg11: memref<8x128xi32, #tpu.memory_space<vmem>>, %arg12: memref<8x128xi32, #tpu.memory_space<vmem>>, %arg13: memref<8x128xf32, #tpu.memory_space<vmem>>, %arg14: memref<128x128xf32, #tpu.memory_space<vmem>>, %arg15: memref<128x128xf32, #tpu.memory_space<vmem>>, %arg16: memref<128xf32, #tpu.memory_space<vmem>>, %arg17: memref<10240x128xf32, #tpu.memory_space<vmem_shared>>, %arg18: memref<10240xf32, #tpu.memory_space<vmem_shared>>, %arg19: memref<!tpu.dma_semaphore, #tpu.memory_space<semaphore_mem>>, %arg20: memref<!tpu.dma_semaphore, #tpu.memory_space<semaphore_mem>>, %arg21: memref<!tpu.dma_semaphore, #tpu.memory_space<semaphore_mem>>, %arg22: memref<!tpu.dma_semaphore, #tpu.memory_space<semaphore_mem>>, %arg23: memref<!tpu.dma_semaphore, #tpu.memory_space<semaphore_mem>>) attributes {dimension_semantics = [#tpu.dimension_semantics<core_parallel>, #tpu.dimension_semantics<subcore_parallel>], iteration_bounds = array<i64: 2, 16>, scalar_prefetch = 0 : i64, scratch_operands = 14 : i64, tpu.core_type = #tpu.core_type<sc_vector_subcore>, window_params = [{transform_indices = #map}, {transform_indices = #map}, {transform_indices = #map}, {transform_indices = #map}, {transform_indices = #map}, {transform_indices = #map1}, {transform_indices = #map2}, {transform_indices = #map1}]} {
    %mul3A = arith.constant 640 : i32
    %mul3A_0 = arith.muli %arg1, %mul3A : i32
    "tpu.region"() ({
      %run_scoped3A = tpu.sem_alloc : memref<!tpu.dma_semaphore, #tpu.memory_space<semaphore_mem>>
      %dma_start3A = arith.constant 0 : i32
      %dma_start3A_22 = tpu.memref_slice %arg17[%mul3A_0, %dma_start3A] : memref<10240x128xf32, #tpu.memory_space<vmem_shared>> -> memref<640x128xf32, #tpu.memory_space<vmem_shared>>
      %dma_start3A_23 = arith.constant 0 : i32
      %dma_start3A_24 = tpu.memref_slice %arg6[%mul3A_0, %dma_start3A_23] : memref<10240x128xf32, #tpu.memory_space<hbm>> -> memref<640x128xf32, #tpu.memory_space<hbm>>
      tpu.enqueue_dma source(%dma_start3A_24 : memref<640x128xf32, #tpu.memory_space<hbm>>) target(%dma_start3A_22 : memref<640x128xf32, #tpu.memory_space<vmem_shared>>) target_semaphore(%run_scoped3A : memref<!tpu.dma_semaphore, #tpu.memory_space<semaphore_mem>>)
      %dma_wait3A = arith.constant 0 : i32
      %dma_wait3A_25 = tpu.memref_slice %arg17[%mul3A_0, %dma_wait3A] : memref<10240x128xf32, #tpu.memory_space<vmem_shared>> -> memref<640x128xf32, #tpu.memory_space<vmem_shared>>
      %dma_wait3A_26 = arith.constant 0 : i32
      %dma_wait3A_27 = tpu.memref_slice %arg6[%mul3A_0, %dma_wait3A_26] : memref<10240x128xf32, #tpu.memory_space<hbm>> -> memref<640x128xf32, #tpu.memory_space<hbm>>
      tpu.wait_dma2 semaphore(%run_scoped3A : memref<!tpu.dma_semaphore, #tpu.memory_space<semaphore_mem>>) src(%dma_wait3A_27 : memref<640x128xf32, #tpu.memory_space<hbm>>) dst(%dma_wait3A_25 : memref<640x128xf32, #tpu.memory_space<vmem_shared>>)
      tpu.yield
    }) : () -> ()
    "tpu.region"() ({
      %run_scoped3A = tpu.sem_alloc : memref<!tpu.dma_semaphore, #tpu.memory_space<semaphore_mem>>
      %dma_start3A = tpu.memref_slice %arg18[%mul3A_0] : memref<10240xf32, #tpu.memory_space<vmem_shared>> -> memref<640xf32, #tpu.memory_space<vmem_shared>>
      %dma_start3A_22 = tpu.memref_slice %arg7[%mul3A_0] : memref<10240xf32, #tpu.memory_space<hbm>> -> memref<640xf32, #tpu.memory_space<hbm>>
      tpu.enqueue_dma source(%dma_start3A_22 : memref<640xf32, #tpu.memory_space<hbm>>) target(%dma_start3A : memref<640xf32, #tpu.memory_space<vmem_shared>>) target_semaphore(%run_scoped3A : memref<!tpu.dma_semaphore, #tpu.memory_space<semaphore_mem>>)
      %dma_wait3A = tpu.memref_slice %arg18[%mul3A_0] : memref<10240xf32, #tpu.memory_space<vmem_shared>> -> memref<640xf32, #tpu.memory_space<vmem_shared>>
      %dma_wait3A_23 = tpu.memref_slice %arg7[%mul3A_0] : memref<10240xf32, #tpu.memory_space<hbm>> -> memref<640xf32, #tpu.memory_space<hbm>>
      tpu.wait_dma2 semaphore(%run_scoped3A : memref<!tpu.dma_semaphore, #tpu.memory_space<semaphore_mem>>) src(%dma_wait3A_23 : memref<640xf32, #tpu.memory_space<hbm>>) dst(%dma_wait3A : memref<640xf32, #tpu.memory_space<vmem_shared>>)
      tpu.yield
    }) : () -> ()
    %barrier3A = arith.constant 0 : index
    tpu.barrier barrier_id(%barrier3A)
    %scan3A = arith.constant 0 : i32
    %scan3A_1 = arith.constant 0 : i32
    %scan3A_2 = arith.constant 20 : i32
    %scan3A_3 = arith.addi %scan3A_1, %scan3A_2 : i32
    %scan3A_4 = arith.constant 1 : i32
    scf.for %scan3A_22 = %scan3A_1 to %scan3A_3 step %scan3A_4  : i32 {
      %mul3A_23 = arith.constant 20 : i32
      %mul3A_24 = arith.muli %arg1, %mul3A_23 : i32
      %add3A_25 = arith.addi %mul3A_24, %scan3A_22 : i32
      %mul3A_26 = arith.constant 8 : i32
      %mul3A_27 = arith.muli %add3A_25, %mul3A_26 : i32
      "tpu.region"() ({
        %run_scoped3A = tpu.sem_alloc : memref<!tpu.dma_semaphore, #tpu.memory_space<semaphore_mem>>
        %dma_start3A_186 = arith.constant 0 : i32
        %dma_start3A_187 = tpu.memref_slice %arg4[%mul3A_27, %dma_start3A_186] : memref<2560x128xi32, #tpu.memory_space<hbm>> -> memref<8x128xi32, #tpu.memory_space<hbm>>
        %dma_start3A_188 = arith.constant 0 : i32
        %dma_start3A_189 = tpu.memref_slice %arg4[%mul3A_27, %dma_start3A_188] : memref<2560x128xi32, #tpu.memory_space<hbm>> -> memref<8x128xi32, #tpu.memory_space<hbm>>
        tpu.enqueue_dma source(%dma_start3A_189 : memref<8x128xi32, #tpu.memory_space<hbm>>) target(%arg12 : memref<8x128xi32, #tpu.memory_space<vmem>>) target_semaphore(%run_scoped3A : memref<!tpu.dma_semaphore, #tpu.memory_space<semaphore_mem>>)
        %dma_wait3A_190 = arith.constant 0 : i32
        %dma_wait3A_191 = tpu.memref_slice %arg4[%mul3A_27, %dma_wait3A_190] : memref<2560x128xi32, #tpu.memory_space<hbm>> -> memref<8x128xi32, #tpu.memory_space<hbm>>
        %dma_wait3A_192 = arith.constant 0 : i32
        %dma_wait3A_193 = tpu.memref_slice %arg4[%mul3A_27, %dma_wait3A_192] : memref<2560x128xi32, #tpu.memory_space<hbm>> -> memref<8x128xi32, #tpu.memory_space<hbm>>
        tpu.wait_dma2 semaphore(%run_scoped3A : memref<!tpu.dma_semaphore, #tpu.memory_space<semaphore_mem>>) src(%dma_wait3A_193 : memref<8x128xi32, #tpu.memory_space<hbm>>) dst(%arg12 : memref<8x128xi32, #tpu.memory_space<vmem>>)
        tpu.yield
      }) : () -> ()
      "tpu.region"() ({
        %run_scoped3A = tpu.sem_alloc : memref<!tpu.dma_semaphore, #tpu.memory_space<semaphore_mem>>
        %dma_start3A_186 = arith.constant 0 : i32
        %dma_start3A_187 = tpu.memref_slice %arg5[%mul3A_27, %dma_start3A_186] : memref<2560x128xf32, #tpu.memory_space<hbm>> -> memref<8x128xf32, #tpu.memory_space<hbm>>
        %dma_start3A_188 = arith.constant 0 : i32
        %dma_start3A_189 = tpu.memref_slice %arg5[%mul3A_27, %dma_start3A_188] : memref<2560x128xf32, #tpu.memory_space<hbm>> -> memref<8x128xf32, #tpu.memory_space<hbm>>
        tpu.enqueue_dma source(%dma_start3A_189 : memref<8x128xf32, #tpu.memory_space<hbm>>) target(%arg13 : memref<8x128xf32, #tpu.memory_space<vmem>>) target_semaphore(%run_scoped3A : memref<!tpu.dma_semaphore, #tpu.memory_space<semaphore_mem>>)
        %dma_wait3A_190 = arith.constant 0 : i32
        %dma_wait3A_191 = tpu.memref_slice %arg5[%mul3A_27, %dma_wait3A_190] : memref<2560x128xf32, #tpu.memory_space<hbm>> -> memref<8x128xf32, #tpu.memory_space<hbm>>
        %dma_wait3A_192 = arith.constant 0 : i32
        %dma_wait3A_193 = tpu.memref_slice %arg5[%mul3A_27, %dma_wait3A_192] : memref<2560x128xf32, #tpu.memory_space<hbm>> -> memref<8x128xf32, #tpu.memory_space<hbm>>
        tpu.wait_dma2 semaphore(%run_scoped3A : memref<!tpu.dma_semaphore, #tpu.memory_space<semaphore_mem>>) src(%dma_wait3A_193 : memref<8x128xf32, #tpu.memory_space<hbm>>) dst(%arg13 : memref<8x128xf32, #tpu.memory_space<vmem>>)
        tpu.yield
      }) : () -> ()
      %dma_start3A = arith.constant 0 : i32
      %dma_start3A_28 = arith.constant 0 : i32
      %dma_start3A_29 = arith.constant 0 : i32
      %dma_start3A_30 = tpu.memref_slice %arg13[%dma_start3A, %dma_start3A_29] : memref<8x128xf32, #tpu.memory_space<vmem>> -> memref<1x128xf32, #tpu.memory_space<vmem>>
      %dma_start3A_31 = tpu.memref_squeeze %dma_start3A_30 : memref<1x128xf32, #tpu.memory_space<vmem>> -> memref<128xf32, #tpu.memory_space<vmem>>
      %dma_start3A_32 = arith.constant 0 : i32
      %dma_start3A_33 = tpu.memref_slice %arg12[%dma_start3A_28, %dma_start3A_32] : memref<8x128xi32, #tpu.memory_space<vmem>> -> memref<1x128xi32, #tpu.memory_space<vmem>>
      %dma_start3A_34 = tpu.memref_squeeze %dma_start3A_33 : memref<1x128xi32, #tpu.memory_space<vmem>> -> memref<128xi32, #tpu.memory_space<vmem>>
      %dma_start3A_35 = arith.constant 0 : i32
      %dma_start3A_36 = tpu.memref_slice %arg18[%dma_start3A_35] : memref<10240xf32, #tpu.memory_space<vmem_shared>> -> memref<10240xf32, #tpu.memory_space<vmem_shared>>
      tpu.enqueue_indirect_dma source(%dma_start3A_31 : memref<128xf32, #tpu.memory_space<vmem>>) target(%dma_start3A_36 : memref<10240xf32, #tpu.memory_space<vmem_shared>>) offsets(%dma_start3A_34 : memref<128xi32, #tpu.memory_space<vmem>>) semaphore(%arg23 : memref<!tpu.dma_semaphore, #tpu.memory_space<semaphore_mem>>) {add = true}
      %dma_start3A_37 = arith.constant 1 : i32
      %dma_start3A_38 = arith.constant 1 : i32
      %dma_start3A_39 = arith.constant 0 : i32
      %dma_start3A_40 = tpu.memref_slice %arg13[%dma_start3A_37, %dma_start3A_39] : memref<8x128xf32, #tpu.memory_space<vmem>> -> memref<1x128xf32, #tpu.memory_space<vmem>>
      %dma_start3A_41 = tpu.memref_squeeze %dma_start3A_40 : memref<1x128xf32, #tpu.memory_space<vmem>> -> memref<128xf32, #tpu.memory_space<vmem>>
      %dma_start3A_42 = arith.constant 0 : i32
      %dma_start3A_43 = tpu.memref_slice %arg12[%dma_start3A_38, %dma_start3A_42] : memref<8x128xi32, #tpu.memory_space<vmem>> -> memref<1x128xi32, #tpu.memory_space<vmem>>
      %dma_start3A_44 = tpu.memref_squeeze %dma_start3A_43 : memref<1x128xi32, #tpu.memory_space<vmem>> -> memref<128xi32, #tpu.memory_space<vmem>>
      %dma_start3A_45 = arith.constant 0 : i32
      %dma_start3A_46 = tpu.memref_slice %arg18[%dma_start3A_45] : memref<10240xf32, #tpu.memory_space<vmem_shared>> -> memref<10240xf32, #tpu.memory_space<vmem_shared>>
      tpu.enqueue_indirect_dma source(%dma_start3A_41 : memref<128xf32, #tpu.memory_space<vmem>>) target(%dma_start3A_46 : memref<10240xf32, #tpu.memory_space<vmem_shared>>) offsets(%dma_start3A_44 : memref<128xi32, #tpu.memory_space<vmem>>) semaphore(%arg23 : memref<!tpu.dma_semaphore, #tpu.memory_space<semaphore_mem>>) {add = true}
      %dma_start3A_47 = arith.constant 2 : i32
      %dma_start3A_48 = arith.constant 2 : i32
      %dma_start3A_49 = arith.constant 0 : i32
      %dma_start3A_50 = tpu.memref_slice %arg13[%dma_start3A_47, %dma_start3A_49] : memref<8x128xf32, #tpu.memory_space<vmem>> -> memref<1x128xf32, #tpu.memory_space<vmem>>
      %dma_start3A_51 = tpu.memref_squeeze %dma_start3A_50 : memref<1x128xf32, #tpu.memory_space<vmem>> -> memref<128xf32, #tpu.memory_space<vmem>>
      %dma_start3A_52 = arith.constant 0 : i32
      %dma_start3A_53 = tpu.memref_slice %arg12[%dma_start3A_48, %dma_start3A_52] : memref<8x128xi32, #tpu.memory_space<vmem>> -> memref<1x128xi32, #tpu.memory_space<vmem>>
      %dma_start3A_54 = tpu.memref_squeeze %dma_start3A_53 : memref<1x128xi32, #tpu.memory_space<vmem>> -> memref<128xi32, #tpu.memory_space<vmem>>
      %dma_start3A_55 = arith.constant 0 : i32
      %dma_start3A_56 = tpu.memref_slice %arg18[%dma_start3A_55] : memref<10240xf32, #tpu.memory_space<vmem_shared>> -> memref<10240xf32, #tpu.memory_space<vmem_shared>>
      tpu.enqueue_indirect_dma source(%dma_start3A_51 : memref<128xf32, #tpu.memory_space<vmem>>) target(%dma_start3A_56 : memref<10240xf32, #tpu.memory_space<vmem_shared>>) offsets(%dma_start3A_54 : memref<128xi32, #tpu.memory_space<vmem>>) semaphore(%arg23 : memref<!tpu.dma_semaphore, #tpu.memory_space<semaphore_mem>>) {add = true}
      %dma_start3A_57 = arith.constant 3 : i32
      %dma_start3A_58 = arith.constant 3 : i32
      %dma_start3A_59 = arith.constant 0 : i32
      %dma_start3A_60 = tpu.memref_slice %arg13[%dma_start3A_57, %dma_start3A_59] : memref<8x128xf32, #tpu.memory_space<vmem>> -> memref<1x128xf32, #tpu.memory_space<vmem>>
      %dma_start3A_61 = tpu.memref_squeeze %dma_start3A_60 : memref<1x128xf32, #tpu.memory_space<vmem>> -> memref<128xf32, #tpu.memory_space<vmem>>
      %dma_start3A_62 = arith.constant 0 : i32
      %dma_start3A_63 = tpu.memref_slice %arg12[%dma_start3A_58, %dma_start3A_62] : memref<8x128xi32, #tpu.memory_space<vmem>> -> memref<1x128xi32, #tpu.memory_space<vmem>>
      %dma_start3A_64 = tpu.memref_squeeze %dma_start3A_63 : memref<1x128xi32, #tpu.memory_space<vmem>> -> memref<128xi32, #tpu.memory_space<vmem>>
      %dma_start3A_65 = arith.constant 0 : i32
      %dma_start3A_66 = tpu.memref_slice %arg18[%dma_start3A_65] : memref<10240xf32, #tpu.memory_space<vmem_shared>> -> memref<10240xf32, #tpu.memory_space<vmem_shared>>
      tpu.enqueue_indirect_dma source(%dma_start3A_61 : memref<128xf32, #tpu.memory_space<vmem>>) target(%dma_start3A_66 : memref<10240xf32, #tpu.memory_space<vmem_shared>>) offsets(%dma_start3A_64 : memref<128xi32, #tpu.memory_space<vmem>>) semaphore(%arg23 : memref<!tpu.dma_semaphore, #tpu.memory_space<semaphore_mem>>) {add = true}
      %dma_start3A_67 = arith.constant 4 : i32
      %dma_start3A_68 = arith.constant 4 : i32
      %dma_start3A_69 = arith.constant 0 : i32
      %dma_start3A_70 = tpu.memref_slice %arg13[%dma_start3A_67, %dma_start3A_69] : memref<8x128xf32, #tpu.memory_space<vmem>> -> memref<1x128xf32, #tpu.memory_space<vmem>>
      %dma_start3A_71 = tpu.memref_squeeze %dma_start3A_70 : memref<1x128xf32, #tpu.memory_space<vmem>> -> memref<128xf32, #tpu.memory_space<vmem>>
      %dma_start3A_72 = arith.constant 0 : i32
      %dma_start3A_73 = tpu.memref_slice %arg12[%dma_start3A_68, %dma_start3A_72] : memref<8x128xi32, #tpu.memory_space<vmem>> -> memref<1x128xi32, #tpu.memory_space<vmem>>
      %dma_start3A_74 = tpu.memref_squeeze %dma_start3A_73 : memref<1x128xi32, #tpu.memory_space<vmem>> -> memref<128xi32, #tpu.memory_space<vmem>>
      %dma_start3A_75 = arith.constant 0 : i32
      %dma_start3A_76 = tpu.memref_slice %arg18[%dma_start3A_75] : memref<10240xf32, #tpu.memory_space<vmem_shared>> -> memref<10240xf32, #tpu.memory_space<vmem_shared>>
      tpu.enqueue_indirect_dma source(%dma_start3A_71 : memref<128xf32, #tpu.memory_space<vmem>>) target(%dma_start3A_76 : memref<10240xf32, #tpu.memory_space<vmem_shared>>) offsets(%dma_start3A_74 : memref<128xi32, #tpu.memory_space<vmem>>) semaphore(%arg23 : memref<!tpu.dma_semaphore, #tpu.memory_space<semaphore_mem>>) {add = true}
      %dma_start3A_77 = arith.constant 5 : i32
      %dma_start3A_78 = arith.constant 5 : i32
      %dma_start3A_79 = arith.constant 0 : i32
      %dma_start3A_80 = tpu.memref_slice %arg13[%dma_start3A_77, %dma_start3A_79] : memref<8x128xf32, #tpu.memory_space<vmem>> -> memref<1x128xf32, #tpu.memory_space<vmem>>
      %dma_start3A_81 = tpu.memref_squeeze %dma_start3A_80 : memref<1x128xf32, #tpu.memory_space<vmem>> -> memref<128xf32, #tpu.memory_space<vmem>>
      %dma_start3A_82 = arith.constant 0 : i32
      %dma_start3A_83 = tpu.memref_slice %arg12[%dma_start3A_78, %dma_start3A_82] : memref<8x128xi32, #tpu.memory_space<vmem>> -> memref<1x128xi32, #tpu.memory_space<vmem>>
      %dma_start3A_84 = tpu.memref_squeeze %dma_start3A_83 : memref<1x128xi32, #tpu.memory_space<vmem>> -> memref<128xi32, #tpu.memory_space<vmem>>
      %dma_start3A_85 = arith.constant 0 : i32
      %dma_start3A_86 = tpu.memref_slice %arg18[%dma_start3A_85] : memref<10240xf32, #tpu.memory_space<vmem_shared>> -> memref<10240xf32, #tpu.memory_space<vmem_shared>>
      tpu.enqueue_indirect_dma source(%dma_start3A_81 : memref<128xf32, #tpu.memory_space<vmem>>) target(%dma_start3A_86 : memref<10240xf32, #tpu.memory_space<vmem_shared>>) offsets(%dma_start3A_84 : memref<128xi32, #tpu.memory_space<vmem>>) semaphore(%arg23 : memref<!tpu.dma_semaphore, #tpu.memory_space<semaphore_mem>>) {add = true}
      %dma_start3A_87 = arith.constant 6 : i32
      %dma_start3A_88 = arith.constant 6 : i32
      %dma_start3A_89 = arith.constant 0 : i32
      %dma_start3A_90 = tpu.memref_slice %arg13[%dma_start3A_87, %dma_start3A_89] : memref<8x128xf32, #tpu.memory_space<vmem>> -> memref<1x128xf32, #tpu.memory_space<vmem>>
      %dma_start3A_91 = tpu.memref_squeeze %dma_start3A_90 : memref<1x128xf32, #tpu.memory_space<vmem>> -> memref<128xf32, #tpu.memory_space<vmem>>
      %dma_start3A_92 = arith.constant 0 : i32
      %dma_start3A_93 = tpu.memref_slice %arg12[%dma_start3A_88, %dma_start3A_92] : memref<8x128xi32, #tpu.memory_space<vmem>> -> memref<1x128xi32, #tpu.memory_space<vmem>>
      %dma_start3A_94 = tpu.memref_squeeze %dma_start3A_93 : memref<1x128xi32, #tpu.memory_space<vmem>> -> memref<128xi32, #tpu.memory_space<vmem>>
      %dma_start3A_95 = arith.constant 0 : i32
      %dma_start3A_96 = tpu.memref_slice %arg18[%dma_start3A_95] : memref<10240xf32, #tpu.memory_space<vmem_shared>> -> memref<10240xf32, #tpu.memory_space<vmem_shared>>
      tpu.enqueue_indirect_dma source(%dma_start3A_91 : memref<128xf32, #tpu.memory_space<vmem>>) target(%dma_start3A_96 : memref<10240xf32, #tpu.memory_space<vmem_shared>>) offsets(%dma_start3A_94 : memref<128xi32, #tpu.memory_space<vmem>>) semaphore(%arg23 : memref<!tpu.dma_semaphore, #tpu.memory_space<semaphore_mem>>) {add = true}
      %dma_start3A_97 = arith.constant 7 : i32
      %dma_start3A_98 = arith.constant 7 : i32
      %dma_start3A_99 = arith.constant 0 : i32
      %dma_start3A_100 = tpu.memref_slice %arg13[%dma_start3A_97, %dma_start3A_99] : memref<8x128xf32, #tpu.memory_space<vmem>> -> memref<1x128xf32, #tpu.memory_space<vmem>>
      %dma_start3A_101 = tpu.memref_squeeze %dma_start3A_100 : memref<1x128xf32, #tpu.memory_space<vmem>> -> memref<128xf32, #tpu.memory_space<vmem>>
      %dma_start3A_102 = arith.constant 0 : i32
      %dma_start3A_103 = tpu.memref_slice %arg12[%dma_start3A_98, %dma_start3A_102] : memref<8x128xi32, #tpu.memory_space<vmem>> -> memref<1x128xi32, #tpu.memory_space<vmem>>
      %dma_start3A_104 = tpu.memref_squeeze %dma_start3A_103 : memref<1x128xi32, #tpu.memory_space<vmem>> -> memref<128xi32, #tpu.memory_space<vmem>>
      %dma_start3A_105 = arith.constant 0 : i32
      %dma_start3A_106 = tpu.memref_slice %arg18[%dma_start3A_105] : memref<10240xf32, #tpu.memory_space<vmem_shared>> -> memref<10240xf32, #tpu.memory_space<vmem_shared>>
      tpu.enqueue_indirect_dma source(%dma_start3A_101 : memref<128xf32, #tpu.memory_space<vmem>>) target(%dma_start3A_106 : memref<10240xf32, #tpu.memory_space<vmem_shared>>) offsets(%dma_start3A_104 : memref<128xi32, #tpu.memory_space<vmem>>) semaphore(%arg23 : memref<!tpu.dma_semaphore, #tpu.memory_space<semaphore_mem>>) {add = true}
      %dma_wait3A = arith.constant 0 : i32
      %dma_wait3A_107 = arith.constant 0 : i32
      %dma_wait3A_108 = arith.constant 0 : i32
      %dma_wait3A_109 = tpu.memref_slice %arg13[%dma_wait3A, %dma_wait3A_108] : memref<8x128xf32, #tpu.memory_space<vmem>> -> memref<1x128xf32, #tpu.memory_space<vmem>>
      %dma_wait3A_110 = tpu.memref_squeeze %dma_wait3A_109 : memref<1x128xf32, #tpu.memory_space<vmem>> -> memref<128xf32, #tpu.memory_space<vmem>>
      %dma_wait3A_111 = arith.constant 0 : i32
      %dma_wait3A_112 = tpu.memref_slice %arg12[%dma_wait3A_107, %dma_wait3A_111] : memref<8x128xi32, #tpu.memory_space<vmem>> -> memref<1x128xi32, #tpu.memory_space<vmem>>
      %dma_wait3A_113 = tpu.memref_squeeze %dma_wait3A_112 : memref<1x128xi32, #tpu.memory_space<vmem>> -> memref<128xi32, #tpu.memory_space<vmem>>
      %dma_wait3A_114 = arith.constant 0 : i32
      %dma_wait3A_115 = tpu.memref_slice %arg18[%dma_wait3A_114] : memref<10240xf32, #tpu.memory_space<vmem_shared>> -> memref<10240xf32, #tpu.memory_space<vmem_shared>>
      tpu.wait_indirect_dma semaphore(%arg23 : memref<!tpu.dma_semaphore, #tpu.memory_space<semaphore_mem>>) src(%dma_wait3A_110 : memref<128xf32, #tpu.memory_space<vmem>>) dst(%dma_wait3A_115 : memref<10240xf32, #tpu.memory_space<vmem_shared>>)
      %dma_wait3A_116 = arith.constant 1 : i32
      %dma_wait3A_117 = arith.constant 1 : i32
      %dma_wait3A_118 = arith.constant 0 : i32
      %dma_wait3A_119 = tpu.memref_slice %arg13[%dma_wait3A_116, %dma_wait3A_118] : memref<8x128xf32, #tpu.memory_space<vmem>> -> memref<1x128xf32, #tpu.memory_space<vmem>>
      %dma_wait3A_120 = tpu.memref_squeeze %dma_wait3A_119 : memref<1x128xf32, #tpu.memory_space<vmem>> -> memref<128xf32, #tpu.memory_space<vmem>>
      %dma_wait3A_121 = arith.constant 0 : i32
      %dma_wait3A_122 = tpu.memref_slice %arg12[%dma_wait3A_117, %dma_wait3A_121] : memref<8x128xi32, #tpu.memory_space<vmem>> -> memref<1x128xi32, #tpu.memory_space<vmem>>
      %dma_wait3A_123 = tpu.memref_squeeze %dma_wait3A_122 : memref<1x128xi32, #tpu.memory_space<vmem>> -> memref<128xi32, #tpu.memory_space<vmem>>
      %dma_wait3A_124 = arith.constant 0 : i32
      %dma_wait3A_125 = tpu.memref_slice %arg18[%dma_wait3A_124] : memref<10240xf32, #tpu.memory_space<vmem_shared>> -> memref<10240xf32, #tpu.memory_space<vmem_shared>>
      tpu.wait_indirect_dma semaphore(%arg23 : memref<!tpu.dma_semaphore, #tpu.memory_space<semaphore_mem>>) src(%dma_wait3A_120 : memref<128xf32, #tpu.memory_space<vmem>>) dst(%dma_wait3A_125 : memref<10240xf32, #tpu.memory_space<vmem_shared>>)
      %dma_wait3A_126 = arith.constant 2 : i32
      %dma_wait3A_127 = arith.constant 2 : i32
      %dma_wait3A_128 = arith.constant 0 : i32
      %dma_wait3A_129 = tpu.memref_slice %arg13[%dma_wait3A_126, %dma_wait3A_128] : memref<8x128xf32, #tpu.memory_space<vmem>> -> memref<1x128xf32, #tpu.memory_space<vmem>>
      %dma_wait3A_130 = tpu.memref_squeeze %dma_wait3A_129 : memref<1x128xf32, #tpu.memory_space<vmem>> -> memref<128xf32, #tpu.memory_space<vmem>>
      %dma_wait3A_131 = arith.constant 0 : i32
      %dma_wait3A_132 = tpu.memref_slice %arg12[%dma_wait3A_127, %dma_wait3A_131] : memref<8x128xi32, #tpu.memory_space<vmem>> -> memref<1x128xi32, #tpu.memory_space<vmem>>
      %dma_wait3A_133 = tpu.memref_squeeze %dma_wait3A_132 : memref<1x128xi32, #tpu.memory_space<vmem>> -> memref<128xi32, #tpu.memory_space<vmem>>
      %dma_wait3A_134 = arith.constant 0 : i32
      %dma_wait3A_135 = tpu.memref_slice %arg18[%dma_wait3A_134] : memref<10240xf32, #tpu.memory_space<vmem_shared>> -> memref<10240xf32, #tpu.memory_space<vmem_shared>>
      tpu.wait_indirect_dma semaphore(%arg23 : memref<!tpu.dma_semaphore, #tpu.memory_space<semaphore_mem>>) src(%dma_wait3A_130 : memref<128xf32, #tpu.memory_space<vmem>>) dst(%dma_wait3A_135 : memref<10240xf32, #tpu.memory_space<vmem_shared>>)
      %dma_wait3A_136 = arith.constant 3 : i32
      %dma_wait3A_137 = arith.constant 3 : i32
      %dma_wait3A_138 = arith.constant 0 : i32
      %dma_wait3A_139 = tpu.memref_slice %arg13[%dma_wait3A_136, %dma_wait3A_138] : memref<8x128xf32, #tpu.memory_space<vmem>> -> memref<1x128xf32, #tpu.memory_space<vmem>>
      %dma_wait3A_140 = tpu.memref_squeeze %dma_wait3A_139 : memref<1x128xf32, #tpu.memory_space<vmem>> -> memref<128xf32, #tpu.memory_space<vmem>>
      %dma_wait3A_141 = arith.constant 0 : i32
      %dma_wait3A_142 = tpu.memref_slice %arg12[%dma_wait3A_137, %dma_wait3A_141] : memref<8x128xi32, #tpu.memory_space<vmem>> -> memref<1x128xi32, #tpu.memory_space<vmem>>
      %dma_wait3A_143 = tpu.memref_squeeze %dma_wait3A_142 : memref<1x128xi32, #tpu.memory_space<vmem>> -> memref<128xi32, #tpu.memory_space<vmem>>
      %dma_wait3A_144 = arith.constant 0 : i32
      %dma_wait3A_145 = tpu.memref_slice %arg18[%dma_wait3A_144] : memref<10240xf32, #tpu.memory_space<vmem_shared>> -> memref<10240xf32, #tpu.memory_space<vmem_shared>>
      tpu.wait_indirect_dma semaphore(%arg23 : memref<!tpu.dma_semaphore, #tpu.memory_space<semaphore_mem>>) src(%dma_wait3A_140 : memref<128xf32, #tpu.memory_space<vmem>>) dst(%dma_wait3A_145 : memref<10240xf32, #tpu.memory_space<vmem_shared>>)
      %dma_wait3A_146 = arith.constant 4 : i32
      %dma_wait3A_147 = arith.constant 4 : i32
      %dma_wait3A_148 = arith.constant 0 : i32
      %dma_wait3A_149 = tpu.memref_slice %arg13[%dma_wait3A_146, %dma_wait3A_148] : memref<8x128xf32, #tpu.memory_space<vmem>> -> memref<1x128xf32, #tpu.memory_space<vmem>>
      %dma_wait3A_150 = tpu.memref_squeeze %dma_wait3A_149 : memref<1x128xf32, #tpu.memory_space<vmem>> -> memref<128xf32, #tpu.memory_space<vmem>>
      %dma_wait3A_151 = arith.constant 0 : i32
      %dma_wait3A_152 = tpu.memref_slice %arg12[%dma_wait3A_147, %dma_wait3A_151] : memref<8x128xi32, #tpu.memory_space<vmem>> -> memref<1x128xi32, #tpu.memory_space<vmem>>
      %dma_wait3A_153 = tpu.memref_squeeze %dma_wait3A_152 : memref<1x128xi32, #tpu.memory_space<vmem>> -> memref<128xi32, #tpu.memory_space<vmem>>
      %dma_wait3A_154 = arith.constant 0 : i32
      %dma_wait3A_155 = tpu.memref_slice %arg18[%dma_wait3A_154] : memref<10240xf32, #tpu.memory_space<vmem_shared>> -> memref<10240xf32, #tpu.memory_space<vmem_shared>>
      tpu.wait_indirect_dma semaphore(%arg23 : memref<!tpu.dma_semaphore, #tpu.memory_space<semaphore_mem>>) src(%dma_wait3A_150 : memref<128xf32, #tpu.memory_space<vmem>>) dst(%dma_wait3A_155 : memref<10240xf32, #tpu.memory_space<vmem_shared>>)
      %dma_wait3A_156 = arith.constant 5 : i32
      %dma_wait3A_157 = arith.constant 5 : i32
      %dma_wait3A_158 = arith.constant 0 : i32
      %dma_wait3A_159 = tpu.memref_slice %arg13[%dma_wait3A_156, %dma_wait3A_158] : memref<8x128xf32, #tpu.memory_space<vmem>> -> memref<1x128xf32, #tpu.memory_space<vmem>>
      %dma_wait3A_160 = tpu.memref_squeeze %dma_wait3A_159 : memref<1x128xf32, #tpu.memory_space<vmem>> -> memref<128xf32, #tpu.memory_space<vmem>>
      %dma_wait3A_161 = arith.constant 0 : i32
      %dma_wait3A_162 = tpu.memref_slice %arg12[%dma_wait3A_157, %dma_wait3A_161] : memref<8x128xi32, #tpu.memory_space<vmem>> -> memref<1x128xi32, #tpu.memory_space<vmem>>
      %dma_wait3A_163 = tpu.memref_squeeze %dma_wait3A_162 : memref<1x128xi32, #tpu.memory_space<vmem>> -> memref<128xi32, #tpu.memory_space<vmem>>
      %dma_wait3A_164 = arith.constant 0 : i32
      %dma_wait3A_165 = tpu.memref_slice %arg18[%dma_wait3A_164] : memref<10240xf32, #tpu.memory_space<vmem_shared>> -> memref<10240xf32, #tpu.memory_space<vmem_shared>>
      tpu.wait_indirect_dma semaphore(%arg23 : memref<!tpu.dma_semaphore, #tpu.memory_space<semaphore_mem>>) src(%dma_wait3A_160 : memref<128xf32, #tpu.memory_space<vmem>>) dst(%dma_wait3A_165 : memref<10240xf32, #tpu.memory_space<vmem_shared>>)
      %dma_wait3A_166 = arith.constant 6 : i32
      %dma_wait3A_167 = arith.constant 6 : i32
      %dma_wait3A_168 = arith.constant 0 : i32
      %dma_wait3A_169 = tpu.memref_slice %arg13[%dma_wait3A_166, %dma_wait3A_168] : memref<8x128xf32, #tpu.memory_space<vmem>> -> memref<1x128xf32, #tpu.memory_space<vmem>>
      %dma_wait3A_170 = tpu.memref_squeeze %dma_wait3A_169 : memref<1x128xf32, #tpu.memory_space<vmem>> -> memref<128xf32, #tpu.memory_space<vmem>>
      %dma_wait3A_171 = arith.constant 0 : i32
      %dma_wait3A_172 = tpu.memref_slice %arg12[%dma_wait3A_167, %dma_wait3A_171] : memref<8x128xi32, #tpu.memory_space<vmem>> -> memref<1x128xi32, #tpu.memory_space<vmem>>
      %dma_wait3A_173 = tpu.memref_squeeze %dma_wait3A_172 : memref<1x128xi32, #tpu.memory_space<vmem>> -> memref<128xi32, #tpu.memory_space<vmem>>
      %dma_wait3A_174 = arith.constant 0 : i32
      %dma_wait3A_175 = tpu.memref_slice %arg18[%dma_wait3A_174] : memref<10240xf32, #tpu.memory_space<vmem_shared>> -> memref<10240xf32, #tpu.memory_space<vmem_shared>>
      tpu.wait_indirect_dma semaphore(%arg23 : memref<!tpu.dma_semaphore, #tpu.memory_space<semaphore_mem>>) src(%dma_wait3A_170 : memref<128xf32, #tpu.memory_space<vmem>>) dst(%dma_wait3A_175 : memref<10240xf32, #tpu.memory_space<vmem_shared>>)
      %dma_wait3A_176 = arith.constant 7 : i32
      %dma_wait3A_177 = arith.constant 7 : i32
      %dma_wait3A_178 = arith.constant 0 : i32
      %dma_wait3A_179 = tpu.memref_slice %arg13[%dma_wait3A_176, %dma_wait3A_178] : memref<8x128xf32, #tpu.memory_space<vmem>> -> memref<1x128xf32, #tpu.memory_space<vmem>>
      %dma_wait3A_180 = tpu.memref_squeeze %dma_wait3A_179 : memref<1x128xf32, #tpu.memory_space<vmem>> -> memref<128xf32, #tpu.memory_space<vmem>>
      %dma_wait3A_181 = arith.constant 0 : i32
      %dma_wait3A_182 = tpu.memref_slice %arg12[%dma_wait3A_177, %dma_wait3A_181] : memref<8x128xi32, #tpu.memory_space<vmem>> -> memref<1x128xi32, #tpu.memory_space<vmem>>
      %dma_wait3A_183 = tpu.memref_squeeze %dma_wait3A_182 : memref<1x128xi32, #tpu.memory_space<vmem>> -> memref<128xi32, #tpu.memory_space<vmem>>
      %dma_wait3A_184 = arith.constant 0 : i32
      %dma_wait3A_185 = tpu.memref_slice %arg18[%dma_wait3A_184] : memref<10240xf32, #tpu.memory_space<vmem_shared>> -> memref<10240xf32, #tpu.memory_space<vmem_shared>>
      tpu.wait_indirect_dma semaphore(%arg23 : memref<!tpu.dma_semaphore, #tpu.memory_space<semaphore_mem>>) src(%dma_wait3A_180 : memref<128xf32, #tpu.memory_space<vmem>>) dst(%dma_wait3A_185 : memref<10240xf32, #tpu.memory_space<vmem_shared>>)
    }
    %scan3A_5 = arith.constant 20 : i32
    %barrier3A_6 = arith.constant 0 : index
    tpu.barrier barrier_id(%barrier3A_6)
    "tpu.region"() ({
      %run_scoped3A = tpu.sem_alloc : memref<!tpu.dma_semaphore, #tpu.memory_space<semaphore_mem>>
      tpu.enqueue_dma source(%arg18 : memref<10240xf32, #tpu.memory_space<vmem_shared>>) target(%arg10 : memref<10240xf32, #tpu.memory_space<vmem>>) target_semaphore(%run_scoped3A : memref<!tpu.dma_semaphore, #tpu.memory_space<semaphore_mem>>)
      tpu.wait_dma2 semaphore(%run_scoped3A : memref<!tpu.dma_semaphore, #tpu.memory_space<semaphore_mem>>) src(%arg18 : memref<10240xf32, #tpu.memory_space<vmem_shared>>) dst(%arg10 : memref<10240xf32, #tpu.memory_space<vmem>>)
      tpu.yield
    }) : () -> ()
    %scan3A_7 = arith.constant 0 : i32
    %scan3A_8 = arith.constant 0 : i32
    %scan3A_9 = arith.constant 640 : i32
    %scan3A_10 = arith.addi %scan3A_8, %scan3A_9 : i32
    %scan3A_11 = arith.constant 1 : i32
    scf.for %scan3A_22 = %scan3A_8 to %scan3A_10 step %scan3A_11  : i32 {
      %mul3A_23 = arith.constant 16 : i32
      %mul3A_24 = arith.muli %scan3A_22, %mul3A_23 : i32
      %get3A = arith.index_cast %mul3A_24 : i32 to index
      %get3A_25 = tpu.vector_load %arg10[%get3A] {strides = array<i32>} : memref<10240xf32, #tpu.memory_space<vmem>>, vector<16xf32>,
      %add3A_26 = arith.constant 1.000000e+00 : f32
      %add3A_27 = vector.broadcast %add3A_26 : f32 to vector<16xf32>
      %add3A_28 = arith.addf %get3A_25, %add3A_27 : vector<16xf32>
      %bitcast_convert_type3A = tpu.bitcast %add3A_28 : vector<16xf32> -> vector<16xi32>
      %shift_right_arithmetic3A = arith.constant 1 : i32
      %shift_right_arithmetic3A_29 = vector.broadcast %shift_right_arithmetic3A : i32 to vector<16xi32>
      %shift_right_arithmetic3A_30 = arith.shrsi %bitcast_convert_type3A, %shift_right_arithmetic3A_29 : vector<16xi32>
      %sub3A = arith.constant 1597463007 : i32
      %sub3A_31 = vector.broadcast %sub3A : i32 to vector<16xi32>
      %sub3A_32 = arith.subi %sub3A_31, %shift_right_arithmetic3A_30 : vector<16xi32>
      %bitcast_convert_type3A_33 = tpu.bitcast %sub3A_32 : vector<16xi32> -> vector<16xf32>
      %mul3A_34 = arith.constant 5.000000e-01 : f32
      %mul3A_35 = vector.broadcast %mul3A_34 : f32 to vector<16xf32>
      %mul3A_36 = arith.mulf %mul3A_35, %add3A_28 : vector<16xf32>
      %mul3A_37 = arith.mulf %mul3A_36, %bitcast_convert_type3A_33 : vector<16xf32>
      %mul3A_38 = arith.mulf %mul3A_37, %bitcast_convert_type3A_33 : vector<16xf32>
      %sub3A_39 = arith.constant 1.500000e+00 : f32
      %sub3A_40 = vector.broadcast %sub3A_39 : f32 to vector<16xf32>
      %sub3A_41 = arith.subf %sub3A_40, %mul3A_38 : vector<16xf32>
      %mul3A_42 = arith.mulf %bitcast_convert_type3A_33, %sub3A_41 : vector<16xf32>
      %mul3A_43 = arith.constant 5.000000e-01 : f32
      %mul3A_44 = vector.broadcast %mul3A_43 : f32 to vector<16xf32>
      %mul3A_45 = arith.mulf %mul3A_44, %add3A_28 : vector<16xf32>
      %mul3A_46 = arith.mulf %mul3A_45, %mul3A_42 : vector<16xf32>
      %mul3A_47 = arith.mulf %mul3A_46, %mul3A_42 : vector<16xf32>
      %sub3A_48 = arith.constant 1.500000e+00 : f32
      %sub3A_49 = vector.broadcast %sub3A_48 : f32 to vector<16xf32>
      %sub3A_50 = arith.subf %sub3A_49, %mul3A_47 : vector<16xf32>
      %mul3A_51 = arith.mulf %mul3A_42, %sub3A_50 : vector<16xf32>
      %mul3A_52 = arith.constant 5.000000e-01 : f32
      %mul3A_53 = vector.broadcast %mul3A_52 : f32 to vector<16xf32>
      %mul3A_54 = arith.mulf %mul3A_53, %add3A_28 : vector<16xf32>
      %mul3A_55 = arith.mulf %mul3A_54, %mul3A_51 : vector<16xf32>
      %mul3A_56 = arith.mulf %mul3A_55, %mul3A_51 : vector<16xf32>
      %sub3A_57 = arith.constant 1.500000e+00 : f32
      %sub3A_58 = vector.broadcast %sub3A_57 : f32 to vector<16xf32>
      %sub3A_59 = arith.subf %sub3A_58, %mul3A_56 : vector<16xf32>
      %mul3A_60 = arith.mulf %mul3A_51, %sub3A_59 : vector<16xf32>
      %mul3A_61 = arith.constant 16 : i32
      %mul3A_62 = arith.muli %scan3A_22, %mul3A_61 : i32
      %swap3A = arith.index_cast %mul3A_62 : i32 to index
      %swap3A_63 = tpu.vector_load %arg10[%swap3A] {strides = array<i32>} : memref<10240xf32, #tpu.memory_space<vmem>>, vector<16xf32>,
      tpu.vector_store %arg10[%swap3A], %mul3A_60 {strides = array<i32>} : memref<10240xf32, #tpu.memory_space<vmem>>, vector<16xf32>,
    }
    %scan3A_12 = arith.constant 640 : i32
    %scan3A_13 = arith.constant 0 : i32
    %scan3A_14 = arith.constant 0 : i32
    %scan3A_15 = arith.constant 10 : i32
    %scan3A_16 = arith.addi %scan3A_14, %scan3A_15 : i32
    %scan3A_17 = arith.constant 1 : i32
    scf.for %scan3A_22 = %scan3A_14 to %scan3A_16 step %scan3A_17  : i32 {
      %mul3A_23 = arith.constant 16 : i32
      %mul3A_24 = arith.muli %arg0, %mul3A_23 : i32
      %add3A_25 = arith.addi %mul3A_24, %arg1 : i32
      %mul3A_26 = arith.constant 10 : i32
      %mul3A_27 = arith.muli %add3A_25, %mul3A_26 : i32
      %add3A_28 = arith.addi %mul3A_27, %scan3A_22 : i32
      %mul3A_29 = arith.constant 8 : i32
      %mul3A_30 = arith.muli %add3A_28, %mul3A_29 : i32
      "tpu.region"() ({
        %run_scoped3A = tpu.sem_alloc : memref<!tpu.dma_semaphore, #tpu.memory_space<semaphore_mem>>
        %dma_start3A_349 = arith.constant 0 : i32
        %dma_start3A_350 = tpu.memref_slice %arg3[%mul3A_30, %dma_start3A_349] : memref<2560x128xi32, #tpu.memory_space<hbm>> -> memref<8x128xi32, #tpu.memory_space<hbm>>
        %dma_start3A_351 = arith.constant 0 : i32
        %dma_start3A_352 = tpu.memref_slice %arg3[%mul3A_30, %dma_start3A_351] : memref<2560x128xi32, #tpu.memory_space<hbm>> -> memref<8x128xi32, #tpu.memory_space<hbm>>
        tpu.enqueue_dma source(%dma_start3A_352 : memref<8x128xi32, #tpu.memory_space<hbm>>) target(%arg11 : memref<8x128xi32, #tpu.memory_space<vmem>>) target_semaphore(%run_scoped3A : memref<!tpu.dma_semaphore, #tpu.memory_space<semaphore_mem>>)
        %dma_wait3A_353 = arith.constant 0 : i32
        %dma_wait3A_354 = tpu.memref_slice %arg3[%mul3A_30, %dma_wait3A_353] : memref<2560x128xi32, #tpu.memory_space<hbm>> -> memref<8x128xi32, #tpu.memory_space<hbm>>
        %dma_wait3A_355 = arith.constant 0 : i32
        %dma_wait3A_356 = tpu.memref_slice %arg3[%mul3A_30, %dma_wait3A_355] : memref<2560x128xi32, #tpu.memory_space<hbm>> -> memref<8x128xi32, #tpu.memory_space<hbm>>
        tpu.wait_dma2 semaphore(%run_scoped3A : memref<!tpu.dma_semaphore, #tpu.memory_space<semaphore_mem>>) src(%dma_wait3A_356 : memref<8x128xi32, #tpu.memory_space<hbm>>) dst(%arg11 : memref<8x128xi32, #tpu.memory_space<vmem>>)
        tpu.yield
      }) : () -> ()
      "tpu.region"() ({
        %run_scoped3A = tpu.sem_alloc : memref<!tpu.dma_semaphore, #tpu.memory_space<semaphore_mem>>
        %dma_start3A_349 = arith.constant 0 : i32
        %dma_start3A_350 = tpu.memref_slice %arg4[%mul3A_30, %dma_start3A_349] : memref<2560x128xi32, #tpu.memory_space<hbm>> -> memref<8x128xi32, #tpu.memory_space<hbm>>
        %dma_start3A_351 = arith.constant 0 : i32
        %dma_start3A_352 = tpu.memref_slice %arg4[%mul3A_30, %dma_start3A_351] : memref<2560x128xi32, #tpu.memory_space<hbm>> -> memref<8x128xi32, #tpu.memory_space<hbm>>
        tpu.enqueue_dma source(%dma_start3A_352 : memref<8x128xi32, #tpu.memory_space<hbm>>) target(%arg12 : memref<8x128xi32, #tpu.memory_space<vmem>>) target_semaphore(%run_scoped3A : memref<!tpu.dma_semaphore, #tpu.memory_space<semaphore_mem>>)
        %dma_wait3A_353 = arith.constant 0 : i32
        %dma_wait3A_354 = tpu.memref_slice %arg4[%mul3A_30, %dma_wait3A_353] : memref<2560x128xi32, #tpu.memory_space<hbm>> -> memref<8x128xi32, #tpu.memory_space<hbm>>
        %dma_wait3A_355 = arith.constant 0 : i32
        %dma_wait3A_356 = tpu.memref_slice %arg4[%mul3A_30, %dma_wait3A_355] : memref<2560x128xi32, #tpu.memory_space<hbm>> -> memref<8x128xi32, #tpu.memory_space<hbm>>
        tpu.wait_dma2 semaphore(%run_scoped3A : memref<!tpu.dma_semaphore, #tpu.memory_space<semaphore_mem>>) src(%dma_wait3A_356 : memref<8x128xi32, #tpu.memory_space<hbm>>) dst(%arg12 : memref<8x128xi32, #tpu.memory_space<vmem>>)
        tpu.yield
      }) : () -> ()
      "tpu.region"() ({
        %run_scoped3A = tpu.sem_alloc : memref<!tpu.dma_semaphore, #tpu.memory_space<semaphore_mem>>
        %dma_start3A_349 = arith.constant 0 : i32
        %dma_start3A_350 = tpu.memref_slice %arg5[%mul3A_30, %dma_start3A_349] : memref<2560x128xf32, #tpu.memory_space<hbm>> -> memref<8x128xf32, #tpu.memory_space<hbm>>
        %dma_start3A_351 = arith.constant 0 : i32
        %dma_start3A_352 = tpu.memref_slice %arg5[%mul3A_30, %dma_start3A_351] : memref<2560x128xf32, #tpu.memory_space<hbm>> -> memref<8x128xf32, #tpu.memory_space<hbm>>
        tpu.enqueue_dma source(%dma_start3A_352 : memref<8x128xf32, #tpu.memory_space<hbm>>) target(%arg13 : memref<8x128xf32, #tpu.memory_space<vmem>>) target_semaphore(%run_scoped3A : memref<!tpu.dma_semaphore, #tpu.memory_space<semaphore_mem>>)
        %dma_wait3A_353 = arith.constant 0 : i32
        %dma_wait3A_354 = tpu.memref_slice %arg5[%mul3A_30, %dma_wait3A_353] : memref<2560x128xf32, #tpu.memory_space<hbm>> -> memref<8x128xf32, #tpu.memory_space<hbm>>
        %dma_wait3A_355 = arith.constant 0 : i32
        %dma_wait3A_356 = tpu.memref_slice %arg5[%mul3A_30, %dma_wait3A_355] : memref<2560x128xf32, #tpu.memory_space<hbm>> -> memref<8x128xf32, #tpu.memory_space<hbm>>
        tpu.wait_dma2 semaphore(%run_scoped3A : memref<!tpu.dma_semaphore, #tpu.memory_space<semaphore_mem>>) src(%dma_wait3A_356 : memref<8x128xf32, #tpu.memory_space<hbm>>) dst(%arg13 : memref<8x128xf32, #tpu.memory_space<vmem>>)
        tpu.yield
      }) : () -> ()
      %dma_start3A = arith.constant 0 : i32
      %dma_start3A_31 = arith.constant 0 : i32
      %dma_start3A_32 = tpu.memref_slice %arg11[%dma_start3A, %dma_start3A_31] : memref<8x128xi32, #tpu.memory_space<vmem>> -> memref<1x128xi32, #tpu.memory_space<vmem>>
      %dma_start3A_33 = tpu.memref_squeeze %dma_start3A_32 : memref<1x128xi32, #tpu.memory_space<vmem>> -> memref<128xi32, #tpu.memory_space<vmem>>
      %dma_start3A_34 = arith.constant 0 : i32
      %dma_start3A_35 = arith.constant 0 : i32
      %dma_start3A_36 = tpu.memref_slice %arg2[%dma_start3A_34, %dma_start3A_35] : memref<10000x128xf32, #tpu.memory_space<hbm>> -> memref<10000x128xf32, #tpu.memory_space<hbm>>
      tpu.enqueue_indirect_dma source(%dma_start3A_36 : memref<10000x128xf32, #tpu.memory_space<hbm>>) target(%arg14 : memref<128x128xf32, #tpu.memory_space<vmem>>) offsets(%dma_start3A_33 : memref<128xi32, #tpu.memory_space<vmem>>) semaphore(%arg19 : memref<!tpu.dma_semaphore, #tpu.memory_space<semaphore_mem>>)
      %dma_start3A_37 = arith.constant 1 : i32
      %dma_start3A_38 = arith.constant 0 : i32
      %dma_start3A_39 = tpu.memref_slice %arg11[%dma_start3A_37, %dma_start3A_38] : memref<8x128xi32, #tpu.memory_space<vmem>> -> memref<1x128xi32, #tpu.memory_space<vmem>>
      %dma_start3A_40 = tpu.memref_squeeze %dma_start3A_39 : memref<1x128xi32, #tpu.memory_space<vmem>> -> memref<128xi32, #tpu.memory_space<vmem>>
      %dma_start3A_41 = arith.constant 0 : i32
      %dma_start3A_42 = arith.constant 0 : i32
      %dma_start3A_43 = tpu.memref_slice %arg2[%dma_start3A_41, %dma_start3A_42] : memref<10000x128xf32, #tpu.memory_space<hbm>> -> memref<10000x128xf32, #tpu.memory_space<hbm>>
      tpu.enqueue_indirect_dma source(%dma_start3A_43 : memref<10000x128xf32, #tpu.memory_space<hbm>>) target(%arg15 : memref<128x128xf32, #tpu.memory_space<vmem>>) offsets(%dma_start3A_40 : memref<128xi32, #tpu.memory_space<vmem>>) semaphore(%arg20 : memref<!tpu.dma_semaphore, #tpu.memory_space<semaphore_mem>>)
      %dma_wait3A = arith.constant 0 : i32
      %dma_wait3A_44 = arith.constant 0 : i32
      %dma_wait3A_45 = tpu.memref_slice %arg11[%dma_wait3A, %dma_wait3A_44] : memref<8x128xi32, #tpu.memory_space<vmem>> -> memref<1x128xi32, #tpu.memory_space<vmem>>
      %dma_wait3A_46 = tpu.memref_squeeze %dma_wait3A_45 : memref<1x128xi32, #tpu.memory_space<vmem>> -> memref<128xi32, #tpu.memory_space<vmem>>
      %dma_wait3A_47 = arith.constant 0 : i32
      %dma_wait3A_48 = arith.constant 0 : i32
      %dma_wait3A_49 = tpu.memref_slice %arg2[%dma_wait3A_47, %dma_wait3A_48] : memref<10000x128xf32, #tpu.memory_space<hbm>> -> memref<10000x128xf32, #tpu.memory_space<hbm>>
      tpu.wait_indirect_dma semaphore(%arg19 : memref<!tpu.dma_semaphore, #tpu.memory_space<semaphore_mem>>) src(%dma_wait3A_49 : memref<10000x128xf32, #tpu.memory_space<hbm>>) dst(%arg14 : memref<128x128xf32, #tpu.memory_space<vmem>>)
      %scan3A_50 = arith.constant 0 : i32
      %scan3A_51 = arith.constant 0 : i32
      %scan3A_52 = arith.constant 8 : i32
      %scan3A_53 = arith.addi %scan3A_51, %scan3A_52 : i32
      %scan3A_54 = arith.constant 1 : i32
      scf.for %scan3A_349 = %scan3A_51 to %scan3A_53 step %scan3A_54  : i32 {
        %mul3A_350 = arith.constant 16 : i32
        %mul3A_351 = arith.muli %scan3A_349, %mul3A_350 : i32
        %get3A = arith.constant 0 : i32
        %get3A_352 = arith.index_cast %get3A : i32 to index
        %get3A_353 = arith.index_cast %mul3A_351 : i32 to index
        %get3A_354 = tpu.vector_load %arg11[%get3A_352, %get3A_353] {strides = array<i32>} : memref<8x128xi32, #tpu.memory_space<vmem>>, vector<16xi32>,
        %get3A_355 = arith.constant 0 : i32
        %get3A_356 = arith.index_cast %get3A_355 : i32 to index
        %get3A_357 = arith.index_cast %mul3A_351 : i32 to index
        %get3A_358 = tpu.vector_load %arg13[%get3A_356, %get3A_357] {strides = array<i32>} : memref<8x128xf32, #tpu.memory_space<vmem>>, vector<16xf32>,
        %gather3A = tpu.vector_load_idx %arg10[%get3A_354] : memref<10240xf32, #tpu.memory_space<vmem>>[vector<16xi32>], vector<16xf32>,
        %mul3A_359 = arith.mulf %get3A_358, %gather3A : vector<16xf32>
        %swap3A = arith.index_cast %mul3A_351 : i32 to index
        %swap3A_360 = tpu.vector_load %arg16[%swap3A] {strides = array<i32>} : memref<128xf32, #tpu.memory_space<vmem>>, vector<16xf32>,
        tpu.vector_store %arg16[%swap3A], %mul3A_359 {strides = array<i32>} : memref<128xf32, #tpu.memory_space<vmem>>, vector<16xf32>,
      }
      %scan3A_55 = arith.constant 8 : i32
      %scan3A_56 = arith.constant 0 : i32
      %scan3A_57 = arith.constant 0 : i32
      %scan3A_58 = arith.constant 128 : i32
      %scan3A_59 = arith.addi %scan3A_57, %scan3A_58 : i32
      %scan3A_60 = arith.constant 2 : i32
      scf.for %scan3A_349 = %scan3A_57 to %scan3A_59 step %scan3A_60  : i32 {
        %broadcast_in_dim3A = vector.broadcast %scan3A_349 : i32 to vector<16xi32>
        %gather3A = tpu.vector_load_idx %arg16[%broadcast_in_dim3A] : memref<128xf32, #tpu.memory_space<vmem>>[vector<16xi32>], vector<16xf32>,
        %get3A = arith.index_cast %scan3A_349 : i32 to index
        %get3A_350 = arith.constant 0 : index
        %get3A_351 = tpu.vector_load %arg14[%get3A, %get3A_350] {strides = array<i32>} : memref<128x128xf32, #tpu.memory_space<vmem>>, vector<16xf32>,
        %mul3A_352 = arith.mulf %get3A_351, %gather3A : vector<16xf32>
        %swap3A = arith.index_cast %scan3A_349 : i32 to index
        %swap3A_353 = arith.constant 0 : index
        %swap3A_354 = tpu.vector_load %arg14[%swap3A, %swap3A_353] {strides = array<i32>} : memref<128x128xf32, #tpu.memory_space<vmem>>, vector<16xf32>,
        tpu.vector_store %arg14[%swap3A, %swap3A_353], %mul3A_352 {strides = array<i32>} : memref<128x128xf32, #tpu.memory_space<vmem>>, vector<16xf32>,
        %get3A_355 = arith.index_cast %scan3A_349 : i32 to index
        %get3A_356 = arith.constant 16 : index
        %get3A_357 = tpu.vector_load %arg14[%get3A_355, %get3A_356] {strides = array<i32>} : memref<128x128xf32, #tpu.memory_space<vmem>>, vector<16xf32>,
        %mul3A_358 = arith.mulf %get3A_357, %gather3A : vector<16xf32>
        %swap3A_359 = arith.index_cast %scan3A_349 : i32 to index
        %swap3A_360 = arith.constant 16 : index
        %swap3A_361 = tpu.vector_load %arg14[%swap3A_359, %swap3A_360] {strides = array<i32>} : memref<128x128xf32, #tpu.memory_space<vmem>>, vector<16xf32>,
        tpu.vector_store %arg14[%swap3A_359, %swap3A_360], %mul3A_358 {strides = array<i32>} : memref<128x128xf32, #tpu.memory_space<vmem>>, vector<16xf32>,
        %get3A_362 = arith.index_cast %scan3A_349 : i32 to index
        %get3A_363 = arith.constant 32 : index
        %get3A_364 = tpu.vector_load %arg14[%get3A_362, %get3A_363] {strides = array<i32>} : memref<128x128xf32, #tpu.memory_space<vmem>>, vector<16xf32>,
        %mul3A_365 = arith.mulf %get3A_364, %gather3A : vector<16xf32>
        %swap3A_366 = arith.index_cast %scan3A_349 : i32 to index
        %swap3A_367 = arith.constant 32 : index
        %swap3A_368 = tpu.vector_load %arg14[%swap3A_366, %swap3A_367] {strides = array<i32>} : memref<128x128xf32, #tpu.memory_space<vmem>>, vector<16xf32>,
        tpu.vector_store %arg14[%swap3A_366, %swap3A_367], %mul3A_365 {strides = array<i32>} : memref<128x128xf32, #tpu.memory_space<vmem>>, vector<16xf32>,
        %get3A_369 = arith.index_cast %scan3A_349 : i32 to index
        %get3A_370 = arith.constant 48 : index
        %get3A_371 = tpu.vector_load %arg14[%get3A_369, %get3A_370] {strides = array<i32>} : memref<128x128xf32, #tpu.memory_space<vmem>>, vector<16xf32>,
        %mul3A_372 = arith.mulf %get3A_371, %gather3A : vector<16xf32>
        %swap3A_373 = arith.index_cast %scan3A_349 : i32 to index
        %swap3A_374 = arith.constant 48 : index
        %swap3A_375 = tpu.vector_load %arg14[%swap3A_373, %swap3A_374] {strides = array<i32>} : memref<128x128xf32, #tpu.memory_space<vmem>>, vector<16xf32>,
        tpu.vector_store %arg14[%swap3A_373, %swap3A_374], %mul3A_372 {strides = array<i32>} : memref<128x128xf32, #tpu.memory_space<vmem>>, vector<16xf32>,
        %get3A_376 = arith.index_cast %scan3A_349 : i32 to index
        %get3A_377 = arith.constant 64 : index
        %get3A_378 = tpu.vector_load %arg14[%get3A_376, %get3A_377] {strides = array<i32>} : memref<128x128xf32, #tpu.memory_space<vmem>>, vector<16xf32>,
        %mul3A_379 = arith.mulf %get3A_378, %gather3A : vector<16xf32>
        %swap3A_380 = arith.index_cast %scan3A_349 : i32 to index
        %swap3A_381 = arith.constant 64 : index
        %swap3A_382 = tpu.vector_load %arg14[%swap3A_380, %swap3A_381] {strides = array<i32>} : memref<128x128xf32, #tpu.memory_space<vmem>>, vector<16xf32>,
        tpu.vector_store %arg14[%swap3A_380, %swap3A_381], %mul3A_379 {strides = array<i32>} : memref<128x128xf32, #tpu.memory_space<vmem>>, vector<16xf32>,
        %get3A_383 = arith.index_cast %scan3A_349 : i32 to index
        %get3A_384 = arith.constant 80 : index
        %get3A_385 = tpu.vector_load %arg14[%get3A_383, %get3A_384] {strides = array<i32>} : memref<128x128xf32, #tpu.memory_space<vmem>>, vector<16xf32>,
        %mul3A_386 = arith.mulf %get3A_385, %gather3A : vector<16xf32>
        %swap3A_387 = arith.index_cast %scan3A_349 : i32 to index
        %swap3A_388 = arith.constant 80 : index
        %swap3A_389 = tpu.vector_load %arg14[%swap3A_387, %swap3A_388] {strides = array<i32>} : memref<128x128xf32, #tpu.memory_space<vmem>>, vector<16xf32>,
        tpu.vector_store %arg14[%swap3A_387, %swap3A_388], %mul3A_386 {strides = array<i32>} : memref<128x128xf32, #tpu.memory_space<vmem>>, vector<16xf32>,
        %get3A_390 = arith.index_cast %scan3A_349 : i32 to index
        %get3A_391 = arith.constant 96 : index
        %get3A_392 = tpu.vector_load %arg14[%get3A_390, %get3A_391] {strides = array<i32>} : memref<128x128xf32, #tpu.memory_space<vmem>>, vector<16xf32>,
        %mul3A_393 = arith.mulf %get3A_392, %gather3A : vector<16xf32>
        %swap3A_394 = arith.index_cast %scan3A_349 : i32 to index
        %swap3A_395 = arith.constant 96 : index
        %swap3A_396 = tpu.vector_load %arg14[%swap3A_394, %swap3A_395] {strides = array<i32>} : memref<128x128xf32, #tpu.memory_space<vmem>>, vector<16xf32>,
        tpu.vector_store %arg14[%swap3A_394, %swap3A_395], %mul3A_393 {strides = array<i32>} : memref<128x128xf32, #tpu.memory_space<vmem>>, vector<16xf32>,
        %get3A_397 = arith.index_cast %scan3A_349 : i32 to index
        %get3A_398 = arith.constant 112 : index
        %get3A_399 = tpu.vector_load %arg14[%get3A_397, %get3A_398] {strides = array<i32>} : memref<128x128xf32, #tpu.memory_space<vmem>>, vector<16xf32>,
        %mul3A_400 = arith.mulf %get3A_399, %gather3A : vector<16xf32>
        %swap3A_401 = arith.index_cast %scan3A_349 : i32 to index
        %swap3A_402 = arith.constant 112 : index
        %swap3A_403 = tpu.vector_load %arg14[%swap3A_401, %swap3A_402] {strides = array<i32>} : memref<128x128xf32, #tpu.memory_space<vmem>>, vector<16xf32>,
        tpu.vector_store %arg14[%swap3A_401, %swap3A_402], %mul3A_400 {strides = array<i32>} : memref<128x128xf32, #tpu.memory_space<vmem>>, vector<16xf32>,
        %scan3A_404 = arith.constant 1 : i32
        %scan3A_405 = arith.addi %scan3A_349, %scan3A_404 : i32
        %broadcast_in_dim3A_406 = vector.broadcast %scan3A_405 : i32 to vector<16xi32>
        %gather3A_407 = tpu.vector_load_idx %arg16[%broadcast_in_dim3A_406] : memref<128xf32, #tpu.memory_space<vmem>>[vector<16xi32>], vector<16xf32>,
        %get3A_408 = arith.index_cast %scan3A_405 : i32 to index
        %get3A_409 = arith.constant 0 : index
        %get3A_410 = tpu.vector_load %arg14[%get3A_408, %get3A_409] {strides = array<i32>} : memref<128x128xf32, #tpu.memory_space<vmem>>, vector<16xf32>,
        %mul3A_411 = arith.mulf %get3A_410, %gather3A_407 : vector<16xf32>
        %swap3A_412 = arith.index_cast %scan3A_405 : i32 to index
        %swap3A_413 = arith.constant 0 : index
        %swap3A_414 = tpu.vector_load %arg14[%swap3A_412, %swap3A_413] {strides = array<i32>} : memref<128x128xf32, #tpu.memory_space<vmem>>, vector<16xf32>,
        tpu.vector_store %arg14[%swap3A_412, %swap3A_413], %mul3A_411 {strides = array<i32>} : memref<128x128xf32, #tpu.memory_space<vmem>>, vector<16xf32>,
        %get3A_415 = arith.index_cast %scan3A_405 : i32 to index
        %get3A_416 = arith.constant 16 : index
        %get3A_417 = tpu.vector_load %arg14[%get3A_415, %get3A_416] {strides = array<i32>} : memref<128x128xf32, #tpu.memory_space<vmem>>, vector<16xf32>,
        %mul3A_418 = arith.mulf %get3A_417, %gather3A_407 : vector<16xf32>
        %swap3A_419 = arith.index_cast %scan3A_405 : i32 to index
        %swap3A_420 = arith.constant 16 : index
        %swap3A_421 = tpu.vector_load %arg14[%swap3A_419, %swap3A_420] {strides = array<i32>} : memref<128x128xf32, #tpu.memory_space<vmem>>, vector<16xf32>,
        tpu.vector_store %arg14[%swap3A_419, %swap3A_420], %mul3A_418 {strides = array<i32>} : memref<128x128xf32, #tpu.memory_space<vmem>>, vector<16xf32>,
        %get3A_422 = arith.index_cast %scan3A_405 : i32 to index
        %get3A_423 = arith.constant 32 : index
        %get3A_424 = tpu.vector_load %arg14[%get3A_422, %get3A_423] {strides = array<i32>} : memref<128x128xf32, #tpu.memory_space<vmem>>, vector<16xf32>,
        %mul3A_425 = arith.mulf %get3A_424, %gather3A_407 : vector<16xf32>
        %swap3A_426 = arith.index_cast %scan3A_405 : i32 to index
        %swap3A_427 = arith.constant 32 : index
        %swap3A_428 = tpu.vector_load %arg14[%swap3A_426, %swap3A_427] {strides = array<i32>} : memref<128x128xf32, #tpu.memory_space<vmem>>, vector<16xf32>,
        tpu.vector_store %arg14[%swap3A_426, %swap3A_427], %mul3A_425 {strides = array<i32>} : memref<128x128xf32, #tpu.memory_space<vmem>>, vector<16xf32>,
        %get3A_429 = arith.index_cast %scan3A_405 : i32 to index
        %get3A_430 = arith.constant 48 : index
        %get3A_431 = tpu.vector_load %arg14[%get3A_429, %get3A_430] {strides = array<i32>} : memref<128x128xf32, #tpu.memory_space<vmem>>, vector<16xf32>,
        %mul3A_432 = arith.mulf %get3A_431, %gather3A_407 : vector<16xf32>
        %swap3A_433 = arith.index_cast %scan3A_405 : i32 to index
        %swap3A_434 = arith.constant 48 : index
        %swap3A_435 = tpu.vector_load %arg14[%swap3A_433, %swap3A_434] {strides = array<i32>} : memref<128x128xf32, #tpu.memory_space<vmem>>, vector<16xf32>,
        tpu.vector_store %arg14[%swap3A_433, %swap3A_434], %mul3A_432 {strides = array<i32>} : memref<128x128xf32, #tpu.memory_space<vmem>>, vector<16xf32>,
        %get3A_436 = arith.index_cast %scan3A_405 : i32 to index
        %get3A_437 = arith.constant 64 : index
        %get3A_438 = tpu.vector_load %arg14[%get3A_436, %get3A_437] {strides = array<i32>} : memref<128x128xf32, #tpu.memory_space<vmem>>, vector<16xf32>,
        %mul3A_439 = arith.mulf %get3A_438, %gather3A_407 : vector<16xf32>
        %swap3A_440 = arith.index_cast %scan3A_405 : i32 to index
        %swap3A_441 = arith.constant 64 : index
        %swap3A_442 = tpu.vector_load %arg14[%swap3A_440, %swap3A_441] {strides = array<i32>} : memref<128x128xf32, #tpu.memory_space<vmem>>, vector<16xf32>,
        tpu.vector_store %arg14[%swap3A_440, %swap3A_441], %mul3A_439 {strides = array<i32>} : memref<128x128xf32, #tpu.memory_space<vmem>>, vector<16xf32>,
        %get3A_443 = arith.index_cast %scan3A_405 : i32 to index
        %get3A_444 = arith.constant 80 : index
        %get3A_445 = tpu.vector_load %arg14[%get3A_443, %get3A_444] {strides = array<i32>} : memref<128x128xf32, #tpu.memory_space<vmem>>, vector<16xf32>,
        %mul3A_446 = arith.mulf %get3A_445, %gather3A_407 : vector<16xf32>
        %swap3A_447 = arith.index_cast %scan3A_405 : i32 to index
        %swap3A_448 = arith.constant 80 : index
        %swap3A_449 = tpu.vector_load %arg14[%swap3A_447, %swap3A_448] {strides = array<i32>} : memref<128x128xf32, #tpu.memory_space<vmem>>, vector<16xf32>,
        tpu.vector_store %arg14[%swap3A_447, %swap3A_448], %mul3A_446 {strides = array<i32>} : memref<128x128xf32, #tpu.memory_space<vmem>>, vector<16xf32>,
        %get3A_450 = arith.index_cast %scan3A_405 : i32 to index
        %get3A_451 = arith.constant 96 : index
        %get3A_452 = tpu.vector_load %arg14[%get3A_450, %get3A_451] {strides = array<i32>} : memref<128x128xf32, #tpu.memory_space<vmem>>, vector<16xf32>,
        %mul3A_453 = arith.mulf %get3A_452, %gather3A_407 : vector<16xf32>
        %swap3A_454 = arith.index_cast %scan3A_405 : i32 to index
        %swap3A_455 = arith.constant 96 : index
        %swap3A_456 = tpu.vector_load %arg14[%swap3A_454, %swap3A_455] {strides = array<i32>} : memref<128x128xf32, #tpu.memory_space<vmem>>, vector<16xf32>,
        tpu.vector_store %arg14[%swap3A_454, %swap3A_455], %mul3A_453 {strides = array<i32>} : memref<128x128xf32, #tpu.memory_space<vmem>>, vector<16xf32>,
        %get3A_457 = arith.index_cast %scan3A_405 : i32 to index
        %get3A_458 = arith.constant 112 : index
        %get3A_459 = tpu.vector_load %arg14[%get3A_457, %get3A_458] {strides = array<i32>} : memref<128x128xf32, #tpu.memory_space<vmem>>, vector<16xf32>,
        %mul3A_460 = arith.mulf %get3A_459, %gather3A_407 : vector<16xf32>
        %swap3A_461 = arith.index_cast %scan3A_405 : i32 to index
        %swap3A_462 = arith.constant 112 : index
        %swap3A_463 = tpu.vector_load %arg14[%swap3A_461, %swap3A_462] {strides = array<i32>} : memref<128x128xf32, #tpu.memory_space<vmem>>, vector<16xf32>,
        tpu.vector_store %arg14[%swap3A_461, %swap3A_462], %mul3A_460 {strides = array<i32>} : memref<128x128xf32, #tpu.memory_space<vmem>>, vector<16xf32>,
      }
      %scan3A_61 = arith.constant 128 : i32
      %dma_start3A_62 = arith.constant 0 : i32
      %dma_start3A_63 = arith.constant 0 : i32
      %dma_start3A_64 = tpu.memref_slice %arg12[%dma_start3A_62, %dma_start3A_63] : memref<8x128xi32, #tpu.memory_space<vmem>> -> memref<1x128xi32, #tpu.memory_space<vmem>>
      %dma_start3A_65 = tpu.memref_squeeze %dma_start3A_64 : memref<1x128xi32, #tpu.memory_space<vmem>> -> memref<128xi32, #tpu.memory_space<vmem>>
      %dma_start3A_66 = arith.constant 0 : i32
      %dma_start3A_67 = arith.constant 0 : i32
      %dma_start3A_68 = tpu.memref_slice %arg17[%dma_start3A_66, %dma_start3A_67] : memref<10240x128xf32, #tpu.memory_space<vmem_shared>> -> memref<10240x128xf32, #tpu.memory_space<vmem_shared>>
      tpu.enqueue_indirect_dma source(%arg14 : memref<128x128xf32, #tpu.memory_space<vmem>>) target(%dma_start3A_68 : memref<10240x128xf32, #tpu.memory_space<vmem_shared>>) offsets(%dma_start3A_65 : memref<128xi32, #tpu.memory_space<vmem>>) semaphore(%arg21 : memref<!tpu.dma_semaphore, #tpu.memory_space<semaphore_mem>>) {add = true}
      %dma_wait3A_69 = arith.constant 0 : i32
      %dma_wait3A_70 = arith.constant 0 : i32
      %dma_wait3A_71 = tpu.memref_slice %arg12[%dma_wait3A_69, %dma_wait3A_70] : memref<8x128xi32, #tpu.memory_space<vmem>> -> memref<1x128xi32, #tpu.memory_space<vmem>>
      %dma_wait3A_72 = tpu.memref_squeeze %dma_wait3A_71 : memref<1x128xi32, #tpu.memory_space<vmem>> -> memref<128xi32, #tpu.memory_space<vmem>>
      %dma_wait3A_73 = arith.constant 0 : i32
      %dma_wait3A_74 = arith.constant 0 : i32
      %dma_wait3A_75 = tpu.memref_slice %arg17[%dma_wait3A_73, %dma_wait3A_74] : memref<10240x128xf32, #tpu.memory_space<vmem_shared>> -> memref<10240x128xf32, #tpu.memory_space<vmem_shared>>
      tpu.wait_indirect_dma semaphore(%arg21 : memref<!tpu.dma_semaphore, #tpu.memory_space<semaphore_mem>>) src(%arg14 : memref<128x128xf32, #tpu.memory_space<vmem>>) dst(%dma_wait3A_75 : memref<10240x128xf32, #tpu.memory_space<vmem_shared>>)
      %dma_start3A_76 = arith.constant 2 : i32
      %dma_start3A_77 = arith.constant 0 : i32
      %dma_start3A_78 = tpu.memref_slice %arg11[%dma_start3A_76, %dma_start3A_77] : memref<8x128xi32, #tpu.memory_space<vmem>> -> memref<1x128xi32, #tpu.memory_space<vmem>>
      %dma_start3A_79 = tpu.memref_squeeze %dma_start3A_78 : memref<1x128xi32, #tpu.memory_space<vmem>> -> memref<128xi32, #tpu.memory_space<vmem>>
      %dma_start3A_80 = arith.constant 0 : i32
      %dma_start3A_81 = arith.constant 0 : i32
      %dma_start3A_82 = tpu.memref_slice %arg2[%dma_start3A_80, %dma_start3A_81] : memref<10000x128xf32, #tpu.memory_space<hbm>> -> memref<10000x128xf32, #tpu.memory_space<hbm>>
      tpu.enqueue_indirect_dma source(%dma_start3A_82 : memref<10000x128xf32, #tpu.memory_space<hbm>>) target(%arg14 : memref<128x128xf32, #tpu.memory_space<vmem>>) offsets(%dma_start3A_79 : memref<128xi32, #tpu.memory_space<vmem>>) semaphore(%arg19 : memref<!tpu.dma_semaphore, #tpu.memory_space<semaphore_mem>>)
      %dma_wait3A_83 = arith.constant 1 : i32
      %dma_wait3A_84 = arith.constant 0 : i32
      %dma_wait3A_85 = tpu.memref_slice %arg11[%dma_wait3A_83, %dma_wait3A_84] : memref<8x128xi32, #tpu.memory_space<vmem>> -> memref<1x128xi32, #tpu.memory_space<vmem>>
      %dma_wait3A_86 = tpu.memref_squeeze %dma_wait3A_85 : memref<1x128xi32, #tpu.memory_space<vmem>> -> memref<128xi32, #tpu.memory_space<vmem>>
      %dma_wait3A_87 = arith.constant 0 : i32
      %dma_wait3A_88 = arith.constant 0 : i32
      %dma_wait3A_89 = tpu.memref_slice %arg2[%dma_wait3A_87, %dma_wait3A_88] : memref<10000x128xf32, #tpu.memory_space<hbm>> -> memref<10000x128xf32, #tpu.memory_space<hbm>>
      tpu.wait_indirect_dma semaphore(%arg20 : memref<!tpu.dma_semaphore, #tpu.memory_space<semaphore_mem>>) src(%dma_wait3A_89 : memref<10000x128xf32, #tpu.memory_space<hbm>>) dst(%arg15 : memref<128x128xf32, #tpu.memory_space<vmem>>)
      %scan3A_90 = arith.constant 0 : i32
      %scan3A_91 = arith.constant 0 : i32
      %scan3A_92 = arith.constant 8 : i32
      %scan3A_93 = arith.addi %scan3A_91, %scan3A_92 : i32
      %scan3A_94 = arith.constant 1 : i32
      scf.for %scan3A_349 = %scan3A_91 to %scan3A_93 step %scan3A_94  : i32 {
        %mul3A_350 = arith.constant 16 : i32
        %mul3A_351 = arith.muli %scan3A_349, %mul3A_350 : i32
        %get3A = arith.constant 1 : i32
        %get3A_352 = arith.index_cast %get3A : i32 to index
        %get3A_353 = arith.index_cast %mul3A_351 : i32 to index
        %get3A_354 = tpu.vector_load %arg11[%get3A_352, %get3A_353] {strides = array<i32>} : memref<8x128xi32, #tpu.memory_space<vmem>>, vector<16xi32>,
        %get3A_355 = arith.constant 1 : i32
        %get3A_356 = arith.index_cast %get3A_355 : i32 to index
        %get3A_357 = arith.index_cast %mul3A_351 : i32 to index
        %get3A_358 = tpu.vector_load %arg13[%get3A_356, %get3A_357] {strides = array<i32>} : memref<8x128xf32, #tpu.memory_space<vmem>>, vector<16xf32>,
        %gather3A = tpu.vector_load_idx %arg10[%get3A_354] : memref<10240xf32, #tpu.memory_space<vmem>>[vector<16xi32>], vector<16xf32>,
        %mul3A_359 = arith.mulf %get3A_358, %gather3A : vector<16xf32>
        %swap3A = arith.index_cast %mul3A_351 : i32 to index
        %swap3A_360 = tpu.vector_load %arg16[%swap3A] {strides = array<i32>} : memref<128xf32, #tpu.memory_space<vmem>>, vector<16xf32>,
        tpu.vector_store %arg16[%swap3A], %mul3A_359 {strides = array<i32>} : memref<128xf32, #tpu.memory_space<vmem>>, vector<16xf32>,
      }
      %scan3A_95 = arith.constant 8 : i32
      %scan3A_96 = arith.constant 0 : i32
      %scan3A_97 = arith.constant 0 : i32
      %scan3A_98 = arith.constant 128 : i32
      %scan3A_99 = arith.addi %scan3A_97, %scan3A_98 : i32
      %scan3A_100 = arith.constant 2 : i32
      scf.for %scan3A_349 = %scan3A_97 to %scan3A_99 step %scan3A_100  : i32 {
        %broadcast_in_dim3A = vector.broadcast %scan3A_349 : i32 to vector<16xi32>
        %gather3A = tpu.vector_load_idx %arg16[%broadcast_in_dim3A] : memref<128xf32, #tpu.memory_space<vmem>>[vector<16xi32>], vector<16xf32>,
        %get3A = arith.index_cast %scan3A_349 : i32 to index
        %get3A_350 = arith.constant 0 : index
        %get3A_351 = tpu.vector_load %arg15[%get3A, %get3A_350] {strides = array<i32>} : memref<128x128xf32, #tpu.memory_space<vmem>>, vector<16xf32>,
        %mul3A_352 = arith.mulf %get3A_351, %gather3A : vector<16xf32>
        %swap3A = arith.index_cast %scan3A_349 : i32 to index
        %swap3A_353 = arith.constant 0 : index
        %swap3A_354 = tpu.vector_load %arg15[%swap3A, %swap3A_353] {strides = array<i32>} : memref<128x128xf32, #tpu.memory_space<vmem>>, vector<16xf32>,
        tpu.vector_store %arg15[%swap3A, %swap3A_353], %mul3A_352 {strides = array<i32>} : memref<128x128xf32, #tpu.memory_space<vmem>>, vector<16xf32>,
        %get3A_355 = arith.index_cast %scan3A_349 : i32 to index
        %get3A_356 = arith.constant 16 : index
        %get3A_357 = tpu.vector_load %arg15[%get3A_355, %get3A_356] {strides = array<i32>} : memref<128x128xf32, #tpu.memory_space<vmem>>, vector<16xf32>,
        %mul3A_358 = arith.mulf %get3A_357, %gather3A : vector<16xf32>
        %swap3A_359 = arith.index_cast %scan3A_349 : i32 to index
        %swap3A_360 = arith.constant 16 : index
        %swap3A_361 = tpu.vector_load %arg15[%swap3A_359, %swap3A_360] {strides = array<i32>} : memref<128x128xf32, #tpu.memory_space<vmem>>, vector<16xf32>,
        tpu.vector_store %arg15[%swap3A_359, %swap3A_360], %mul3A_358 {strides = array<i32>} : memref<128x128xf32, #tpu.memory_space<vmem>>, vector<16xf32>,
        %get3A_362 = arith.index_cast %scan3A_349 : i32 to index
        %get3A_363 = arith.constant 32 : index
        %get3A_364 = tpu.vector_load %arg15[%get3A_362, %get3A_363] {strides = array<i32>} : memref<128x128xf32, #tpu.memory_space<vmem>>, vector<16xf32>,
        %mul3A_365 = arith.mulf %get3A_364, %gather3A : vector<16xf32>
        %swap3A_366 = arith.index_cast %scan3A_349 : i32 to index
        %swap3A_367 = arith.constant 32 : index
        %swap3A_368 = tpu.vector_load %arg15[%swap3A_366, %swap3A_367] {strides = array<i32>} : memref<128x128xf32, #tpu.memory_space<vmem>>, vector<16xf32>,
        tpu.vector_store %arg15[%swap3A_366, %swap3A_367], %mul3A_365 {strides = array<i32>} : memref<128x128xf32, #tpu.memory_space<vmem>>, vector<16xf32>,
        %get3A_369 = arith.index_cast %scan3A_349 : i32 to index
        %get3A_370 = arith.constant 48 : index
        %get3A_371 = tpu.vector_load %arg15[%get3A_369, %get3A_370] {strides = array<i32>} : memref<128x128xf32, #tpu.memory_space<vmem>>, vector<16xf32>,
        %mul3A_372 = arith.mulf %get3A_371, %gather3A : vector<16xf32>
        %swap3A_373 = arith.index_cast %scan3A_349 : i32 to index
        %swap3A_374 = arith.constant 48 : index
        %swap3A_375 = tpu.vector_load %arg15[%swap3A_373, %swap3A_374] {strides = array<i32>} : memref<128x128xf32, #tpu.memory_space<vmem>>, vector<16xf32>,
        tpu.vector_store %arg15[%swap3A_373, %swap3A_374], %mul3A_372 {strides = array<i32>} : memref<128x128xf32, #tpu.memory_space<vmem>>, vector<16xf32>,
        %get3A_376 = arith.index_cast %scan3A_349 : i32 to index
        %get3A_377 = arith.constant 64 : index
        %get3A_378 = tpu.vector_load %arg15[%get3A_376, %get3A_377] {strides = array<i32>} : memref<128x128xf32, #tpu.memory_space<vmem>>, vector<16xf32>,
        %mul3A_379 = arith.mulf %get3A_378, %gather3A : vector<16xf32>
        %swap3A_380 = arith.index_cast %scan3A_349 : i32 to index
        %swap3A_381 = arith.constant 64 : index
        %swap3A_382 = tpu.vector_load %arg15[%swap3A_380, %swap3A_381] {strides = array<i32>} : memref<128x128xf32, #tpu.memory_space<vmem>>, vector<16xf32>,
        tpu.vector_store %arg15[%swap3A_380, %swap3A_381], %mul3A_379 {strides = array<i32>} : memref<128x128xf32, #tpu.memory_space<vmem>>, vector<16xf32>,
        %get3A_383 = arith.index_cast %scan3A_349 : i32 to index
        %get3A_384 = arith.constant 80 : index
        %get3A_385 = tpu.vector_load %arg15[%get3A_383, %get3A_384] {strides = array<i32>} : memref<128x128xf32, #tpu.memory_space<vmem>>, vector<16xf32>,
        %mul3A_386 = arith.mulf %get3A_385, %gather3A : vector<16xf32>
        %swap3A_387 = arith.index_cast %scan3A_349 : i32 to index
        %swap3A_388 = arith.constant 80 : index
        %swap3A_389 = tpu.vector_load %arg15[%swap3A_387, %swap3A_388] {strides = array<i32>} : memref<128x128xf32, #tpu.memory_space<vmem>>, vector<16xf32>,
        tpu.vector_store %arg15[%swap3A_387, %swap3A_388], %mul3A_386 {strides = array<i32>} : memref<128x128xf32, #tpu.memory_space<vmem>>, vector<16xf32>,
        %get3A_390 = arith.index_cast %scan3A_349 : i32 to index
        %get3A_391 = arith.constant 96 : index
        %get3A_392 = tpu.vector_load %arg15[%get3A_390, %get3A_391] {strides = array<i32>} : memref<128x128xf32, #tpu.memory_space<vmem>>, vector<16xf32>,
        %mul3A_393 = arith.mulf %get3A_392, %gather3A : vector<16xf32>
        %swap3A_394 = arith.index_cast %scan3A_349 : i32 to index
        %swap3A_395 = arith.constant 96 : index
        %swap3A_396 = tpu.vector_load %arg15[%swap3A_394, %swap3A_395] {strides = array<i32>} : memref<128x128xf32, #tpu.memory_space<vmem>>, vector<16xf32>,
        tpu.vector_store %arg15[%swap3A_394, %swap3A_395], %mul3A_393 {strides = array<i32>} : memref<128x128xf32, #tpu.memory_space<vmem>>, vector<16xf32>,
        %get3A_397 = arith.index_cast %scan3A_349 : i32 to index
        %get3A_398 = arith.constant 112 : index
        %get3A_399 = tpu.vector_load %arg15[%get3A_397, %get3A_398] {strides = array<i32>} : memref<128x128xf32, #tpu.memory_space<vmem>>, vector<16xf32>,
        %mul3A_400 = arith.mulf %get3A_399, %gather3A : vector<16xf32>
        %swap3A_401 = arith.index_cast %scan3A_349 : i32 to index
        %swap3A_402 = arith.constant 112 : index
        %swap3A_403 = tpu.vector_load %arg15[%swap3A_401, %swap3A_402] {strides = array<i32>} : memref<128x128xf32, #tpu.memory_space<vmem>>, vector<16xf32>,
        tpu.vector_store %arg15[%swap3A_401, %swap3A_402], %mul3A_400 {strides = array<i32>} : memref<128x128xf32, #tpu.memory_space<vmem>>, vector<16xf32>,
        %scan3A_404 = arith.constant 1 : i32
        %scan3A_405 = arith.addi %scan3A_349, %scan3A_404 : i32
        %broadcast_in_dim3A_406 = vector.broadcast %scan3A_405 : i32 to vector<16xi32>
        %gather3A_407 = tpu.vector_load_idx %arg16[%broadcast_in_dim3A_406] : memref<128xf32, #tpu.memory_space<vmem>>[vector<16xi32>], vector<16xf32>,
        %get3A_408 = arith.index_cast %scan3A_405 : i32 to index
        %get3A_409 = arith.constant 0 : index
        %get3A_410 = tpu.vector_load %arg15[%get3A_408, %get3A_409] {strides = array<i32>} : memref<128x128xf32, #tpu.memory_space<vmem>>, vector<16xf32>,
        %mul3A_411 = arith.mulf %get3A_410, %gather3A_407 : vector<16xf32>
        %swap3A_412 = arith.index_cast %scan3A_405 : i32 to index
        %swap3A_413 = arith.constant 0 : index
        %swap3A_414 = tpu.vector_load %arg15[%swap3A_412, %swap3A_413] {strides = array<i32>} : memref<128x128xf32, #tpu.memory_space<vmem>>, vector<16xf32>,
        tpu.vector_store %arg15[%swap3A_412, %swap3A_413], %mul3A_411 {strides = array<i32>} : memref<128x128xf32, #tpu.memory_space<vmem>>, vector<16xf32>,
        %get3A_415 = arith.index_cast %scan3A_405 : i32 to index
        %get3A_416 = arith.constant 16 : index
        %get3A_417 = tpu.vector_load %arg15[%get3A_415, %get3A_416] {strides = array<i32>} : memref<128x128xf32, #tpu.memory_space<vmem>>, vector<16xf32>,
        %mul3A_418 = arith.mulf %get3A_417, %gather3A_407 : vector<16xf32>
        %swap3A_419 = arith.index_cast %scan3A_405 : i32 to index
        %swap3A_420 = arith.constant 16 : index
        %swap3A_421 = tpu.vector_load %arg15[%swap3A_419, %swap3A_420] {strides = array<i32>} : memref<128x128xf32, #tpu.memory_space<vmem>>, vector<16xf32>,
        tpu.vector_store %arg15[%swap3A_419, %swap3A_420], %mul3A_418 {strides = array<i32>} : memref<128x128xf32, #tpu.memory_space<vmem>>, vector<16xf32>,
        %get3A_422 = arith.index_cast %scan3A_405 : i32 to index
        %get3A_423 = arith.constant 32 : index
        %get3A_424 = tpu.vector_load %arg15[%get3A_422, %get3A_423] {strides = array<i32>} : memref<128x128xf32, #tpu.memory_space<vmem>>, vector<16xf32>,
        %mul3A_425 = arith.mulf %get3A_424, %gather3A_407 : vector<16xf32>
        %swap3A_426 = arith.index_cast %scan3A_405 : i32 to index
        %swap3A_427 = arith.constant 32 : index
        %swap3A_428 = tpu.vector_load %arg15[%swap3A_426, %swap3A_427] {strides = array<i32>} : memref<128x128xf32, #tpu.memory_space<vmem>>, vector<16xf32>,
        tpu.vector_store %arg15[%swap3A_426, %swap3A_427], %mul3A_425 {strides = array<i32>} : memref<128x128xf32, #tpu.memory_space<vmem>>, vector<16xf32>,
        %get3A_429 = arith.index_cast %scan3A_405 : i32 to index
        %get3A_430 = arith.constant 48 : index
        %get3A_431 = tpu.vector_load %arg15[%get3A_429, %get3A_430] {strides = array<i32>} : memref<128x128xf32, #tpu.memory_space<vmem>>, vector<16xf32>,
        %mul3A_432 = arith.mulf %get3A_431, %gather3A_407 : vector<16xf32>
        %swap3A_433 = arith.index_cast %scan3A_405 : i32 to index
        %swap3A_434 = arith.constant 48 : index
        %swap3A_435 = tpu.vector_load %arg15[%swap3A_433, %swap3A_434] {strides = array<i32>} : memref<128x128xf32, #tpu.memory_space<vmem>>, vector<16xf32>,
        tpu.vector_store %arg15[%swap3A_433, %swap3A_434], %mul3A_432 {strides = array<i32>} : memref<128x128xf32, #tpu.memory_space<vmem>>, vector<16xf32>,
        %get3A_436 = arith.index_cast %scan3A_405 : i32 to index
        %get3A_437 = arith.constant 64 : index
        %get3A_438 = tpu.vector_load %arg15[%get3A_436, %get3A_437] {strides = array<i32>} : memref<128x128xf32, #tpu.memory_space<vmem>>, vector<16xf32>,
        %mul3A_439 = arith.mulf %get3A_438, %gather3A_407 : vector<16xf32>
        %swap3A_440 = arith.index_cast %scan3A_405 : i32 to index
        %swap3A_441 = arith.constant 64 : index
        %swap3A_442 = tpu.vector_load %arg15[%swap3A_440, %swap3A_441] {strides = array<i32>} : memref<128x128xf32, #tpu.memory_space<vmem>>, vector<16xf32>,
        tpu.vector_store %arg15[%swap3A_440, %swap3A_441], %mul3A_439 {strides = array<i32>} : memref<128x128xf32, #tpu.memory_space<vmem>>, vector<16xf32>,
        %get3A_443 = arith.index_cast %scan3A_405 : i32 to index
        %get3A_444 = arith.constant 80 : index
        %get3A_445 = tpu.vector_load %arg15[%get3A_443, %get3A_444] {strides = array<i32>} : memref<128x128xf32, #tpu.memory_space<vmem>>, vector<16xf32>,
        %mul3A_446 = arith.mulf %get3A_445, %gather3A_407 : vector<16xf32>
        %swap3A_447 = arith.index_cast %scan3A_405 : i32 to index
        %swap3A_448 = arith.constant 80 : index
        %swap3A_449 = tpu.vector_load %arg15[%swap3A_447, %swap3A_448] {strides = array<i32>} : memref<128x128xf32, #tpu.memory_space<vmem>>, vector<16xf32>,
        tpu.vector_store %arg15[%swap3A_447, %swap3A_448], %mul3A_446 {strides = array<i32>} : memref<128x128xf32, #tpu.memory_space<vmem>>, vector<16xf32>,
        %get3A_450 = arith.index_cast %scan3A_405 : i32 to index
        %get3A_451 = arith.constant 96 : index
        %get3A_452 = tpu.vector_load %arg15[%get3A_450, %get3A_451] {strides = array<i32>} : memref<128x128xf32, #tpu.memory_space<vmem>>, vector<16xf32>,
        %mul3A_453 = arith.mulf %get3A_452, %gather3A_407 : vector<16xf32>
        %swap3A_454 = arith.index_cast %scan3A_405 : i32 to index
        %swap3A_455 = arith.constant 96 : index
        %swap3A_456 = tpu.vector_load %arg15[%swap3A_454, %swap3A_455] {strides = array<i32>} : memref<128x128xf32, #tpu.memory_space<vmem>>, vector<16xf32>,
        tpu.vector_store %arg15[%swap3A_454, %swap3A_455], %mul3A_453 {strides = array<i32>} : memref<128x128xf32, #tpu.memory_space<vmem>>, vector<16xf32>,
        %get3A_457 = arith.index_cast %scan3A_405 : i32 to index
        %get3A_458 = arith.constant 112 : index
        %get3A_459 = tpu.vector_load %arg15[%get3A_457, %get3A_458] {strides = array<i32>} : memref<128x128xf32, #tpu.memory_space<vmem>>, vector<16xf32>,
        %mul3A_460 = arith.mulf %get3A_459, %gather3A_407 : vector<16xf32>
        %swap3A_461 = arith.index_cast %scan3A_405 : i32 to index
        %swap3A_462 = arith.constant 112 : index
        %swap3A_463 = tpu.vector_load %arg15[%swap3A_461, %swap3A_462] {strides = array<i32>} : memref<128x128xf32, #tpu.memory_space<vmem>>, vector<16xf32>,
        tpu.vector_store %arg15[%swap3A_461, %swap3A_462], %mul3A_460 {strides = array<i32>} : memref<128x128xf32, #tpu.memory_space<vmem>>, vector<16xf32>,
      }
      %scan3A_101 = arith.constant 128 : i32
      %dma_start3A_102 = arith.constant 1 : i32
      %dma_start3A_103 = arith.constant 0 : i32
      %dma_start3A_104 = tpu.memref_slice %arg12[%dma_start3A_102, %dma_start3A_103] : memref<8x128xi32, #tpu.memory_space<vmem>> -> memref<1x128xi32, #tpu.memory_space<vmem>>
      %dma_start3A_105 = tpu.memref_squeeze %dma_start3A_104 : memref<1x128xi32, #tpu.memory_space<vmem>> -> memref<128xi32, #tpu.memory_space<vmem>>
      %dma_start3A_106 = arith.constant 0 : i32
      %dma_start3A_107 = arith.constant 0 : i32
      %dma_start3A_108 = tpu.memref_slice %arg17[%dma_start3A_106, %dma_start3A_107] : memref<10240x128xf32, #tpu.memory_space<vmem_shared>> -> memref<10240x128xf32, #tpu.memory_space<vmem_shared>>
      tpu.enqueue_indirect_dma source(%arg15 : memref<128x128xf32, #tpu.memory_space<vmem>>) target(%dma_start3A_108 : memref<10240x128xf32, #tpu.memory_space<vmem_shared>>) offsets(%dma_start3A_105 : memref<128xi32, #tpu.memory_space<vmem>>) semaphore(%arg22 : memref<!tpu.dma_semaphore, #tpu.memory_space<semaphore_mem>>) {add = true}
      %dma_wait3A_109 = arith.constant 1 : i32
      %dma_wait3A_110 = arith.constant 0 : i32
      %dma_wait3A_111 = tpu.memref_slice %arg12[%dma_wait3A_109, %dma_wait3A_110] : memref<8x128xi32, #tpu.memory_space<vmem>> -> memref<1x128xi32, #tpu.memory_space<vmem>>
      %dma_wait3A_112 = tpu.memref_squeeze %dma_wait3A_111 : memref<1x128xi32, #tpu.memory_space<vmem>> -> memref<128xi32, #tpu.memory_space<vmem>>
      %dma_wait3A_113 = arith.constant 0 : i32
      %dma_wait3A_114 = arith.constant 0 : i32
      %dma_wait3A_115 = tpu.memref_slice %arg17[%dma_wait3A_113, %dma_wait3A_114] : memref<10240x128xf32, #tpu.memory_space<vmem_shared>> -> memref<10240x128xf32, #tpu.memory_space<vmem_shared>>
      tpu.wait_indirect_dma semaphore(%arg22 : memref<!tpu.dma_semaphore, #tpu.memory_space<semaphore_mem>>) src(%arg15 : memref<128x128xf32, #tpu.memory_space<vmem>>) dst(%dma_wait3A_115 : memref<10240x128xf32, #tpu.memory_space<vmem_shared>>)
      %dma_start3A_116 = arith.constant 3 : i32
      %dma_start3A_117 = arith.constant 0 : i32
      %dma_start3A_118 = tpu.memref_slice %arg11[%dma_start3A_116, %dma_start3A_117] : memref<8x128xi32, #tpu.memory_space<vmem>> -> memref<1x128xi32, #tpu.memory_space<vmem>>
      %dma_start3A_119 = tpu.memref_squeeze %dma_start3A_118 : memref<1x128xi32, #tpu.memory_space<vmem>> -> memref<128xi32, #tpu.memory_space<vmem>>
      %dma_start3A_120 = arith.constant 0 : i32
      %dma_start3A_121 = arith.constant 0 : i32
      %dma_start3A_122 = tpu.memref_slice %arg2[%dma_start3A_120, %dma_start3A_121] : memref<10000x128xf32, #tpu.memory_space<hbm>> -> memref<10000x128xf32, #tpu.memory_space<hbm>>
      tpu.enqueue_indirect_dma source(%dma_start3A_122 : memref<10000x128xf32, #tpu.memory_space<hbm>>) target(%arg15 : memref<128x128xf32, #tpu.memory_space<vmem>>) offsets(%dma_start3A_119 : memref<128xi32, #tpu.memory_space<vmem>>) semaphore(%arg20 : memref<!tpu.dma_semaphore, #tpu.memory_space<semaphore_mem>>)
      %dma_wait3A_123 = arith.constant 2 : i32
      %dma_wait3A_124 = arith.constant 0 : i32
      %dma_wait3A_125 = tpu.memref_slice %arg11[%dma_wait3A_123, %dma_wait3A_124] : memref<8x128xi32, #tpu.memory_space<vmem>> -> memref<1x128xi32, #tpu.memory_space<vmem>>
      %dma_wait3A_126 = tpu.memref_squeeze %dma_wait3A_125 : memref<1x128xi32, #tpu.memory_space<vmem>> -> memref<128xi32, #tpu.memory_space<vmem>>
      %dma_wait3A_127 = arith.constant 0 : i32
      %dma_wait3A_128 = arith.constant 0 : i32
      %dma_wait3A_129 = tpu.memref_slice %arg2[%dma_wait3A_127, %dma_wait3A_128] : memref<10000x128xf32, #tpu.memory_space<hbm>> -> memref<10000x128xf32, #tpu.memory_space<hbm>>
      tpu.wait_indirect_dma semaphore(%arg19 : memref<!tpu.dma_semaphore, #tpu.memory_space<semaphore_mem>>) src(%dma_wait3A_129 : memref<10000x128xf32, #tpu.memory_space<hbm>>) dst(%arg14 : memref<128x128xf32, #tpu.memory_space<vmem>>)
      %scan3A_130 = arith.constant 0 : i32
      %scan3A_131 = arith.constant 0 : i32
      %scan3A_132 = arith.constant 8 : i32
      %scan3A_133 = arith.addi %scan3A_131, %scan3A_132 : i32
      %scan3A_134 = arith.constant 1 : i32
      scf.for %scan3A_349 = %scan3A_131 to %scan3A_133 step %scan3A_134  : i32 {
        %mul3A_350 = arith.constant 16 : i32
        %mul3A_351 = arith.muli %scan3A_349, %mul3A_350 : i32
        %get3A = arith.constant 2 : i32
        %get3A_352 = arith.index_cast %get3A : i32 to index
        %get3A_353 = arith.index_cast %mul3A_351 : i32 to index
        %get3A_354 = tpu.vector_load %arg11[%get3A_352, %get3A_353] {strides = array<i32>} : memref<8x128xi32, #tpu.memory_space<vmem>>, vector<16xi32>,
        %get3A_355 = arith.constant 2 : i32
        %get3A_356 = arith.index_cast %get3A_355 : i32 to index
        %get3A_357 = arith.index_cast %mul3A_351 : i32 to index
        %get3A_358 = tpu.vector_load %arg13[%get3A_356, %get3A_357] {strides = array<i32>} : memref<8x128xf32, #tpu.memory_space<vmem>>, vector<16xf32>,
        %gather3A = tpu.vector_load_idx %arg10[%get3A_354] : memref<10240xf32, #tpu.memory_space<vmem>>[vector<16xi32>], vector<16xf32>,
        %mul3A_359 = arith.mulf %get3A_358, %gather3A : vector<16xf32>
        %swap3A = arith.index_cast %mul3A_351 : i32 to index
        %swap3A_360 = tpu.vector_load %arg16[%swap3A] {strides = array<i32>} : memref<128xf32, #tpu.memory_space<vmem>>, vector<16xf32>,
        tpu.vector_store %arg16[%swap3A], %mul3A_359 {strides = array<i32>} : memref<128xf32, #tpu.memory_space<vmem>>, vector<16xf32>,
      }
      %scan3A_135 = arith.constant 8 : i32
      %scan3A_136 = arith.constant 0 : i32
      %scan3A_137 = arith.constant 0 : i32
      %scan3A_138 = arith.constant 128 : i32
      %scan3A_139 = arith.addi %scan3A_137, %scan3A_138 : i32
      %scan3A_140 = arith.constant 2 : i32
      scf.for %scan3A_349 = %scan3A_137 to %scan3A_139 step %scan3A_140  : i32 {
        %broadcast_in_dim3A = vector.broadcast %scan3A_349 : i32 to vector<16xi32>
        %gather3A = tpu.vector_load_idx %arg16[%broadcast_in_dim3A] : memref<128xf32, #tpu.memory_space<vmem>>[vector<16xi32>], vector<16xf32>,
        %get3A = arith.index_cast %scan3A_349 : i32 to index
        %get3A_350 = arith.constant 0 : index
        %get3A_351 = tpu.vector_load %arg14[%get3A, %get3A_350] {strides = array<i32>} : memref<128x128xf32, #tpu.memory_space<vmem>>, vector<16xf32>,
        %mul3A_352 = arith.mulf %get3A_351, %gather3A : vector<16xf32>
        %swap3A = arith.index_cast %scan3A_349 : i32 to index
        %swap3A_353 = arith.constant 0 : index
        %swap3A_354 = tpu.vector_load %arg14[%swap3A, %swap3A_353] {strides = array<i32>} : memref<128x128xf32, #tpu.memory_space<vmem>>, vector<16xf32>,
        tpu.vector_store %arg14[%swap3A, %swap3A_353], %mul3A_352 {strides = array<i32>} : memref<128x128xf32, #tpu.memory_space<vmem>>, vector<16xf32>,
        %get3A_355 = arith.index_cast %scan3A_349 : i32 to index
        %get3A_356 = arith.constant 16 : index
        %get3A_357 = tpu.vector_load %arg14[%get3A_355, %get3A_356] {strides = array<i32>} : memref<128x128xf32, #tpu.memory_space<vmem>>, vector<16xf32>,
        %mul3A_358 = arith.mulf %get3A_357, %gather3A : vector<16xf32>
        %swap3A_359 = arith.index_cast %scan3A_349 : i32 to index
        %swap3A_360 = arith.constant 16 : index
        %swap3A_361 = tpu.vector_load %arg14[%swap3A_359, %swap3A_360] {strides = array<i32>} : memref<128x128xf32, #tpu.memory_space<vmem>>, vector<16xf32>,
        tpu.vector_store %arg14[%swap3A_359, %swap3A_360], %mul3A_358 {strides = array<i32>} : memref<128x128xf32, #tpu.memory_space<vmem>>, vector<16xf32>,
        %get3A_362 = arith.index_cast %scan3A_349 : i32 to index
        %get3A_363 = arith.constant 32 : index
        %get3A_364 = tpu.vector_load %arg14[%get3A_362, %get3A_363] {strides = array<i32>} : memref<128x128xf32, #tpu.memory_space<vmem>>, vector<16xf32>,
        %mul3A_365 = arith.mulf %get3A_364, %gather3A : vector<16xf32>
        %swap3A_366 = arith.index_cast %scan3A_349 : i32 to index
        %swap3A_367 = arith.constant 32 : index
        %swap3A_368 = tpu.vector_load %arg14[%swap3A_366, %swap3A_367] {strides = array<i32>} : memref<128x128xf32, #tpu.memory_space<vmem>>, vector<16xf32>,
        tpu.vector_store %arg14[%swap3A_366, %swap3A_367], %mul3A_365 {strides = array<i32>} : memref<128x128xf32, #tpu.memory_space<vmem>>, vector<16xf32>,
        %get3A_369 = arith.index_cast %scan3A_349 : i32 to index
        %get3A_370 = arith.constant 48 : index
        %get3A_371 = tpu.vector_load %arg14[%get3A_369, %get3A_370] {strides = array<i32>} : memref<128x128xf32, #tpu.memory_space<vmem>>, vector<16xf32>,
        %mul3A_372 = arith.mulf %get3A_371, %gather3A : vector<16xf32>
        %swap3A_373 = arith.index_cast %scan3A_349 : i32 to index
        %swap3A_374 = arith.constant 48 : index
        %swap3A_375 = tpu.vector_load %arg14[%swap3A_373, %swap3A_374] {strides = array<i32>} : memref<128x128xf32, #tpu.memory_space<vmem>>, vector<16xf32>,
        tpu.vector_store %arg14[%swap3A_373, %swap3A_374], %mul3A_372 {strides = array<i32>} : memref<128x128xf32, #tpu.memory_space<vmem>>, vector<16xf32>,
        %get3A_376 = arith.index_cast %scan3A_349 : i32 to index
        %get3A_377 = arith.constant 64 : index
        %get3A_378 = tpu.vector_load %arg14[%get3A_376, %get3A_377] {strides = array<i32>} : memref<128x128xf32, #tpu.memory_space<vmem>>, vector<16xf32>,
        %mul3A_379 = arith.mulf %get3A_378, %gather3A : vector<16xf32>
        %swap3A_380 = arith.index_cast %scan3A_349 : i32 to index
        %swap3A_381 = arith.constant 64 : index
        %swap3A_382 = tpu.vector_load %arg14[%swap3A_380, %swap3A_381] {strides = array<i32>} : memref<128x128xf32, #tpu.memory_space<vmem>>, vector<16xf32>,
        tpu.vector_store %arg14[%swap3A_380, %swap3A_381], %mul3A_379 {strides = array<i32>} : memref<128x128xf32, #tpu.memory_space<vmem>>, vector<16xf32>,
        %get3A_383 = arith.index_cast %scan3A_349 : i32 to index
        %get3A_384 = arith.constant 80 : index
        %get3A_385 = tpu.vector_load %arg14[%get3A_383, %get3A_384] {strides = array<i32>} : memref<128x128xf32, #tpu.memory_space<vmem>>, vector<16xf32>,
        %mul3A_386 = arith.mulf %get3A_385, %gather3A : vector<16xf32>
        %swap3A_387 = arith.index_cast %scan3A_349 : i32 to index
        %swap3A_388 = arith.constant 80 : index
        %swap3A_389 = tpu.vector_load %arg14[%swap3A_387, %swap3A_388] {strides = array<i32>} : memref<128x128xf32, #tpu.memory_space<vmem>>, vector<16xf32>,
        tpu.vector_store %arg14[%swap3A_387, %swap3A_388], %mul3A_386 {strides = array<i32>} : memref<128x128xf32, #tpu.memory_space<vmem>>, vector<16xf32>,
        %get3A_390 = arith.index_cast %scan3A_349 : i32 to index
        %get3A_391 = arith.constant 96 : index
        %get3A_392 = tpu.vector_load %arg14[%get3A_390, %get3A_391] {strides = array<i32>} : memref<128x128xf32, #tpu.memory_space<vmem>>, vector<16xf32>,
        %mul3A_393 = arith.mulf %get3A_392, %gather3A : vector<16xf32>
        %swap3A_394 = arith.index_cast %scan3A_349 : i32 to index
        %swap3A_395 = arith.constant 96 : index
        %swap3A_396 = tpu.vector_load %arg14[%swap3A_394, %swap3A_395] {strides = array<i32>} : memref<128x128xf32, #tpu.memory_space<vmem>>, vector<16xf32>,
        tpu.vector_store %arg14[%swap3A_394, %swap3A_395], %mul3A_393 {strides = array<i32>} : memref<128x128xf32, #tpu.memory_space<vmem>>, vector<16xf32>,
        %get3A_397 = arith.index_cast %scan3A_349 : i32 to index
        %get3A_398 = arith.constant 112 : index
        %get3A_399 = tpu.vector_load %arg14[%get3A_397, %get3A_398] {strides = array<i32>} : memref<128x128xf32, #tpu.memory_space<vmem>>, vector<16xf32>,
        %mul3A_400 = arith.mulf %get3A_399, %gather3A : vector<16xf32>
        %swap3A_401 = arith.index_cast %scan3A_349 : i32 to index
        %swap3A_402 = arith.constant 112 : index
        %swap3A_403 = tpu.vector_load %arg14[%swap3A_401, %swap3A_402] {strides = array<i32>} : memref<128x128xf32, #tpu.memory_space<vmem>>, vector<16xf32>,
        tpu.vector_store %arg14[%swap3A_401, %swap3A_402], %mul3A_400 {strides = array<i32>} : memref<128x128xf32, #tpu.memory_space<vmem>>, vector<16xf32>,
        %scan3A_404 = arith.constant 1 : i32
        %scan3A_405 = arith.addi %scan3A_349, %scan3A_404 : i32
        %broadcast_in_dim3A_406 = vector.broadcast %scan3A_405 : i32 to vector<16xi32>
        %gather3A_407 = tpu.vector_load_idx %arg16[%broadcast_in_dim3A_406] : memref<128xf32, #tpu.memory_space<vmem>>[vector<16xi32>], vector<16xf32>,
        %get3A_408 = arith.index_cast %scan3A_405 : i32 to index
        %get3A_409 = arith.constant 0 : index
        %get3A_410 = tpu.vector_load %arg14[%get3A_408, %get3A_409] {strides = array<i32>} : memref<128x128xf32, #tpu.memory_space<vmem>>, vector<16xf32>,
        %mul3A_411 = arith.mulf %get3A_410, %gather3A_407 : vector<16xf32>
        %swap3A_412 = arith.index_cast %scan3A_405 : i32 to index
        %swap3A_413 = arith.constant 0 : index
        %swap3A_414 = tpu.vector_load %arg14[%swap3A_412, %swap3A_413] {strides = array<i32>} : memref<128x128xf32, #tpu.memory_space<vmem>>, vector<16xf32>,
        tpu.vector_store %arg14[%swap3A_412, %swap3A_413], %mul3A_411 {strides = array<i32>} : memref<128x128xf32, #tpu.memory_space<vmem>>, vector<16xf32>,
        %get3A_415 = arith.index_cast %scan3A_405 : i32 to index
        %get3A_416 = arith.constant 16 : index
        %get3A_417 = tpu.vector_load %arg14[%get3A_415, %get3A_416] {strides = array<i32>} : memref<128x128xf32, #tpu.memory_space<vmem>>, vector<16xf32>,
        %mul3A_418 = arith.mulf %get3A_417, %gather3A_407 : vector<16xf32>
        %swap3A_419 = arith.index_cast %scan3A_405 : i32 to index
        %swap3A_420 = arith.constant 16 : index
        %swap3A_421 = tpu.vector_load %arg14[%swap3A_419, %swap3A_420] {strides = array<i32>} : memref<128x128xf32, #tpu.memory_space<vmem>>, vector<16xf32>,
        tpu.vector_store %arg14[%swap3A_419, %swap3A_420], %mul3A_418 {strides = array<i32>} : memref<128x128xf32, #tpu.memory_space<vmem>>, vector<16xf32>,
        %get3A_422 = arith.index_cast %scan3A_405 : i32 to index
        %get3A_423 = arith.constant 32 : index
        %get3A_424 = tpu.vector_load %arg14[%get3A_422, %get3A_423] {strides = array<i32>} : memref<128x128xf32, #tpu.memory_space<vmem>>, vector<16xf32>,
        %mul3A_425 = arith.mulf %get3A_424, %gather3A_407 : vector<16xf32>
        %swap3A_426 = arith.index_cast %scan3A_405 : i32 to index
        %swap3A_427 = arith.constant 32 : index
        %swap3A_428 = tpu.vector_load %arg14[%swap3A_426, %swap3A_427] {strides = array<i32>} : memref<128x128xf32, #tpu.memory_space<vmem>>, vector<16xf32>,
        tpu.vector_store %arg14[%swap3A_426, %swap3A_427], %mul3A_425 {strides = array<i32>} : memref<128x128xf32, #tpu.memory_space<vmem>>, vector<16xf32>,
        %get3A_429 = arith.index_cast %scan3A_405 : i32 to index
        %get3A_430 = arith.constant 48 : index
        %get3A_431 = tpu.vector_load %arg14[%get3A_429, %get3A_430] {strides = array<i32>} : memref<128x128xf32, #tpu.memory_space<vmem>>, vector<16xf32>,
        %mul3A_432 = arith.mulf %get3A_431, %gather3A_407 : vector<16xf32>
        %swap3A_433 = arith.index_cast %scan3A_405 : i32 to index
        %swap3A_434 = arith.constant 48 : index
        %swap3A_435 = tpu.vector_load %arg14[%swap3A_433, %swap3A_434] {strides = array<i32>} : memref<128x128xf32, #tpu.memory_space<vmem>>, vector<16xf32>,
        tpu.vector_store %arg14[%swap3A_433, %swap3A_434], %mul3A_432 {strides = array<i32>} : memref<128x128xf32, #tpu.memory_space<vmem>>, vector<16xf32>,
        %get3A_436 = arith.index_cast %scan3A_405 : i32 to index
        %get3A_437 = arith.constant 64 : index
        %get3A_438 = tpu.vector_load %arg14[%get3A_436, %get3A_437] {strides = array<i32>} : memref<128x128xf32, #tpu.memory_space<vmem>>, vector<16xf32>,
        %mul3A_439 = arith.mulf %get3A_438, %gather3A_407 : vector<16xf32>
        %swap3A_440 = arith.index_cast %scan3A_405 : i32 to index
        %swap3A_441 = arith.constant 64 : index
        %swap3A_442 = tpu.vector_load %arg14[%swap3A_440, %swap3A_441] {strides = array<i32>} : memref<128x128xf32, #tpu.memory_space<vmem>>, vector<16xf32>,
        tpu.vector_store %arg14[%swap3A_440, %swap3A_441], %mul3A_439 {strides = array<i32>} : memref<128x128xf32, #tpu.memory_space<vmem>>, vector<16xf32>,
        %get3A_443 = arith.index_cast %scan3A_405 : i32 to index
        %get3A_444 = arith.constant 80 : index
        %get3A_445 = tpu.vector_load %arg14[%get3A_443, %get3A_444] {strides = array<i32>} : memref<128x128xf32, #tpu.memory_space<vmem>>, vector<16xf32>,
        %mul3A_446 = arith.mulf %get3A_445, %gather3A_407 : vector<16xf32>
        %swap3A_447 = arith.index_cast %scan3A_405 : i32 to index
        %swap3A_448 = arith.constant 80 : index
        %swap3A_449 = tpu.vector_load %arg14[%swap3A_447, %swap3A_448] {strides = array<i32>} : memref<128x128xf32, #tpu.memory_space<vmem>>, vector<16xf32>,
        tpu.vector_store %arg14[%swap3A_447, %swap3A_448], %mul3A_446 {strides = array<i32>} : memref<128x128xf32, #tpu.memory_space<vmem>>, vector<16xf32>,
        %get3A_450 = arith.index_cast %scan3A_405 : i32 to index
        %get3A_451 = arith.constant 96 : index
        %get3A_452 = tpu.vector_load %arg14[%get3A_450, %get3A_451] {strides = array<i32>} : memref<128x128xf32, #tpu.memory_space<vmem>>, vector<16xf32>,
        %mul3A_453 = arith.mulf %get3A_452, %gather3A_407 : vector<16xf32>
        %swap3A_454 = arith.index_cast %scan3A_405 : i32 to index
        %swap3A_455 = arith.constant 96 : index
        %swap3A_456 = tpu.vector_load %arg14[%swap3A_454, %swap3A_455] {strides = array<i32>} : memref<128x128xf32, #tpu.memory_space<vmem>>, vector<16xf32>,
        tpu.vector_store %arg14[%swap3A_454, %swap3A_455], %mul3A_453 {strides = array<i32>} : memref<128x128xf32, #tpu.memory_space<vmem>>, vector<16xf32>,
        %get3A_457 = arith.index_cast %scan3A_405 : i32 to index
        %get3A_458 = arith.constant 112 : index
        %get3A_459 = tpu.vector_load %arg14[%get3A_457, %get3A_458] {strides = array<i32>} : memref<128x128xf32, #tpu.memory_space<vmem>>, vector<16xf32>,
        %mul3A_460 = arith.mulf %get3A_459, %gather3A_407 : vector<16xf32>
        %swap3A_461 = arith.index_cast %scan3A_405 : i32 to index
        %swap3A_462 = arith.constant 112 : index
        %swap3A_463 = tpu.vector_load %arg14[%swap3A_461, %swap3A_462] {strides = array<i32>} : memref<128x128xf32, #tpu.memory_space<vmem>>, vector<16xf32>,
        tpu.vector_store %arg14[%swap3A_461, %swap3A_462], %mul3A_460 {strides = array<i32>} : memref<128x128xf32, #tpu.memory_space<vmem>>, vector<16xf32>,
      }
      %scan3A_141 = arith.constant 128 : i32
      %dma_start3A_142 = arith.constant 2 : i32
      %dma_start3A_143 = arith.constant 0 : i32
      %dma_start3A_144 = tpu.memref_slice %arg12[%dma_start3A_142, %dma_start3A_143] : memref<8x128xi32, #tpu.memory_space<vmem>> -> memref<1x128xi32, #tpu.memory_space<vmem>>
      %dma_start3A_145 = tpu.memref_squeeze %dma_start3A_144 : memref<1x128xi32, #tpu.memory_space<vmem>> -> memref<128xi32, #tpu.memory_space<vmem>>
      %dma_start3A_146 = arith.constant 0 : i32
      %dma_start3A_147 = arith.constant 0 : i32
      %dma_start3A_148 = tpu.memref_slice %arg17[%dma_start3A_146, %dma_start3A_147] : memref<10240x128xf32, #tpu.memory_space<vmem_shared>> -> memref<10240x128xf32, #tpu.memory_space<vmem_shared>>
      tpu.enqueue_indirect_dma source(%arg14 : memref<128x128xf32, #tpu.memory_space<vmem>>) target(%dma_start3A_148 : memref<10240x128xf32, #tpu.memory_space<vmem_shared>>) offsets(%dma_start3A_145 : memref<128xi32, #tpu.memory_space<vmem>>) semaphore(%arg21 : memref<!tpu.dma_semaphore, #tpu.memory_space<semaphore_mem>>) {add = true}
      %dma_wait3A_149 = arith.constant 2 : i32
      %dma_wait3A_150 = arith.constant 0 : i32
      %dma_wait3A_151 = tpu.memref_slice %arg12[%dma_wait3A_149, %dma_wait3A_150] : memref<8x128xi32, #tpu.memory_space<vmem>> -> memref<1x128xi32, #tpu.memory_space<vmem>>
      %dma_wait3A_152 = tpu.memref_squeeze %dma_wait3A_151 : memref<1x128xi32, #tpu.memory_space<vmem>> -> memref<128xi32, #tpu.memory_space<vmem>>
      %dma_wait3A_153 = arith.constant 0 : i32
      %dma_wait3A_154 = arith.constant 0 : i32
      %dma_wait3A_155 = tpu.memref_slice %arg17[%dma_wait3A_153, %dma_wait3A_154] : memref<10240x128xf32, #tpu.memory_space<vmem_shared>> -> memref<10240x128xf32, #tpu.memory_space<vmem_shared>>
      tpu.wait_indirect_dma semaphore(%arg21 : memref<!tpu.dma_semaphore, #tpu.memory_space<semaphore_mem>>) src(%arg14 : memref<128x128xf32, #tpu.memory_space<vmem>>) dst(%dma_wait3A_155 : memref<10240x128xf32, #tpu.memory_space<vmem_shared>>)
      %dma_start3A_156 = arith.constant 4 : i32
      %dma_start3A_157 = arith.constant 0 : i32
      %dma_start3A_158 = tpu.memref_slice %arg11[%dma_start3A_156, %dma_start3A_157] : memref<8x128xi32, #tpu.memory_space<vmem>> -> memref<1x128xi32, #tpu.memory_space<vmem>>
      %dma_start3A_159 = tpu.memref_squeeze %dma_start3A_158 : memref<1x128xi32, #tpu.memory_space<vmem>> -> memref<128xi32, #tpu.memory_space<vmem>>
      %dma_start3A_160 = arith.constant 0 : i32
      %dma_start3A_161 = arith.constant 0 : i32
      %dma_start3A_162 = tpu.memref_slice %arg2[%dma_start3A_160, %dma_start3A_161] : memref<10000x128xf32, #tpu.memory_space<hbm>> -> memref<10000x128xf32, #tpu.memory_space<hbm>>
      tpu.enqueue_indirect_dma source(%dma_start3A_162 : memref<10000x128xf32, #tpu.memory_space<hbm>>) target(%arg14 : memref<128x128xf32, #tpu.memory_space<vmem>>) offsets(%dma_start3A_159 : memref<128xi32, #tpu.memory_space<vmem>>) semaphore(%arg19 : memref<!tpu.dma_semaphore, #tpu.memory_space<semaphore_mem>>)
      %dma_wait3A_163 = arith.constant 3 : i32
      %dma_wait3A_164 = arith.constant 0 : i32
      %dma_wait3A_165 = tpu.memref_slice %arg11[%dma_wait3A_163, %dma_wait3A_164] : memref<8x128xi32, #tpu.memory_space<vmem>> -> memref<1x128xi32, #tpu.memory_space<vmem>>
      %dma_wait3A_166 = tpu.memref_squeeze %dma_wait3A_165 : memref<1x128xi32, #tpu.memory_space<vmem>> -> memref<128xi32, #tpu.memory_space<vmem>>
      %dma_wait3A_167 = arith.constant 0 : i32
      %dma_wait3A_168 = arith.constant 0 : i32
      %dma_wait3A_169 = tpu.memref_slice %arg2[%dma_wait3A_167, %dma_wait3A_168] : memref<10000x128xf32, #tpu.memory_space<hbm>> -> memref<10000x128xf32, #tpu.memory_space<hbm>>
      tpu.wait_indirect_dma semaphore(%arg20 : memref<!tpu.dma_semaphore, #tpu.memory_space<semaphore_mem>>) src(%dma_wait3A_169 : memref<10000x128xf32, #tpu.memory_space<hbm>>) dst(%arg15 : memref<128x128xf32, #tpu.memory_space<vmem>>)
      %scan3A_170 = arith.constant 0 : i32
      %scan3A_171 = arith.constant 0 : i32
      %scan3A_172 = arith.constant 8 : i32
      %scan3A_173 = arith.addi %scan3A_171, %scan3A_172 : i32
      %scan3A_174 = arith.constant 1 : i32
      scf.for %scan3A_349 = %scan3A_171 to %scan3A_173 step %scan3A_174  : i32 {
        %mul3A_350 = arith.constant 16 : i32
        %mul3A_351 = arith.muli %scan3A_349, %mul3A_350 : i32
        %get3A = arith.constant 3 : i32
        %get3A_352 = arith.index_cast %get3A : i32 to index
        %get3A_353 = arith.index_cast %mul3A_351 : i32 to index
        %get3A_354 = tpu.vector_load %arg11[%get3A_352, %get3A_353] {strides = array<i32>} : memref<8x128xi32, #tpu.memory_space<vmem>>, vector<16xi32>,
        %get3A_355 = arith.constant 3 : i32
        %get3A_356 = arith.index_cast %get3A_355 : i32 to index
        %get3A_357 = arith.index_cast %mul3A_351 : i32 to index
        %get3A_358 = tpu.vector_load %arg13[%get3A_356, %get3A_357] {strides = array<i32>} : memref<8x128xf32, #tpu.memory_space<vmem>>, vector<16xf32>,
        %gather3A = tpu.vector_load_idx %arg10[%get3A_354] : memref<10240xf32, #tpu.memory_space<vmem>>[vector<16xi32>], vector<16xf32>,
        %mul3A_359 = arith.mulf %get3A_358, %gather3A : vector<16xf32>
        %swap3A = arith.index_cast %mul3A_351 : i32 to index
        %swap3A_360 = tpu.vector_load %arg16[%swap3A] {strides = array<i32>} : memref<128xf32, #tpu.memory_space<vmem>>, vector<16xf32>,
        tpu.vector_store %arg16[%swap3A], %mul3A_359 {strides = array<i32>} : memref<128xf32, #tpu.memory_space<vmem>>, vector<16xf32>,
      }
      %scan3A_175 = arith.constant 8 : i32
      %scan3A_176 = arith.constant 0 : i32
      %scan3A_177 = arith.constant 0 : i32
      %scan3A_178 = arith.constant 128 : i32
      %scan3A_179 = arith.addi %scan3A_177, %scan3A_178 : i32
      %scan3A_180 = arith.constant 2 : i32
      scf.for %scan3A_349 = %scan3A_177 to %scan3A_179 step %scan3A_180  : i32 {
        %broadcast_in_dim3A = vector.broadcast %scan3A_349 : i32 to vector<16xi32>
        %gather3A = tpu.vector_load_idx %arg16[%broadcast_in_dim3A] : memref<128xf32, #tpu.memory_space<vmem>>[vector<16xi32>], vector<16xf32>,
        %get3A = arith.index_cast %scan3A_349 : i32 to index
        %get3A_350 = arith.constant 0 : index
        %get3A_351 = tpu.vector_load %arg15[%get3A, %get3A_350] {strides = array<i32>} : memref<128x128xf32, #tpu.memory_space<vmem>>, vector<16xf32>,
        %mul3A_352 = arith.mulf %get3A_351, %gather3A : vector<16xf32>
        %swap3A = arith.index_cast %scan3A_349 : i32 to index
        %swap3A_353 = arith.constant 0 : index
        %swap3A_354 = tpu.vector_load %arg15[%swap3A, %swap3A_353] {strides = array<i32>} : memref<128x128xf32, #tpu.memory_space<vmem>>, vector<16xf32>,
        tpu.vector_store %arg15[%swap3A, %swap3A_353], %mul3A_352 {strides = array<i32>} : memref<128x128xf32, #tpu.memory_space<vmem>>, vector<16xf32>,
        %get3A_355 = arith.index_cast %scan3A_349 : i32 to index
        %get3A_356 = arith.constant 16 : index
        %get3A_357 = tpu.vector_load %arg15[%get3A_355, %get3A_356] {strides = array<i32>} : memref<128x128xf32, #tpu.memory_space<vmem>>, vector<16xf32>,
        %mul3A_358 = arith.mulf %get3A_357, %gather3A : vector<16xf32>
        %swap3A_359 = arith.index_cast %scan3A_349 : i32 to index
        %swap3A_360 = arith.constant 16 : index
        %swap3A_361 = tpu.vector_load %arg15[%swap3A_359, %swap3A_360] {strides = array<i32>} : memref<128x128xf32, #tpu.memory_space<vmem>>, vector<16xf32>,
        tpu.vector_store %arg15[%swap3A_359, %swap3A_360], %mul3A_358 {strides = array<i32>} : memref<128x128xf32, #tpu.memory_space<vmem>>, vector<16xf32>,
        %get3A_362 = arith.index_cast %scan3A_349 : i32 to index
        %get3A_363 = arith.constant 32 : index
        %get3A_364 = tpu.vector_load %arg15[%get3A_362, %get3A_363] {strides = array<i32>} : memref<128x128xf32, #tpu.memory_space<vmem>>, vector<16xf32>,
        %mul3A_365 = arith.mulf %get3A_364, %gather3A : vector<16xf32>
        %swap3A_366 = arith.index_cast %scan3A_349 : i32 to index
        %swap3A_367 = arith.constant 32 : index
        %swap3A_368 = tpu.vector_load %arg15[%swap3A_366, %swap3A_367] {strides = array<i32>} : memref<128x128xf32, #tpu.memory_space<vmem>>, vector<16xf32>,
        tpu.vector_store %arg15[%swap3A_366, %swap3A_367], %mul3A_365 {strides = array<i32>} : memref<128x128xf32, #tpu.memory_space<vmem>>, vector<16xf32>,
        %get3A_369 = arith.index_cast %scan3A_349 : i32 to index
        %get3A_370 = arith.constant 48 : index
        %get3A_371 = tpu.vector_load %arg15[%get3A_369, %get3A_370] {strides = array<i32>} : memref<128x128xf32, #tpu.memory_space<vmem>>, vector<16xf32>,
        %mul3A_372 = arith.mulf %get3A_371, %gather3A : vector<16xf32>
        %swap3A_373 = arith.index_cast %scan3A_349 : i32 to index
        %swap3A_374 = arith.constant 48 : index
        %swap3A_375 = tpu.vector_load %arg15[%swap3A_373, %swap3A_374] {strides = array<i32>} : memref<128x128xf32, #tpu.memory_space<vmem>>, vector<16xf32>,
        tpu.vector_store %arg15[%swap3A_373, %swap3A_374], %mul3A_372 {strides = array<i32>} : memref<128x128xf32, #tpu.memory_space<vmem>>, vector<16xf32>,
        %get3A_376 = arith.index_cast %scan3A_349 : i32 to index
        %get3A_377 = arith.constant 64 : index
        %get3A_378 = tpu.vector_load %arg15[%get3A_376, %get3A_377] {strides = array<i32>} : memref<128x128xf32, #tpu.memory_space<vmem>>, vector<16xf32>,
        %mul3A_379 = arith.mulf %get3A_378, %gather3A : vector<16xf32>
        %swap3A_380 = arith.index_cast %scan3A_349 : i32 to index
        %swap3A_381 = arith.constant 64 : index
        %swap3A_382 = tpu.vector_load %arg15[%swap3A_380, %swap3A_381] {strides = array<i32>} : memref<128x128xf32, #tpu.memory_space<vmem>>, vector<16xf32>,
        tpu.vector_store %arg15[%swap3A_380, %swap3A_381], %mul3A_379 {strides = array<i32>} : memref<128x128xf32, #tpu.memory_space<vmem>>, vector<16xf32>,
        %get3A_383 = arith.index_cast %scan3A_349 : i32 to index
        %get3A_384 = arith.constant 80 : index
        %get3A_385 = tpu.vector_load %arg15[%get3A_383, %get3A_384] {strides = array<i32>} : memref<128x128xf32, #tpu.memory_space<vmem>>, vector<16xf32>,
        %mul3A_386 = arith.mulf %get3A_385, %gather3A : vector<16xf32>
        %swap3A_387 = arith.index_cast %scan3A_349 : i32 to index
        %swap3A_388 = arith.constant 80 : index
        %swap3A_389 = tpu.vector_load %arg15[%swap3A_387, %swap3A_388] {strides = array<i32>} : memref<128x128xf32, #tpu.memory_space<vmem>>, vector<16xf32>,
        tpu.vector_store %arg15[%swap3A_387, %swap3A_388], %mul3A_386 {strides = array<i32>} : memref<128x128xf32, #tpu.memory_space<vmem>>, vector<16xf32>,
        %get3A_390 = arith.index_cast %scan3A_349 : i32 to index
        %get3A_391 = arith.constant 96 : index
        %get3A_392 = tpu.vector_load %arg15[%get3A_390, %get3A_391] {strides = array<i32>} : memref<128x128xf32, #tpu.memory_space<vmem>>, vector<16xf32>,
        %mul3A_393 = arith.mulf %get3A_392, %gather3A : vector<16xf32>
        %swap3A_394 = arith.index_cast %scan3A_349 : i32 to index
        %swap3A_395 = arith.constant 96 : index
        %swap3A_396 = tpu.vector_load %arg15[%swap3A_394, %swap3A_395] {strides = array<i32>} : memref<128x128xf32, #tpu.memory_space<vmem>>, vector<16xf32>,
        tpu.vector_store %arg15[%swap3A_394, %swap3A_395], %mul3A_393 {strides = array<i32>} : memref<128x128xf32, #tpu.memory_space<vmem>>, vector<16xf32>,
        %get3A_397 = arith.index_cast %scan3A_349 : i32 to index
        %get3A_398 = arith.constant 112 : index
        %get3A_399 = tpu.vector_load %arg15[%get3A_397, %get3A_398] {strides = array<i32>} : memref<128x128xf32, #tpu.memory_space<vmem>>, vector<16xf32>,
        %mul3A_400 = arith.mulf %get3A_399, %gather3A : vector<16xf32>
        %swap3A_401 = arith.index_cast %scan3A_349 : i32 to index
        %swap3A_402 = arith.constant 112 : index
        %swap3A_403 = tpu.vector_load %arg15[%swap3A_401, %swap3A_402] {strides = array<i32>} : memref<128x128xf32, #tpu.memory_space<vmem>>, vector<16xf32>,
        tpu.vector_store %arg15[%swap3A_401, %swap3A_402], %mul3A_400 {strides = array<i32>} : memref<128x128xf32, #tpu.memory_space<vmem>>, vector<16xf32>,
        %scan3A_404 = arith.constant 1 : i32
        %scan3A_405 = arith.addi %scan3A_349, %scan3A_404 : i32
        %broadcast_in_dim3A_406 = vector.broadcast %scan3A_405 : i32 to vector<16xi32>
        %gather3A_407 = tpu.vector_load_idx %arg16[%broadcast_in_dim3A_406] : memref<128xf32, #tpu.memory_space<vmem>>[vector<16xi32>], vector<16xf32>,
        %get3A_408 = arith.index_cast %scan3A_405 : i32 to index
        %get3A_409 = arith.constant 0 : index
        %get3A_410 = tpu.vector_load %arg15[%get3A_408, %get3A_409] {strides = array<i32>} : memref<128x128xf32, #tpu.memory_space<vmem>>, vector<16xf32>,
        %mul3A_411 = arith.mulf %get3A_410, %gather3A_407 : vector<16xf32>
        %swap3A_412 = arith.index_cast %scan3A_405 : i32 to index
        %swap3A_413 = arith.constant 0 : index
        %swap3A_414 = tpu.vector_load %arg15[%swap3A_412, %swap3A_413] {strides = array<i32>} : memref<128x128xf32, #tpu.memory_space<vmem>>, vector<16xf32>,
        tpu.vector_store %arg15[%swap3A_412, %swap3A_413], %mul3A_411 {strides = array<i32>} : memref<128x128xf32, #tpu.memory_space<vmem>>, vector<16xf32>,
        %get3A_415 = arith.index_cast %scan3A_405 : i32 to index
        %get3A_416 = arith.constant 16 : index
        %get3A_417 = tpu.vector_load %arg15[%get3A_415, %get3A_416] {strides = array<i32>} : memref<128x128xf32, #tpu.memory_space<vmem>>, vector<16xf32>,
        %mul3A_418 = arith.mulf %get3A_417, %gather3A_407 : vector<16xf32>
        %swap3A_419 = arith.index_cast %scan3A_405 : i32 to index
        %swap3A_420 = arith.constant 16 : index
        %swap3A_421 = tpu.vector_load %arg15[%swap3A_419, %swap3A_420] {strides = array<i32>} : memref<128x128xf32, #tpu.memory_space<vmem>>, vector<16xf32>,
        tpu.vector_store %arg15[%swap3A_419, %swap3A_420], %mul3A_418 {strides = array<i32>} : memref<128x128xf32, #tpu.memory_space<vmem>>, vector<16xf32>,
        %get3A_422 = arith.index_cast %scan3A_405 : i32 to index
        %get3A_423 = arith.constant 32 : index
        %get3A_424 = tpu.vector_load %arg15[%get3A_422, %get3A_423] {strides = array<i32>} : memref<128x128xf32, #tpu.memory_space<vmem>>, vector<16xf32>,
        %mul3A_425 = arith.mulf %get3A_424, %gather3A_407 : vector<16xf32>
        %swap3A_426 = arith.index_cast %scan3A_405 : i32 to index
        %swap3A_427 = arith.constant 32 : index
        %swap3A_428 = tpu.vector_load %arg15[%swap3A_426, %swap3A_427] {strides = array<i32>} : memref<128x128xf32, #tpu.memory_space<vmem>>, vector<16xf32>,
        tpu.vector_store %arg15[%swap3A_426, %swap3A_427], %mul3A_425 {strides = array<i32>} : memref<128x128xf32, #tpu.memory_space<vmem>>, vector<16xf32>,
        %get3A_429 = arith.index_cast %scan3A_405 : i32 to index
        %get3A_430 = arith.constant 48 : index
        %get3A_431 = tpu.vector_load %arg15[%get3A_429, %get3A_430] {strides = array<i32>} : memref<128x128xf32, #tpu.memory_space<vmem>>, vector<16xf32>,
        %mul3A_432 = arith.mulf %get3A_431, %gather3A_407 : vector<16xf32>
        %swap3A_433 = arith.index_cast %scan3A_405 : i32 to index
        %swap3A_434 = arith.constant 48 : index
        %swap3A_435 = tpu.vector_load %arg15[%swap3A_433, %swap3A_434] {strides = array<i32>} : memref<128x128xf32, #tpu.memory_space<vmem>>, vector<16xf32>,
        tpu.vector_store %arg15[%swap3A_433, %swap3A_434], %mul3A_432 {strides = array<i32>} : memref<128x128xf32, #tpu.memory_space<vmem>>, vector<16xf32>,
        %get3A_436 = arith.index_cast %scan3A_405 : i32 to index
        %get3A_437 = arith.constant 64 : index
        %get3A_438 = tpu.vector_load %arg15[%get3A_436, %get3A_437] {strides = array<i32>} : memref<128x128xf32, #tpu.memory_space<vmem>>, vector<16xf32>,
        %mul3A_439 = arith.mulf %get3A_438, %gather3A_407 : vector<16xf32>
        %swap3A_440 = arith.index_cast %scan3A_405 : i32 to index
        %swap3A_441 = arith.constant 64 : index
        %swap3A_442 = tpu.vector_load %arg15[%swap3A_440, %swap3A_441] {strides = array<i32>} : memref<128x128xf32, #tpu.memory_space<vmem>>, vector<16xf32>,
        tpu.vector_store %arg15[%swap3A_440, %swap3A_441], %mul3A_439 {strides = array<i32>} : memref<128x128xf32, #tpu.memory_space<vmem>>, vector<16xf32>,
        %get3A_443 = arith.index_cast %scan3A_405 : i32 to index
        %get3A_444 = arith.constant 80 : index
        %get3A_445 = tpu.vector_load %arg15[%get3A_443, %get3A_444] {strides = array<i32>} : memref<128x128xf32, #tpu.memory_space<vmem>>, vector<16xf32>,
        %mul3A_446 = arith.mulf %get3A_445, %gather3A_407 : vector<16xf32>
        %swap3A_447 = arith.index_cast %scan3A_405 : i32 to index
        %swap3A_448 = arith.constant 80 : index
        %swap3A_449 = tpu.vector_load %arg15[%swap3A_447, %swap3A_448] {strides = array<i32>} : memref<128x128xf32, #tpu.memory_space<vmem>>, vector<16xf32>,
        tpu.vector_store %arg15[%swap3A_447, %swap3A_448], %mul3A_446 {strides = array<i32>} : memref<128x128xf32, #tpu.memory_space<vmem>>, vector<16xf32>,
        %get3A_450 = arith.index_cast %scan3A_405 : i32 to index
        %get3A_451 = arith.constant 96 : index
        %get3A_452 = tpu.vector_load %arg15[%get3A_450, %get3A_451] {strides = array<i32>} : memref<128x128xf32, #tpu.memory_space<vmem>>, vector<16xf32>,
        %mul3A_453 = arith.mulf %get3A_452, %gather3A_407 : vector<16xf32>
        %swap3A_454 = arith.index_cast %scan3A_405 : i32 to index
        %swap3A_455 = arith.constant 96 : index
        %swap3A_456 = tpu.vector_load %arg15[%swap3A_454, %swap3A_455] {strides = array<i32>} : memref<128x128xf32, #tpu.memory_space<vmem>>, vector<16xf32>,
        tpu.vector_store %arg15[%swap3A_454, %swap3A_455], %mul3A_453 {strides = array<i32>} : memref<128x128xf32, #tpu.memory_space<vmem>>, vector<16xf32>,
        %get3A_457 = arith.index_cast %scan3A_405 : i32 to index
        %get3A_458 = arith.constant 112 : index
        %get3A_459 = tpu.vector_load %arg15[%get3A_457, %get3A_458] {strides = array<i32>} : memref<128x128xf32, #tpu.memory_space<vmem>>, vector<16xf32>,
        %mul3A_460 = arith.mulf %get3A_459, %gather3A_407 : vector<16xf32>
        %swap3A_461 = arith.index_cast %scan3A_405 : i32 to index
        %swap3A_462 = arith.constant 112 : index
        %swap3A_463 = tpu.vector_load %arg15[%swap3A_461, %swap3A_462] {strides = array<i32>} : memref<128x128xf32, #tpu.memory_space<vmem>>, vector<16xf32>,
        tpu.vector_store %arg15[%swap3A_461, %swap3A_462], %mul3A_460 {strides = array<i32>} : memref<128x128xf32, #tpu.memory_space<vmem>>, vector<16xf32>,
      }
      %scan3A_181 = arith.constant 128 : i32
      %dma_start3A_182 = arith.constant 3 : i32
      %dma_start3A_183 = arith.constant 0 : i32
      %dma_start3A_184 = tpu.memref_slice %arg12[%dma_start3A_182, %dma_start3A_183] : memref<8x128xi32, #tpu.memory_space<vmem>> -> memref<1x128xi32, #tpu.memory_space<vmem>>
      %dma_start3A_185 = tpu.memref_squeeze %dma_start3A_184 : memref<1x128xi32, #tpu.memory_space<vmem>> -> memref<128xi32, #tpu.memory_space<vmem>>
      %dma_start3A_186 = arith.constant 0 : i32
      %dma_start3A_187 = arith.constant 0 : i32
      %dma_start3A_188 = tpu.memref_slice %arg17[%dma_start3A_186, %dma_start3A_187] : memref<10240x128xf32, #tpu.memory_space<vmem_shared>> -> memref<10240x128xf32, #tpu.memory_space<vmem_shared>>
      tpu.enqueue_indirect_dma source(%arg15 : memref<128x128xf32, #tpu.memory_space<vmem>>) target(%dma_start3A_188 : memref<10240x128xf32, #tpu.memory_space<vmem_shared>>) offsets(%dma_start3A_185 : memref<128xi32, #tpu.memory_space<vmem>>) semaphore(%arg22 : memref<!tpu.dma_semaphore, #tpu.memory_space<semaphore_mem>>) {add = true}
      %dma_wait3A_189 = arith.constant 3 : i32
      %dma_wait3A_190 = arith.constant 0 : i32
      %dma_wait3A_191 = tpu.memref_slice %arg12[%dma_wait3A_189, %dma_wait3A_190] : memref<8x128xi32, #tpu.memory_space<vmem>> -> memref<1x128xi32, #tpu.memory_space<vmem>>
      %dma_wait3A_192 = tpu.memref_squeeze %dma_wait3A_191 : memref<1x128xi32, #tpu.memory_space<vmem>> -> memref<128xi32, #tpu.memory_space<vmem>>
      %dma_wait3A_193 = arith.constant 0 : i32
      %dma_wait3A_194 = arith.constant 0 : i32
      %dma_wait3A_195 = tpu.memref_slice %arg17[%dma_wait3A_193, %dma_wait3A_194] : memref<10240x128xf32, #tpu.memory_space<vmem_shared>> -> memref<10240x128xf32, #tpu.memory_space<vmem_shared>>
      tpu.wait_indirect_dma semaphore(%arg22 : memref<!tpu.dma_semaphore, #tpu.memory_space<semaphore_mem>>) src(%arg15 : memref<128x128xf32, #tpu.memory_space<vmem>>) dst(%dma_wait3A_195 : memref<10240x128xf32, #tpu.memory_space<vmem_shared>>)
      %dma_start3A_196 = arith.constant 5 : i32
      %dma_start3A_197 = arith.constant 0 : i32
      %dma_start3A_198 = tpu.memref_slice %arg11[%dma_start3A_196, %dma_start3A_197] : memref<8x128xi32, #tpu.memory_space<vmem>> -> memref<1x128xi32, #tpu.memory_space<vmem>>
      %dma_start3A_199 = tpu.memref_squeeze %dma_start3A_198 : memref<1x128xi32, #tpu.memory_space<vmem>> -> memref<128xi32, #tpu.memory_space<vmem>>
      %dma_start3A_200 = arith.constant 0 : i32
      %dma_start3A_201 = arith.constant 0 : i32
      %dma_start3A_202 = tpu.memref_slice %arg2[%dma_start3A_200, %dma_start3A_201] : memref<10000x128xf32, #tpu.memory_space<hbm>> -> memref<10000x128xf32, #tpu.memory_space<hbm>>
      tpu.enqueue_indirect_dma source(%dma_start3A_202 : memref<10000x128xf32, #tpu.memory_space<hbm>>) target(%arg15 : memref<128x128xf32, #tpu.memory_space<vmem>>) offsets(%dma_start3A_199 : memref<128xi32, #tpu.memory_space<vmem>>) semaphore(%arg20 : memref<!tpu.dma_semaphore, #tpu.memory_space<semaphore_mem>>)
      %dma_wait3A_203 = arith.constant 4 : i32
      %dma_wait3A_204 = arith.constant 0 : i32
      %dma_wait3A_205 = tpu.memref_slice %arg11[%dma_wait3A_203, %dma_wait3A_204] : memref<8x128xi32, #tpu.memory_space<vmem>> -> memref<1x128xi32, #tpu.memory_space<vmem>>
      %dma_wait3A_206 = tpu.memref_squeeze %dma_wait3A_205 : memref<1x128xi32, #tpu.memory_space<vmem>> -> memref<128xi32, #tpu.memory_space<vmem>>
      %dma_wait3A_207 = arith.constant 0 : i32
      %dma_wait3A_208 = arith.constant 0 : i32
      %dma_wait3A_209 = tpu.memref_slice %arg2[%dma_wait3A_207, %dma_wait3A_208] : memref<10000x128xf32, #tpu.memory_space<hbm>> -> memref<10000x128xf32, #tpu.memory_space<hbm>>
      tpu.wait_indirect_dma semaphore(%arg19 : memref<!tpu.dma_semaphore, #tpu.memory_space<semaphore_mem>>) src(%dma_wait3A_209 : memref<10000x128xf32, #tpu.memory_space<hbm>>) dst(%arg14 : memref<128x128xf32, #tpu.memory_space<vmem>>)
      %scan3A_210 = arith.constant 0 : i32
      %scan3A_211 = arith.constant 0 : i32
      %scan3A_212 = arith.constant 8 : i32
      %scan3A_213 = arith.addi %scan3A_211, %scan3A_212 : i32
      %scan3A_214 = arith.constant 1 : i32
      scf.for %scan3A_349 = %scan3A_211 to %scan3A_213 step %scan3A_214  : i32 {
        %mul3A_350 = arith.constant 16 : i32
        %mul3A_351 = arith.muli %scan3A_349, %mul3A_350 : i32
        %get3A = arith.constant 4 : i32
        %get3A_352 = arith.index_cast %get3A : i32 to index
        %get3A_353 = arith.index_cast %mul3A_351 : i32 to index
        %get3A_354 = tpu.vector_load %arg11[%get3A_352, %get3A_353] {strides = array<i32>} : memref<8x128xi32, #tpu.memory_space<vmem>>, vector<16xi32>,
        %get3A_355 = arith.constant 4 : i32
        %get3A_356 = arith.index_cast %get3A_355 : i32 to index
        %get3A_357 = arith.index_cast %mul3A_351 : i32 to index
        %get3A_358 = tpu.vector_load %arg13[%get3A_356, %get3A_357] {strides = array<i32>} : memref<8x128xf32, #tpu.memory_space<vmem>>, vector<16xf32>,
        %gather3A = tpu.vector_load_idx %arg10[%get3A_354] : memref<10240xf32, #tpu.memory_space<vmem>>[vector<16xi32>], vector<16xf32>,
        %mul3A_359 = arith.mulf %get3A_358, %gather3A : vector<16xf32>
        %swap3A = arith.index_cast %mul3A_351 : i32 to index
        %swap3A_360 = tpu.vector_load %arg16[%swap3A] {strides = array<i32>} : memref<128xf32, #tpu.memory_space<vmem>>, vector<16xf32>,
        tpu.vector_store %arg16[%swap3A], %mul3A_359 {strides = array<i32>} : memref<128xf32, #tpu.memory_space<vmem>>, vector<16xf32>,
      }
      %scan3A_215 = arith.constant 8 : i32
      %scan3A_216 = arith.constant 0 : i32
      %scan3A_217 = arith.constant 0 : i32
      %scan3A_218 = arith.constant 128 : i32
      %scan3A_219 = arith.addi %scan3A_217, %scan3A_218 : i32
      %scan3A_220 = arith.constant 2 : i32
      scf.for %scan3A_349 = %scan3A_217 to %scan3A_219 step %scan3A_220  : i32 {
        %broadcast_in_dim3A = vector.broadcast %scan3A_349 : i32 to vector<16xi32>
        %gather3A = tpu.vector_load_idx %arg16[%broadcast_in_dim3A] : memref<128xf32, #tpu.memory_space<vmem>>[vector<16xi32>], vector<16xf32>,
        %get3A = arith.index_cast %scan3A_349 : i32 to index
        %get3A_350 = arith.constant 0 : index
        %get3A_351 = tpu.vector_load %arg14[%get3A, %get3A_350] {strides = array<i32>} : memref<128x128xf32, #tpu.memory_space<vmem>>, vector<16xf32>,
        %mul3A_352 = arith.mulf %get3A_351, %gather3A : vector<16xf32>
        %swap3A = arith.index_cast %scan3A_349 : i32 to index
        %swap3A_353 = arith.constant 0 : index
        %swap3A_354 = tpu.vector_load %arg14[%swap3A, %swap3A_353] {strides = array<i32>} : memref<128x128xf32, #tpu.memory_space<vmem>>, vector<16xf32>,
        tpu.vector_store %arg14[%swap3A, %swap3A_353], %mul3A_352 {strides = array<i32>} : memref<128x128xf32, #tpu.memory_space<vmem>>, vector<16xf32>,
        %get3A_355 = arith.index_cast %scan3A_349 : i32 to index
        %get3A_356 = arith.constant 16 : index
        %get3A_357 = tpu.vector_load %arg14[%get3A_355, %get3A_356] {strides = array<i32>} : memref<128x128xf32, #tpu.memory_space<vmem>>, vector<16xf32>,
        %mul3A_358 = arith.mulf %get3A_357, %gather3A : vector<16xf32>
        %swap3A_359 = arith.index_cast %scan3A_349 : i32 to index
        %swap3A_360 = arith.constant 16 : index
        %swap3A_361 = tpu.vector_load %arg14[%swap3A_359, %swap3A_360] {strides = array<i32>} : memref<128x128xf32, #tpu.memory_space<vmem>>, vector<16xf32>,
        tpu.vector_store %arg14[%swap3A_359, %swap3A_360], %mul3A_358 {strides = array<i32>} : memref<128x128xf32, #tpu.memory_space<vmem>>, vector<16xf32>,
        %get3A_362 = arith.index_cast %scan3A_349 : i32 to index
        %get3A_363 = arith.constant 32 : index
        %get3A_364 = tpu.vector_load %arg14[%get3A_362, %get3A_363] {strides = array<i32>} : memref<128x128xf32, #tpu.memory_space<vmem>>, vector<16xf32>,
        %mul3A_365 = arith.mulf %get3A_364, %gather3A : vector<16xf32>
        %swap3A_366 = arith.index_cast %scan3A_349 : i32 to index
        %swap3A_367 = arith.constant 32 : index
        %swap3A_368 = tpu.vector_load %arg14[%swap3A_366, %swap3A_367] {strides = array<i32>} : memref<128x128xf32, #tpu.memory_space<vmem>>, vector<16xf32>,
        tpu.vector_store %arg14[%swap3A_366, %swap3A_367], %mul3A_365 {strides = array<i32>} : memref<128x128xf32, #tpu.memory_space<vmem>>, vector<16xf32>,
        %get3A_369 = arith.index_cast %scan3A_349 : i32 to index
        %get3A_370 = arith.constant 48 : index
        %get3A_371 = tpu.vector_load %arg14[%get3A_369, %get3A_370] {strides = array<i32>} : memref<128x128xf32, #tpu.memory_space<vmem>>, vector<16xf32>,
        %mul3A_372 = arith.mulf %get3A_371, %gather3A : vector<16xf32>
        %swap3A_373 = arith.index_cast %scan3A_349 : i32 to index
        %swap3A_374 = arith.constant 48 : index
        %swap3A_375 = tpu.vector_load %arg14[%swap3A_373, %swap3A_374] {strides = array<i32>} : memref<128x128xf32, #tpu.memory_space<vmem>>, vector<16xf32>,
        tpu.vector_store %arg14[%swap3A_373, %swap3A_374], %mul3A_372 {strides = array<i32>} : memref<128x128xf32, #tpu.memory_space<vmem>>, vector<16xf32>,
        %get3A_376 = arith.index_cast %scan3A_349 : i32 to index
        %get3A_377 = arith.constant 64 : index
        %get3A_378 = tpu.vector_load %arg14[%get3A_376, %get3A_377] {strides = array<i32>} : memref<128x128xf32, #tpu.memory_space<vmem>>, vector<16xf32>,
        %mul3A_379 = arith.mulf %get3A_378, %gather3A : vector<16xf32>
        %swap3A_380 = arith.index_cast %scan3A_349 : i32 to index
        %swap3A_381 = arith.constant 64 : index
        %swap3A_382 = tpu.vector_load %arg14[%swap3A_380, %swap3A_381] {strides = array<i32>} : memref<128x128xf32, #tpu.memory_space<vmem>>, vector<16xf32>,
        tpu.vector_store %arg14[%swap3A_380, %swap3A_381], %mul3A_379 {strides = array<i32>} : memref<128x128xf32, #tpu.memory_space<vmem>>, vector<16xf32>,
        %get3A_383 = arith.index_cast %scan3A_349 : i32 to index
        %get3A_384 = arith.constant 80 : index
        %get3A_385 = tpu.vector_load %arg14[%get3A_383, %get3A_384] {strides = array<i32>} : memref<128x128xf32, #tpu.memory_space<vmem>>, vector<16xf32>,
        %mul3A_386 = arith.mulf %get3A_385, %gather3A : vector<16xf32>
        %swap3A_387 = arith.index_cast %scan3A_349 : i32 to index
        %swap3A_388 = arith.constant 80 : index
        %swap3A_389 = tpu.vector_load %arg14[%swap3A_387, %swap3A_388] {strides = array<i32>} : memref<128x128xf32, #tpu.memory_space<vmem>>, vector<16xf32>,
        tpu.vector_store %arg14[%swap3A_387, %swap3A_388], %mul3A_386 {strides = array<i32>} : memref<128x128xf32, #tpu.memory_space<vmem>>, vector<16xf32>,
        %get3A_390 = arith.index_cast %scan3A_349 : i32 to index
        %get3A_391 = arith.constant 96 : index
        %get3A_392 = tpu.vector_load %arg14[%get3A_390, %get3A_391] {strides = array<i32>} : memref<128x128xf32, #tpu.memory_space<vmem>>, vector<16xf32>,
        %mul3A_393 = arith.mulf %get3A_392, %gather3A : vector<16xf32>
        %swap3A_394 = arith.index_cast %scan3A_349 : i32 to index
        %swap3A_395 = arith.constant 96 : index
        %swap3A_396 = tpu.vector_load %arg14[%swap3A_394, %swap3A_395] {strides = array<i32>} : memref<128x128xf32, #tpu.memory_space<vmem>>, vector<16xf32>,
        tpu.vector_store %arg14[%swap3A_394, %swap3A_395], %mul3A_393 {strides = array<i32>} : memref<128x128xf32, #tpu.memory_space<vmem>>, vector<16xf32>,
        %get3A_397 = arith.index_cast %scan3A_349 : i32 to index
        %get3A_398 = arith.constant 112 : index
        %get3A_399 = tpu.vector_load %arg14[%get3A_397, %get3A_398] {strides = array<i32>} : memref<128x128xf32, #tpu.memory_space<vmem>>, vector<16xf32>,
        %mul3A_400 = arith.mulf %get3A_399, %gather3A : vector<16xf32>
        %swap3A_401 = arith.index_cast %scan3A_349 : i32 to index
        %swap3A_402 = arith.constant 112 : index
        %swap3A_403 = tpu.vector_load %arg14[%swap3A_401, %swap3A_402] {strides = array<i32>} : memref<128x128xf32, #tpu.memory_space<vmem>>, vector<16xf32>,
        tpu.vector_store %arg14[%swap3A_401, %swap3A_402], %mul3A_400 {strides = array<i32>} : memref<128x128xf32, #tpu.memory_space<vmem>>, vector<16xf32>,
        %scan3A_404 = arith.constant 1 : i32
        %scan3A_405 = arith.addi %scan3A_349, %scan3A_404 : i32
        %broadcast_in_dim3A_406 = vector.broadcast %scan3A_405 : i32 to vector<16xi32>
        %gather3A_407 = tpu.vector_load_idx %arg16[%broadcast_in_dim3A_406] : memref<128xf32, #tpu.memory_space<vmem>>[vector<16xi32>], vector<16xf32>,
        %get3A_408 = arith.index_cast %scan3A_405 : i32 to index
        %get3A_409 = arith.constant 0 : index
        %get3A_410 = tpu.vector_load %arg14[%get3A_408, %get3A_409] {strides = array<i32>} : memref<128x128xf32, #tpu.memory_space<vmem>>, vector<16xf32>,
        %mul3A_411 = arith.mulf %get3A_410, %gather3A_407 : vector<16xf32>
        %swap3A_412 = arith.index_cast %scan3A_405 : i32 to index
        %swap3A_413 = arith.constant 0 : index
        %swap3A_414 = tpu.vector_load %arg14[%swap3A_412, %swap3A_413] {strides = array<i32>} : memref<128x128xf32, #tpu.memory_space<vmem>>, vector<16xf32>,
        tpu.vector_store %arg14[%swap3A_412, %swap3A_413], %mul3A_411 {strides = array<i32>} : memref<128x128xf32, #tpu.memory_space<vmem>>, vector<16xf32>,
        %get3A_415 = arith.index_cast %scan3A_405 : i32 to index
        %get3A_416 = arith.constant 16 : index
        %get3A_417 = tpu.vector_load %arg14[%get3A_415, %get3A_416] {strides = array<i32>} : memref<128x128xf32, #tpu.memory_space<vmem>>, vector<16xf32>,
        %mul3A_418 = arith.mulf %get3A_417, %gather3A_407 : vector<16xf32>
        %swap3A_419 = arith.index_cast %scan3A_405 : i32 to index
        %swap3A_420 = arith.constant 16 : index
        %swap3A_421 = tpu.vector_load %arg14[%swap3A_419, %swap3A_420] {strides = array<i32>} : memref<128x128xf32, #tpu.memory_space<vmem>>, vector<16xf32>,
        tpu.vector_store %arg14[%swap3A_419, %swap3A_420], %mul3A_418 {strides = array<i32>} : memref<128x128xf32, #tpu.memory_space<vmem>>, vector<16xf32>,
        %get3A_422 = arith.index_cast %scan3A_405 : i32 to index
        %get3A_423 = arith.constant 32 : index
        %get3A_424 = tpu.vector_load %arg14[%get3A_422, %get3A_423] {strides = array<i32>} : memref<128x128xf32, #tpu.memory_space<vmem>>, vector<16xf32>,
        %mul3A_425 = arith.mulf %get3A_424, %gather3A_407 : vector<16xf32>
        %swap3A_426 = arith.index_cast %scan3A_405 : i32 to index
        %swap3A_427 = arith.constant 32 : index
        %swap3A_428 = tpu.vector_load %arg14[%swap3A_426, %swap3A_427] {strides = array<i32>} : memref<128x128xf32, #tpu.memory_space<vmem>>, vector<16xf32>,
        tpu.vector_store %arg14[%swap3A_426, %swap3A_427], %mul3A_425 {strides = array<i32>} : memref<128x128xf32, #tpu.memory_space<vmem>>, vector<16xf32>,
        %get3A_429 = arith.index_cast %scan3A_405 : i32 to index
        %get3A_430 = arith.constant 48 : index
        %get3A_431 = tpu.vector_load %arg14[%get3A_429, %get3A_430] {strides = array<i32>} : memref<128x128xf32, #tpu.memory_space<vmem>>, vector<16xf32>,
        %mul3A_432 = arith.mulf %get3A_431, %gather3A_407 : vector<16xf32>
        %swap3A_433 = arith.index_cast %scan3A_405 : i32 to index
        %swap3A_434 = arith.constant 48 : index
        %swap3A_435 = tpu.vector_load %arg14[%swap3A_433, %swap3A_434] {strides = array<i32>} : memref<128x128xf32, #tpu.memory_space<vmem>>, vector<16xf32>,
        tpu.vector_store %arg14[%swap3A_433, %swap3A_434], %mul3A_432 {strides = array<i32>} : memref<128x128xf32, #tpu.memory_space<vmem>>, vector<16xf32>,
        %get3A_436 = arith.index_cast %scan3A_405 : i32 to index
        %get3A_437 = arith.constant 64 : index
        %get3A_438 = tpu.vector_load %arg14[%get3A_436, %get3A_437] {strides = array<i32>} : memref<128x128xf32, #tpu.memory_space<vmem>>, vector<16xf32>,
        %mul3A_439 = arith.mulf %get3A_438, %gather3A_407 : vector<16xf32>
        %swap3A_440 = arith.index_cast %scan3A_405 : i32 to index
        %swap3A_441 = arith.constant 64 : index
        %swap3A_442 = tpu.vector_load %arg14[%swap3A_440, %swap3A_441] {strides = array<i32>} : memref<128x128xf32, #tpu.memory_space<vmem>>, vector<16xf32>,
        tpu.vector_store %arg14[%swap3A_440, %swap3A_441], %mul3A_439 {strides = array<i32>} : memref<128x128xf32, #tpu.memory_space<vmem>>, vector<16xf32>,
        %get3A_443 = arith.index_cast %scan3A_405 : i32 to index
        %get3A_444 = arith.constant 80 : index
        %get3A_445 = tpu.vector_load %arg14[%get3A_443, %get3A_444] {strides = array<i32>} : memref<128x128xf32, #tpu.memory_space<vmem>>, vector<16xf32>,
        %mul3A_446 = arith.mulf %get3A_445, %gather3A_407 : vector<16xf32>
        %swap3A_447 = arith.index_cast %scan3A_405 : i32 to index
        %swap3A_448 = arith.constant 80 : index
        %swap3A_449 = tpu.vector_load %arg14[%swap3A_447, %swap3A_448] {strides = array<i32>} : memref<128x128xf32, #tpu.memory_space<vmem>>, vector<16xf32>,
        tpu.vector_store %arg14[%swap3A_447, %swap3A_448], %mul3A_446 {strides = array<i32>} : memref<128x128xf32, #tpu.memory_space<vmem>>, vector<16xf32>,
        %get3A_450 = arith.index_cast %scan3A_405 : i32 to index
        %get3A_451 = arith.constant 96 : index
        %get3A_452 = tpu.vector_load %arg14[%get3A_450, %get3A_451] {strides = array<i32>} : memref<128x128xf32, #tpu.memory_space<vmem>>, vector<16xf32>,
        %mul3A_453 = arith.mulf %get3A_452, %gather3A_407 : vector<16xf32>
        %swap3A_454 = arith.index_cast %scan3A_405 : i32 to index
        %swap3A_455 = arith.constant 96 : index
        %swap3A_456 = tpu.vector_load %arg14[%swap3A_454, %swap3A_455] {strides = array<i32>} : memref<128x128xf32, #tpu.memory_space<vmem>>, vector<16xf32>,
        tpu.vector_store %arg14[%swap3A_454, %swap3A_455], %mul3A_453 {strides = array<i32>} : memref<128x128xf32, #tpu.memory_space<vmem>>, vector<16xf32>,
        %get3A_457 = arith.index_cast %scan3A_405 : i32 to index
        %get3A_458 = arith.constant 112 : index
        %get3A_459 = tpu.vector_load %arg14[%get3A_457, %get3A_458] {strides = array<i32>} : memref<128x128xf32, #tpu.memory_space<vmem>>, vector<16xf32>,
        %mul3A_460 = arith.mulf %get3A_459, %gather3A_407 : vector<16xf32>
        %swap3A_461 = arith.index_cast %scan3A_405 : i32 to index
        %swap3A_462 = arith.constant 112 : index
        %swap3A_463 = tpu.vector_load %arg14[%swap3A_461, %swap3A_462] {strides = array<i32>} : memref<128x128xf32, #tpu.memory_space<vmem>>, vector<16xf32>,
        tpu.vector_store %arg14[%swap3A_461, %swap3A_462], %mul3A_460 {strides = array<i32>} : memref<128x128xf32, #tpu.memory_space<vmem>>, vector<16xf32>,
      }
      %scan3A_221 = arith.constant 128 : i32
      %dma_start3A_222 = arith.constant 4 : i32
      %dma_start3A_223 = arith.constant 0 : i32
      %dma_start3A_224 = tpu.memref_slice %arg12[%dma_start3A_222, %dma_start3A_223] : memref<8x128xi32, #tpu.memory_space<vmem>> -> memref<1x128xi32, #tpu.memory_space<vmem>>
      %dma_start3A_225 = tpu.memref_squeeze %dma_start3A_224 : memref<1x128xi32, #tpu.memory_space<vmem>> -> memref<128xi32, #tpu.memory_space<vmem>>
      %dma_start3A_226 = arith.constant 0 : i32
      %dma_start3A_227 = arith.constant 0 : i32
      %dma_start3A_228 = tpu.memref_slice %arg17[%dma_start3A_226, %dma_start3A_227] : memref<10240x128xf32, #tpu.memory_space<vmem_shared>> -> memref<10240x128xf32, #tpu.memory_space<vmem_shared>>
      tpu.enqueue_indirect_dma source(%arg14 : memref<128x128xf32, #tpu.memory_space<vmem>>) target(%dma_start3A_228 : memref<10240x128xf32, #tpu.memory_space<vmem_shared>>) offsets(%dma_start3A_225 : memref<128xi32, #tpu.memory_space<vmem>>) semaphore(%arg21 : memref<!tpu.dma_semaphore, #tpu.memory_space<semaphore_mem>>) {add = true}
      %dma_wait3A_229 = arith.constant 4 : i32
      %dma_wait3A_230 = arith.constant 0 : i32
      %dma_wait3A_231 = tpu.memref_slice %arg12[%dma_wait3A_229, %dma_wait3A_230] : memref<8x128xi32, #tpu.memory_space<vmem>> -> memref<1x128xi32, #tpu.memory_space<vmem>>
      %dma_wait3A_232 = tpu.memref_squeeze %dma_wait3A_231 : memref<1x128xi32, #tpu.memory_space<vmem>> -> memref<128xi32, #tpu.memory_space<vmem>>
      %dma_wait3A_233 = arith.constant 0 : i32
      %dma_wait3A_234 = arith.constant 0 : i32
      %dma_wait3A_235 = tpu.memref_slice %arg17[%dma_wait3A_233, %dma_wait3A_234] : memref<10240x128xf32, #tpu.memory_space<vmem_shared>> -> memref<10240x128xf32, #tpu.memory_space<vmem_shared>>
      tpu.wait_indirect_dma semaphore(%arg21 : memref<!tpu.dma_semaphore, #tpu.memory_space<semaphore_mem>>) src(%arg14 : memref<128x128xf32, #tpu.memory_space<vmem>>) dst(%dma_wait3A_235 : memref<10240x128xf32, #tpu.memory_space<vmem_shared>>)
      %dma_start3A_236 = arith.constant 6 : i32
      %dma_start3A_237 = arith.constant 0 : i32
      %dma_start3A_238 = tpu.memref_slice %arg11[%dma_start3A_236, %dma_start3A_237] : memref<8x128xi32, #tpu.memory_space<vmem>> -> memref<1x128xi32, #tpu.memory_space<vmem>>
      %dma_start3A_239 = tpu.memref_squeeze %dma_start3A_238 : memref<1x128xi32, #tpu.memory_space<vmem>> -> memref<128xi32, #tpu.memory_space<vmem>>
      %dma_start3A_240 = arith.constant 0 : i32
      %dma_start3A_241 = arith.constant 0 : i32
      %dma_start3A_242 = tpu.memref_slice %arg2[%dma_start3A_240, %dma_start3A_241] : memref<10000x128xf32, #tpu.memory_space<hbm>> -> memref<10000x128xf32, #tpu.memory_space<hbm>>
      tpu.enqueue_indirect_dma source(%dma_start3A_242 : memref<10000x128xf32, #tpu.memory_space<hbm>>) target(%arg14 : memref<128x128xf32, #tpu.memory_space<vmem>>) offsets(%dma_start3A_239 : memref<128xi32, #tpu.memory_space<vmem>>) semaphore(%arg19 : memref<!tpu.dma_semaphore, #tpu.memory_space<semaphore_mem>>)
      %dma_wait3A_243 = arith.constant 5 : i32
      %dma_wait3A_244 = arith.constant 0 : i32
      %dma_wait3A_245 = tpu.memref_slice %arg11[%dma_wait3A_243, %dma_wait3A_244] : memref<8x128xi32, #tpu.memory_space<vmem>> -> memref<1x128xi32, #tpu.memory_space<vmem>>
      %dma_wait3A_246 = tpu.memref_squeeze %dma_wait3A_245 : memref<1x128xi32, #tpu.memory_space<vmem>> -> memref<128xi32, #tpu.memory_space<vmem>>
      %dma_wait3A_247 = arith.constant 0 : i32
      %dma_wait3A_248 = arith.constant 0 : i32
      %dma_wait3A_249 = tpu.memref_slice %arg2[%dma_wait3A_247, %dma_wait3A_248] : memref<10000x128xf32, #tpu.memory_space<hbm>> -> memref<10000x128xf32, #tpu.memory_space<hbm>>
      tpu.wait_indirect_dma semaphore(%arg20 : memref<!tpu.dma_semaphore, #tpu.memory_space<semaphore_mem>>) src(%dma_wait3A_249 : memref<10000x128xf32, #tpu.memory_space<hbm>>) dst(%arg15 : memref<128x128xf32, #tpu.memory_space<vmem>>)
      %scan3A_250 = arith.constant 0 : i32
      %scan3A_251 = arith.constant 0 : i32
      %scan3A_252 = arith.constant 8 : i32
      %scan3A_253 = arith.addi %scan3A_251, %scan3A_252 : i32
      %scan3A_254 = arith.constant 1 : i32
      scf.for %scan3A_349 = %scan3A_251 to %scan3A_253 step %scan3A_254  : i32 {
        %mul3A_350 = arith.constant 16 : i32
        %mul3A_351 = arith.muli %scan3A_349, %mul3A_350 : i32
        %get3A = arith.constant 5 : i32
        %get3A_352 = arith.index_cast %get3A : i32 to index
        %get3A_353 = arith.index_cast %mul3A_351 : i32 to index
        %get3A_354 = tpu.vector_load %arg11[%get3A_352, %get3A_353] {strides = array<i32>} : memref<8x128xi32, #tpu.memory_space<vmem>>, vector<16xi32>,
        %get3A_355 = arith.constant 5 : i32
        %get3A_356 = arith.index_cast %get3A_355 : i32 to index
        %get3A_357 = arith.index_cast %mul3A_351 : i32 to index
        %get3A_358 = tpu.vector_load %arg13[%get3A_356, %get3A_357] {strides = array<i32>} : memref<8x128xf32, #tpu.memory_space<vmem>>, vector<16xf32>,
        %gather3A = tpu.vector_load_idx %arg10[%get3A_354] : memref<10240xf32, #tpu.memory_space<vmem>>[vector<16xi32>], vector<16xf32>,
        %mul3A_359 = arith.mulf %get3A_358, %gather3A : vector<16xf32>
        %swap3A = arith.index_cast %mul3A_351 : i32 to index
        %swap3A_360 = tpu.vector_load %arg16[%swap3A] {strides = array<i32>} : memref<128xf32, #tpu.memory_space<vmem>>, vector<16xf32>,
        tpu.vector_store %arg16[%swap3A], %mul3A_359 {strides = array<i32>} : memref<128xf32, #tpu.memory_space<vmem>>, vector<16xf32>,
      }
      %scan3A_255 = arith.constant 8 : i32
      %scan3A_256 = arith.constant 0 : i32
      %scan3A_257 = arith.constant 0 : i32
      %scan3A_258 = arith.constant 128 : i32
      %scan3A_259 = arith.addi %scan3A_257, %scan3A_258 : i32
      %scan3A_260 = arith.constant 2 : i32
      scf.for %scan3A_349 = %scan3A_257 to %scan3A_259 step %scan3A_260  : i32 {
        %broadcast_in_dim3A = vector.broadcast %scan3A_349 : i32 to vector<16xi32>
        %gather3A = tpu.vector_load_idx %arg16[%broadcast_in_dim3A] : memref<128xf32, #tpu.memory_space<vmem>>[vector<16xi32>], vector<16xf32>,
        %get3A = arith.index_cast %scan3A_349 : i32 to index
        %get3A_350 = arith.constant 0 : index
        %get3A_351 = tpu.vector_load %arg15[%get3A, %get3A_350] {strides = array<i32>} : memref<128x128xf32, #tpu.memory_space<vmem>>, vector<16xf32>,
        %mul3A_352 = arith.mulf %get3A_351, %gather3A : vector<16xf32>
        %swap3A = arith.index_cast %scan3A_349 : i32 to index
        %swap3A_353 = arith.constant 0 : index
        %swap3A_354 = tpu.vector_load %arg15[%swap3A, %swap3A_353] {strides = array<i32>} : memref<128x128xf32, #tpu.memory_space<vmem>>, vector<16xf32>,
        tpu.vector_store %arg15[%swap3A, %swap3A_353], %mul3A_352 {strides = array<i32>} : memref<128x128xf32, #tpu.memory_space<vmem>>, vector<16xf32>,
        %get3A_355 = arith.index_cast %scan3A_349 : i32 to index
        %get3A_356 = arith.constant 16 : index
        %get3A_357 = tpu.vector_load %arg15[%get3A_355, %get3A_356] {strides = array<i32>} : memref<128x128xf32, #tpu.memory_space<vmem>>, vector<16xf32>,
        %mul3A_358 = arith.mulf %get3A_357, %gather3A : vector<16xf32>
        %swap3A_359 = arith.index_cast %scan3A_349 : i32 to index
        %swap3A_360 = arith.constant 16 : index
        %swap3A_361 = tpu.vector_load %arg15[%swap3A_359, %swap3A_360] {strides = array<i32>} : memref<128x128xf32, #tpu.memory_space<vmem>>, vector<16xf32>,
        tpu.vector_store %arg15[%swap3A_359, %swap3A_360], %mul3A_358 {strides = array<i32>} : memref<128x128xf32, #tpu.memory_space<vmem>>, vector<16xf32>,
        %get3A_362 = arith.index_cast %scan3A_349 : i32 to index
        %get3A_363 = arith.constant 32 : index
        %get3A_364 = tpu.vector_load %arg15[%get3A_362, %get3A_363] {strides = array<i32>} : memref<128x128xf32, #tpu.memory_space<vmem>>, vector<16xf32>,
        %mul3A_365 = arith.mulf %get3A_364, %gather3A : vector<16xf32>
        %swap3A_366 = arith.index_cast %scan3A_349 : i32 to index
        %swap3A_367 = arith.constant 32 : index
        %swap3A_368 = tpu.vector_load %arg15[%swap3A_366, %swap3A_367] {strides = array<i32>} : memref<128x128xf32, #tpu.memory_space<vmem>>, vector<16xf32>,
        tpu.vector_store %arg15[%swap3A_366, %swap3A_367], %mul3A_365 {strides = array<i32>} : memref<128x128xf32, #tpu.memory_space<vmem>>, vector<16xf32>,
        %get3A_369 = arith.index_cast %scan3A_349 : i32 to index
        %get3A_370 = arith.constant 48 : index
        %get3A_371 = tpu.vector_load %arg15[%get3A_369, %get3A_370] {strides = array<i32>} : memref<128x128xf32, #tpu.memory_space<vmem>>, vector<16xf32>,
        %mul3A_372 = arith.mulf %get3A_371, %gather3A : vector<16xf32>
        %swap3A_373 = arith.index_cast %scan3A_349 : i32 to index
        %swap3A_374 = arith.constant 48 : index
        %swap3A_375 = tpu.vector_load %arg15[%swap3A_373, %swap3A_374] {strides = array<i32>} : memref<128x128xf32, #tpu.memory_space<vmem>>, vector<16xf32>,
        tpu.vector_store %arg15[%swap3A_373, %swap3A_374], %mul3A_372 {strides = array<i32>} : memref<128x128xf32, #tpu.memory_space<vmem>>, vector<16xf32>,
        %get3A_376 = arith.index_cast %scan3A_349 : i32 to index
        %get3A_377 = arith.constant 64 : index
        %get3A_378 = tpu.vector_load %arg15[%get3A_376, %get3A_377] {strides = array<i32>} : memref<128x128xf32, #tpu.memory_space<vmem>>, vector<16xf32>,
        %mul3A_379 = arith.mulf %get3A_378, %gather3A : vector<16xf32>
        %swap3A_380 = arith.index_cast %scan3A_349 : i32 to index
        %swap3A_381 = arith.constant 64 : index
        %swap3A_382 = tpu.vector_load %arg15[%swap3A_380, %swap3A_381] {strides = array<i32>} : memref<128x128xf32, #tpu.memory_space<vmem>>, vector<16xf32>,
        tpu.vector_store %arg15[%swap3A_380, %swap3A_381], %mul3A_379 {strides = array<i32>} : memref<128x128xf32, #tpu.memory_space<vmem>>, vector<16xf32>,
        %get3A_383 = arith.index_cast %scan3A_349 : i32 to index
        %get3A_384 = arith.constant 80 : index
        %get3A_385 = tpu.vector_load %arg15[%get3A_383, %get3A_384] {strides = array<i32>} : memref<128x128xf32, #tpu.memory_space<vmem>>, vector<16xf32>,
        %mul3A_386 = arith.mulf %get3A_385, %gather3A : vector<16xf32>
        %swap3A_387 = arith.index_cast %scan3A_349 : i32 to index
        %swap3A_388 = arith.constant 80 : index
        %swap3A_389 = tpu.vector_load %arg15[%swap3A_387, %swap3A_388] {strides = array<i32>} : memref<128x128xf32, #tpu.memory_space<vmem>>, vector<16xf32>,
        tpu.vector_store %arg15[%swap3A_387, %swap3A_388], %mul3A_386 {strides = array<i32>} : memref<128x128xf32, #tpu.memory_space<vmem>>, vector<16xf32>,
        %get3A_390 = arith.index_cast %scan3A_349 : i32 to index
        %get3A_391 = arith.constant 96 : index
        %get3A_392 = tpu.vector_load %arg15[%get3A_390, %get3A_391] {strides = array<i32>} : memref<128x128xf32, #tpu.memory_space<vmem>>, vector<16xf32>,
        %mul3A_393 = arith.mulf %get3A_392, %gather3A : vector<16xf32>
        %swap3A_394 = arith.index_cast %scan3A_349 : i32 to index
        %swap3A_395 = arith.constant 96 : index
        %swap3A_396 = tpu.vector_load %arg15[%swap3A_394, %swap3A_395] {strides = array<i32>} : memref<128x128xf32, #tpu.memory_space<vmem>>, vector<16xf32>,
        tpu.vector_store %arg15[%swap3A_394, %swap3A_395], %mul3A_393 {strides = array<i32>} : memref<128x128xf32, #tpu.memory_space<vmem>>, vector<16xf32>,
        %get3A_397 = arith.index_cast %scan3A_349 : i32 to index
        %get3A_398 = arith.constant 112 : index
        %get3A_399 = tpu.vector_load %arg15[%get3A_397, %get3A_398] {strides = array<i32>} : memref<128x128xf32, #tpu.memory_space<vmem>>, vector<16xf32>,
        %mul3A_400 = arith.mulf %get3A_399, %gather3A : vector<16xf32>
        %swap3A_401 = arith.index_cast %scan3A_349 : i32 to index
        %swap3A_402 = arith.constant 112 : index
        %swap3A_403 = tpu.vector_load %arg15[%swap3A_401, %swap3A_402] {strides = array<i32>} : memref<128x128xf32, #tpu.memory_space<vmem>>, vector<16xf32>,
        tpu.vector_store %arg15[%swap3A_401, %swap3A_402], %mul3A_400 {strides = array<i32>} : memref<128x128xf32, #tpu.memory_space<vmem>>, vector<16xf32>,
        %scan3A_404 = arith.constant 1 : i32
        %scan3A_405 = arith.addi %scan3A_349, %scan3A_404 : i32
        %broadcast_in_dim3A_406 = vector.broadcast %scan3A_405 : i32 to vector<16xi32>
        %gather3A_407 = tpu.vector_load_idx %arg16[%broadcast_in_dim3A_406] : memref<128xf32, #tpu.memory_space<vmem>>[vector<16xi32>], vector<16xf32>,
        %get3A_408 = arith.index_cast %scan3A_405 : i32 to index
        %get3A_409 = arith.constant 0 : index
        %get3A_410 = tpu.vector_load %arg15[%get3A_408, %get3A_409] {strides = array<i32>} : memref<128x128xf32, #tpu.memory_space<vmem>>, vector<16xf32>,
        %mul3A_411 = arith.mulf %get3A_410, %gather3A_407 : vector<16xf32>
        %swap3A_412 = arith.index_cast %scan3A_405 : i32 to index
        %swap3A_413 = arith.constant 0 : index
        %swap3A_414 = tpu.vector_load %arg15[%swap3A_412, %swap3A_413] {strides = array<i32>} : memref<128x128xf32, #tpu.memory_space<vmem>>, vector<16xf32>,
        tpu.vector_store %arg15[%swap3A_412, %swap3A_413], %mul3A_411 {strides = array<i32>} : memref<128x128xf32, #tpu.memory_space<vmem>>, vector<16xf32>,
        %get3A_415 = arith.index_cast %scan3A_405 : i32 to index
        %get3A_416 = arith.constant 16 : index
        %get3A_417 = tpu.vector_load %arg15[%get3A_415, %get3A_416] {strides = array<i32>} : memref<128x128xf32, #tpu.memory_space<vmem>>, vector<16xf32>,
        %mul3A_418 = arith.mulf %get3A_417, %gather3A_407 : vector<16xf32>
        %swap3A_419 = arith.index_cast %scan3A_405 : i32 to index
        %swap3A_420 = arith.constant 16 : index
        %swap3A_421 = tpu.vector_load %arg15[%swap3A_419, %swap3A_420] {strides = array<i32>} : memref<128x128xf32, #tpu.memory_space<vmem>>, vector<16xf32>,
        tpu.vector_store %arg15[%swap3A_419, %swap3A_420], %mul3A_418 {strides = array<i32>} : memref<128x128xf32, #tpu.memory_space<vmem>>, vector<16xf32>,
        %get3A_422 = arith.index_cast %scan3A_405 : i32 to index
        %get3A_423 = arith.constant 32 : index
        %get3A_424 = tpu.vector_load %arg15[%get3A_422, %get3A_423] {strides = array<i32>} : memref<128x128xf32, #tpu.memory_space<vmem>>, vector<16xf32>,
        %mul3A_425 = arith.mulf %get3A_424, %gather3A_407 : vector<16xf32>
        %swap3A_426 = arith.index_cast %scan3A_405 : i32 to index
        %swap3A_427 = arith.constant 32 : index
        %swap3A_428 = tpu.vector_load %arg15[%swap3A_426, %swap3A_427] {strides = array<i32>} : memref<128x128xf32, #tpu.memory_space<vmem>>, vector<16xf32>,
        tpu.vector_store %arg15[%swap3A_426, %swap3A_427], %mul3A_425 {strides = array<i32>} : memref<128x128xf32, #tpu.memory_space<vmem>>, vector<16xf32>,
        %get3A_429 = arith.index_cast %scan3A_405 : i32 to index
        %get3A_430 = arith.constant 48 : index
        %get3A_431 = tpu.vector_load %arg15[%get3A_429, %get3A_430] {strides = array<i32>} : memref<128x128xf32, #tpu.memory_space<vmem>>, vector<16xf32>,
        %mul3A_432 = arith.mulf %get3A_431, %gather3A_407 : vector<16xf32>
        %swap3A_433 = arith.index_cast %scan3A_405 : i32 to index
        %swap3A_434 = arith.constant 48 : index
        %swap3A_435 = tpu.vector_load %arg15[%swap3A_433, %swap3A_434] {strides = array<i32>} : memref<128x128xf32, #tpu.memory_space<vmem>>, vector<16xf32>,
        tpu.vector_store %arg15[%swap3A_433, %swap3A_434], %mul3A_432 {strides = array<i32>} : memref<128x128xf32, #tpu.memory_space<vmem>>, vector<16xf32>,
        %get3A_436 = arith.index_cast %scan3A_405 : i32 to index
        %get3A_437 = arith.constant 64 : index
        %get3A_438 = tpu.vector_load %arg15[%get3A_436, %get3A_437] {strides = array<i32>} : memref<128x128xf32, #tpu.memory_space<vmem>>, vector<16xf32>,
        %mul3A_439 = arith.mulf %get3A_438, %gather3A_407 : vector<16xf32>
        %swap3A_440 = arith.index_cast %scan3A_405 : i32 to index
        %swap3A_441 = arith.constant 64 : index
        %swap3A_442 = tpu.vector_load %arg15[%swap3A_440, %swap3A_441] {strides = array<i32>} : memref<128x128xf32, #tpu.memory_space<vmem>>, vector<16xf32>,
        tpu.vector_store %arg15[%swap3A_440, %swap3A_441], %mul3A_439 {strides = array<i32>} : memref<128x128xf32, #tpu.memory_space<vmem>>, vector<16xf32>,
        %get3A_443 = arith.index_cast %scan3A_405 : i32 to index
        %get3A_444 = arith.constant 80 : index
        %get3A_445 = tpu.vector_load %arg15[%get3A_443, %get3A_444] {strides = array<i32>} : memref<128x128xf32, #tpu.memory_space<vmem>>, vector<16xf32>,
        %mul3A_446 = arith.mulf %get3A_445, %gather3A_407 : vector<16xf32>
        %swap3A_447 = arith.index_cast %scan3A_405 : i32 to index
        %swap3A_448 = arith.constant 80 : index
        %swap3A_449 = tpu.vector_load %arg15[%swap3A_447, %swap3A_448] {strides = array<i32>} : memref<128x128xf32, #tpu.memory_space<vmem>>, vector<16xf32>,
        tpu.vector_store %arg15[%swap3A_447, %swap3A_448], %mul3A_446 {strides = array<i32>} : memref<128x128xf32, #tpu.memory_space<vmem>>, vector<16xf32>,
        %get3A_450 = arith.index_cast %scan3A_405 : i32 to index
        %get3A_451 = arith.constant 96 : index
        %get3A_452 = tpu.vector_load %arg15[%get3A_450, %get3A_451] {strides = array<i32>} : memref<128x128xf32, #tpu.memory_space<vmem>>, vector<16xf32>,
        %mul3A_453 = arith.mulf %get3A_452, %gather3A_407 : vector<16xf32>
        %swap3A_454 = arith.index_cast %scan3A_405 : i32 to index
        %swap3A_455 = arith.constant 96 : index
        %swap3A_456 = tpu.vector_load %arg15[%swap3A_454, %swap3A_455] {strides = array<i32>} : memref<128x128xf32, #tpu.memory_space<vmem>>, vector<16xf32>,
        tpu.vector_store %arg15[%swap3A_454, %swap3A_455], %mul3A_453 {strides = array<i32>} : memref<128x128xf32, #tpu.memory_space<vmem>>, vector<16xf32>,
        %get3A_457 = arith.index_cast %scan3A_405 : i32 to index
        %get3A_458 = arith.constant 112 : index
        %get3A_459 = tpu.vector_load %arg15[%get3A_457, %get3A_458] {strides = array<i32>} : memref<128x128xf32, #tpu.memory_space<vmem>>, vector<16xf32>,
        %mul3A_460 = arith.mulf %get3A_459, %gather3A_407 : vector<16xf32>
        %swap3A_461 = arith.index_cast %scan3A_405 : i32 to index
        %swap3A_462 = arith.constant 112 : index
        %swap3A_463 = tpu.vector_load %arg15[%swap3A_461, %swap3A_462] {strides = array<i32>} : memref<128x128xf32, #tpu.memory_space<vmem>>, vector<16xf32>,
        tpu.vector_store %arg15[%swap3A_461, %swap3A_462], %mul3A_460 {strides = array<i32>} : memref<128x128xf32, #tpu.memory_space<vmem>>, vector<16xf32>,
      }
      %scan3A_261 = arith.constant 128 : i32
      %dma_start3A_262 = arith.constant 5 : i32
      %dma_start3A_263 = arith.constant 0 : i32
      %dma_start3A_264 = tpu.memref_slice %arg12[%dma_start3A_262, %dma_start3A_263] : memref<8x128xi32, #tpu.memory_space<vmem>> -> memref<1x128xi32, #tpu.memory_space<vmem>>
      %dma_start3A_265 = tpu.memref_squeeze %dma_start3A_264 : memref<1x128xi32, #tpu.memory_space<vmem>> -> memref<128xi32, #tpu.memory_space<vmem>>
      %dma_start3A_266 = arith.constant 0 : i32
      %dma_start3A_267 = arith.constant 0 : i32
      %dma_start3A_268 = tpu.memref_slice %arg17[%dma_start3A_266, %dma_start3A_267] : memref<10240x128xf32, #tpu.memory_space<vmem_shared>> -> memref<10240x128xf32, #tpu.memory_space<vmem_shared>>
      tpu.enqueue_indirect_dma source(%arg15 : memref<128x128xf32, #tpu.memory_space<vmem>>) target(%dma_start3A_268 : memref<10240x128xf32, #tpu.memory_space<vmem_shared>>) offsets(%dma_start3A_265 : memref<128xi32, #tpu.memory_space<vmem>>) semaphore(%arg22 : memref<!tpu.dma_semaphore, #tpu.memory_space<semaphore_mem>>) {add = true}
      %dma_wait3A_269 = arith.constant 5 : i32
      %dma_wait3A_270 = arith.constant 0 : i32
      %dma_wait3A_271 = tpu.memref_slice %arg12[%dma_wait3A_269, %dma_wait3A_270] : memref<8x128xi32, #tpu.memory_space<vmem>> -> memref<1x128xi32, #tpu.memory_space<vmem>>
      %dma_wait3A_272 = tpu.memref_squeeze %dma_wait3A_271 : memref<1x128xi32, #tpu.memory_space<vmem>> -> memref<128xi32, #tpu.memory_space<vmem>>
      %dma_wait3A_273 = arith.constant 0 : i32
      %dma_wait3A_274 = arith.constant 0 : i32
      %dma_wait3A_275 = tpu.memref_slice %arg17[%dma_wait3A_273, %dma_wait3A_274] : memref<10240x128xf32, #tpu.memory_space<vmem_shared>> -> memref<10240x128xf32, #tpu.memory_space<vmem_shared>>
      tpu.wait_indirect_dma semaphore(%arg22 : memref<!tpu.dma_semaphore, #tpu.memory_space<semaphore_mem>>) src(%arg15 : memref<128x128xf32, #tpu.memory_space<vmem>>) dst(%dma_wait3A_275 : memref<10240x128xf32, #tpu.memory_space<vmem_shared>>)
      %dma_start3A_276 = arith.constant 7 : i32
      %dma_start3A_277 = arith.constant 0 : i32
      %dma_start3A_278 = tpu.memref_slice %arg11[%dma_start3A_276, %dma_start3A_277] : memref<8x128xi32, #tpu.memory_space<vmem>> -> memref<1x128xi32, #tpu.memory_space<vmem>>
      %dma_start3A_279 = tpu.memref_squeeze %dma_start3A_278 : memref<1x128xi32, #tpu.memory_space<vmem>> -> memref<128xi32, #tpu.memory_space<vmem>>
      %dma_start3A_280 = arith.constant 0 : i32
      %dma_start3A_281 = arith.constant 0 : i32
      %dma_start3A_282 = tpu.memref_slice %arg2[%dma_start3A_280, %dma_start3A_281] : memref<10000x128xf32, #tpu.memory_space<hbm>> -> memref<10000x128xf32, #tpu.memory_space<hbm>>
      tpu.enqueue_indirect_dma source(%dma_start3A_282 : memref<10000x128xf32, #tpu.memory_space<hbm>>) target(%arg15 : memref<128x128xf32, #tpu.memory_space<vmem>>) offsets(%dma_start3A_279 : memref<128xi32, #tpu.memory_space<vmem>>) semaphore(%arg20 : memref<!tpu.dma_semaphore, #tpu.memory_space<semaphore_mem>>)
      %dma_wait3A_283 = arith.constant 6 : i32
      %dma_wait3A_284 = arith.constant 0 : i32
      %dma_wait3A_285 = tpu.memref_slice %arg11[%dma_wait3A_283, %dma_wait3A_284] : memref<8x128xi32, #tpu.memory_space<vmem>> -> memref<1x128xi32, #tpu.memory_space<vmem>>
      %dma_wait3A_286 = tpu.memref_squeeze %dma_wait3A_285 : memref<1x128xi32, #tpu.memory_space<vmem>> -> memref<128xi32, #tpu.memory_space<vmem>>
      %dma_wait3A_287 = arith.constant 0 : i32
      %dma_wait3A_288 = arith.constant 0 : i32
      %dma_wait3A_289 = tpu.memref_slice %arg2[%dma_wait3A_287, %dma_wait3A_288] : memref<10000x128xf32, #tpu.memory_space<hbm>> -> memref<10000x128xf32, #tpu.memory_space<hbm>>
      tpu.wait_indirect_dma semaphore(%arg19 : memref<!tpu.dma_semaphore, #tpu.memory_space<semaphore_mem>>) src(%dma_wait3A_289 : memref<10000x128xf32, #tpu.memory_space<hbm>>) dst(%arg14 : memref<128x128xf32, #tpu.memory_space<vmem>>)
      %scan3A_290 = arith.constant 0 : i32
      %scan3A_291 = arith.constant 0 : i32
      %scan3A_292 = arith.constant 8 : i32
      %scan3A_293 = arith.addi %scan3A_291, %scan3A_292 : i32
      %scan3A_294 = arith.constant 1 : i32
      scf.for %scan3A_349 = %scan3A_291 to %scan3A_293 step %scan3A_294  : i32 {
        %mul3A_350 = arith.constant 16 : i32
        %mul3A_351 = arith.muli %scan3A_349, %mul3A_350 : i32
        %get3A = arith.constant 6 : i32
        %get3A_352 = arith.index_cast %get3A : i32 to index
        %get3A_353 = arith.index_cast %mul3A_351 : i32 to index
        %get3A_354 = tpu.vector_load %arg11[%get3A_352, %get3A_353] {strides = array<i32>} : memref<8x128xi32, #tpu.memory_space<vmem>>, vector<16xi32>,
        %get3A_355 = arith.constant 6 : i32
        %get3A_356 = arith.index_cast %get3A_355 : i32 to index
        %get3A_357 = arith.index_cast %mul3A_351 : i32 to index
        %get3A_358 = tpu.vector_load %arg13[%get3A_356, %get3A_357] {strides = array<i32>} : memref<8x128xf32, #tpu.memory_space<vmem>>, vector<16xf32>,
        %gather3A = tpu.vector_load_idx %arg10[%get3A_354] : memref<10240xf32, #tpu.memory_space<vmem>>[vector<16xi32>], vector<16xf32>,
        %mul3A_359 = arith.mulf %get3A_358, %gather3A : vector<16xf32>
        %swap3A = arith.index_cast %mul3A_351 : i32 to index
        %swap3A_360 = tpu.vector_load %arg16[%swap3A] {strides = array<i32>} : memref<128xf32, #tpu.memory_space<vmem>>, vector<16xf32>,
        tpu.vector_store %arg16[%swap3A], %mul3A_359 {strides = array<i32>} : memref<128xf32, #tpu.memory_space<vmem>>, vector<16xf32>,
      }
      %scan3A_295 = arith.constant 8 : i32
      %scan3A_296 = arith.constant 0 : i32
      %scan3A_297 = arith.constant 0 : i32
      %scan3A_298 = arith.constant 128 : i32
      %scan3A_299 = arith.addi %scan3A_297, %scan3A_298 : i32
      %scan3A_300 = arith.constant 2 : i32
      scf.for %scan3A_349 = %scan3A_297 to %scan3A_299 step %scan3A_300  : i32 {
        %broadcast_in_dim3A = vector.broadcast %scan3A_349 : i32 to vector<16xi32>
        %gather3A = tpu.vector_load_idx %arg16[%broadcast_in_dim3A] : memref<128xf32, #tpu.memory_space<vmem>>[vector<16xi32>], vector<16xf32>,
        %get3A = arith.index_cast %scan3A_349 : i32 to index
        %get3A_350 = arith.constant 0 : index
        %get3A_351 = tpu.vector_load %arg14[%get3A, %get3A_350] {strides = array<i32>} : memref<128x128xf32, #tpu.memory_space<vmem>>, vector<16xf32>,
        %mul3A_352 = arith.mulf %get3A_351, %gather3A : vector<16xf32>
        %swap3A = arith.index_cast %scan3A_349 : i32 to index
        %swap3A_353 = arith.constant 0 : index
        %swap3A_354 = tpu.vector_load %arg14[%swap3A, %swap3A_353] {strides = array<i32>} : memref<128x128xf32, #tpu.memory_space<vmem>>, vector<16xf32>,
        tpu.vector_store %arg14[%swap3A, %swap3A_353], %mul3A_352 {strides = array<i32>} : memref<128x128xf32, #tpu.memory_space<vmem>>, vector<16xf32>,
        %get3A_355 = arith.index_cast %scan3A_349 : i32 to index
        %get3A_356 = arith.constant 16 : index
        %get3A_357 = tpu.vector_load %arg14[%get3A_355, %get3A_356] {strides = array<i32>} : memref<128x128xf32, #tpu.memory_space<vmem>>, vector<16xf32>,
        %mul3A_358 = arith.mulf %get3A_357, %gather3A : vector<16xf32>
        %swap3A_359 = arith.index_cast %scan3A_349 : i32 to index
        %swap3A_360 = arith.constant 16 : index
        %swap3A_361 = tpu.vector_load %arg14[%swap3A_359, %swap3A_360] {strides = array<i32>} : memref<128x128xf32, #tpu.memory_space<vmem>>, vector<16xf32>,
        tpu.vector_store %arg14[%swap3A_359, %swap3A_360], %mul3A_358 {strides = array<i32>} : memref<128x128xf32, #tpu.memory_space<vmem>>, vector<16xf32>,
        %get3A_362 = arith.index_cast %scan3A_349 : i32 to index
        %get3A_363 = arith.constant 32 : index
        %get3A_364 = tpu.vector_load %arg14[%get3A_362, %get3A_363] {strides = array<i32>} : memref<128x128xf32, #tpu.memory_space<vmem>>, vector<16xf32>,
        %mul3A_365 = arith.mulf %get3A_364, %gather3A : vector<16xf32>
        %swap3A_366 = arith.index_cast %scan3A_349 : i32 to index
        %swap3A_367 = arith.constant 32 : index
        %swap3A_368 = tpu.vector_load %arg14[%swap3A_366, %swap3A_367] {strides = array<i32>} : memref<128x128xf32, #tpu.memory_space<vmem>>, vector<16xf32>,
        tpu.vector_store %arg14[%swap3A_366, %swap3A_367], %mul3A_365 {strides = array<i32>} : memref<128x128xf32, #tpu.memory_space<vmem>>, vector<16xf32>,
        %get3A_369 = arith.index_cast %scan3A_349 : i32 to index
        %get3A_370 = arith.constant 48 : index
        %get3A_371 = tpu.vector_load %arg14[%get3A_369, %get3A_370] {strides = array<i32>} : memref<128x128xf32, #tpu.memory_space<vmem>>, vector<16xf32>,
        %mul3A_372 = arith.mulf %get3A_371, %gather3A : vector<16xf32>
        %swap3A_373 = arith.index_cast %scan3A_349 : i32 to index
        %swap3A_374 = arith.constant 48 : index
        %swap3A_375 = tpu.vector_load %arg14[%swap3A_373, %swap3A_374] {strides = array<i32>} : memref<128x128xf32, #tpu.memory_space<vmem>>, vector<16xf32>,
        tpu.vector_store %arg14[%swap3A_373, %swap3A_374], %mul3A_372 {strides = array<i32>} : memref<128x128xf32, #tpu.memory_space<vmem>>, vector<16xf32>,
        %get3A_376 = arith.index_cast %scan3A_349 : i32 to index
        %get3A_377 = arith.constant 64 : index
        %get3A_378 = tpu.vector_load %arg14[%get3A_376, %get3A_377] {strides = array<i32>} : memref<128x128xf32, #tpu.memory_space<vmem>>, vector<16xf32>,
        %mul3A_379 = arith.mulf %get3A_378, %gather3A : vector<16xf32>
        %swap3A_380 = arith.index_cast %scan3A_349 : i32 to index
        %swap3A_381 = arith.constant 64 : index
        %swap3A_382 = tpu.vector_load %arg14[%swap3A_380, %swap3A_381] {strides = array<i32>} : memref<128x128xf32, #tpu.memory_space<vmem>>, vector<16xf32>,
        tpu.vector_store %arg14[%swap3A_380, %swap3A_381], %mul3A_379 {strides = array<i32>} : memref<128x128xf32, #tpu.memory_space<vmem>>, vector<16xf32>,
        %get3A_383 = arith.index_cast %scan3A_349 : i32 to index
        %get3A_384 = arith.constant 80 : index
        %get3A_385 = tpu.vector_load %arg14[%get3A_383, %get3A_384] {strides = array<i32>} : memref<128x128xf32, #tpu.memory_space<vmem>>, vector<16xf32>,
        %mul3A_386 = arith.mulf %get3A_385, %gather3A : vector<16xf32>
        %swap3A_387 = arith.index_cast %scan3A_349 : i32 to index
        %swap3A_388 = arith.constant 80 : index
        %swap3A_389 = tpu.vector_load %arg14[%swap3A_387, %swap3A_388] {strides = array<i32>} : memref<128x128xf32, #tpu.memory_space<vmem>>, vector<16xf32>,
        tpu.vector_store %arg14[%swap3A_387, %swap3A_388], %mul3A_386 {strides = array<i32>} : memref<128x128xf32, #tpu.memory_space<vmem>>, vector<16xf32>,
        %get3A_390 = arith.index_cast %scan3A_349 : i32 to index
        %get3A_391 = arith.constant 96 : index
        %get3A_392 = tpu.vector_load %arg14[%get3A_390, %get3A_391] {strides = array<i32>} : memref<128x128xf32, #tpu.memory_space<vmem>>, vector<16xf32>,
        %mul3A_393 = arith.mulf %get3A_392, %gather3A : vector<16xf32>
        %swap3A_394 = arith.index_cast %scan3A_349 : i32 to index
        %swap3A_395 = arith.constant 96 : index
        %swap3A_396 = tpu.vector_load %arg14[%swap3A_394, %swap3A_395] {strides = array<i32>} : memref<128x128xf32, #tpu.memory_space<vmem>>, vector<16xf32>,
        tpu.vector_store %arg14[%swap3A_394, %swap3A_395], %mul3A_393 {strides = array<i32>} : memref<128x128xf32, #tpu.memory_space<vmem>>, vector<16xf32>,
        %get3A_397 = arith.index_cast %scan3A_349 : i32 to index
        %get3A_398 = arith.constant 112 : index
        %get3A_399 = tpu.vector_load %arg14[%get3A_397, %get3A_398] {strides = array<i32>} : memref<128x128xf32, #tpu.memory_space<vmem>>, vector<16xf32>,
        %mul3A_400 = arith.mulf %get3A_399, %gather3A : vector<16xf32>
        %swap3A_401 = arith.index_cast %scan3A_349 : i32 to index
        %swap3A_402 = arith.constant 112 : index
        %swap3A_403 = tpu.vector_load %arg14[%swap3A_401, %swap3A_402] {strides = array<i32>} : memref<128x128xf32, #tpu.memory_space<vmem>>, vector<16xf32>,
        tpu.vector_store %arg14[%swap3A_401, %swap3A_402], %mul3A_400 {strides = array<i32>} : memref<128x128xf32, #tpu.memory_space<vmem>>, vector<16xf32>,
        %scan3A_404 = arith.constant 1 : i32
        %scan3A_405 = arith.addi %scan3A_349, %scan3A_404 : i32
        %broadcast_in_dim3A_406 = vector.broadcast %scan3A_405 : i32 to vector<16xi32>
        %gather3A_407 = tpu.vector_load_idx %arg16[%broadcast_in_dim3A_406] : memref<128xf32, #tpu.memory_space<vmem>>[vector<16xi32>], vector<16xf32>,
        %get3A_408 = arith.index_cast %scan3A_405 : i32 to index
        %get3A_409 = arith.constant 0 : index
        %get3A_410 = tpu.vector_load %arg14[%get3A_408, %get3A_409] {strides = array<i32>} : memref<128x128xf32, #tpu.memory_space<vmem>>, vector<16xf32>,
        %mul3A_411 = arith.mulf %get3A_410, %gather3A_407 : vector<16xf32>
        %swap3A_412 = arith.index_cast %scan3A_405 : i32 to index
        %swap3A_413 = arith.constant 0 : index
        %swap3A_414 = tpu.vector_load %arg14[%swap3A_412, %swap3A_413] {strides = array<i32>} : memref<128x128xf32, #tpu.memory_space<vmem>>, vector<16xf32>,
        tpu.vector_store %arg14[%swap3A_412, %swap3A_413], %mul3A_411 {strides = array<i32>} : memref<128x128xf32, #tpu.memory_space<vmem>>, vector<16xf32>,
        %get3A_415 = arith.index_cast %scan3A_405 : i32 to index
        %get3A_416 = arith.constant 16 : index
        %get3A_417 = tpu.vector_load %arg14[%get3A_415, %get3A_416] {strides = array<i32>} : memref<128x128xf32, #tpu.memory_space<vmem>>, vector<16xf32>,
        %mul3A_418 = arith.mulf %get3A_417, %gather3A_407 : vector<16xf32>
        %swap3A_419 = arith.index_cast %scan3A_405 : i32 to index
        %swap3A_420 = arith.constant 16 : index
        %swap3A_421 = tpu.vector_load %arg14[%swap3A_419, %swap3A_420] {strides = array<i32>} : memref<128x128xf32, #tpu.memory_space<vmem>>, vector<16xf32>,
        tpu.vector_store %arg14[%swap3A_419, %swap3A_420], %mul3A_418 {strides = array<i32>} : memref<128x128xf32, #tpu.memory_space<vmem>>, vector<16xf32>,
        %get3A_422 = arith.index_cast %scan3A_405 : i32 to index
        %get3A_423 = arith.constant 32 : index
        %get3A_424 = tpu.vector_load %arg14[%get3A_422, %get3A_423] {strides = array<i32>} : memref<128x128xf32, #tpu.memory_space<vmem>>, vector<16xf32>,
        %mul3A_425 = arith.mulf %get3A_424, %gather3A_407 : vector<16xf32>
        %swap3A_426 = arith.index_cast %scan3A_405 : i32 to index
        %swap3A_427 = arith.constant 32 : index
        %swap3A_428 = tpu.vector_load %arg14[%swap3A_426, %swap3A_427] {strides = array<i32>} : memref<128x128xf32, #tpu.memory_space<vmem>>, vector<16xf32>,
        tpu.vector_store %arg14[%swap3A_426, %swap3A_427], %mul3A_425 {strides = array<i32>} : memref<128x128xf32, #tpu.memory_space<vmem>>, vector<16xf32>,
        %get3A_429 = arith.index_cast %scan3A_405 : i32 to index
        %get3A_430 = arith.constant 48 : index
        %get3A_431 = tpu.vector_load %arg14[%get3A_429, %get3A_430] {strides = array<i32>} : memref<128x128xf32, #tpu.memory_space<vmem>>, vector<16xf32>,
        %mul3A_432 = arith.mulf %get3A_431, %gather3A_407 : vector<16xf32>
        %swap3A_433 = arith.index_cast %scan3A_405 : i32 to index
        %swap3A_434 = arith.constant 48 : index
        %swap3A_435 = tpu.vector_load %arg14[%swap3A_433, %swap3A_434] {strides = array<i32>} : memref<128x128xf32, #tpu.memory_space<vmem>>, vector<16xf32>,
        tpu.vector_store %arg14[%swap3A_433, %swap3A_434], %mul3A_432 {strides = array<i32>} : memref<128x128xf32, #tpu.memory_space<vmem>>, vector<16xf32>,
        %get3A_436 = arith.index_cast %scan3A_405 : i32 to index
        %get3A_437 = arith.constant 64 : index
        %get3A_438 = tpu.vector_load %arg14[%get3A_436, %get3A_437] {strides = array<i32>} : memref<128x128xf32, #tpu.memory_space<vmem>>, vector<16xf32>,
        %mul3A_439 = arith.mulf %get3A_438, %gather3A_407 : vector<16xf32>
        %swap3A_440 = arith.index_cast %scan3A_405 : i32 to index
        %swap3A_441 = arith.constant 64 : index
        %swap3A_442 = tpu.vector_load %arg14[%swap3A_440, %swap3A_441] {strides = array<i32>} : memref<128x128xf32, #tpu.memory_space<vmem>>, vector<16xf32>,
        tpu.vector_store %arg14[%swap3A_440, %swap3A_441], %mul3A_439 {strides = array<i32>} : memref<128x128xf32, #tpu.memory_space<vmem>>, vector<16xf32>,
        %get3A_443 = arith.index_cast %scan3A_405 : i32 to index
        %get3A_444 = arith.constant 80 : index
        %get3A_445 = tpu.vector_load %arg14[%get3A_443, %get3A_444] {strides = array<i32>} : memref<128x128xf32, #tpu.memory_space<vmem>>, vector<16xf32>,
        %mul3A_446 = arith.mulf %get3A_445, %gather3A_407 : vector<16xf32>
        %swap3A_447 = arith.index_cast %scan3A_405 : i32 to index
        %swap3A_448 = arith.constant 80 : index
        %swap3A_449 = tpu.vector_load %arg14[%swap3A_447, %swap3A_448] {strides = array<i32>} : memref<128x128xf32, #tpu.memory_space<vmem>>, vector<16xf32>,
        tpu.vector_store %arg14[%swap3A_447, %swap3A_448], %mul3A_446 {strides = array<i32>} : memref<128x128xf32, #tpu.memory_space<vmem>>, vector<16xf32>,
        %get3A_450 = arith.index_cast %scan3A_405 : i32 to index
        %get3A_451 = arith.constant 96 : index
        %get3A_452 = tpu.vector_load %arg14[%get3A_450, %get3A_451] {strides = array<i32>} : memref<128x128xf32, #tpu.memory_space<vmem>>, vector<16xf32>,
        %mul3A_453 = arith.mulf %get3A_452, %gather3A_407 : vector<16xf32>
        %swap3A_454 = arith.index_cast %scan3A_405 : i32 to index
        %swap3A_455 = arith.constant 96 : index
        %swap3A_456 = tpu.vector_load %arg14[%swap3A_454, %swap3A_455] {strides = array<i32>} : memref<128x128xf32, #tpu.memory_space<vmem>>, vector<16xf32>,
        tpu.vector_store %arg14[%swap3A_454, %swap3A_455], %mul3A_453 {strides = array<i32>} : memref<128x128xf32, #tpu.memory_space<vmem>>, vector<16xf32>,
        %get3A_457 = arith.index_cast %scan3A_405 : i32 to index
        %get3A_458 = arith.constant 112 : index
        %get3A_459 = tpu.vector_load %arg14[%get3A_457, %get3A_458] {strides = array<i32>} : memref<128x128xf32, #tpu.memory_space<vmem>>, vector<16xf32>,
        %mul3A_460 = arith.mulf %get3A_459, %gather3A_407 : vector<16xf32>
        %swap3A_461 = arith.index_cast %scan3A_405 : i32 to index
        %swap3A_462 = arith.constant 112 : index
        %swap3A_463 = tpu.vector_load %arg14[%swap3A_461, %swap3A_462] {strides = array<i32>} : memref<128x128xf32, #tpu.memory_space<vmem>>, vector<16xf32>,
        tpu.vector_store %arg14[%swap3A_461, %swap3A_462], %mul3A_460 {strides = array<i32>} : memref<128x128xf32, #tpu.memory_space<vmem>>, vector<16xf32>,
      }
      %scan3A_301 = arith.constant 128 : i32
      %dma_start3A_302 = arith.constant 6 : i32
      %dma_start3A_303 = arith.constant 0 : i32
      %dma_start3A_304 = tpu.memref_slice %arg12[%dma_start3A_302, %dma_start3A_303] : memref<8x128xi32, #tpu.memory_space<vmem>> -> memref<1x128xi32, #tpu.memory_space<vmem>>
      %dma_start3A_305 = tpu.memref_squeeze %dma_start3A_304 : memref<1x128xi32, #tpu.memory_space<vmem>> -> memref<128xi32, #tpu.memory_space<vmem>>
      %dma_start3A_306 = arith.constant 0 : i32
      %dma_start3A_307 = arith.constant 0 : i32
      %dma_start3A_308 = tpu.memref_slice %arg17[%dma_start3A_306, %dma_start3A_307] : memref<10240x128xf32, #tpu.memory_space<vmem_shared>> -> memref<10240x128xf32, #tpu.memory_space<vmem_shared>>
      tpu.enqueue_indirect_dma source(%arg14 : memref<128x128xf32, #tpu.memory_space<vmem>>) target(%dma_start3A_308 : memref<10240x128xf32, #tpu.memory_space<vmem_shared>>) offsets(%dma_start3A_305 : memref<128xi32, #tpu.memory_space<vmem>>) semaphore(%arg21 : memref<!tpu.dma_semaphore, #tpu.memory_space<semaphore_mem>>) {add = true}
      %dma_wait3A_309 = arith.constant 7 : i32
      %dma_wait3A_310 = arith.constant 0 : i32
      %dma_wait3A_311 = tpu.memref_slice %arg11[%dma_wait3A_309, %dma_wait3A_310] : memref<8x128xi32, #tpu.memory_space<vmem>> -> memref<1x128xi32, #tpu.memory_space<vmem>>
      %dma_wait3A_312 = tpu.memref_squeeze %dma_wait3A_311 : memref<1x128xi32, #tpu.memory_space<vmem>> -> memref<128xi32, #tpu.memory_space<vmem>>
      %dma_wait3A_313 = arith.constant 0 : i32
      %dma_wait3A_314 = arith.constant 0 : i32
      %dma_wait3A_315 = tpu.memref_slice %arg2[%dma_wait3A_313, %dma_wait3A_314] : memref<10000x128xf32, #tpu.memory_space<hbm>> -> memref<10000x128xf32, #tpu.memory_space<hbm>>
      tpu.wait_indirect_dma semaphore(%arg20 : memref<!tpu.dma_semaphore, #tpu.memory_space<semaphore_mem>>) src(%dma_wait3A_315 : memref<10000x128xf32, #tpu.memory_space<hbm>>) dst(%arg15 : memref<128x128xf32, #tpu.memory_space<vmem>>)
      %scan3A_316 = arith.constant 0 : i32
      %scan3A_317 = arith.constant 0 : i32
      %scan3A_318 = arith.constant 8 : i32
      %scan3A_319 = arith.addi %scan3A_317, %scan3A_318 : i32
      %scan3A_320 = arith.constant 1 : i32
      scf.for %scan3A_349 = %scan3A_317 to %scan3A_319 step %scan3A_320  : i32 {
        %mul3A_350 = arith.constant 16 : i32
        %mul3A_351 = arith.muli %scan3A_349, %mul3A_350 : i32
        %get3A = arith.constant 7 : i32
        %get3A_352 = arith.index_cast %get3A : i32 to index
        %get3A_353 = arith.index_cast %mul3A_351 : i32 to index
        %get3A_354 = tpu.vector_load %arg11[%get3A_352, %get3A_353] {strides = array<i32>} : memref<8x128xi32, #tpu.memory_space<vmem>>, vector<16xi32>,
        %get3A_355 = arith.constant 7 : i32
        %get3A_356 = arith.index_cast %get3A_355 : i32 to index
        %get3A_357 = arith.index_cast %mul3A_351 : i32 to index
        %get3A_358 = tpu.vector_load %arg13[%get3A_356, %get3A_357] {strides = array<i32>} : memref<8x128xf32, #tpu.memory_space<vmem>>, vector<16xf32>,
        %gather3A = tpu.vector_load_idx %arg10[%get3A_354] : memref<10240xf32, #tpu.memory_space<vmem>>[vector<16xi32>], vector<16xf32>,
        %mul3A_359 = arith.mulf %get3A_358, %gather3A : vector<16xf32>
        %swap3A = arith.index_cast %mul3A_351 : i32 to index
        %swap3A_360 = tpu.vector_load %arg16[%swap3A] {strides = array<i32>} : memref<128xf32, #tpu.memory_space<vmem>>, vector<16xf32>,
        tpu.vector_store %arg16[%swap3A], %mul3A_359 {strides = array<i32>} : memref<128xf32, #tpu.memory_space<vmem>>, vector<16xf32>,
      }
      %scan3A_321 = arith.constant 8 : i32
      %scan3A_322 = arith.constant 0 : i32
      %scan3A_323 = arith.constant 0 : i32
      %scan3A_324 = arith.constant 128 : i32
      %scan3A_325 = arith.addi %scan3A_323, %scan3A_324 : i32
      %scan3A_326 = arith.constant 2 : i32
      scf.for %scan3A_349 = %scan3A_323 to %scan3A_325 step %scan3A_326  : i32 {
        %broadcast_in_dim3A = vector.broadcast %scan3A_349 : i32 to vector<16xi32>
        %gather3A = tpu.vector_load_idx %arg16[%broadcast_in_dim3A] : memref<128xf32, #tpu.memory_space<vmem>>[vector<16xi32>], vector<16xf32>,
        %get3A = arith.index_cast %scan3A_349 : i32 to index
        %get3A_350 = arith.constant 0 : index
        %get3A_351 = tpu.vector_load %arg15[%get3A, %get3A_350] {strides = array<i32>} : memref<128x128xf32, #tpu.memory_space<vmem>>, vector<16xf32>,
        %mul3A_352 = arith.mulf %get3A_351, %gather3A : vector<16xf32>
        %swap3A = arith.index_cast %scan3A_349 : i32 to index
        %swap3A_353 = arith.constant 0 : index
        %swap3A_354 = tpu.vector_load %arg15[%swap3A, %swap3A_353] {strides = array<i32>} : memref<128x128xf32, #tpu.memory_space<vmem>>, vector<16xf32>,
        tpu.vector_store %arg15[%swap3A, %swap3A_353], %mul3A_352 {strides = array<i32>} : memref<128x128xf32, #tpu.memory_space<vmem>>, vector<16xf32>,
        %get3A_355 = arith.index_cast %scan3A_349 : i32 to index
        %get3A_356 = arith.constant 16 : index
        %get3A_357 = tpu.vector_load %arg15[%get3A_355, %get3A_356] {strides = array<i32>} : memref<128x128xf32, #tpu.memory_space<vmem>>, vector<16xf32>,
        %mul3A_358 = arith.mulf %get3A_357, %gather3A : vector<16xf32>
        %swap3A_359 = arith.index_cast %scan3A_349 : i32 to index
        %swap3A_360 = arith.constant 16 : index
        %swap3A_361 = tpu.vector_load %arg15[%swap3A_359, %swap3A_360] {strides = array<i32>} : memref<128x128xf32, #tpu.memory_space<vmem>>, vector<16xf32>,
        tpu.vector_store %arg15[%swap3A_359, %swap3A_360], %mul3A_358 {strides = array<i32>} : memref<128x128xf32, #tpu.memory_space<vmem>>, vector<16xf32>,
        %get3A_362 = arith.index_cast %scan3A_349 : i32 to index
        %get3A_363 = arith.constant 32 : index
        %get3A_364 = tpu.vector_load %arg15[%get3A_362, %get3A_363] {strides = array<i32>} : memref<128x128xf32, #tpu.memory_space<vmem>>, vector<16xf32>,
        %mul3A_365 = arith.mulf %get3A_364, %gather3A : vector<16xf32>
        %swap3A_366 = arith.index_cast %scan3A_349 : i32 to index
        %swap3A_367 = arith.constant 32 : index
        %swap3A_368 = tpu.vector_load %arg15[%swap3A_366, %swap3A_367] {strides = array<i32>} : memref<128x128xf32, #tpu.memory_space<vmem>>, vector<16xf32>,
        tpu.vector_store %arg15[%swap3A_366, %swap3A_367], %mul3A_365 {strides = array<i32>} : memref<128x128xf32, #tpu.memory_space<vmem>>, vector<16xf32>,
        %get3A_369 = arith.index_cast %scan3A_349 : i32 to index
        %get3A_370 = arith.constant 48 : index
        %get3A_371 = tpu.vector_load %arg15[%get3A_369, %get3A_370] {strides = array<i32>} : memref<128x128xf32, #tpu.memory_space<vmem>>, vector<16xf32>,
        %mul3A_372 = arith.mulf %get3A_371, %gather3A : vector<16xf32>
        %swap3A_373 = arith.index_cast %scan3A_349 : i32 to index
        %swap3A_374 = arith.constant 48 : index
        %swap3A_375 = tpu.vector_load %arg15[%swap3A_373, %swap3A_374] {strides = array<i32>} : memref<128x128xf32, #tpu.memory_space<vmem>>, vector<16xf32>,
        tpu.vector_store %arg15[%swap3A_373, %swap3A_374], %mul3A_372 {strides = array<i32>} : memref<128x128xf32, #tpu.memory_space<vmem>>, vector<16xf32>,
        %get3A_376 = arith.index_cast %scan3A_349 : i32 to index
        %get3A_377 = arith.constant 64 : index
        %get3A_378 = tpu.vector_load %arg15[%get3A_376, %get3A_377] {strides = array<i32>} : memref<128x128xf32, #tpu.memory_space<vmem>>, vector<16xf32>,
        %mul3A_379 = arith.mulf %get3A_378, %gather3A : vector<16xf32>
        %swap3A_380 = arith.index_cast %scan3A_349 : i32 to index
        %swap3A_381 = arith.constant 64 : index
        %swap3A_382 = tpu.vector_load %arg15[%swap3A_380, %swap3A_381] {strides = array<i32>} : memref<128x128xf32, #tpu.memory_space<vmem>>, vector<16xf32>,
        tpu.vector_store %arg15[%swap3A_380, %swap3A_381], %mul3A_379 {strides = array<i32>} : memref<128x128xf32, #tpu.memory_space<vmem>>, vector<16xf32>,
        %get3A_383 = arith.index_cast %scan3A_349 : i32 to index
        %get3A_384 = arith.constant 80 : index
        %get3A_385 = tpu.vector_load %arg15[%get3A_383, %get3A_384] {strides = array<i32>} : memref<128x128xf32, #tpu.memory_space<vmem>>, vector<16xf32>,
        %mul3A_386 = arith.mulf %get3A_385, %gather3A : vector<16xf32>
        %swap3A_387 = arith.index_cast %scan3A_349 : i32 to index
        %swap3A_388 = arith.constant 80 : index
        %swap3A_389 = tpu.vector_load %arg15[%swap3A_387, %swap3A_388] {strides = array<i32>} : memref<128x128xf32, #tpu.memory_space<vmem>>, vector<16xf32>,
        tpu.vector_store %arg15[%swap3A_387, %swap3A_388], %mul3A_386 {strides = array<i32>} : memref<128x128xf32, #tpu.memory_space<vmem>>, vector<16xf32>,
        %get3A_390 = arith.index_cast %scan3A_349 : i32 to index
        %get3A_391 = arith.constant 96 : index
        %get3A_392 = tpu.vector_load %arg15[%get3A_390, %get3A_391] {strides = array<i32>} : memref<128x128xf32, #tpu.memory_space<vmem>>, vector<16xf32>,
        %mul3A_393 = arith.mulf %get3A_392, %gather3A : vector<16xf32>
        %swap3A_394 = arith.index_cast %scan3A_349 : i32 to index
        %swap3A_395 = arith.constant 96 : index
        %swap3A_396 = tpu.vector_load %arg15[%swap3A_394, %swap3A_395] {strides = array<i32>} : memref<128x128xf32, #tpu.memory_space<vmem>>, vector<16xf32>,
        tpu.vector_store %arg15[%swap3A_394, %swap3A_395], %mul3A_393 {strides = array<i32>} : memref<128x128xf32, #tpu.memory_space<vmem>>, vector<16xf32>,
        %get3A_397 = arith.index_cast %scan3A_349 : i32 to index
        %get3A_398 = arith.constant 112 : index
        %get3A_399 = tpu.vector_load %arg15[%get3A_397, %get3A_398] {strides = array<i32>} : memref<128x128xf32, #tpu.memory_space<vmem>>, vector<16xf32>,
        %mul3A_400 = arith.mulf %get3A_399, %gather3A : vector<16xf32>
        %swap3A_401 = arith.index_cast %scan3A_349 : i32 to index
        %swap3A_402 = arith.constant 112 : index
        %swap3A_403 = tpu.vector_load %arg15[%swap3A_401, %swap3A_402] {strides = array<i32>} : memref<128x128xf32, #tpu.memory_space<vmem>>, vector<16xf32>,
        tpu.vector_store %arg15[%swap3A_401, %swap3A_402], %mul3A_400 {strides = array<i32>} : memref<128x128xf32, #tpu.memory_space<vmem>>, vector<16xf32>,
        %scan3A_404 = arith.constant 1 : i32
        %scan3A_405 = arith.addi %scan3A_349, %scan3A_404 : i32
        %broadcast_in_dim3A_406 = vector.broadcast %scan3A_405 : i32 to vector<16xi32>
        %gather3A_407 = tpu.vector_load_idx %arg16[%broadcast_in_dim3A_406] : memref<128xf32, #tpu.memory_space<vmem>>[vector<16xi32>], vector<16xf32>,
        %get3A_408 = arith.index_cast %scan3A_405 : i32 to index
        %get3A_409 = arith.constant 0 : index
        %get3A_410 = tpu.vector_load %arg15[%get3A_408, %get3A_409] {strides = array<i32>} : memref<128x128xf32, #tpu.memory_space<vmem>>, vector<16xf32>,
        %mul3A_411 = arith.mulf %get3A_410, %gather3A_407 : vector<16xf32>
        %swap3A_412 = arith.index_cast %scan3A_405 : i32 to index
        %swap3A_413 = arith.constant 0 : index
        %swap3A_414 = tpu.vector_load %arg15[%swap3A_412, %swap3A_413] {strides = array<i32>} : memref<128x128xf32, #tpu.memory_space<vmem>>, vector<16xf32>,
        tpu.vector_store %arg15[%swap3A_412, %swap3A_413], %mul3A_411 {strides = array<i32>} : memref<128x128xf32, #tpu.memory_space<vmem>>, vector<16xf32>,
        %get3A_415 = arith.index_cast %scan3A_405 : i32 to index
        %get3A_416 = arith.constant 16 : index
        %get3A_417 = tpu.vector_load %arg15[%get3A_415, %get3A_416] {strides = array<i32>} : memref<128x128xf32, #tpu.memory_space<vmem>>, vector<16xf32>,
        %mul3A_418 = arith.mulf %get3A_417, %gather3A_407 : vector<16xf32>
        %swap3A_419 = arith.index_cast %scan3A_405 : i32 to index
        %swap3A_420 = arith.constant 16 : index
        %swap3A_421 = tpu.vector_load %arg15[%swap3A_419, %swap3A_420] {strides = array<i32>} : memref<128x128xf32, #tpu.memory_space<vmem>>, vector<16xf32>,
        tpu.vector_store %arg15[%swap3A_419, %swap3A_420], %mul3A_418 {strides = array<i32>} : memref<128x128xf32, #tpu.memory_space<vmem>>, vector<16xf32>,
        %get3A_422 = arith.index_cast %scan3A_405 : i32 to index
        %get3A_423 = arith.constant 32 : index
        %get3A_424 = tpu.vector_load %arg15[%get3A_422, %get3A_423] {strides = array<i32>} : memref<128x128xf32, #tpu.memory_space<vmem>>, vector<16xf32>,
        %mul3A_425 = arith.mulf %get3A_424, %gather3A_407 : vector<16xf32>
        %swap3A_426 = arith.index_cast %scan3A_405 : i32 to index
        %swap3A_427 = arith.constant 32 : index
        %swap3A_428 = tpu.vector_load %arg15[%swap3A_426, %swap3A_427] {strides = array<i32>} : memref<128x128xf32, #tpu.memory_space<vmem>>, vector<16xf32>,
        tpu.vector_store %arg15[%swap3A_426, %swap3A_427], %mul3A_425 {strides = array<i32>} : memref<128x128xf32, #tpu.memory_space<vmem>>, vector<16xf32>,
        %get3A_429 = arith.index_cast %scan3A_405 : i32 to index
        %get3A_430 = arith.constant 48 : index
        %get3A_431 = tpu.vector_load %arg15[%get3A_429, %get3A_430] {strides = array<i32>} : memref<128x128xf32, #tpu.memory_space<vmem>>, vector<16xf32>,
        %mul3A_432 = arith.mulf %get3A_431, %gather3A_407 : vector<16xf32>
        %swap3A_433 = arith.index_cast %scan3A_405 : i32 to index
        %swap3A_434 = arith.constant 48 : index
        %swap3A_435 = tpu.vector_load %arg15[%swap3A_433, %swap3A_434] {strides = array<i32>} : memref<128x128xf32, #tpu.memory_space<vmem>>, vector<16xf32>,
        tpu.vector_store %arg15[%swap3A_433, %swap3A_434], %mul3A_432 {strides = array<i32>} : memref<128x128xf32, #tpu.memory_space<vmem>>, vector<16xf32>,
        %get3A_436 = arith.index_cast %scan3A_405 : i32 to index
        %get3A_437 = arith.constant 64 : index
        %get3A_438 = tpu.vector_load %arg15[%get3A_436, %get3A_437] {strides = array<i32>} : memref<128x128xf32, #tpu.memory_space<vmem>>, vector<16xf32>,
        %mul3A_439 = arith.mulf %get3A_438, %gather3A_407 : vector<16xf32>
        %swap3A_440 = arith.index_cast %scan3A_405 : i32 to index
        %swap3A_441 = arith.constant 64 : index
        %swap3A_442 = tpu.vector_load %arg15[%swap3A_440, %swap3A_441] {strides = array<i32>} : memref<128x128xf32, #tpu.memory_space<vmem>>, vector<16xf32>,
        tpu.vector_store %arg15[%swap3A_440, %swap3A_441], %mul3A_439 {strides = array<i32>} : memref<128x128xf32, #tpu.memory_space<vmem>>, vector<16xf32>,
        %get3A_443 = arith.index_cast %scan3A_405 : i32 to index
        %get3A_444 = arith.constant 80 : index
        %get3A_445 = tpu.vector_load %arg15[%get3A_443, %get3A_444] {strides = array<i32>} : memref<128x128xf32, #tpu.memory_space<vmem>>, vector<16xf32>,
        %mul3A_446 = arith.mulf %get3A_445, %gather3A_407 : vector<16xf32>
        %swap3A_447 = arith.index_cast %scan3A_405 : i32 to index
        %swap3A_448 = arith.constant 80 : index
        %swap3A_449 = tpu.vector_load %arg15[%swap3A_447, %swap3A_448] {strides = array<i32>} : memref<128x128xf32, #tpu.memory_space<vmem>>, vector<16xf32>,
        tpu.vector_store %arg15[%swap3A_447, %swap3A_448], %mul3A_446 {strides = array<i32>} : memref<128x128xf32, #tpu.memory_space<vmem>>, vector<16xf32>,
        %get3A_450 = arith.index_cast %scan3A_405 : i32 to index
        %get3A_451 = arith.constant 96 : index
        %get3A_452 = tpu.vector_load %arg15[%get3A_450, %get3A_451] {strides = array<i32>} : memref<128x128xf32, #tpu.memory_space<vmem>>, vector<16xf32>,
        %mul3A_453 = arith.mulf %get3A_452, %gather3A_407 : vector<16xf32>
        %swap3A_454 = arith.index_cast %scan3A_405 : i32 to index
        %swap3A_455 = arith.constant 96 : index
        %swap3A_456 = tpu.vector_load %arg15[%swap3A_454, %swap3A_455] {strides = array<i32>} : memref<128x128xf32, #tpu.memory_space<vmem>>, vector<16xf32>,
        tpu.vector_store %arg15[%swap3A_454, %swap3A_455], %mul3A_453 {strides = array<i32>} : memref<128x128xf32, #tpu.memory_space<vmem>>, vector<16xf32>,
        %get3A_457 = arith.index_cast %scan3A_405 : i32 to index
        %get3A_458 = arith.constant 112 : index
        %get3A_459 = tpu.vector_load %arg15[%get3A_457, %get3A_458] {strides = array<i32>} : memref<128x128xf32, #tpu.memory_space<vmem>>, vector<16xf32>,
        %mul3A_460 = arith.mulf %get3A_459, %gather3A_407 : vector<16xf32>
        %swap3A_461 = arith.index_cast %scan3A_405 : i32 to index
        %swap3A_462 = arith.constant 112 : index
        %swap3A_463 = tpu.vector_load %arg15[%swap3A_461, %swap3A_462] {strides = array<i32>} : memref<128x128xf32, #tpu.memory_space<vmem>>, vector<16xf32>,
        tpu.vector_store %arg15[%swap3A_461, %swap3A_462], %mul3A_460 {strides = array<i32>} : memref<128x128xf32, #tpu.memory_space<vmem>>, vector<16xf32>,
      }
      %scan3A_327 = arith.constant 128 : i32
      %dma_start3A_328 = arith.constant 7 : i32
      %dma_start3A_329 = arith.constant 0 : i32
      %dma_start3A_330 = tpu.memref_slice %arg12[%dma_start3A_328, %dma_start3A_329] : memref<8x128xi32, #tpu.memory_space<vmem>> -> memref<1x128xi32, #tpu.memory_space<vmem>>
      %dma_start3A_331 = tpu.memref_squeeze %dma_start3A_330 : memref<1x128xi32, #tpu.memory_space<vmem>> -> memref<128xi32, #tpu.memory_space<vmem>>
      %dma_start3A_332 = arith.constant 0 : i32
      %dma_start3A_333 = arith.constant 0 : i32
      %dma_start3A_334 = tpu.memref_slice %arg17[%dma_start3A_332, %dma_start3A_333] : memref<10240x128xf32, #tpu.memory_space<vmem_shared>> -> memref<10240x128xf32, #tpu.memory_space<vmem_shared>>
      tpu.enqueue_indirect_dma source(%arg15 : memref<128x128xf32, #tpu.memory_space<vmem>>) target(%dma_start3A_334 : memref<10240x128xf32, #tpu.memory_space<vmem_shared>>) offsets(%dma_start3A_331 : memref<128xi32, #tpu.memory_space<vmem>>) semaphore(%arg22 : memref<!tpu.dma_semaphore, #tpu.memory_space<semaphore_mem>>) {add = true}
      %dma_wait3A_335 = arith.constant 6 : i32
      %dma_wait3A_336 = arith.constant 0 : i32
      %dma_wait3A_337 = tpu.memref_slice %arg12[%dma_wait3A_335, %dma_wait3A_336] : memref<8x128xi32, #tpu.memory_space<vmem>> -> memref<1x128xi32, #tpu.memory_space<vmem>>
      %dma_wait3A_338 = tpu.memref_squeeze %dma_wait3A_337 : memref<1x128xi32, #tpu.memory_space<vmem>> -> memref<128xi32, #tpu.memory_space<vmem>>
      %dma_wait3A_339 = arith.constant 0 : i32
      %dma_wait3A_340 = arith.constant 0 : i32
      %dma_wait3A_341 = tpu.memref_slice %arg17[%dma_wait3A_339, %dma_wait3A_340] : memref<10240x128xf32, #tpu.memory_space<vmem_shared>> -> memref<10240x128xf32, #tpu.memory_space<vmem_shared>>
      tpu.wait_indirect_dma semaphore(%arg21 : memref<!tpu.dma_semaphore, #tpu.memory_space<semaphore_mem>>) src(%arg14 : memref<128x128xf32, #tpu.memory_space<vmem>>) dst(%dma_wait3A_341 : memref<10240x128xf32, #tpu.memory_space<vmem_shared>>)
      %dma_wait3A_342 = arith.constant 7 : i32
      %dma_wait3A_343 = arith.constant 0 : i32
      %dma_wait3A_344 = tpu.memref_slice %arg12[%dma_wait3A_342, %dma_wait3A_343] : memref<8x128xi32, #tpu.memory_space<vmem>> -> memref<1x128xi32, #tpu.memory_space<vmem>>
      %dma_wait3A_345 = tpu.memref_squeeze %dma_wait3A_344 : memref<1x128xi32, #tpu.memory_space<vmem>> -> memref<128xi32, #tpu.memory_space<vmem>>
      %dma_wait3A_346 = arith.constant 0 : i32
      %dma_wait3A_347 = arith.constant 0 : i32
      %dma_wait3A_348 = tpu.memref_slice %arg17[%dma_wait3A_346, %dma_wait3A_347] : memref<10240x128xf32, #tpu.memory_space<vmem_shared>> -> memref<10240x128xf32, #tpu.memory_space<vmem_shared>>
      tpu.wait_indirect_dma semaphore(%arg22 : memref<!tpu.dma_semaphore, #tpu.memory_space<semaphore_mem>>) src(%arg15 : memref<128x128xf32, #tpu.memory_space<vmem>>) dst(%dma_wait3A_348 : memref<10240x128xf32, #tpu.memory_space<vmem_shared>>)
    }
    %scan3A_18 = arith.constant 10 : i32
    %barrier3A_19 = arith.constant 0 : index
    tpu.barrier barrier_id(%barrier3A_19)
    "tpu.region"() ({
      %run_scoped3A = tpu.sem_alloc : memref<!tpu.dma_semaphore, #tpu.memory_space<semaphore_mem>>
      %dma_start3A = arith.constant 0 : i32
      %dma_start3A_22 = tpu.memref_slice %arg8[%arg0, %mul3A_0, %dma_start3A] : memref<2x10240x128xf32, #tpu.memory_space<hbm>> -> memref<1x640x128xf32, #tpu.memory_space<hbm>>
      %dma_start3A_23 = tpu.memref_squeeze %dma_start3A_22 : memref<1x640x128xf32, #tpu.memory_space<hbm>> -> memref<640x128xf32, #tpu.memory_space<hbm>>
      %dma_start3A_24 = arith.constant 0 : i32
      %dma_start3A_25 = tpu.memref_slice %arg17[%mul3A_0, %dma_start3A_24] : memref<10240x128xf32, #tpu.memory_space<vmem_shared>> -> memref<640x128xf32, #tpu.memory_space<vmem_shared>>
      tpu.enqueue_dma source(%dma_start3A_25 : memref<640x128xf32, #tpu.memory_space<vmem_shared>>) target(%dma_start3A_23 : memref<640x128xf32, #tpu.memory_space<hbm>>) target_semaphore(%run_scoped3A : memref<!tpu.dma_semaphore, #tpu.memory_space<semaphore_mem>>)
      %dma_wait3A = arith.constant 0 : i32
      %dma_wait3A_26 = tpu.memref_slice %arg8[%arg0, %mul3A_0, %dma_wait3A] : memref<2x10240x128xf32, #tpu.memory_space<hbm>> -> memref<1x640x128xf32, #tpu.memory_space<hbm>>
      %dma_wait3A_27 = tpu.memref_squeeze %dma_wait3A_26 : memref<1x640x128xf32, #tpu.memory_space<hbm>> -> memref<640x128xf32, #tpu.memory_space<hbm>>
      %dma_wait3A_28 = arith.constant 0 : i32
      %dma_wait3A_29 = tpu.memref_slice %arg17[%mul3A_0, %dma_wait3A_28] : memref<10240x128xf32, #tpu.memory_space<vmem_shared>> -> memref<640x128xf32, #tpu.memory_space<vmem_shared>>
      tpu.wait_dma2 semaphore(%run_scoped3A : memref<!tpu.dma_semaphore, #tpu.memory_space<semaphore_mem>>) src(%dma_wait3A_29 : memref<640x128xf32, #tpu.memory_space<vmem_shared>>) dst(%dma_wait3A_27 : memref<640x128xf32, #tpu.memory_space<hbm>>)
      tpu.yield
    }) : () -> ()
    %mul3A_20 = arith.constant 10240 : i32
    %mul3A_21 = arith.muli %arg0, %mul3A_20 : i32
    %add3A = arith.addi %mul3A_21, %mul3A_0 : i32
    "tpu.region"() ({
      %run_scoped3A = tpu.sem_alloc : memref<!tpu.dma_semaphore, #tpu.memory_space<semaphore_mem>>
      %dma_start3A = tpu.memref_slice %arg9[%add3A] : memref<20480xf32, #tpu.memory_space<hbm>> -> memref<640xf32, #tpu.memory_space<hbm>>
      %dma_start3A_22 = tpu.memref_slice %arg18[%mul3A_0] : memref<10240xf32, #tpu.memory_space<vmem_shared>> -> memref<640xf32, #tpu.memory_space<vmem_shared>>
      tpu.enqueue_dma source(%dma_start3A_22 : memref<640xf32, #tpu.memory_space<vmem_shared>>) target(%dma_start3A : memref<640xf32, #tpu.memory_space<hbm>>) target_semaphore(%run_scoped3A : memref<!tpu.dma_semaphore, #tpu.memory_space<semaphore_mem>>)
      %dma_wait3A = tpu.memref_slice %arg9[%add3A] : memref<20480xf32, #tpu.memory_space<hbm>> -> memref<640xf32, #tpu.memory_space<hbm>>
      %dma_wait3A_23 = tpu.memref_slice %arg18[%mul3A_0] : memref<10240xf32, #tpu.memory_space<vmem_shared>> -> memref<640xf32, #tpu.memory_space<vmem_shared>>
      tpu.wait_dma2 semaphore(%run_scoped3A : memref<!tpu.dma_semaphore, #tpu.memory_space<semaphore_mem>>) src(%dma_wait3A_23 : memref<640xf32, #tpu.memory_space<vmem_shared>>) dst(%dma_wait3A : memref<640xf32, #tpu.memory_space<hbm>>)
      tpu.yield
    }) : () -> ()
    return
  }
}

module attributes {stable_mosaic.version = 14 : i64} {
  func.func @_tc_body(%arg0: i32, %arg1: memref<1000x128xf32, #tpu.memory_space<vmem>>, %arg2: memref<1000x128xf32, #tpu.memory_space<vmem>>, %arg3: memref<1000x128xf32, #tpu.memory_space<vmem>>, %arg4: memref<1000x1xf32, #tpu.memory_space<vmem>>, %arg5: memref<128x128xf32, #tpu.memory_space<vmem>>, %arg6: memref<1x128xf32, #tpu.memory_space<vmem>>, %arg7: memref<128x128xf32, #tpu.memory_space<vmem>>, %arg8: memref<1x128xf32, #tpu.memory_space<vmem>>, %arg9: memref<128x128xf32, #tpu.memory_space<vmem>>, %arg10: memref<1x128xf32, #tpu.memory_space<vmem>>, %arg11: memref<128x128xf32, #tpu.memory_space<vmem>>, %arg12: memref<1x128xf32, #tpu.memory_space<vmem>>, %arg13: memref<128x128xf32, #tpu.memory_space<vmem>>, %arg14: memref<1x128xf32, #tpu.memory_space<vmem>>, %arg15: memref<128x128xf32, #tpu.memory_space<vmem>>, %arg16: memref<1x128xf32, #tpu.memory_space<vmem>>, %arg17: memref<128x128xf32, #tpu.memory_space<vmem>>, %arg18: memref<1x128xf32, #tpu.memory_space<vmem>>, %arg19: memref<128x128xf32, #tpu.memory_space<vmem>>, %arg20: memref<1x128xf32, #tpu.memory_space<vmem>>, %arg21: memref<1000x1xf32, #tpu.memory_space<vmem>>, %arg22: memref<1x1xf32, #tpu.memory_space<vmem>>, %arg23: memref<1x128xf32, #tpu.memory_space<vmem>>) attributes {dimension_semantics = [#tpu.dimension_semantics<arbitrary>], iteration_bounds = array<i64: 10>, scalar_prefetch = 0 : i64, scratch_operands = 1 : i64, tpu.core_type = #tpu.core_type<tc>, window_params = [{transform_indices = @transform_0, window_bounds = array<i64: 1000, 128>}, {transform_indices = @transform_1, window_bounds = array<i64: 1000, 128>}, {transform_indices = @transform_2, window_bounds = array<i64: 1000, 128>}, {transform_indices = @transform_3, window_bounds = array<i64: 1000, 1>}, {pipeline_mode = #tpu.pipeline_mode<synchronous>, transform_indices = @transform_4, window_bounds = array<i64: 128, 128>}, {pipeline_mode = #tpu.pipeline_mode<synchronous>, transform_indices = @transform_5, window_bounds = array<i64: 1, 128>}, {pipeline_mode = #tpu.pipeline_mode<synchronous>, transform_indices = @transform_6, window_bounds = array<i64: 128, 128>}, {pipeline_mode = #tpu.pipeline_mode<synchronous>, transform_indices = @transform_7, window_bounds = array<i64: 1, 128>}, {pipeline_mode = #tpu.pipeline_mode<synchronous>, transform_indices = @transform_8, window_bounds = array<i64: 128, 128>}, {pipeline_mode = #tpu.pipeline_mode<synchronous>, transform_indices = @transform_9, window_bounds = array<i64: 1, 128>}, {pipeline_mode = #tpu.pipeline_mode<synchronous>, transform_indices = @transform_10, window_bounds = array<i64: 128, 128>}, {pipeline_mode = #tpu.pipeline_mode<synchronous>, transform_indices = @transform_11, window_bounds = array<i64: 1, 128>}, {pipeline_mode = #tpu.pipeline_mode<synchronous>, transform_indices = @transform_12, window_bounds = array<i64: 128, 128>}, {pipeline_mode = #tpu.pipeline_mode<synchronous>, transform_indices = @transform_13, window_bounds = array<i64: 1, 128>}, {pipeline_mode = #tpu.pipeline_mode<synchronous>, transform_indices = @transform_14, window_bounds = array<i64: 128, 128>}, {pipeline_mode = #tpu.pipeline_mode<synchronous>, transform_indices = @transform_15, window_bounds = array<i64: 1, 128>}, {pipeline_mode = #tpu.pipeline_mode<synchronous>, transform_indices = @transform_16, window_bounds = array<i64: 128, 128>}, {pipeline_mode = #tpu.pipeline_mode<synchronous>, transform_indices = @transform_17, window_bounds = array<i64: 1, 128>}, {pipeline_mode = #tpu.pipeline_mode<synchronous>, transform_indices = @transform_18, window_bounds = array<i64: 128, 128>}, {pipeline_mode = #tpu.pipeline_mode<synchronous>, transform_indices = @transform_19, window_bounds = array<i64: 1, 128>}, {transform_indices = @transform_20, window_bounds = array<i64: 1000, 1>}, {pipeline_mode = #tpu.pipeline_mode<synchronous>, transform_indices = @transform_21, window_bounds = array<i64: 1, 1>}]} {
    %get3A = arith.constant 0 : index
    %get3A_0 = arith.constant 0 : index
    %get3A_1 = vector.load %arg1[%get3A, %get3A_0] : memref<1000x128xf32, #tpu.memory_space<vmem>>, vector<1000x128xf32>
    %get3A_2 = arith.constant 0 : index
    %get3A_3 = arith.constant 0 : index
    %get3A_4 = vector.load %arg4[%get3A_2, %get3A_3] : memref<1000x1xf32, #tpu.memory_space<vmem>>, vector<1000x1xf32>
    %add3A = arith.constant 1.000000e+00 : f32
    %add3A_5 = vector.broadcast %add3A : f32 to vector<1000x1xf32>
    %add3A_6 = arith.addf %get3A_4, %add3A_5 : vector<1000x1xf32>
    %rsqrt3A = math.rsqrt %add3A_6 : vector<1000x1xf32>
    %mul3A = arith.constant 5.000000e-01 : f32
    %mul3A_7 = vector.broadcast %mul3A : f32 to vector<1000x1xf32>
    %mul3A_8 = arith.mulf %mul3A_7, %add3A_6 : vector<1000x1xf32>
    %mul3A_9 = arith.mulf %mul3A_8, %rsqrt3A : vector<1000x1xf32>
    %mul3A_10 = arith.mulf %mul3A_9, %rsqrt3A : vector<1000x1xf32>
    %sub3A = arith.constant 1.500000e+00 : f32
    %sub3A_11 = vector.broadcast %sub3A : f32 to vector<1000x1xf32>
    %sub3A_12 = arith.subf %sub3A_11, %mul3A_10 : vector<1000x1xf32>
    %mul3A_13 = arith.mulf %rsqrt3A, %sub3A_12 : vector<1000x1xf32>
    %get3A_14 = arith.constant 0 : index
    %get3A_15 = arith.constant 0 : index
    %get3A_16 = vector.load %arg2[%get3A_14, %get3A_15] : memref<1000x128xf32, #tpu.memory_space<vmem>>, vector<1000x128xf32>
    %get3A_17 = arith.constant 0 : index
    %get3A_18 = arith.constant 0 : index
    %get3A_19 = vector.load %arg3[%get3A_17, %get3A_18] : memref<1000x128xf32, #tpu.memory_space<vmem>>, vector<1000x128xf32>
    %add3A_20 = arith.addf %get3A_16, %get3A_19 : vector<1000x128xf32>
    %mul3A_21 = vector.broadcast %mul3A_13 : vector<1000x1xf32> to vector<1000x128xf32>
    %mul3A_22 = arith.mulf %mul3A_21, %get3A_1 : vector<1000x128xf32>
    %add3A_23 = arith.addf %add3A_20, %mul3A_22 : vector<1000x128xf32>
    %mul3A_24 = vector.broadcast %mul3A_13 : vector<1000x1xf32> to vector<1000x128xf32>
    %mul3A_25 = arith.mulf %mul3A_24, %add3A_23 : vector<1000x128xf32>
    %get3A_26 = arith.constant 0 : index
    %get3A_27 = arith.constant 0 : index
    %get3A_28 = vector.load %arg5[%get3A_26, %get3A_27] : memref<128x128xf32, #tpu.memory_space<vmem>>, vector<128x128xf32>
    %dot_general3A = arith.constant dense<0.000000e+00> : vector<1000x128xf32>
    %dot_general3A_29 = tpu.matmul %mul3A_25, %get3A_28, %dot_general3A {dimension_numbers = #tpu.dot_dimension_numbers<[1], [0], [0], [1], [0, 0, 1, 1], [], []>, precision = #tpu.contract_precision<fp32>, transpose_lhs_hint = false} : vector<1000x128xf32>, vector<128x128xf32>, vector<1000x128xf32> -> vector<1000x128xf32>
    %get3A_30 = arith.constant 0 : index
    %get3A_31 = arith.constant 0 : index
    %get3A_32 = vector.load %arg6[%get3A_30, %get3A_31] : memref<1x128xf32, #tpu.memory_space<vmem>>, vector<1x128xf32>
    %add3A_33 = vector.broadcast %get3A_32 : vector<1x128xf32> to vector<1000x128xf32>
    %add3A_34 = arith.addf %dot_general3A_29, %add3A_33 : vector<1000x128xf32>
    %ge3A = arith.constant 0.000000e+00 : f32
    %ge3A_35 = vector.broadcast %ge3A : f32 to vector<1000x128xf32>
    %ge3A_36 = arith.cmpf oge, %add3A_34, %ge3A_35 : vector<1000x128xf32>
    %mul3A_37 = arith.constant 0.00999999977 : f32
    %mul3A_38 = vector.broadcast %mul3A_37 : f32 to vector<1000x128xf32>
    %mul3A_39 = arith.mulf %mul3A_38, %add3A_34 : vector<1000x128xf32>
    %select_n3A = arith.select %ge3A_36, %add3A_34, %mul3A_39 : vector<1000x128xi1>, vector<1000x128xf32>
    %add3A_40 = arith.addf %select_n3A, %get3A_1 : vector<1000x128xf32>
    %get3A_41 = arith.constant 0 : index
    %get3A_42 = arith.constant 0 : index
    %get3A_43 = vector.load %arg7[%get3A_41, %get3A_42] : memref<128x128xf32, #tpu.memory_space<vmem>>, vector<128x128xf32>
    %dot_general3A_44 = arith.constant dense<0.000000e+00> : vector<1000x128xf32>
    %dot_general3A_45 = tpu.matmul %add3A_40, %get3A_43, %dot_general3A_44 {dimension_numbers = #tpu.dot_dimension_numbers<[1], [0], [0], [1], [0, 0, 1, 1], [], []>, precision = #tpu.contract_precision<fp32>, transpose_lhs_hint = false} : vector<1000x128xf32>, vector<128x128xf32>, vector<1000x128xf32> -> vector<1000x128xf32>
    %get3A_46 = arith.constant 0 : index
    %get3A_47 = arith.constant 0 : index
    %get3A_48 = vector.load %arg8[%get3A_46, %get3A_47] : memref<1x128xf32, #tpu.memory_space<vmem>>, vector<1x128xf32>
    %add3A_49 = vector.broadcast %get3A_48 : vector<1x128xf32> to vector<1000x128xf32>
    %add3A_50 = arith.addf %dot_general3A_45, %add3A_49 : vector<1000x128xf32>
    %ge3A_51 = arith.constant 0.000000e+00 : f32
    %ge3A_52 = vector.broadcast %ge3A_51 : f32 to vector<1000x128xf32>
    %ge3A_53 = arith.cmpf oge, %add3A_50, %ge3A_52 : vector<1000x128xf32>
    %mul3A_54 = arith.constant 0.00999999977 : f32
    %mul3A_55 = vector.broadcast %mul3A_54 : f32 to vector<1000x128xf32>
    %mul3A_56 = arith.mulf %mul3A_55, %add3A_50 : vector<1000x128xf32>
    %select_n3A_57 = arith.select %ge3A_53, %add3A_50, %mul3A_56 : vector<1000x128xi1>, vector<1000x128xf32>
    %get3A_58 = arith.constant 0 : index
    %get3A_59 = arith.constant 0 : index
    %get3A_60 = vector.load %arg9[%get3A_58, %get3A_59] : memref<128x128xf32, #tpu.memory_space<vmem>>, vector<128x128xf32>
    %dot_general3A_61 = arith.constant dense<0.000000e+00> : vector<1000x128xf32>
    %dot_general3A_62 = tpu.matmul %select_n3A_57, %get3A_60, %dot_general3A_61 {dimension_numbers = #tpu.dot_dimension_numbers<[1], [0], [0], [1], [0, 0, 1, 1], [], []>, precision = #tpu.contract_precision<fp32>, transpose_lhs_hint = false} : vector<1000x128xf32>, vector<128x128xf32>, vector<1000x128xf32> -> vector<1000x128xf32>
    %get3A_63 = arith.constant 0 : index
    %get3A_64 = arith.constant 0 : index
    %get3A_65 = vector.load %arg10[%get3A_63, %get3A_64] : memref<1x128xf32, #tpu.memory_space<vmem>>, vector<1x128xf32>
    %add3A_66 = vector.broadcast %get3A_65 : vector<1x128xf32> to vector<1000x128xf32>
    %add3A_67 = arith.addf %dot_general3A_62, %add3A_66 : vector<1000x128xf32>
    %ge3A_68 = arith.constant 0.000000e+00 : f32
    %ge3A_69 = vector.broadcast %ge3A_68 : f32 to vector<1000x128xf32>
    %ge3A_70 = arith.cmpf oge, %add3A_67, %ge3A_69 : vector<1000x128xf32>
    %mul3A_71 = arith.constant 0.00999999977 : f32
    %mul3A_72 = vector.broadcast %mul3A_71 : f32 to vector<1000x128xf32>
    %mul3A_73 = arith.mulf %mul3A_72, %add3A_67 : vector<1000x128xf32>
    %select_n3A_74 = arith.select %ge3A_70, %add3A_67, %mul3A_73 : vector<1000x128xi1>, vector<1000x128xf32>
    %get3A_75 = arith.constant 0 : index
    %get3A_76 = arith.constant 0 : index
    %get3A_77 = vector.load %arg11[%get3A_75, %get3A_76] : memref<128x128xf32, #tpu.memory_space<vmem>>, vector<128x128xf32>
    %dot_general3A_78 = arith.constant dense<0.000000e+00> : vector<1000x128xf32>
    %dot_general3A_79 = tpu.matmul %select_n3A_74, %get3A_77, %dot_general3A_78 {dimension_numbers = #tpu.dot_dimension_numbers<[1], [0], [0], [1], [0, 0, 1, 1], [], []>, precision = #tpu.contract_precision<fp32>, transpose_lhs_hint = false} : vector<1000x128xf32>, vector<128x128xf32>, vector<1000x128xf32> -> vector<1000x128xf32>
    %get3A_80 = arith.constant 0 : index
    %get3A_81 = arith.constant 0 : index
    %get3A_82 = vector.load %arg12[%get3A_80, %get3A_81] : memref<1x128xf32, #tpu.memory_space<vmem>>, vector<1x128xf32>
    %add3A_83 = vector.broadcast %get3A_82 : vector<1x128xf32> to vector<1000x128xf32>
    %add3A_84 = arith.addf %dot_general3A_79, %add3A_83 : vector<1000x128xf32>
    %slice3A = vector.extract_strided_slice %add3A_84 {offsets = [0, 0], sizes = [1000, 1], strides = [1, 1]} : vector<1000x128xf32> to vector<1000x1xf32>
    %custom_jvp_call3A = arith.constant 0.000000e+00 : f32
    %max3A = vector.broadcast %custom_jvp_call3A : f32 to vector<1000x1xf32>
    %max3A_85 = arith.maximumf %slice3A, %max3A : vector<1000x1xf32>
    %sub3A_86 = vector.broadcast %custom_jvp_call3A : f32 to vector<1000x1xf32>
    %sub3A_87 = arith.subf %slice3A, %sub3A_86 : vector<1000x1xf32>
    %ne3A = arith.cmpf one, %sub3A_87, %sub3A_87 : vector<1000x1xf32>
    %add3A_88 = vector.broadcast %custom_jvp_call3A : f32 to vector<1000x1xf32>
    %add3A_89 = arith.addf %slice3A, %add3A_88 : vector<1000x1xf32>
    %abs3A = math.absf %sub3A_87 : vector<1000x1xf32>
    %neg3A = arith.constant 0.000000e+00 : f32
    %neg3A_90 = vector.broadcast %neg3A : f32 to vector<1000x1xf32>
    %neg3A_91 = arith.subf %neg3A_90, %abs3A : vector<1000x1xf32>
    %exp3A = math.exp %neg3A_91 : vector<1000x1xf32>
    %log1p3A = math.log1p %exp3A : vector<1000x1xf32>
    %add3A_92 = arith.addf %max3A_85, %log1p3A : vector<1000x1xf32>
    %select_n3A_93 = arith.select %ne3A, %add3A_89, %add3A_92 : vector<1000x1xi1>, vector<1000x1xf32>
    %add3A_94 = arith.constant 9.99999968E-21 : f32
    %add3A_95 = vector.broadcast %add3A_94 : f32 to vector<1000x1xf32>
    %add3A_96 = arith.addf %select_n3A_93, %add3A_95 : vector<1000x1xf32>
    %swap3A = arith.constant 0 : index
    %swap3A_97 = arith.constant 0 : index
    %swap3A_98 = vector.load %arg21[%swap3A, %swap3A_97] : memref<1000x1xf32, #tpu.memory_space<vmem>>, vector<1000x1xf32>
    tpu.vector_store %arg21[%swap3A, %swap3A_97], %add3A_96 {strides = array<i32>} : memref<1000x1xf32, #tpu.memory_space<vmem>>, vector<1000x1xf32>,
    %get3A_99 = arith.constant 0 : index
    %get3A_100 = arith.constant 0 : index
    %get3A_101 = vector.load %arg13[%get3A_99, %get3A_100] : memref<128x128xf32, #tpu.memory_space<vmem>>, vector<128x128xf32>
    %dot_general3A_102 = arith.constant dense<0.000000e+00> : vector<1000x128xf32>
    %dot_general3A_103 = tpu.matmul %mul3A_25, %get3A_101, %dot_general3A_102 {dimension_numbers = #tpu.dot_dimension_numbers<[1], [0], [0], [1], [0, 0, 1, 1], [], []>, precision = #tpu.contract_precision<fp32>, transpose_lhs_hint = false} : vector<1000x128xf32>, vector<128x128xf32>, vector<1000x128xf32> -> vector<1000x128xf32>
    %get3A_104 = arith.constant 0 : index
    %get3A_105 = arith.constant 0 : index
    %get3A_106 = vector.load %arg14[%get3A_104, %get3A_105] : memref<1x128xf32, #tpu.memory_space<vmem>>, vector<1x128xf32>
    %add3A_107 = vector.broadcast %get3A_106 : vector<1x128xf32> to vector<1000x128xf32>
    %add3A_108 = arith.addf %dot_general3A_103, %add3A_107 : vector<1000x128xf32>
    %ge3A_109 = arith.constant 0.000000e+00 : f32
    %ge3A_110 = vector.broadcast %ge3A_109 : f32 to vector<1000x128xf32>
    %ge3A_111 = arith.cmpf oge, %add3A_108, %ge3A_110 : vector<1000x128xf32>
    %mul3A_112 = arith.constant 0.00999999977 : f32
    %mul3A_113 = vector.broadcast %mul3A_112 : f32 to vector<1000x128xf32>
    %mul3A_114 = arith.mulf %mul3A_113, %add3A_108 : vector<1000x128xf32>
    %select_n3A_115 = arith.select %ge3A_111, %add3A_108, %mul3A_114 : vector<1000x128xi1>, vector<1000x128xf32>
    %add3A_116 = arith.addf %select_n3A_115, %get3A_1 : vector<1000x128xf32>
    %broadcast_in_dim3A = arith.constant 1.000000e+00 : f32
    %broadcast_in_dim3A_117 = vector.broadcast %broadcast_in_dim3A : f32 to vector<8x1000xf32>
    %dot_general3A_118 = arith.constant dense<0.000000e+00> : vector<8x128xf32>
    %dot_general3A_119 = tpu.matmul %broadcast_in_dim3A_117, %add3A_116, %dot_general3A_118 {dimension_numbers = #tpu.dot_dimension_numbers<[1], [0], [0], [1], [0, 0, 1, 1], [], []>, precision = #tpu.contract_precision<fp32>, transpose_lhs_hint = false} : vector<8x1000xf32>, vector<1000x128xf32>, vector<8x128xf32> -> vector<8x128xf32>
    %slice3A_120 = vector.extract_strided_slice %dot_general3A_119 {offsets = [0, 0], sizes = [1, 128], strides = [1, 1]} : vector<8x128xf32> to vector<1x128xf32>
    %eq3A = arith.constant 0 : i32
    %eq3A_121 = arith.cmpi eq, %arg0, %eq3A : i32
    %convert_element_type3A = arith.extui %eq3A_121 : i1 to i32
    %cond3A = arith.constant 0 : i32
    %cond3A_122 = arith.cmpi ne, %convert_element_type3A, %cond3A : i32
    scf.if %cond3A_122 {
      %swap3A_132 = arith.constant 0 : index
      %swap3A_133 = arith.constant 0 : index
      %swap3A_134 = vector.load %arg23[%swap3A_132, %swap3A_133] : memref<1x128xf32, #tpu.memory_space<vmem>>, vector<1x128xf32>
      tpu.vector_store %arg23[%swap3A_132, %swap3A_133], %slice3A_120 {strides = array<i32>} : memref<1x128xf32, #tpu.memory_space<vmem>>, vector<1x128xf32>,
    } else {
    }
    %gt3A = arith.constant 0 : i32
    %gt3A_123 = arith.cmpi sgt, %arg0, %gt3A : i32
    %convert_element_type3A_124 = arith.extui %gt3A_123 : i1 to i32
    %cond3A_125 = arith.constant 0 : i32
    %cond3A_126 = arith.cmpi ne, %convert_element_type3A_124, %cond3A_125 : i32
    scf.if %cond3A_126 {
      %get3A_132 = arith.constant 0 : index
      %get3A_133 = arith.constant 0 : index
      %get3A_134 = vector.load %arg23[%get3A_132, %get3A_133] : memref<1x128xf32, #tpu.memory_space<vmem>>, vector<1x128xf32>
      %add3A_135 = arith.addf %get3A_134, %slice3A_120 : vector<1x128xf32>
      %swap3A_136 = arith.constant 0 : index
      %swap3A_137 = arith.constant 0 : index
      %swap3A_138 = vector.load %arg23[%swap3A_136, %swap3A_137] : memref<1x128xf32, #tpu.memory_space<vmem>>, vector<1x128xf32>
      tpu.vector_store %arg23[%swap3A_136, %swap3A_137], %add3A_135 {strides = array<i32>} : memref<1x128xf32, #tpu.memory_space<vmem>>, vector<1x128xf32>,
    } else {
    }
    %eq3A_127 = arith.constant 9 : i32
    %eq3A_128 = arith.cmpi eq, %arg0, %eq3A_127 : i32
    %convert_element_type3A_129 = arith.extui %eq3A_128 : i1 to i32
    %cond3A_130 = arith.constant 0 : i32
    %cond3A_131 = arith.cmpi ne, %convert_element_type3A_129, %cond3A_130 : i32
    scf.if %cond3A_131 {
      %get3A_132 = arith.constant 0 : index
      %get3A_133 = arith.constant 0 : index
      %get3A_134 = vector.load %arg23[%get3A_132, %get3A_133] : memref<1x128xf32, #tpu.memory_space<vmem>>, vector<1x128xf32>
      %get3A_135 = arith.constant 0 : index
      %get3A_136 = arith.constant 0 : index
      %get3A_137 = vector.load %arg15[%get3A_135, %get3A_136] : memref<128x128xf32, #tpu.memory_space<vmem>>, vector<128x128xf32>
      %dot_general3A_138 = arith.constant dense<0.000000e+00> : vector<1x128xf32>
      %dot_general3A_139 = tpu.matmul %get3A_134, %get3A_137, %dot_general3A_138 {dimension_numbers = #tpu.dot_dimension_numbers<[1], [0], [0], [1], [0, 0, 1, 1], [], []>, precision = #tpu.contract_precision<fp32>, transpose_lhs_hint = false} : vector<1x128xf32>, vector<128x128xf32>, vector<1x128xf32> -> vector<1x128xf32>
      %get3A_140 = arith.constant 0 : index
      %get3A_141 = arith.constant 0 : index
      %get3A_142 = vector.load %arg16[%get3A_140, %get3A_141] : memref<1x128xf32, #tpu.memory_space<vmem>>, vector<1x128xf32>
      %add3A_143 = arith.addf %dot_general3A_139, %get3A_142 : vector<1x128xf32>
      %ge3A_144 = arith.constant 0.000000e+00 : f32
      %ge3A_145 = vector.broadcast %ge3A_144 : f32 to vector<1x128xf32>
      %ge3A_146 = arith.cmpf oge, %add3A_143, %ge3A_145 : vector<1x128xf32>
      %mul3A_147 = arith.constant 0.00999999977 : f32
      %mul3A_148 = vector.broadcast %mul3A_147 : f32 to vector<1x128xf32>
      %mul3A_149 = arith.mulf %mul3A_148, %add3A_143 : vector<1x128xf32>
      %select_n3A_150 = arith.select %ge3A_146, %add3A_143, %mul3A_149 : vector<1x128xi1>, vector<1x128xf32>
      %get3A_151 = arith.constant 0 : index
      %get3A_152 = arith.constant 0 : index
      %get3A_153 = vector.load %arg17[%get3A_151, %get3A_152] : memref<128x128xf32, #tpu.memory_space<vmem>>, vector<128x128xf32>
      %dot_general3A_154 = arith.constant dense<0.000000e+00> : vector<1x128xf32>
      %dot_general3A_155 = tpu.matmul %select_n3A_150, %get3A_153, %dot_general3A_154 {dimension_numbers = #tpu.dot_dimension_numbers<[1], [0], [0], [1], [0, 0, 1, 1], [], []>, precision = #tpu.contract_precision<fp32>, transpose_lhs_hint = false} : vector<1x128xf32>, vector<128x128xf32>, vector<1x128xf32> -> vector<1x128xf32>
      %get3A_156 = arith.constant 0 : index
      %get3A_157 = arith.constant 0 : index
      %get3A_158 = vector.load %arg18[%get3A_156, %get3A_157] : memref<1x128xf32, #tpu.memory_space<vmem>>, vector<1x128xf32>
      %add3A_159 = arith.addf %dot_general3A_155, %get3A_158 : vector<1x128xf32>
      %ge3A_160 = arith.constant 0.000000e+00 : f32
      %ge3A_161 = vector.broadcast %ge3A_160 : f32 to vector<1x128xf32>
      %ge3A_162 = arith.cmpf oge, %add3A_159, %ge3A_161 : vector<1x128xf32>
      %mul3A_163 = arith.constant 0.00999999977 : f32
      %mul3A_164 = vector.broadcast %mul3A_163 : f32 to vector<1x128xf32>
      %mul3A_165 = arith.mulf %mul3A_164, %add3A_159 : vector<1x128xf32>
      %select_n3A_166 = arith.select %ge3A_162, %add3A_159, %mul3A_165 : vector<1x128xi1>, vector<1x128xf32>
      %get3A_167 = arith.constant 0 : index
      %get3A_168 = arith.constant 0 : index
      %get3A_169 = vector.load %arg19[%get3A_167, %get3A_168] : memref<128x128xf32, #tpu.memory_space<vmem>>, vector<128x128xf32>
      %dot_general3A_170 = arith.constant dense<0.000000e+00> : vector<1x128xf32>
      %dot_general3A_171 = tpu.matmul %select_n3A_166, %get3A_169, %dot_general3A_170 {dimension_numbers = #tpu.dot_dimension_numbers<[1], [0], [0], [1], [0, 0, 1, 1], [], []>, precision = #tpu.contract_precision<fp32>, transpose_lhs_hint = false} : vector<1x128xf32>, vector<128x128xf32>, vector<1x128xf32> -> vector<1x128xf32>
      %get3A_172 = arith.constant 0 : index
      %get3A_173 = arith.constant 0 : index
      %get3A_174 = vector.load %arg20[%get3A_172, %get3A_173] : memref<1x128xf32, #tpu.memory_space<vmem>>, vector<1x128xf32>
      %add3A_175 = arith.addf %dot_general3A_171, %get3A_174 : vector<1x128xf32>
      %slice3A_176 = vector.extract_strided_slice %add3A_175 {offsets = [0, 0], sizes = [1, 1], strides = [1, 1]} : vector<1x128xf32> to vector<1x1xf32>
      %swap3A_177 = arith.constant 0 : index
      %swap3A_178 = arith.constant 0 : index
      %swap3A_179 = vector.load %arg22[%swap3A_177, %swap3A_178] : memref<1x1xf32, #tpu.memory_space<vmem>>, vector<1x1xf32>
      tpu.vector_store %arg22[%swap3A_177, %swap3A_178], %slice3A_176 {strides = array<i32>} : memref<1x1xf32, #tpu.memory_space<vmem>>, vector<1x1xf32>,
    } else {
    }
    return
  }
  func.func @transform_0(%arg0: i32) -> (i32, i32) {
    %c0_i32 = arith.constant 0 : i32
    %c0_i32_0 = arith.constant 0 : i32
    return %arg0, %c0_i32 : i32, i32
  }
  func.func @transform_1(%arg0: i32) -> (i32, i32) {
    %c0_i32 = arith.constant 0 : i32
    %c0_i32_0 = arith.constant 0 : i32
    return %arg0, %c0_i32 : i32, i32
  }
  func.func @transform_2(%arg0: i32) -> (i32, i32) {
    %c0_i32 = arith.constant 0 : i32
    %c0_i32_0 = arith.constant 0 : i32
    return %arg0, %c0_i32 : i32, i32
  }
  func.func @transform_3(%arg0: i32) -> (i32, i32) {
    %c0_i32 = arith.constant 0 : i32
    %c0_i32_0 = arith.constant 0 : i32
    return %arg0, %c0_i32 : i32, i32
  }
  func.func @transform_4(%arg0: i32) -> (i32, i32) {
    %c0_i32 = arith.constant 0 : i32
    %c0_i32_0 = arith.constant 0 : i32
    %c0_i32_1 = arith.constant 0 : i32
    return %c0_i32, %c0_i32_0 : i32, i32
  }
  func.func @transform_5(%arg0: i32) -> (i32, i32) {
    %c0_i32 = arith.constant 0 : i32
    %c0_i32_0 = arith.constant 0 : i32
    %c0_i32_1 = arith.constant 0 : i32
    return %c0_i32, %c0_i32_0 : i32, i32
  }
  func.func @transform_6(%arg0: i32) -> (i32, i32) {
    %c0_i32 = arith.constant 0 : i32
    %c0_i32_0 = arith.constant 0 : i32
    %c0_i32_1 = arith.constant 0 : i32
    return %c0_i32, %c0_i32_0 : i32, i32
  }
  func.func @transform_7(%arg0: i32) -> (i32, i32) {
    %c0_i32 = arith.constant 0 : i32
    %c0_i32_0 = arith.constant 0 : i32
    %c0_i32_1 = arith.constant 0 : i32
    return %c0_i32, %c0_i32_0 : i32, i32
  }
  func.func @transform_8(%arg0: i32) -> (i32, i32) {
    %c0_i32 = arith.constant 0 : i32
    %c0_i32_0 = arith.constant 0 : i32
    %c0_i32_1 = arith.constant 0 : i32
    return %c0_i32, %c0_i32_0 : i32, i32
  }
  func.func @transform_9(%arg0: i32) -> (i32, i32) {
    %c0_i32 = arith.constant 0 : i32
    %c0_i32_0 = arith.constant 0 : i32
    %c0_i32_1 = arith.constant 0 : i32
    return %c0_i32, %c0_i32_0 : i32, i32
  }
  func.func @transform_10(%arg0: i32) -> (i32, i32) {
    %c0_i32 = arith.constant 0 : i32
    %c0_i32_0 = arith.constant 0 : i32
    %c0_i32_1 = arith.constant 0 : i32
    return %c0_i32, %c0_i32_0 : i32, i32
  }
  func.func @transform_11(%arg0: i32) -> (i32, i32) {
    %c0_i32 = arith.constant 0 : i32
    %c0_i32_0 = arith.constant 0 : i32
    %c0_i32_1 = arith.constant 0 : i32
    return %c0_i32, %c0_i32_0 : i32, i32
  }
  func.func @transform_12(%arg0: i32) -> (i32, i32) {
    %c0_i32 = arith.constant 0 : i32
    %c0_i32_0 = arith.constant 0 : i32
    %c0_i32_1 = arith.constant 0 : i32
    return %c0_i32, %c0_i32_0 : i32, i32
  }
  func.func @transform_13(%arg0: i32) -> (i32, i32) {
    %c0_i32 = arith.constant 0 : i32
    %c0_i32_0 = arith.constant 0 : i32
    %c0_i32_1 = arith.constant 0 : i32
    return %c0_i32, %c0_i32_0 : i32, i32
  }
  func.func @transform_14(%arg0: i32) -> (i32, i32) {
    %c0_i32 = arith.constant 0 : i32
    %c0_i32_0 = arith.constant 0 : i32
    %c0_i32_1 = arith.constant 0 : i32
    return %c0_i32, %c0_i32_0 : i32, i32
  }
  func.func @transform_15(%arg0: i32) -> (i32, i32) {
    %c0_i32 = arith.constant 0 : i32
    %c0_i32_0 = arith.constant 0 : i32
    %c0_i32_1 = arith.constant 0 : i32
    return %c0_i32, %c0_i32_0 : i32, i32
  }
  func.func @transform_16(%arg0: i32) -> (i32, i32) {
    %c0_i32 = arith.constant 0 : i32
    %c0_i32_0 = arith.constant 0 : i32
    %c0_i32_1 = arith.constant 0 : i32
    return %c0_i32, %c0_i32_0 : i32, i32
  }
  func.func @transform_17(%arg0: i32) -> (i32, i32) {
    %c0_i32 = arith.constant 0 : i32
    %c0_i32_0 = arith.constant 0 : i32
    %c0_i32_1 = arith.constant 0 : i32
    return %c0_i32, %c0_i32_0 : i32, i32
  }
  func.func @transform_18(%arg0: i32) -> (i32, i32) {
    %c0_i32 = arith.constant 0 : i32
    %c0_i32_0 = arith.constant 0 : i32
    %c0_i32_1 = arith.constant 0 : i32
    return %c0_i32, %c0_i32_0 : i32, i32
  }
  func.func @transform_19(%arg0: i32) -> (i32, i32) {
    %c0_i32 = arith.constant 0 : i32
    %c0_i32_0 = arith.constant 0 : i32
    %c0_i32_1 = arith.constant 0 : i32
    return %c0_i32, %c0_i32_0 : i32, i32
  }
  func.func @transform_20(%arg0: i32) -> (i32, i32) {
    %c0_i32 = arith.constant 0 : i32
    %c0_i32_0 = arith.constant 0 : i32
    return %arg0, %c0_i32 : i32, i32
  }
  func.func @transform_21(%arg0: i32) -> (i32, i32) {
    %c0_i32 = arith.constant 0 : i32
    %c0_i32_0 = arith.constant 0 : i32
    %c0_i32_1 = arith.constant 0 : i32
    return %c0_i32, %c0_i32_0 : i32, i32
  }
}

</mosaic_0001>

<sc_bundles>
// kernel: kernel.4.cloned.1.call-start
scs
__scs_entry_jumppad:
0x0: {  	(pc) =	sbr.rel $0x88, $3  }
0x1: {  	(tag) =	ssettag $0x0;
	lr =	simm.s32 $0x1  }
0x2: {  	[smem:$0x3F8E] =	sst lr;
	_ =	strace $0xD0000000  }
0x3: {  	_ = 	snop  }
0x4: {  	_ = 	snop  }
0x5: {  	_ = 	snop  }
0x6: {  	_ = 	snop  }
0x7: {  	_ = 	snop  }
__scs_overlays_trampoline_lowered:
0x8: {  	[smem:$0x3F9D] =	sst s0  }
0x9: {  	[smem:$0x3F9E] =	sst s1  }
0xa: {  	[smem:$0x3F9F] =	sst s2  }
0xb: {  	[smem:$0x3FA0] =	sst s3  }
0xc: {  	[smem:$0x3FA1] =	sst s4  }
0xd: {  	[smem:$0x3FA2] =	sst s5  }
0xe: {  	[smem:$0x3FA3] =	sst s6  }
0xf: {  	[smem:$0x3FA4] =	sst s7  }
0x10: {  	[smem:$0x3FA5] =	sst s8  }
0x11: {  	[smem:$0x3FA6] =	sst s9;
	s0 =	simm.s32 @!p0 $0x0  }
0x12: {  	s1 =	sld [smem:$0x3F8C];
	s0 =	simm.s32 @p0 $0x1  }
0x13: {  	[smem:$0x3FA7] =	sst s0;
	s0 =	simm.s32 @!p1 $0x0  }
0x14: {  	s2 =	sld [smem:$0x3F8B];
	s0 =	simm.s32 @p1 $0x1  }
0x15: {  	[smem:$0x3FA8] =	sst s0;
	s0 =	simm.s32 @!p2 $0x0  }
0x16: {  	s3 =	sld [smem:$0x3FDB];
	s0 =	simm.s32 @p2 $0x1  }
0x17: {  	s4 =	simm.s32 $0x1BF5;
	[smem:$0x3FAA] =	sst s0  }
0x18: {  	s0 =	sld [smem:$0x3F8D];
	_ =	swait.ge [sflag:s4], $0x0  }
0x19: {  	s7 =	sld [smem:$0x3F8E]  }
0x1a: {  	s8 =	sadd.s32 $0xFFFFE003, lr  }
0x1b: {  	s9 =	sadd.s32 $0xFFFFFEF7, lr;
	s5 =	simm.s32 $0xFFFFFFFF;
	p2 =	slt.u32 s8, $0xFFFFF086  }
0x1c: {  	p1 =	slt.u32 s9, $0xF7A;
	s5 =	simm.s32 @!p2 $0x0  }
0x1d: {  	s5 =	simm.s32 @p1 $0x1;
	p0 =	seq.s32 s7, s2  }
0x1e: {  	s7 =	smul.u32 @!p0 $0xF7A, s2;
	p2 =	seq.s32 @!p0 s5, $0x0  }
0x1f: {  	s9 =	smul.u32 $0xF7A, s1;
	s8 =	simm.s32 @!p0 $0x1BF5;
	p2 =	por !p2, p0  }
0x20: {  	[sflag:s8] =	ssyncset.s32 @!p0 $0xFFFFF086;
	s6 =	sadd.s32 @!p0 s3, s7;
	s7 =	simm.s32 @!p0 $0x108  }
0x21: {  	s3 =	sadd.s32 s3, s9;
	s6 =	sadd.s32 @!p0 $0x88, s6;
	s7 =	simm.s32 @p2 $0x1082  }
0x22: {  	[simem:s7], [sflag:s8] =	dma.local @!p0 [hbm:s6], $0xF7A  }
0x23: {  	s9 =	sor.u32 $0xD0000000, s2;
	s6 =	simm.s32 $0x108;
	_ =	swait.ge @!p0 [sflag:s8], $0x0  }
0x24: {  	s3 =	sadd.s32 $0x88, s3;
	s6 =	simm.s32 @!p1 $0x1082;
	[sflag:s4] =	ssyncset.s32 $0xFFFFF086  }
0x25: {  	[simem:s6], [sflag:s4] =	dma.local [hbm:s3], $0xF7A  }
0x26: {  	[smem:$0x3F8E] =	sst s1;
	(tag) =	ssettag s2;
	_ =	strace s9  }
0x27: {  	s1 =	sld [smem:$0x3F9E]  }
0x28: {  	s2 =	sld [smem:$0x3F9F]  }
0x29: {  	s4 =	sld [smem:$0x3FA1]  }
0x2a: {  	p0 =	seq.s32 s5, $0x0;
	s5 =	sld [smem:$0x3FA2]  }
0x2b: {  	s6 =	sld [smem:$0x3FA3]  }
0x2c: {  	s7 =	sld [smem:$0x3FA4]  }
0x2d: {  	s3 =	simm.s32 $0x108;
	s8 =	sld [smem:$0x3FA5]  }
0x2e: {  	s3 =	simm.s32 @!p0 $0x1082;
	s9 =	sld [smem:$0x3FA6]  }
0x2f: {  	lr =	sadd.s32 s0, s3;
	s0 =	sld [smem:$0x3F9D]  }
0x30: {  	s3 =	sld [smem:$0x3FA0]  }
0x31: {  	[smem:$0x3FA9] =	sst s10  }
0x32: {  	s10 =	sld [smem:$0x3FA7];
	_ =	sdelay $0x3  }
0x33: {  	p0 =	seq.s32 s10, $0x1;
	s10 =	sld [smem:$0x3FA9];
	_ =	sdelay $0x3  }
0x34: {  	[smem:$0x3FA9] =	sst s10  }
0x35: {  	s10 =	sld [smem:$0x3FA8];
	_ =	sdelay $0x3  }
0x36: {  	p1 =	seq.s32 s10, $0x1;
	s10 =	sld [smem:$0x3FA9];
	_ =	sdelay $0x3  }
0x37: {  	[smem:$0x3FA9] =	sst s10  }
0x38: {  	s10 =	sld [smem:$0x3FAA]  }
0x39: {  	_ = 	snop;
	(pc) =	sbr.ind lr, $3  }
0x3a: {  	_ = 	snop  }
0x3b: {  	_ = 	snop  }
0x3c: {  	p2 =	seq.s32 s10, $0x1;
	s10 =	sld [smem:$0x3FA9]  }
0x3d: {  	_ =	shalt  }
0x3e: {  	_ =	shalt  }
0x3f: {  	_ =	shalt  }
0x40: {  	_ =	shalt  }
0x41: {  	_ =	shalt  }
0x42: {  	_ =	shalt  }
0x43: {  	_ =	shalt  }
0x44: {  	_ =	shalt  }
0x45: {  	_ =	shalt  }
0x46: {  	_ =	shalt  }
0x47: {  	_ =	shalt  }
0x48: {  	_ =	shalt  }
0x49: {  	_ =	shalt  }
0x4a: {  	_ =	shalt  }
0x4b: {  	_ =	shalt  }
0x4c: {  	_ =	shalt  }
0x4d: {  	_ =	shalt  }
0x4e: {  	_ =	shalt  }
0x4f: {  	_ =	shalt  }
0x50: {  	_ =	shalt  }
0x51: {  	_ =	shalt  }
0x52: {  	_ =	shalt  }
0x53: {  	_ =	shalt  }
0x54: {  	_ =	shalt  }
0x55: {  	_ =	shalt  }
0x56: {  	_ =	shalt  }
0x57: {  	_ =	shalt  }
0x58: {  	_ =	shalt  }
0x59: {  	_ =	shalt  }
0x5a: {  	_ =	shalt  }
0x5b: {  	_ =	shalt  }
0x5c: {  	_ =	shalt  }
0x5d: {  	_ =	shalt  }
0x5e: {  	_ =	shalt  }
0x5f: {  	_ =	shalt  }
0x60: {  	_ =	shalt  }
0x61: {  	_ =	shalt  }
0x62: {  	_ =	shalt  }
0x63: {  	_ =	shalt  }
0x64: {  	_ =	shalt  }
0x65: {  	_ =	shalt  }
0x66: {  	_ =	shalt  }
0x67: {  	_ =	shalt  }
0x68: {  	_ =	shalt  }
0x69: {  	_ =	shalt  }
0x6a: {  	_ =	shalt  }
0x6b: {  	_ =	shalt  }
0x6c: {  	_ =	shalt  }
0x6d: {  	_ =	shalt  }
0x6e: {  	_ =	shalt  }
0x6f: {  	_ =	shalt  }
0x70: {  	_ =	shalt  }
0x71: {  	_ =	shalt  }
0x72: {  	_ =	shalt  }
0x73: {  	_ =	shalt  }
0x74: {  	_ =	shalt  }
0x75: {  	_ =	shalt  }
0x76: {  	_ =	shalt  }
0x77: {  	_ =	shalt  }
0x78: {  	_ =	shalt  }
0x79: {  	_ =	shalt  }
0x7a: {  	_ =	shalt  }
0x7b: {  	_ =	shalt  }
0x7c: {  	_ =	shalt  }
0x7d: {  	_ =	shalt  }
0x7e: {  	_ =	shalt  }
0x7f: {  	_ =	shalt  }
0x80: {  	_ =	shalt  }
0x81: {  	_ =	shalt  }
0x82: {  	_ =	shalt  }
0x83: {  	_ =	shalt  }
0x84: {  	_ =	shalt  }
0x85: {  	_ =	shalt  }
0x86: {  	_ =	shalt  }
0x87: {  	_ =	shalt  }
.Lfunc_end0:
.L_simem_size_0:
called_computation_lowered:
.L_overlay_start_0:
0x88: {  	s2 =	sld [smem:$0x3FD9]  }
0x89: {  	s3 =	sld [smem:$0x3FFE];
	_ =	sdelay $0x1  }
0x8a: {  	s1 =	srdreg.scid  }
0x8b: {  	s0 =	sand.u32 $0x1, s1  }
0x8c: {  	s14 =	sshll.u32 s0, $0xA;
	s2 =	sadd.s32 s3, s2  }
0x8d: {  	s2 =	sadd.s32 s2, s14  }
0x8e: {  	[smem:$0x3FB5] =	sst s2  }
0x8f: {  	_ = 	snop  }
0x90: {  	s2 =	sld [smem:$0x3FD0];
	_ =	sdelay $0x2  }
0x91: {  	s4 =	simm.s32 $0xA;
	s5 =	simm.s32 $0x10;
	s15 =	sld [smem:$0x3FC9]  }
0x92: {  	[smem:s5], [sflag:s4] =	dma.local [hbm:s2], $0x1  }
0x93: {  	_ =	swait.eq [sflag:s4], $0x1  }
0x94: {  	[sflag:s4] =	ssyncset.done $0x0  }
0x95: {  	[sflag:s4] =	ssyncadd.s32 $0xFFFFFFFF  }
0x96: {  	s16 =	sld [smem:$0x10];
	(tm) =	ssettm $0x1  }
0x97: {  	s17 =	sld [smem:$0x3FFB];
	_ =	sdelay $0x3  }
0x98: {  	_ =	strace s17  }
0x99: {  	s4 =	sld [smem:$0x3FFC];
	_ =	sdelay $0x3  }
0x9a: {  	_ =	strace s4  }
0x9b: {  	s4 =	sld [smem:$0x3FFD];
	_ =	sdelay $0x3  }
0x9c: {  	_ =	strace s4  }
0x9d: {  	_ =	strace $0x8FFFFFFF  }
0x9e: {  	s18 =	sld [smem:$0x3FDB];
	_ =	sdelay $0x1  }
0x9f: {  	s19 =	simm.s32 $_scs_section_size  }
0xa0: {  	s6 =	simm.s32 $_size__tile_overlayer_lowered;
	s7 =	simm.s32 $_tile_overlayer_lowered  }
0xa1: {  	s22 =	simm.s32 $0x1BFF;
	s21 =	sshll.u32 s7, $0x1;
	s4 =	sadd.s32 s19, s18  }
0xa2: {  	s8 =	simm.s32 $0x0;
	s20 =	sshll.u32 s6, $0x1;
	s6 =	sadd.s32 s21, s4  }
0xa3: {  	[timem:s8], [sflag:s22] =	dma.local [hbm:s6], s20  }
0xa4: {  	_ =	swait.ge [sflag:s22], s20  }
0xa5: {  	s5 =	ssub.s32 $0x0, s20;
	[sflag:s22] =	ssyncset.done $0x0  }
0xa6: {  	[sflag:s22] =	ssyncadd.s32 s5;
	_ =	sdelay $0x1  }
0xa7: {  	s23 =	simm.s32 $0x1B8B  }
0xa8: {  	_ =	swait.ge [sflag:s23], $0x1  }
0xa9: {  	[sflag:s23] =	ssyncset.done $0x0  }
0xaa: {  	s25 =	simm.s32 $0x1B8E;
	s24 =	sld [smem:$0x3FFE];
	[sflag:s23] =	ssyncadd.s32 $0xFFFFFFFF  }
0xab: {  	s26 =	simm.s32 $execute0_lowered;
	[smem:$0x3FD2] =	sst s25  }
0xac: {  	s6 =	sshll.u32 s26, $0x1;
	_ =	strace $0x80000046;
	[dreg:$0x1] =	wrdreg $0xFFFFFFFF  }
0xad: {  	s28 =	simm.s32 $_size_execute0_lowered;
	s4 =	sadd.s32 s4, s6;
	[dreg:$0x0] =	wrdreg $0x0  }
0xae: {  	s6 =	sshll.u32 s28, $0x1;
	[dreg:$0x2] =	wrdreg s4  }
0xaf: {  	[dreg:$0x3] =	wrdreg s6  }
0xb0: {  	[dreg:$0x4] =	wrdreg $0xC0  }
0xb1: {  	_ =	task [dreg:s8], $0x5FFFF  }
0xb2: {  	[dreg:$0x1] =	wrdreg $0xFFFFFFFF  }
0xb3: {  	[dreg:$0x0] =	wrdreg $0x60  }
0xb4: {  	[dreg:$0x2] =	wrdreg s15  }
0xb5: {  	[dreg:$0x3] =	wrdreg s24  }
0xb6: {  	[dreg:$0x4] =	wrdreg s16  }
0xb7: {  	[dreg:$0x5] =	wrdreg $0xB4800  }
0xb8: {  	[dreg:$0x6] =	wrdreg $0x1F4800  }
0xb9: {  	[dreg:$0x7] =	wrdreg $0x9  }
0xba: {  	_ =	task.clear_ibuf [dreg:s8], $0x8FFFF;
	_ =	strace $0x90000046  }
0xbb: {  	s29 =	simm.s32 $0x9;
	_ =	strace $0x80000048  }
0xbc: {  	_ =	swait.ge [sflag:s29], $0x1  }
0xbd: {  	[sflag:s29] =	ssyncadd.s32 $0xFFFFFFFF  }
0xbe: {  	_ =	strace $0x90000048  }
0xbf: {  	_ =	sfence  }
0xc0: {  	s30 =	sld [smem:$0x0];
	_ =	sdelay $0x2  }
0xc1: {  	s31 =	sshll.u32 s1, $0xD;
	s1 =	sshrl.u32 s1, $0x2  }
0xc2: {  	s3 =	sand.u32 $0x4000, s31;
	s1 =	sadd.s32 s1, s30  }
0xc3: {  	s0 =	sor.u32 s3, s0;
	s1 =	sshll.u32 s1, $0x11  }
0xc4: {  	s0 =	sor.u32 s1, s0  }
0xc5: {  	s0 =	sadd.s32 $0x8F2B, s0  }
0xc6: {  	[sflag:s0] =	ssyncadd.remote.s32 $0x1  }
0xc7: {  	_ =	sfence.sel $0xFFFF  }
0xc8: {  	[dreg:$0x0] =	wrdreg $0xFFFFFFFF;
	(pc) =	sbr.abs _section_cstart, $3  }
0xc9: {  	[dreg:$0x1] =	wrdreg $0xFFFFFFFF  }
0xca: {  	_ =	task.clear_ibuf [dreg:s8], $0x2FFFF;
	_ =	strace $0x9FFFFFFF  }
0xcb: {  	(tm) =	ssettm $0x7FFFFFFF  }
tec
execute0_lowered:
.L_overlay_start_1:
0x0: {  	(tag) =	ssettag $0x1  }
0x1: {  	s0 =	rddreg [dreg:$0x1]  }
0x2: {  	s1 =	rddreg [dreg:$0x2]  }
0x3: {  	s12 =	rddreg [dreg:$0x3]  }
0x4: {  	s4 =	rddreg [dreg:$0x4]  }
0x5: {  	s11 =	stileid.u32;
	s2 =	srdreg.scid;
	s5 =	simm.s32 $0x0  }
0x6: {  	s28 =	simm.s32 $0x3100;
	s29 =	simm.s32 $0x2D80;
	s30 =	simm.s32 $0x3180  }
0x7: {  	s31 =	simm.s32 $0x2E00;
	s15 =	simm.s32 $0x3380;
	s3 =	smul.u32 $0x14000, s11  }
0x8: {  	s2 =	sand.u32 $0x1, s2;
	[smem:$0x7FF] =	sst s5;
	s18 =	smul.u32 $0x280, s11  }
0x9: {  	s7 =	sadd.s32 $0x16200, s0;
	s13 =	sadd.s32 $0xC200, s0;
	s20 =	smul.u32 $0x50000, s11  }
0xa: {  	s14 =	sadd.s32 $0x2200, s0;
	s22 =	sshll.u32 s11, $0x6;
	s25 =	smul.u32 $0xA00, s11  }
0xb: {  	s6 =	smul.u32 $0x140000, s2;
	_ =	strace $0x80000047;
	[dreg:$0x6] =	wrdreg s7  }
0xc: {  	s9 =	smul.u32 $0x2800, s2;
	s10 =	ssub.s32 $0x2, s2;
	[dreg:$0x8] =	wrdreg s14  }
0xd: {  	s2 =	sshll.u32 s2, $0x4;
	[dreg:$0x7] =	wrdreg s13;
	s8 =	sshrl.u32 s3, $0x3  }
0xe: {  	s21 =	sshrl.u32 s10, $0x1;
	s2 =	sor.u32 s11, s2;
	s23 =	sshrl.u32 s18, $0x3  }
0xf: {  	s24 =	sadd.s32 s18, s4;
	s16 =	sadd.s32 s25, s14;
	s17 =	sadd.s32 s25, s13  }
0x10: {  	s25 =	simm.s32 $0x3080;
	s13 =	simm.s32 $0x3300;
	s14 =	simm.s32 $0x2F80  }
0x11: {  	s8 =	sadd.s32 s8, s0;
	s3 =	sadd.s32 s3, s6;
	s19 =	sadd.s32 s18, s9  }
0x12: {  	s9 =	sshrl.u32 s20, $0x2;
	s2 =	smul.u32 $0xA, s2;
	s1 =	sadd.s32 s1, s23  }
0x13: {  	s7 =	sshrl.u32 s24, $0x3;
	s23 =	simm.s32 $0x80;
	s24 =	simm.s32 $0x2C80  }
0x14: {  	s18 =	simm.s32 $0x5;
	s20 =	simm.s32 $0x3400;
	s3 =	sshrl.u32 s3, $0x3  }
0x15: {  	s6 =	sshrl.u32 s19, $0x3;
	s9 =	sadd.s32 s9, s12;
	s8 =	sadd.s32 $0x20200, s8  }
0x16: {  	[dreg:$0xc] =	wrdreg s1;
	s19 =	simm.s32 $0x6;
	s12 =	simm.s32 $0x2F00  }
0x17: {  	s1 =	simm.s32 $0x0;
	[dreg:$0x11] =	wrdreg s7;
	s3 =	sadd.s32 s3, s0  }
0x18: {  	s0 =	sadd.s32 s6, s0;
	s6 =	ssub.s32 s10, s21;
	[dreg:$0x9] =	wrdreg s8  }
0x19: {  	s10 =	sor.u32 $0x1C06, s22;
	[dreg:$0xb] =	wrdreg s2;
	s21 =	simm.s32 $0x2C00  }
0x1a: {  	s22 =	simm.s32 $0x3000;
	s3 =	sadd.s32 $0x48200, s3;
	[dreg:$0xa] =	wrdreg s10  }
0x1b: {  	s2 =	simm.s32 $0x2E80;
	s0 =	sadd.s32 $0x98200, s0;
	[dreg:$0xd] =	wrdreg s3  }
0x1c: {  	s8 =	simm.s32 $0xB400;
	s26 =	smax.u32 s6, $0x1;
	[dreg:$0xe] =	wrdreg s0  }
0x1d: {  	s6 =	sshrl.u32 s9, $0x3;
	s9 =	simm.s32 $0x3280;
	[dreg:$0xf] =	wrdreg s26  }
0x1e: {  	s26 =	simm.s32 $0x2D00;
	s0 =	simm.s32 $0x3200;
	[dreg:$0x10] =	wrdreg s6  }
.LBB2_1:
0x1f: {  	s3 =	rddreg [dreg:$0x9]  }
0x20: {  	[spmem:s6], [sflag:s10] =	dma.local [hbm:s3], $0x2800  }
0x21: {  	_ =	swait.ge [sflag:s19], $0x2800  }
0x22: {  	[sflag:s19] =	ssyncset.done $0x0  }
0x23: {  	s6 =	rddreg [dreg:$0xc];
	[sflag:s19] =	ssyncadd.s32 $0xFFFFD800  }
0x24: {  	[spmem:s7], [sflag:s10] =	dma.local [hbm:s6], $0x50  }
0x25: {  	_ =	swait.ge [sflag:s19], $0x50  }
0x26: {  	[sflag:s19] =	ssyncset.done $0x0  }
0x27: {  	[sflag:s19] =	ssyncadd.s32 $0xFFFFFFB0  }
0x28: {  	s10 =	sadd.s32 $0x0, s17;
	[bflag:$0x0] =	sbarrier.arrive $0xFFFF  }
0x29: {  	[tilespmem:s21], [sflag:$0x6] =	stream.linear.gather [hbm4b:s10+s5], $0x400, $0x38;
	[tilespmem:$0x1F700] =	vst v63  }
0x2a: {  	_ =	swait.ge [sflag:s19], $0x400  }
0x2b: {  	[sflag:s19] =	ssyncset.done $0x0  }
0x2c: {  	s11 =	sadd.s32 $0x0, s16;
	[sflag:s19] =	ssyncadd.s32 $0xFFFFFC00  }
0x2d: {  	[tilespmem:s22], [sflag:$0x6] =	stream.linear.gather [hbm4b:s11+s5], $0x400, $0x38;
	[tilespmem:$0x1F700] =	vst v63  }
0x2e: {  	_ =	swait.ge [sflag:s19], $0x400  }
0x2f: {  	[sflag:s19] =	ssyncset.done $0x0  }
0x30: {  	[sflag:s19] =	ssyncadd.s32 $0xFFFFFC00  }
0x31: {  	[spmem:s4] =	stream.indirect.scatter.add.f32 [tilespmem:s22], [sflag:$0x5], $0x1, s21, s23, $0xb8;
	[tilespmem:$0x1F700] =	vst v63  }
0x32: {  	_ = 	snop  }
0x33: {  	[spmem:s4] =	stream.indirect.scatter.add.f32 [tilespmem:s25], [sflag:$0x5], $0x1, s24, s23, $0xb8;
	[tilespmem:$0x1F700] =	vst v63  }
0x34: {  	_ = 	snop  }
0x35: {  	[spmem:s4] =	stream.indirect.scatter.add.f32 [tilespmem:s28], [sflag:$0x5], $0x1, s26, s23, $0xb8;
	[tilespmem:$0x1F700] =	vst v63  }
0x36: {  	_ = 	snop  }
0x37: {  	[spmem:s4] =	stream.indirect.scatter.add.f32 [tilespmem:s30], [sflag:$0x5], $0x1, s29, s23, $0xb8;
	[tilespmem:$0x1F700] =	vst v63  }
0x38: {  	_ = 	snop  }
0x39: {  	[spmem:s4] =	stream.indirect.scatter.add.f32 [tilespmem:s0], [sflag:$0x5], $0x1, s31, s23, $0xb8;
	[tilespmem:$0x1F700] =	vst v63  }
0x3a: {  	_ = 	snop  }
0x3b: {  	[spmem:s4] =	stream.indirect.scatter.add.f32 [tilespmem:s9], [sflag:$0x5], $0x1, s2, s23, $0xb8;
	[tilespmem:$0x1F700] =	vst v63  }
0x3c: {  	_ = 	snop  }
0x3d: {  	[spmem:s4] =	stream.indirect.scatter.add.f32 [tilespmem:s13], [sflag:$0x5], $0x1, s12, s23, $0xb8;
	[tilespmem:$0x1F700] =	vst v63  }
0x3e: {  	_ = 	snop  }
0x3f: {  	[spmem:s4] =	stream.indirect.scatter.add.f32 [tilespmem:s15], [sflag:$0x5], $0x1, s14, s23, $0xb8;
	[tilespmem:$0x1F700] =	vst v63  }
0x40: {  	_ =	swait.ge [sflag:s18], $0x80  }
0x41: {  	[sflag:s18] =	ssyncset.done $0x0  }
0x42: {  	[sflag:s18] =	ssyncadd.s32 $0xFFFFFF80  }
0x43: {  	_ =	swait.ge [sflag:s18], $0x80  }
0x44: {  	[sflag:s18] =	ssyncset.done $0x0  }
0x45: {  	[sflag:s18] =	ssyncadd.s32 $0xFFFFFF80  }
0x46: {  	_ =	swait.ge [sflag:s18], $0x80  }
0x47: {  	[sflag:s18] =	ssyncset.done $0x0  }
0x48: {  	[sflag:s18] =	ssyncadd.s32 $0xFFFFFF80  }
0x49: {  	_ =	swait.ge [sflag:s18], $0x80  }
0x4a: {  	[sflag:s18] =	ssyncset.done $0x0  }
0x4b: {  	[sflag:s18] =	ssyncadd.s32 $0xFFFFFF80  }
0x4c: {  	_ =	swait.ge [sflag:s18], $0x80  }
0x4d: {  	[sflag:s18] =	ssyncset.done $0x0  }
0x4e: {  	[sflag:s18] =	ssyncadd.s32 $0xFFFFFF80  }
0x4f: {  	_ =	swait.ge [sflag:s18], $0x80  }
0x50: {  	[sflag:s18] =	ssyncset.done $0x0  }
0x51: {  	[sflag:s18] =	ssyncadd.s32 $0xFFFFFF80  }
0x52: {  	_ =	swait.ge [sflag:s18], $0x80  }
0x53: {  	[sflag:s18] =	ssyncset.done $0x0  }
0x54: {  	[sflag:s18] =	ssyncadd.s32 $0xFFFFFF80  }
0x55: {  	_ =	swait.ge [sflag:s18], $0x80  }
0x56: {  	s3 =	simm.s32 $0x80;
	s7 =	simm.s32 $0x100;
	[sflag:s18] =	ssyncset.done $0x0  }
.LBB2_2:
0x57: {  	s10 =	sadd.s32 s3, s17  }
0x58: {  	[sflag:s18] =	ssyncadd.s32 $0xFFFFFF80;
	s11 =	smov.u32 s7;
	s6 =	sadd.s32 $0x80, s7  }
0x59: {  	[tilespmem:s21], [sflag:$0x6] =	stream.linear.gather [hbm4b:s10+s5], $0x400, $0x38;
	[tilespmem:$0x1F700] =	vst v63  }
0x5a: {  	p0 =	sne.s32 s7, $0x980;
	_ =	swait.ge [sflag:s19], $0x400  }
0x5b: {  	[sflag:s19] =	ssyncset.done $0x0  }
0x5c: {  	s7 =	sadd.s32 s3, s16;
	s3 =	smov.u32 s11;
	[sflag:s19] =	ssyncadd.s32 $0xFFFFFC00  }
0x5d: {  	[tilespmem:s22], [sflag:$0x6] =	stream.linear.gather [hbm4b:s7+s5], $0x400, $0x38;
	[tilespmem:$0x1F700] =	vst v63  }
0x5e: {  	_ =	swait.ge [sflag:s19], $0x400  }
0x5f: {  	[sflag:s19] =	ssyncset.done $0x0  }
0x60: {  	[sflag:s19] =	ssyncadd.s32 $0xFFFFFC00  }
0x61: {  	[spmem:s4] =	stream.indirect.scatter.add.f32 [tilespmem:s22], [sflag:$0x5], $0x1, s21, s23, $0xb8;
	[tilespmem:$0x1F700] =	vst v63  }
0x62: {  	_ = 	snop  }
0x63: {  	[spmem:s4] =	stream.indirect.scatter.add.f32 [tilespmem:s25], [sflag:$0x5], $0x1, s24, s23, $0xb8;
	[tilespmem:$0x1F700] =	vst v63  }
0x64: {  	_ = 	snop  }
0x65: {  	[spmem:s4] =	stream.indirect.scatter.add.f32 [tilespmem:s28], [sflag:$0x5], $0x1, s26, s23, $0xb8;
	[tilespmem:$0x1F700] =	vst v63  }
0x66: {  	_ = 	snop  }
0x67: {  	[spmem:s4] =	stream.indirect.scatter.add.f32 [tilespmem:s30], [sflag:$0x5], $0x1, s29, s23, $0xb8;
	[tilespmem:$0x1F700] =	vst v63  }
0x68: {  	_ = 	snop  }
0x69: {  	[spmem:s4] =	stream.indirect.scatter.add.f32 [tilespmem:s0], [sflag:$0x5], $0x1, s31, s23, $0xb8;
	[tilespmem:$0x1F700] =	vst v63  }
0x6a: {  	_ = 	snop  }
0x6b: {  	[spmem:s4] =	stream.indirect.scatter.add.f32 [tilespmem:s9], [sflag:$0x5], $0x1, s2, s23, $0xb8;
	[tilespmem:$0x1F700] =	vst v63  }
0x6c: {  	_ = 	snop  }
0x6d: {  	[spmem:s4] =	stream.indirect.scatter.add.f32 [tilespmem:s13], [sflag:$0x5], $0x1, s12, s23, $0xb8;
	[tilespmem:$0x1F700] =	vst v63  }
0x6e: {  	_ = 	snop  }
0x6f: {  	[spmem:s4] =	stream.indirect.scatter.add.f32 [tilespmem:s15], [sflag:$0x5], $0x1, s14, s23, $0xb8;
	[tilespmem:$0x1F700] =	vst v63  }
0x70: {  	_ =	swait.ge [sflag:s18], $0x80  }
0x71: {  	[sflag:s18] =	ssyncset.done $0x0  }
0x72: {  	[sflag:s18] =	ssyncadd.s32 $0xFFFFFF80  }
0x73: {  	_ =	swait.ge [sflag:s18], $0x80  }
0x74: {  	[sflag:s18] =	ssyncset.done $0x0  }
0x75: {  	[sflag:s18] =	ssyncadd.s32 $0xFFFFFF80  }
0x76: {  	_ =	swait.ge [sflag:s18], $0x80  }
0x77: {  	[sflag:s18] =	ssyncset.done $0x0  }
0x78: {  	[sflag:s18] =	ssyncadd.s32 $0xFFFFFF80  }
0x79: {  	_ =	swait.ge [sflag:s18], $0x80  }
0x7a: {  	[sflag:s18] =	ssyncset.done $0x0  }
0x7b: {  	[sflag:s18] =	ssyncadd.s32 $0xFFFFFF80  }
0x7c: {  	_ =	swait.ge [sflag:s18], $0x80  }
0x7d: {  	[sflag:s18] =	ssyncset.done $0x0  }
0x7e: {  	[sflag:s18] =	ssyncadd.s32 $0xFFFFFF80  }
0x7f: {  	_ =	swait.ge [sflag:s18], $0x80  }
0x80: {  	[sflag:s18] =	ssyncset.done $0x0  }
0x81: {  	[sflag:s18] =	ssyncadd.s32 $0xFFFFFF80  }
.Ltmp0:
0x82: {  	_ =	swait.ge [sflag:s18], $0x80;
	(pc) =	sbr.rel @p0 .LBB2_2-.Ltmp0, $4  }
0x83: {  	[sflag:s18] =	ssyncset.done $0x0  }
0x84: {  	[sflag:s18] =	ssyncadd.s32 $0xFFFFFF80  }
0x85: {  	_ =	swait.ge [sflag:s18], $0x80  }
0x86: {  	s7 =	smov.u32 s6;
	[sflag:s18] =	ssyncset.done $0x0  }
0x87: {  	[dreg:$0x12] =	wrdreg s1;
	s6 =	sadd.s32 s3, s17;
	[sflag:s18] =	ssyncadd.s32 $0xFFFFFF80  }
0x88: {  	[tilespmem:s21], [sflag:$0x6] =	stream.linear.gather [hbm4b:s6+s5], $0x400, $0x38;
	[tilespmem:$0x1F700] =	vst v63  }
0x89: {  	_ =	swait.ge [sflag:s19], $0x400  }
0x8a: {  	[sflag:s19] =	ssyncset.done $0x0  }
0x8b: {  	s11 =	sadd.s32 s3, s16;
	[sflag:s19] =	ssyncadd.s32 $0xFFFFFC00  }
0x8c: {  	[tilespmem:s22], [sflag:$0x6] =	stream.linear.gather [hbm4b:s11+s5], $0x400, $0x38;
	[tilespmem:$0x1F700] =	vst v63  }
0x8d: {  	_ =	swait.ge [sflag:s19], $0x400  }
0x8e: {  	[sflag:s19] =	ssyncset.done $0x0  }
0x8f: {  	[sflag:s19] =	ssyncadd.s32 $0xFFFFFC00  }
0x90: {  	[spmem:s4] =	stream.indirect.scatter.add.f32 [tilespmem:s22], [sflag:$0x5], $0x1, s21, s23, $0xb8;
	[tilespmem:$0x1F700] =	vst v63  }
0x91: {  	_ = 	snop  }
0x92: {  	[spmem:s4] =	stream.indirect.scatter.add.f32 [tilespmem:s25], [sflag:$0x5], $0x1, s24, s23, $0xb8;
	[tilespmem:$0x1F700] =	vst v63  }
0x93: {  	_ = 	snop  }
0x94: {  	[spmem:s4] =	stream.indirect.scatter.add.f32 [tilespmem:s28], [sflag:$0x5], $0x1, s26, s23, $0xb8;
	[tilespmem:$0x1F700] =	vst v63  }
0x95: {  	_ = 	snop  }
0x96: {  	[spmem:s4] =	stream.indirect.scatter.add.f32 [tilespmem:s30], [sflag:$0x5], $0x1, s29, s23, $0xb8;
	[tilespmem:$0x1F700] =	vst v63  }
0x97: {  	_ = 	snop  }
0x98: {  	[spmem:s4] =	stream.indirect.scatter.add.f32 [tilespmem:s0], [sflag:$0x5], $0x1, s31, s23, $0xb8;
	[tilespmem:$0x1F700] =	vst v63  }
0x99: {  	_ = 	snop  }
0x9a: {  	[spmem:s4] =	stream.indirect.scatter.add.f32 [tilespmem:s9], [sflag:$0x5], $0x1, s2, s23, $0xb8;
	[tilespmem:$0x1F700] =	vst v63  }
0x9b: {  	_ = 	snop  }
0x9c: {  	[spmem:s4] =	stream.indirect.scatter.add.f32 [tilespmem:s13], [sflag:$0x5], $0x1, s12, s23, $0xb8;
	[tilespmem:$0x1F700] =	vst v63  }
0x9d: {  	_ = 	snop  }
0x9e: {  	[spmem:s4] =	stream.indirect.scatter.add.f32 [tilespmem:s15], [sflag:$0x5], $0x1, s14, s23, $0xb8;
	[tilespmem:$0x1F700] =	vst v63  }
0x9f: {  	_ =	swait.ge [sflag:s18], $0x80  }
0xa0: {  	[sflag:s18] =	ssyncset.done $0x0  }
0xa1: {  	[sflag:s18] =	ssyncadd.s32 $0xFFFFFF80  }
0xa2: {  	_ =	swait.ge [sflag:s18], $0x80  }
0xa3: {  	[sflag:s18] =	ssyncset.done $0x0  }
0xa4: {  	[sflag:s18] =	ssyncadd.s32 $0xFFFFFF80  }
0xa5: {  	_ =	swait.ge [sflag:s18], $0x80  }
0xa6: {  	[sflag:s18] =	ssyncset.done $0x0  }
0xa7: {  	[sflag:s18] =	ssyncadd.s32 $0xFFFFFF80  }
0xa8: {  	_ =	swait.ge [sflag:s18], $0x80  }
0xa9: {  	[sflag:s18] =	ssyncset.done $0x0  }
0xaa: {  	[sflag:s18] =	ssyncadd.s32 $0xFFFFFF80  }
0xab: {  	_ =	swait.ge [sflag:s18], $0x80  }
0xac: {  	[sflag:s18] =	ssyncset.done $0x0  }
0xad: {  	[sflag:s18] =	ssyncadd.s32 $0xFFFFFF80  }
0xae: {  	_ =	swait.ge [sflag:s18], $0x80  }
0xaf: {  	[sflag:s18] =	ssyncset.done $0x0  }
0xb0: {  	[sflag:s18] =	ssyncadd.s32 $0xFFFFFF80  }
0xb1: {  	_ =	swait.ge [sflag:s18], $0x80  }
0xb2: {  	[sflag:s18] =	ssyncset.done $0x0  }
0xb3: {  	[sflag:s18] =	ssyncadd.s32 $0xFFFFFF80  }
0xb4: {  	_ =	swait.ge [sflag:s18], $0x80  }
0xb5: {  	[sflag:s18] =	ssyncset.done $0x0  }
0xb6: {  	[sflag:s18] =	ssyncadd.s32 $0xFFFFFF80  }
0xb7: {  	s3 =	simm.s32 $0x0;
	[bflag:$0x0] =	sbarrier.arrive $0xFFFF  }
0xb8: {  	[tilespmem:s3], [sflag:$0x6] =	stream.linear.gather [spmem:s4], $0x2800, $0x38;
	[tilespmem:$0x1F700] =	vst v63  }
0xb9: {  	_ =	swait.ge [sflag:s19], $0x2800  }
0xba: {  	[sflag:s19] =	ssyncset.done $0x0  }
0xbb: {  	s7 =	simm.s32 $0x40;
	s6 =	simm.s32 $0x0;
	[sflag:s19] =	ssyncadd.s32 $0xFFFFD800  }
.LBB2_4:
0xbc: {  	p0 =	sne.s32 s7, $0x9FC0;
	v0 =	vld [tilespmem:s6+$0x0];
	_ =	sdelay $0x4  }
0xbd: {  	v0 =	vadd.f32 $1.000000000e+00, v0;
	_ =	sdelay $0x1  }
0xbe: {  	v1 =	vshra.s32 v0, $0x1;
	v0 =	vmul.f32 $5.000000000e-01, v0  }
0xbf: {  	v1 =	vsub.s32 $0x5F3759DF, v1  }
0xc0: {  	v2 =	vmul.f32 v1, v0;
	_ =	sdelay $0x1  }
0xc1: {  	v2 =	vmul.f32 v1, v2;
	_ =	sdelay $0x1  }
0xc2: {  	v2 =	vsub.f32 $1.500000000e+00, v2;
	_ =	sdelay $0x1  }
0xc3: {  	v1 =	vmul.f32 v1, v2;
	_ =	sdelay $0x1  }
0xc4: {  	v2 =	vmul.f32 v1, v0;
	_ =	sdelay $0x1  }
0xc5: {  	v2 =	vmul.f32 v2, v1;
	_ =	sdelay $0x1  }
0xc6: {  	v2 =	vsub.f32 $1.500000000e+00, v2;
	_ =	sdelay $0x1  }
0xc7: {  	v1 =	vmul.f32 v2, v1;
	_ =	sdelay $0x1  }
0xc8: {  	v0 =	vmul.f32 v1, v0;
	_ =	sdelay $0x1  }
0xc9: {  	v0 =	vmul.f32 v0, v1;
	_ =	sdelay $0x1  }
.Ltmp1:
0xca: {  	v0 =	vsub.f32 $1.500000000e+00, v0;
	(pc) =	sbr.rel @p0 .LBB2_4-.Ltmp1, $3  }
0xcb: {  	_ = 	snop  }
0xcc: {  	v0 =	vmul.f32 v0, v1;
	_ =	sdelay $0x1  }
0xcd: {  	[tilespmem:s6+$0x0] =	vst v0;
	s6 =	sshra.s32 s7, $0x2;
	s7 =	sadd.s32 $0x40, s7  }
0xce: {  	v0 =	vld [tilespmem:s6+$0x0];
	_ =	sdelay $0x4  }
0xcf: {  	v0 =	vadd.f32 $1.000000000e+00, v0;
	_ =	sdelay $0x1  }
0xd0: {  	v1 =	vshra.s32 v0, $0x1;
	v0 =	vmul.f32 $5.000000000e-01, v0  }
0xd1: {  	v1 =	vsub.s32 $0x5F3759DF, v1  }
0xd2: {  	v2 =	vmul.f32 v1, v0;
	_ =	sdelay $0x1  }
0xd3: {  	v2 =	vmul.f32 v1, v2;
	_ =	sdelay $0x1  }
0xd4: {  	v2 =	vsub.f32 $1.500000000e+00, v2;
	_ =	sdelay $0x1  }
0xd5: {  	v1 =	vmul.f32 v1, v2;
	_ =	sdelay $0x1  }
0xd6: {  	v2 =	vmul.f32 v1, v0;
	_ =	sdelay $0x1  }
0xd7: {  	v2 =	vmul.f32 v2, v1;
	_ =	sdelay $0x1  }
0xd8: {  	v2 =	vsub.f32 $1.500000000e+00, v2;
	_ =	sdelay $0x1  }
0xd9: {  	v1 =	vmul.f32 v2, v1;
	_ =	sdelay $0x1  }
0xda: {  	v0 =	vmul.f32 v1, v0;
	_ =	sdelay $0x1  }
0xdb: {  	v0 =	vmul.f32 v0, v1;
	_ =	sdelay $0x1  }
0xdc: {  	v0 =	vsub.f32 $1.500000000e+00, v0;
	_ =	sdelay $0x1  }
0xdd: {  	v0 =	vmul.f32 v0, v1;
	_ =	sdelay $0x1  }
0xde: {  	s1 =	simm.s32 $0x7400;
	[tilespmem:s6+$0x0] =	vst v0  }
.LBB2_6:
0xdf: {  	s6 =	rddreg [dreg:$0xb]  }
0xe0: {  	s6 =	sadd.s32 s6, s3  }
0xe1: {  	s7 =	rddreg [dreg:$0x6];
	s6 =	sshll.u32 s6, $0x7  }
0xe2: {  	s10 =	simm.s32 $0x0;
	s11 =	simm.s32 $0x2800;
	s7 =	sadd.s32 s7, s6  }
0xe3: {  	[tilespmem:s11], [sflag:$0x6] =	stream.linear.gather [hbm4b:s7+s10], $0x400, $0x38;
	[tilespmem:$0x1F700] =	vst v63  }
0xe4: {  	_ =	swait.ge [sflag:s19], $0x400  }
0xe5: {  	[sflag:s19] =	ssyncset.done $0x0;
	s7 =	rddreg [dreg:$0x7]  }
0xe6: {  	[sflag:s19] =	ssyncadd.s32 $0xFFFFFC00;
	s7 =	sadd.s32 s7, s6  }
0xe7: {  	[tilespmem:s21], [sflag:$0x6] =	stream.linear.gather [hbm4b:s7+s10], $0x400, $0x38;
	[tilespmem:$0x1F700] =	vst v63  }
0xe8: {  	_ =	swait.ge [sflag:s19], $0x400  }
0xe9: {  	[sflag:s19] =	ssyncset.done $0x0;
	s7 =	rddreg [dreg:$0x8]  }
0xea: {  	[sflag:s19] =	ssyncadd.s32 $0xFFFFFC00;
	s6 =	sadd.s32 s7, s6  }
0xeb: {  	[tilespmem:s22], [sflag:$0x6] =	stream.linear.gather [hbm4b:s6+s10], $0x400, $0x38;
	[tilespmem:$0x1F700] =	vst v63  }
0xec: {  	_ =	swait.ge [sflag:s19], $0x400  }
0xed: {  	[sflag:s19] =	ssyncset.done $0x0  }
0xee: {  	[sflag:s19] =	ssyncadd.s32 $0xFFFFFC00  }
0xef: {  	s7 =	rddreg [dreg:$0x0]  }
0xf0: {  	[tilespmem:s20], [sflag:$0x1] =	stream.indirect.gather [hbm4b:s7+s23], $0x80, s11, s23, $0xb8;
	[tilespmem:$0x1F700] =	vst v63  }
0xf1: {  	s20 =	simm.s32 $0x2880;
	s11 =	simm.s32 $0x1  }
0xf2: {  	[tilespmem:s1], [sflag:$0x2] =	stream.indirect.gather [hbm4b:s7+s23], $0x80, s20, s23, $0xb8;
	[tilespmem:$0x1F700] =	vst v63  }
0xf3: {  	_ =	swait.ge [sflag:s11], $0x4000  }
0xf4: {  	[sflag:s11] =	ssyncset.done $0x0  }
0xf5: {  	[sflag:s11] =	ssyncadd.s32 $0xFFFFC000  }
0xf6: {  	v0 =	vld [tilespmem:$0x2800];
	_ =	sdelay $0x5  }
0xf7: {  	v1 =	vld [tilespmem:$0x3000]  }
0xf8: {  	v2 =	vld [tilespmem:$0x2810]  }
0xf9: {  	v0 =	vld.idx.msk [tilespmem:v0+s10+$0x0], $0xffff;
	_ =	sdelay $0x4  }
0xfa: {  	v0 =	vmul.f32 v0, v1;
	_ =	sdelay $0x1  }
0xfb: {  	[tilespmem:$0xB400] =	vst v0;
	v0 =	vld [tilespmem:$0x3010]  }
0xfc: {  	v1 =	vld.idx.msk [tilespmem:v2+s10+$0x0], $0xffff  }
0xfd: {  	v2 =	vld [tilespmem:$0x2820];
	_ =	sdelay $0x4  }
0xfe: {  	v0 =	vmul.f32 v1, v0;
	_ =	sdelay $0x1  }
0xff: {  	[tilespmem:$0xB410] =	vst v0;
	v0 =	vld [tilespmem:$0x3020]  }
0x100: {  	v1 =	vld.idx.msk [tilespmem:v2+s10+$0x0], $0xffff  }
0x101: {  	v2 =	vld [tilespmem:$0x2830];
	_ =	sdelay $0x4  }
0x102: {  	v0 =	vmul.f32 v1, v0;
	_ =	sdelay $0x1  }
0x103: {  	[tilespmem:$0xB420] =	vst v0;
	v0 =	vld [tilespmem:$0x3030]  }
0x104: {  	v1 =	vld.idx.msk [tilespmem:v2+s10+$0x0], $0xffff  }
0x105: {  	v2 =	vld [tilespmem:$0x2840];
	_ =	sdelay $0x4  }
0x106: {  	v0 =	vmul.f32 v1, v0;
	_ =	sdelay $0x1  }
0x107: {  	[tilespmem:$0xB430] =	vst v0;
	v0 =	vld [tilespmem:$0x3040]  }
0x108: {  	v1 =	vld.idx.msk [tilespmem:v2+s10+$0x0], $0xffff  }
0x109: {  	v2 =	vld [tilespmem:$0x2850];
	_ =	sdelay $0x4  }
0x10a: {  	v0 =	vmul.f32 v1, v0;
	_ =	sdelay $0x1  }
0x10b: {  	[tilespmem:$0xB440] =	vst v0;
	v0 =	vld [tilespmem:$0x3050]  }
0x10c: {  	v1 =	vld.idx.msk [tilespmem:v2+s10+$0x0], $0xffff  }
0x10d: {  	v2 =	vld [tilespmem:$0x2860];
	_ =	sdelay $0x4  }
0x10e: {  	v0 =	vmul.f32 v1, v0;
	_ =	sdelay $0x1  }
0x10f: {  	[tilespmem:$0xB450] =	vst v0;
	v0 =	vld [tilespmem:$0x3060]  }
0x110: {  	v1 =	vld.idx.msk [tilespmem:v2+s10+$0x0], $0xffff  }
0x111: {  	v2 =	vld [tilespmem:$0x2870];
	_ =	sdelay $0x4  }
0x112: {  	v0 =	vmul.f32 v1, v0;
	_ =	sdelay $0x1  }
0x113: {  	[tilespmem:$0xB460] =	vst v0;
	v0 =	vld [tilespmem:$0x3070]  }
0x114: {  	v1 =	vld.idx.msk [tilespmem:v2+s10+$0x0], $0xffff;
	_ =	sdelay $0x3  }
0x115: {  	v2 =	vmov s10  }
0x116: {  	v0 =	vmul.f32 v1, v0;
	v1 =	vand.u32 $0xFFFFFFFE, v2  }
0x117: {  	v1 =	vbroadcast v1, $0x0;
	_ =	sdelay $0x3  }
0x118: {  	s10 =	simm.s32 $0x3480;
	[tilespmem:$0xB470] =	vst v0  }
0x119: {  	v4 =	vld [tilespmem:s10+$0xFFFFFFF0]  }
0x11a: {  	v5 =	vld.idx.msk [tilespmem:v1+s8+$0x0], $0xffff  }
0x11b: {  	v6 =	vld [tilespmem:s10+$0xFFFFFF80]  }
0x11c: {  	v7 =	vld [tilespmem:s10+$0xFFFFFFA0]  }
0x11d: {  	v3 =	vld [tilespmem:s10+$0xFFFFFFB0]  }
0x11e: {  	v2 =	vld [tilespmem:s10+$0xFFFFFFD0]  }
0x11f: {  	v9 =	vld [tilespmem:s10+$0xFFFFFF90];
	v4 =	vmul.f32 v4, v5  }
0x120: {  	v8 =	vld [tilespmem:s10+$0xFFFFFFE0];
	v6 =	vmul.f32 v6, v5  }
0x121: {  	v10 =	vld [tilespmem:s10+$0xFFFFFFC0];
	v7 =	vmul.f32 v7, v5;
	[tilespmem:s10+$0xFFFFFFF0] =	vst v4  }
0x122: {  	v3 =	vmul.f32 v3, v5;
	[tilespmem:s10+$0xFFFFFF80] =	vst v6  }
0x123: {  	s20 =	simm.s32 $0x1;
	v2 =	vmul.f32 v2, v5;
	[tilespmem:s10+$0xFFFFFFA0] =	vst v7  }
0x124: {  	v4 =	vmul.f32 v9, v5;
	[tilespmem:s10+$0xFFFFFFB0] =	vst v3;
	v6 =	vmov s20  }
0x125: {  	v0 =	vld [tilespmem:s10+$0x0];
	v3 =	vmul.f32 v8, v5;
	[tilespmem:s10+$0xFFFFFFD0] =	vst v2  }
0x126: {  	v1 =	vld [tilespmem:s10+$0x10];
	v2 =	vmul.f32 v10, v5;
	[tilespmem:s10+$0xFFFFFF90] =	vst v4  }
0x127: {  	[tilespmem:s10+$0xFFFFFFE0] =	vst v3;
	v4 =	vld [tilespmem:s10+$0x30]  }
0x128: {  	[tilespmem:s10+$0xFFFFFFC0] =	vst v2;
	v3 =	vld [tilespmem:s10+$0x70]  }
0x129: {  	s6 =	simm.s32 $0x2;
	s7 =	simm.s32 $0x3480;
	s20 =	simm.s32 $0x7400;
	v2 =	vld.idx.msk [tilespmem:v6+s8+$0x0], $0xffff  }
.LBB2_7:
0x12a: {  	p0 =	slt.u32 s6, $0x7E  }
0x12b: {  	v5 =	vld [tilespmem:s10+$0x20];
	s7 =	sadd.s32 $0x100, s7;
	s11 =	smov.u32 s6;
	s6 =	sadd.s32 $0x2, s6  }
0x12c: {  	v6 =	vld [tilespmem:s10+$0x40]  }
0x12d: {  	v7 =	vld [tilespmem:s10+$0x50]  }
0x12e: {  	v8 =	vld [tilespmem:s10+$0x60];
	_ =	sdelay $0x1  }
0x12f: {  	v0 =	vmul.f32 v0, v2;
	v1 =	vmul.f32 v1, v2  }
0x130: {  	v4 =	vmul.f32 v4, v2;
	v5 =	vmul.f32 v5, v2  }
0x131: {  	v9 =	vmov s11;
	v6 =	vmul.f32 v6, v2;
	[tilespmem:s10+$0x0] =	vst v0;
	v7 =	vmul.f32 v7, v2  }
0x132: {  	v9 =	vand.u32 $0xFFFFFFFE, v9;
	v0 =	vld [tilespmem:s7+$0x0];
	[tilespmem:s10+$0x30] =	vst v4;
	v4 =	vmul.f32 v8, v2;
	v2 =	vmul.f32 v3, v2  }
0x133: {  	v3 =	vbroadcast v9, $0x0;
	[tilespmem:s10+$0x10] =	vst v1  }
0x134: {  	[tilespmem:s10+$0x70] =	vst v2  }
0x135: {  	v2 =	vld [tilespmem:s7+$0xFFFFFFD0];
	[tilespmem:s10+$0x20] =	vst v5  }
0x136: {  	v5 =	vld [tilespmem:s7+$0xFFFFFFB0];
	[tilespmem:s10+$0x60] =	vst v4  }
0x137: {  	v4 =	vld [tilespmem:s7+$0xFFFFFFE0];
	[tilespmem:s10+$0x40] =	vst v6  }
0x138: {  	v6 =	vld [tilespmem:s7+$0xFFFFFFF0];
	[tilespmem:s10+$0x50] =	vst v7;
	s10 =	smov.u32 s7  }
0x139: {  	v3 =	vld.idx.msk [tilespmem:v3+s8+$0x0], $0xffff  }
0x13a: {  	v7 =	vld [tilespmem:s7+$0xFFFFFF80]  }
0x13b: {  	v8 =	vld [tilespmem:s7+$0xFFFFFFA0]  }
0x13c: {  	v9 =	vld [tilespmem:s7+$0xFFFFFF90]  }
0x13d: {  	v10 =	vld [tilespmem:s7+$0xFFFFFFC0]  }
0x13e: {  	v1 =	vld [tilespmem:s7+$0x10]  }
0x13f: {  	v6 =	vmul.f32 v6, v3;
	v7 =	vmul.f32 v7, v3  }
0x140: {  	v4 =	vmul.f32 v4, v3;
	v8 =	vmul.f32 v8, v3  }
0x141: {  	v5 =	vmul.f32 v5, v3;
	v9 =	vmul.f32 v9, v3;
	[tilespmem:s7+$0xFFFFFFF0] =	vst v6  }
0x142: {  	v2 =	vmul.f32 v2, v3;
	[tilespmem:s7+$0xFFFFFF80] =	vst v7;
	v6 =	vmul.f32 v10, v3  }
0x143: {  	s11 =	sadd.s32 $0x1, s11;
	[tilespmem:s7+$0xFFFFFFA0] =	vst v8  }
0x144: {  	[tilespmem:s7+$0xFFFFFFB0] =	vst v5;
	v5 =	vmov s11  }
.Ltmp2:
0x145: {  	[tilespmem:s7+$0xFFFFFFD0] =	vst v2;
	(pc) =	sbr.rel @p0 .LBB2_7-.Ltmp2, $4  }
0x146: {  	[tilespmem:s7+$0xFFFFFF90] =	vst v9  }
0x147: {  	[tilespmem:s7+$0xFFFFFFE0] =	vst v4;
	v4 =	vld [tilespmem:s7+$0x30]  }
0x148: {  	[tilespmem:s7+$0xFFFFFFC0] =	vst v6;
	v3 =	vld [tilespmem:s7+$0x70]  }
0x149: {  	v2 =	vld.idx.msk [tilespmem:v5+s8+$0x0], $0xffff  }
0x14a: {  	_ =	sdelay $0x2  }
0x14b: {  	v5 =	vld [tilespmem:s10+$0x20]  }
0x14c: {  	v6 =	vld [tilespmem:s10+$0x60];
	v0 =	vmul.f32 v0, v2  }
0x14d: {  	v7 =	vld [tilespmem:s10+$0x40];
	v4 =	vmul.f32 v4, v2  }
0x14e: {  	v8 =	vld [tilespmem:s10+$0x50];
	v1 =	vmul.f32 v1, v2;
	[tilespmem:s10+$0x0] =	vst v0  }
0x14f: {  	[tilespmem:s10+$0x30] =	vst v4;
	v0 =	vmul.f32 v3, v2  }
0x150: {  	v3 =	vmul.f32 v5, v2;
	[tilespmem:s10+$0x10] =	vst v1  }
0x151: {  	v1 =	vmul.f32 v6, v2;
	[tilespmem:s10+$0x70] =	vst v0  }
0x152: {  	v0 =	vmul.f32 v7, v2;
	[tilespmem:s10+$0x20] =	vst v3  }
0x153: {  	v2 =	vmul.f32 v8, v2;
	[tilespmem:s10+$0x60] =	vst v1  }
0x154: {  	[tilespmem:s10+$0x40] =	vst v0  }
0x155: {  	s6 =	rddreg [dreg:$0x3];
	s7 =	simm.s32 $0x3400;
	s1 =	simm.s32 $0x3;
	[tilespmem:s10+$0x50] =	vst v2  }
0x156: {  	[spmem:s6] =	stream.indirect.scatter.add.f32 [tilespmem:s7], [sflag:$0x3], $0x80, s21, s23, $0xb8;
	[tilespmem:$0x1F700] =	vst v63  }
0x157: {  	_ =	swait.ge [sflag:s1], $0x4000  }
0x158: {  	[sflag:s1] =	ssyncset.done $0x0  }
0x159: {  	[sflag:s1] =	ssyncadd.s32 $0xFFFFC000  }
0x15a: {  	s11 =	simm.s32 $0x2900;
	s10 =	rddreg [dreg:$0x0]  }
0x15b: {  	[tilespmem:s7], [sflag:$0x1] =	stream.indirect.gather [hbm4b:s10+s23], $0x80, s11, s23, $0xb8;
	[tilespmem:$0x1F700] =	vst v63  }
0x15c: {  	s7 =	simm.s32 $0x2  }
0x15d: {  	_ =	swait.ge [sflag:s7], $0x4000  }
0x15e: {  	[sflag:s7] =	ssyncset.done $0x0  }
0x15f: {  	[sflag:s7] =	ssyncadd.s32 $0xFFFFC000  }
0x160: {  	v0 =	vld [tilespmem:$0x2880];
	_ =	sdelay $0x5  }
0x161: {  	v1 =	vld [tilespmem:$0x3080]  }
0x162: {  	s10 =	simm.s32 $0x0;
	v2 =	vld [tilespmem:$0x2890]  }
0x163: {  	v0 =	vld.idx.msk [tilespmem:v0+s10+$0x0], $0xffff;
	_ =	sdelay $0x4  }
0x164: {  	v0 =	vmul.f32 v0, v1;
	_ =	sdelay $0x1  }
0x165: {  	[tilespmem:$0xB400] =	vst v0;
	v0 =	vld [tilespmem:$0x3090]  }
0x166: {  	v1 =	vld.idx.msk [tilespmem:v2+s10+$0x0], $0xffff  }
0x167: {  	v2 =	vld [tilespmem:$0x28A0];
	_ =	sdelay $0x4  }
0x168: {  	v0 =	vmul.f32 v1, v0;
	_ =	sdelay $0x1  }
0x169: {  	[tilespmem:$0xB410] =	vst v0;
	v0 =	vld [tilespmem:$0x30A0]  }
0x16a: {  	v1 =	vld.idx.msk [tilespmem:v2+s10+$0x0], $0xffff  }
0x16b: {  	v2 =	vld [tilespmem:$0x28B0];
	_ =	sdelay $0x4  }
0x16c: {  	v0 =	vmul.f32 v1, v0;
	_ =	sdelay $0x1  }
0x16d: {  	[tilespmem:$0xB420] =	vst v0;
	v0 =	vld [tilespmem:$0x30B0]  }
0x16e: {  	v1 =	vld.idx.msk [tilespmem:v2+s10+$0x0], $0xffff  }
0x16f: {  	v2 =	vld [tilespmem:$0x28C0];
	_ =	sdelay $0x4  }
0x170: {  	v0 =	vmul.f32 v1, v0;
	_ =	sdelay $0x1  }
0x171: {  	[tilespmem:$0xB430] =	vst v0;
	v0 =	vld [tilespmem:$0x30C0]  }
0x172: {  	v1 =	vld.idx.msk [tilespmem:v2+s10+$0x0], $0xffff  }
0x173: {  	v2 =	vld [tilespmem:$0x28D0];
	_ =	sdelay $0x4  }
0x174: {  	v0 =	vmul.f32 v1, v0;
	_ =	sdelay $0x1  }
0x175: {  	[tilespmem:$0xB440] =	vst v0;
	v0 =	vld [tilespmem:$0x30D0]  }
0x176: {  	v1 =	vld.idx.msk [tilespmem:v2+s10+$0x0], $0xffff  }
0x177: {  	v2 =	vld [tilespmem:$0x28E0];
	_ =	sdelay $0x4  }
0x178: {  	v0 =	vmul.f32 v1, v0;
	_ =	sdelay $0x1  }
0x179: {  	[tilespmem:$0xB450] =	vst v0;
	v0 =	vld [tilespmem:$0x30E0]  }
0x17a: {  	v1 =	vld.idx.msk [tilespmem:v2+s10+$0x0], $0xffff  }
0x17b: {  	v2 =	vld [tilespmem:$0x28F0];
	_ =	sdelay $0x4  }
0x17c: {  	v0 =	vmul.f32 v1, v0;
	_ =	sdelay $0x1  }
0x17d: {  	[tilespmem:$0xB460] =	vst v0;
	v0 =	vld [tilespmem:$0x30F0]  }
0x17e: {  	v1 =	vld.idx.msk [tilespmem:v2+s10+$0x0], $0xffff;
	_ =	sdelay $0x3  }
0x17f: {  	v2 =	vmov s10  }
0x180: {  	v0 =	vmul.f32 v1, v0;
	v1 =	vand.u32 $0xFFFFFFFE, v2  }
0x181: {  	v1 =	vbroadcast v1, $0x0;
	_ =	sdelay $0x3  }
0x182: {  	s10 =	simm.s32 $0x7480;
	[tilespmem:$0xB470] =	vst v0  }
0x183: {  	v4 =	vld [tilespmem:s10+$0xFFFFFFF0]  }
0x184: {  	v5 =	vld.idx.msk [tilespmem:v1+s8+$0x0], $0xffff  }
0x185: {  	v6 =	vld [tilespmem:s10+$0xFFFFFF80]  }
0x186: {  	v7 =	vld [tilespmem:s10+$0xFFFFFFA0]  }
0x187: {  	v3 =	vld [tilespmem:s10+$0xFFFFFFB0]  }
0x188: {  	v2 =	vld [tilespmem:s10+$0xFFFFFFD0]  }
0x189: {  	v9 =	vld [tilespmem:s10+$0xFFFFFF90];
	v4 =	vmul.f32 v4, v5  }
0x18a: {  	v63 =	vld [tilespmem:s10+$0xFFFFFFE0];
	v6 =	vmul.f32 v6, v5  }
0x18b: {  	v10 =	vld [tilespmem:s10+$0xFFFFFFC0];
	v7 =	vmul.f32 v7, v5;
	[tilespmem:s10+$0xFFFFFFF0] =	vst v4  }
0x18c: {  	v3 =	vmul.f32 v3, v5;
	[tilespmem:s10+$0xFFFFFF80] =	vst v6  }
0x18d: {  	s11 =	simm.s32 $0x1;
	v2 =	vmul.f32 v2, v5;
	[tilespmem:s10+$0xFFFFFFA0] =	vst v7  }
0x18e: {  	v4 =	vmul.f32 v9, v5;
	[tilespmem:s10+$0xFFFFFFB0] =	vst v3;
	v6 =	vmov s11  }
0x18f: {  	v0 =	vld [tilespmem:s10+$0x0];
	v3 =	vmul.f32 v63, v5;
	[tilespmem:s10+$0xFFFFFFD0] =	vst v2  }
0x190: {  	v1 =	vld [tilespmem:s10+$0x10];
	v2 =	vmul.f32 v10, v5;
	[tilespmem:s10+$0xFFFFFF90] =	vst v4  }
0x191: {  	[tilespmem:s10+$0xFFFFFFE0] =	vst v3;
	v4 =	vld [tilespmem:s10+$0x30]  }
0x192: {  	[tilespmem:s10+$0xFFFFFFC0] =	vst v2;
	v3 =	vld [tilespmem:s10+$0x70]  }
0x193: {  	s6 =	simm.s32 $0x2;
	s7 =	simm.s32 $0x7480;
	v2 =	vld.idx.msk [tilespmem:v6+s8+$0x0], $0xffff  }
.LBB2_9:
0x194: {  	p0 =	slt.u32 s6, $0x7E  }
0x195: {  	v5 =	vld [tilespmem:s10+$0x20];
	s7 =	sadd.s32 $0x100, s7;
	s11 =	smov.u32 s6;
	s6 =	sadd.s32 $0x2, s6  }
0x196: {  	v6 =	vld [tilespmem:s10+$0x40]  }
0x197: {  	v7 =	vld [tilespmem:s10+$0x50]  }
0x198: {  	v8 =	vld [tilespmem:s10+$0x60];
	_ =	sdelay $0x1  }
0x199: {  	v0 =	vmul.f32 v0, v2;
	v1 =	vmul.f32 v1, v2  }
0x19a: {  	v4 =	vmul.f32 v4, v2;
	v5 =	vmul.f32 v5, v2  }
0x19b: {  	v9 =	vmov s11;
	v6 =	vmul.f32 v6, v2;
	[tilespmem:s10+$0x0] =	vst v0;
	v7 =	vmul.f32 v7, v2  }
0x19c: {  	v9 =	vand.u32 $0xFFFFFFFE, v9;
	v0 =	vld [tilespmem:s7+$0x0];
	[tilespmem:s10+$0x30] =	vst v4;
	v4 =	vmul.f32 v8, v2;
	v2 =	vmul.f32 v3, v2  }
0x19d: {  	v3 =	vbroadcast v9, $0x0;
	[tilespmem:s10+$0x10] =	vst v1  }
0x19e: {  	[tilespmem:s10+$0x70] =	vst v2  }
0x19f: {  	v2 =	vld [tilespmem:s7+$0xFFFFFFD0];
	[tilespmem:s10+$0x20] =	vst v5  }
0x1a0: {  	v5 =	vld [tilespmem:s7+$0xFFFFFFB0];
	[tilespmem:s10+$0x60] =	vst v4  }
0x1a1: {  	v4 =	vld [tilespmem:s7+$0xFFFFFFE0];
	[tilespmem:s10+$0x40] =	vst v6  }
0x1a2: {  	v6 =	vld [tilespmem:s7+$0xFFFFFFF0];
	[tilespmem:s10+$0x50] =	vst v7;
	s10 =	smov.u32 s7  }
0x1a3: {  	v3 =	vld.idx.msk [tilespmem:v3+s8+$0x0], $0xffff  }
0x1a4: {  	v7 =	vld [tilespmem:s7+$0xFFFFFF80]  }
0x1a5: {  	v8 =	vld [tilespmem:s7+$0xFFFFFFA0]  }
0x1a6: {  	v9 =	vld [tilespmem:s7+$0xFFFFFF90]  }
0x1a7: {  	v10 =	vld [tilespmem:s7+$0xFFFFFFC0]  }
0x1a8: {  	v1 =	vld [tilespmem:s7+$0x10]  }
0x1a9: {  	v6 =	vmul.f32 v6, v3;
	v7 =	vmul.f32 v7, v3  }
0x1aa: {  	v4 =	vmul.f32 v4, v3;
	v8 =	vmul.f32 v8, v3  }
0x1ab: {  	v5 =	vmul.f32 v5, v3;
	v9 =	vmul.f32 v9, v3;
	[tilespmem:s7+$0xFFFFFFF0] =	vst v6  }
0x1ac: {  	v2 =	vmul.f32 v2, v3;
	[tilespmem:s7+$0xFFFFFF80] =	vst v7;
	v6 =	vmul.f32 v10, v3  }
0x1ad: {  	s11 =	sadd.s32 $0x1, s11;
	[tilespmem:s7+$0xFFFFFFA0] =	vst v8  }
0x1ae: {  	[tilespmem:s7+$0xFFFFFFB0] =	vst v5;
	v5 =	vmov s11  }
.Ltmp3:
0x1af: {  	[tilespmem:s7+$0xFFFFFFD0] =	vst v2;
	(pc) =	sbr.rel @p0 .LBB2_9-.Ltmp3, $4  }
0x1b0: {  	[tilespmem:s7+$0xFFFFFF90] =	vst v9  }
0x1b1: {  	[tilespmem:s7+$0xFFFFFFE0] =	vst v4;
	v4 =	vld [tilespmem:s7+$0x30]  }
0x1b2: {  	[tilespmem:s7+$0xFFFFFFC0] =	vst v6;
	v3 =	vld [tilespmem:s7+$0x70]  }
0x1b3: {  	v2 =	vld.idx.msk [tilespmem:v5+s8+$0x0], $0xffff  }
0x1b4: {  	_ =	sdelay $0x2  }
0x1b5: {  	v5 =	vld [tilespmem:s10+$0x20]  }
0x1b6: {  	v6 =	vld [tilespmem:s10+$0x60];
	v0 =	vmul.f32 v0, v2  }
0x1b7: {  	v7 =	vld [tilespmem:s10+$0x40];
	v4 =	vmul.f32 v4, v2  }
0x1b8: {  	v8 =	vld [tilespmem:s10+$0x50];
	v1 =	vmul.f32 v1, v2;
	[tilespmem:s10+$0x0] =	vst v0  }
0x1b9: {  	[tilespmem:s10+$0x30] =	vst v4;
	v0 =	vmul.f32 v3, v2  }
0x1ba: {  	v3 =	vmul.f32 v5, v2;
	[tilespmem:s10+$0x10] =	vst v1  }
0x1bb: {  	v1 =	vmul.f32 v6, v2;
	[tilespmem:s10+$0x70] =	vst v0  }
0x1bc: {  	v0 =	vmul.f32 v7, v2;
	[tilespmem:s10+$0x20] =	vst v3  }
0x1bd: {  	v2 =	vmul.f32 v8, v2;
	[tilespmem:s10+$0x60] =	vst v1  }
0x1be: {  	[tilespmem:s10+$0x40] =	vst v0  }
0x1bf: {  	s6 =	rddreg [dreg:$0x3];
	s1 =	simm.s32 $0x4;
	[tilespmem:s10+$0x50] =	vst v2  }
0x1c0: {  	[spmem:s6] =	stream.indirect.scatter.add.f32 [tilespmem:s20], [sflag:$0x4], $0x80, s24, s23, $0xb8;
	[tilespmem:$0x1F700] =	vst v63  }
0x1c1: {  	_ =	swait.ge [sflag:s1], $0x4000  }
0x1c2: {  	[sflag:s1] =	ssyncset.done $0x0  }
0x1c3: {  	[sflag:s1] =	ssyncadd.s32 $0xFFFFC000  }
0x1c4: {  	s11 =	simm.s32 $0x2980;
	s7 =	simm.s32 $0x1;
	s10 =	rddreg [dreg:$0x0]  }
0x1c5: {  	[tilespmem:s20], [sflag:$0x2] =	stream.indirect.gather [hbm4b:s10+s23], $0x80, s11, s23, $0xb8;
	[tilespmem:$0x1F700] =	vst v63  }
0x1c6: {  	_ =	swait.ge [sflag:s7], $0x4000  }
0x1c7: {  	[sflag:s7] =	ssyncset.done $0x0  }
0x1c8: {  	[sflag:s7] =	ssyncadd.s32 $0xFFFFC000  }
0x1c9: {  	v0 =	vld [tilespmem:$0x2900];
	_ =	sdelay $0x5  }
0x1ca: {  	v1 =	vld [tilespmem:$0x3100]  }
0x1cb: {  	s10 =	simm.s32 $0x0;
	v2 =	vld [tilespmem:$0x2910]  }
0x1cc: {  	v0 =	vld.idx.msk [tilespmem:v0+s10+$0x0], $0xffff;
	_ =	sdelay $0x4  }
0x1cd: {  	v0 =	vmul.f32 v0, v1;
	_ =	sdelay $0x1  }
0x1ce: {  	[tilespmem:$0xB400] =	vst v0;
	v0 =	vld [tilespmem:$0x3110]  }
0x1cf: {  	v1 =	vld.idx.msk [tilespmem:v2+s10+$0x0], $0xffff  }
0x1d0: {  	v2 =	vld [tilespmem:$0x2920];
	_ =	sdelay $0x4  }
0x1d1: {  	v0 =	vmul.f32 v1, v0;
	_ =	sdelay $0x1  }
0x1d2: {  	[tilespmem:$0xB410] =	vst v0;
	v0 =	vld [tilespmem:$0x3120]  }
0x1d3: {  	v1 =	vld.idx.msk [tilespmem:v2+s10+$0x0], $0xffff  }
0x1d4: {  	v2 =	vld [tilespmem:$0x2930];
	_ =	sdelay $0x4  }
0x1d5: {  	v0 =	vmul.f32 v1, v0;
	_ =	sdelay $0x1  }
0x1d6: {  	[tilespmem:$0xB420] =	vst v0;
	v0 =	vld [tilespmem:$0x3130]  }
0x1d7: {  	v1 =	vld.idx.msk [tilespmem:v2+s10+$0x0], $0xffff  }
0x1d8: {  	v2 =	vld [tilespmem:$0x2940];
	_ =	sdelay $0x4  }
0x1d9: {  	v0 =	vmul.f32 v1, v0;
	_ =	sdelay $0x1  }
0x1da: {  	[tilespmem:$0xB430] =	vst v0;
	v0 =	vld [tilespmem:$0x3140]  }
0x1db: {  	v1 =	vld.idx.msk [tilespmem:v2+s10+$0x0], $0xffff  }
0x1dc: {  	v2 =	vld [tilespmem:$0x2950];
	_ =	sdelay $0x4  }
0x1dd: {  	v0 =	vmul.f32 v1, v0;
	_ =	sdelay $0x1  }
0x1de: {  	[tilespmem:$0xB440] =	vst v0;
	v0 =	vld [tilespmem:$0x3150]  }
0x1df: {  	v1 =	vld.idx.msk [tilespmem:v2+s10+$0x0], $0xffff  }
0x1e0: {  	v2 =	vld [tilespmem:$0x2960];
	_ =	sdelay $0x4  }
0x1e1: {  	v0 =	vmul.f32 v1, v0;
	_ =	sdelay $0x1  }
0x1e2: {  	[tilespmem:$0xB450] =	vst v0;
	v0 =	vld [tilespmem:$0x3160]  }
0x1e3: {  	v1 =	vld.idx.msk [tilespmem:v2+s10+$0x0], $0xffff  }
0x1e4: {  	v2 =	vld [tilespmem:$0x2970];
	_ =	sdelay $0x4  }
0x1e5: {  	v0 =	vmul.f32 v1, v0;
	_ =	sdelay $0x1  }
0x1e6: {  	[tilespmem:$0xB460] =	vst v0;
	v0 =	vld [tilespmem:$0x3170]  }
0x1e7: {  	v1 =	vld.idx.msk [tilespmem:v2+s10+$0x0], $0xffff;
	_ =	sdelay $0x3  }
0x1e8: {  	v2 =	vmov s10  }
0x1e9: {  	v0 =	vmul.f32 v1, v0;
	v1 =	vand.u32 $0xFFFFFFFE, v2  }
0x1ea: {  	v1 =	vbroadcast v1, $0x0;
	_ =	sdelay $0x3  }
0x1eb: {  	s10 =	simm.s32 $0x3480;
	[tilespmem:$0xB470] =	vst v0  }
0x1ec: {  	v4 =	vld [tilespmem:s10+$0xFFFFFFF0]  }
0x1ed: {  	v5 =	vld.idx.msk [tilespmem:v1+s8+$0x0], $0xffff  }
0x1ee: {  	v6 =	vld [tilespmem:s10+$0xFFFFFF80]  }
0x1ef: {  	v7 =	vld [tilespmem:s10+$0xFFFFFFA0]  }
0x1f0: {  	v3 =	vld [tilespmem:s10+$0xFFFFFFB0]  }
0x1f1: {  	v2 =	vld [tilespmem:s10+$0xFFFFFFD0]  }
0x1f2: {  	v9 =	vld [tilespmem:s10+$0xFFFFFF90];
	v4 =	vmul.f32 v4, v5  }
0x1f3: {  	v63 =	vld [tilespmem:s10+$0xFFFFFFE0];
	v6 =	vmul.f32 v6, v5  }
0x1f4: {  	v10 =	vld [tilespmem:s10+$0xFFFFFFC0];
	v7 =	vmul.f32 v7, v5;
	[tilespmem:s10+$0xFFFFFFF0] =	vst v4  }
0x1f5: {  	v3 =	vmul.f32 v3, v5;
	[tilespmem:s10+$0xFFFFFF80] =	vst v6  }
0x1f6: {  	s11 =	simm.s32 $0x1;
	v2 =	vmul.f32 v2, v5;
	[tilespmem:s10+$0xFFFFFFA0] =	vst v7  }
0x1f7: {  	v4 =	vmul.f32 v9, v5;
	[tilespmem:s10+$0xFFFFFFB0] =	vst v3;
	v6 =	vmov s11  }
0x1f8: {  	v0 =	vld [tilespmem:s10+$0x0];
	v3 =	vmul.f32 v63, v5;
	[tilespmem:s10+$0xFFFFFFD0] =	vst v2  }
0x1f9: {  	v1 =	vld [tilespmem:s10+$0x10];
	v2 =	vmul.f32 v10, v5;
	[tilespmem:s10+$0xFFFFFF90] =	vst v4  }
0x1fa: {  	[tilespmem:s10+$0xFFFFFFE0] =	vst v3;
	v4 =	vld [tilespmem:s10+$0x30]  }
0x1fb: {  	[tilespmem:s10+$0xFFFFFFC0] =	vst v2;
	v3 =	vld [tilespmem:s10+$0x70]  }
0x1fc: {  	s6 =	simm.s32 $0x2;
	s7 =	simm.s32 $0x3480;
	v2 =	vld.idx.msk [tilespmem:v6+s8+$0x0], $0xffff  }
.LBB2_11:
0x1fd: {  	p0 =	slt.u32 s6, $0x7E  }
0x1fe: {  	v5 =	vld [tilespmem:s10+$0x20];
	s7 =	sadd.s32 $0x100, s7;
	s11 =	smov.u32 s6;
	s6 =	sadd.s32 $0x2, s6  }
0x1ff: {  	v6 =	vld [tilespmem:s10+$0x40]  }
0x200: {  	v7 =	vld [tilespmem:s10+$0x50]  }
0x201: {  	v8 =	vld [tilespmem:s10+$0x60];
	_ =	sdelay $0x1  }
0x202: {  	v0 =	vmul.f32 v0, v2;
	v1 =	vmul.f32 v1, v2  }
0x203: {  	v4 =	vmul.f32 v4, v2;
	v5 =	vmul.f32 v5, v2  }
0x204: {  	v9 =	vmov s11;
	v6 =	vmul.f32 v6, v2;
	[tilespmem:s10+$0x0] =	vst v0;
	v7 =	vmul.f32 v7, v2  }
0x205: {  	v9 =	vand.u32 $0xFFFFFFFE, v9;
	v0 =	vld [tilespmem:s7+$0x0];
	[tilespmem:s10+$0x30] =	vst v4;
	v4 =	vmul.f32 v8, v2;
	v2 =	vmul.f32 v3, v2  }
0x206: {  	v3 =	vbroadcast v9, $0x0;
	[tilespmem:s10+$0x10] =	vst v1  }
0x207: {  	[tilespmem:s10+$0x70] =	vst v2  }
0x208: {  	v2 =	vld [tilespmem:s7+$0xFFFFFFD0];
	[tilespmem:s10+$0x20] =	vst v5  }
0x209: {  	v5 =	vld [tilespmem:s7+$0xFFFFFFB0];
	[tilespmem:s10+$0x60] =	vst v4  }
0x20a: {  	v4 =	vld [tilespmem:s7+$0xFFFFFFE0];
	[tilespmem:s10+$0x40] =	vst v6  }
0x20b: {  	v6 =	vld [tilespmem:s7+$0xFFFFFFF0];
	[tilespmem:s10+$0x50] =	vst v7;
	s10 =	smov.u32 s7  }
0x20c: {  	v3 =	vld.idx.msk [tilespmem:v3+s8+$0x0], $0xffff  }
0x20d: {  	v7 =	vld [tilespmem:s7+$0xFFFFFF80]  }
0x20e: {  	v8 =	vld [tilespmem:s7+$0xFFFFFFA0]  }
0x20f: {  	v9 =	vld [tilespmem:s7+$0xFFFFFF90]  }
0x210: {  	v10 =	vld [tilespmem:s7+$0xFFFFFFC0]  }
0x211: {  	v1 =	vld [tilespmem:s7+$0x10]  }
0x212: {  	v6 =	vmul.f32 v6, v3;
	v7 =	vmul.f32 v7, v3  }
0x213: {  	v4 =	vmul.f32 v4, v3;
	v8 =	vmul.f32 v8, v3  }
0x214: {  	v5 =	vmul.f32 v5, v3;
	v9 =	vmul.f32 v9, v3;
	[tilespmem:s7+$0xFFFFFFF0] =	vst v6  }
0x215: {  	v2 =	vmul.f32 v2, v3;
	[tilespmem:s7+$0xFFFFFF80] =	vst v7;
	v6 =	vmul.f32 v10, v3  }
0x216: {  	s11 =	sadd.s32 $0x1, s11;
	[tilespmem:s7+$0xFFFFFFA0] =	vst v8  }
0x217: {  	[tilespmem:s7+$0xFFFFFFB0] =	vst v5;
	v5 =	vmov s11  }
.Ltmp4:
0x218: {  	[tilespmem:s7+$0xFFFFFFD0] =	vst v2;
	(pc) =	sbr.rel @p0 .LBB2_11-.Ltmp4, $4  }
0x219: {  	[tilespmem:s7+$0xFFFFFF90] =	vst v9  }
0x21a: {  	[tilespmem:s7+$0xFFFFFFE0] =	vst v4;
	v4 =	vld [tilespmem:s7+$0x30]  }
0x21b: {  	[tilespmem:s7+$0xFFFFFFC0] =	vst v6;
	v3 =	vld [tilespmem:s7+$0x70]  }
0x21c: {  	v2 =	vld.idx.msk [tilespmem:v5+s8+$0x0], $0xffff  }
0x21d: {  	_ =	sdelay $0x2  }
0x21e: {  	v5 =	vld [tilespmem:s10+$0x20]  }
0x21f: {  	v6 =	vld [tilespmem:s10+$0x60];
	v0 =	vmul.f32 v0, v2  }
0x220: {  	v7 =	vld [tilespmem:s10+$0x40];
	v4 =	vmul.f32 v4, v2  }
0x221: {  	v8 =	vld [tilespmem:s10+$0x50];
	v1 =	vmul.f32 v1, v2;
	[tilespmem:s10+$0x0] =	vst v0  }
0x222: {  	[tilespmem:s10+$0x30] =	vst v4;
	v0 =	vmul.f32 v3, v2  }
0x223: {  	v3 =	vmul.f32 v5, v2;
	[tilespmem:s10+$0x10] =	vst v1  }
0x224: {  	v1 =	vmul.f32 v6, v2;
	[tilespmem:s10+$0x70] =	vst v0  }
0x225: {  	v0 =	vmul.f32 v7, v2;
	[tilespmem:s10+$0x20] =	vst v3  }
0x226: {  	v2 =	vmul.f32 v8, v2;
	[tilespmem:s10+$0x60] =	vst v1  }
0x227: {  	[tilespmem:s10+$0x40] =	vst v0  }
0x228: {  	s6 =	rddreg [dreg:$0x3];
	s7 =	simm.s32 $0x3400;
	s1 =	simm.s32 $0x3;
	[tilespmem:s10+$0x50] =	vst v2  }
0x229: {  	[spmem:s6] =	stream.indirect.scatter.add.f32 [tilespmem:s7], [sflag:$0x3], $0x80, s26, s23, $0xb8;
	[tilespmem:$0x1F700] =	vst v63  }
0x22a: {  	_ =	swait.ge [sflag:s1], $0x4000  }
0x22b: {  	[sflag:s1] =	ssyncset.done $0x0  }
0x22c: {  	[sflag:s1] =	ssyncadd.s32 $0xFFFFC000  }
0x22d: {  	s11 =	simm.s32 $0x2A00;
	s10 =	rddreg [dreg:$0x0]  }
0x22e: {  	[tilespmem:s7], [sflag:$0x1] =	stream.indirect.gather [hbm4b:s10+s23], $0x80, s11, s23, $0xb8;
	[tilespmem:$0x1F700] =	vst v63  }
0x22f: {  	s7 =	simm.s32 $0x2  }
0x230: {  	_ =	swait.ge [sflag:s7], $0x4000  }
0x231: {  	[sflag:s7] =	ssyncset.done $0x0  }
0x232: {  	[sflag:s7] =	ssyncadd.s32 $0xFFFFC000  }
0x233: {  	v0 =	vld [tilespmem:$0x2980];
	_ =	sdelay $0x5  }
0x234: {  	v1 =	vld [tilespmem:$0x3180]  }
0x235: {  	s10 =	simm.s32 $0x0;
	v2 =	vld [tilespmem:$0x2990]  }
0x236: {  	v0 =	vld.idx.msk [tilespmem:v0+s10+$0x0], $0xffff;
	_ =	sdelay $0x4  }
0x237: {  	v0 =	vmul.f32 v0, v1;
	_ =	sdelay $0x1  }
0x238: {  	[tilespmem:$0xB400] =	vst v0;
	v0 =	vld [tilespmem:$0x3190]  }
0x239: {  	v1 =	vld.idx.msk [tilespmem:v2+s10+$0x0], $0xffff  }
0x23a: {  	v2 =	vld [tilespmem:$0x29A0];
	_ =	sdelay $0x4  }
0x23b: {  	v0 =	vmul.f32 v1, v0;
	_ =	sdelay $0x1  }
0x23c: {  	[tilespmem:$0xB410] =	vst v0;
	v0 =	vld [tilespmem:$0x31A0]  }
0x23d: {  	v1 =	vld.idx.msk [tilespmem:v2+s10+$0x0], $0xffff  }
0x23e: {  	v2 =	vld [tilespmem:$0x29B0];
	_ =	sdelay $0x4  }
0x23f: {  	v0 =	vmul.f32 v1, v0;
	_ =	sdelay $0x1  }
0x240: {  	[tilespmem:$0xB420] =	vst v0;
	v0 =	vld [tilespmem:$0x31B0]  }
0x241: {  	v1 =	vld.idx.msk [tilespmem:v2+s10+$0x0], $0xffff  }
0x242: {  	v2 =	vld [tilespmem:$0x29C0];
	_ =	sdelay $0x4  }
0x243: {  	v0 =	vmul.f32 v1, v0;
	_ =	sdelay $0x1  }
0x244: {  	[tilespmem:$0xB430] =	vst v0;
	v0 =	vld [tilespmem:$0x31C0]  }
0x245: {  	v1 =	vld.idx.msk [tilespmem:v2+s10+$0x0], $0xffff  }
0x246: {  	v2 =	vld [tilespmem:$0x29D0];
	_ =	sdelay $0x4  }
0x247: {  	v0 =	vmul.f32 v1, v0;
	_ =	sdelay $0x1  }
0x248: {  	[tilespmem:$0xB440] =	vst v0;
	v0 =	vld [tilespmem:$0x31D0]  }
0x249: {  	v1 =	vld.idx.msk [tilespmem:v2+s10+$0x0], $0xffff  }
0x24a: {  	v2 =	vld [tilespmem:$0x29E0];
	_ =	sdelay $0x4  }
0x24b: {  	v0 =	vmul.f32 v1, v0;
	_ =	sdelay $0x1  }
0x24c: {  	[tilespmem:$0xB450] =	vst v0;
	v0 =	vld [tilespmem:$0x31E0]  }
0x24d: {  	v1 =	vld.idx.msk [tilespmem:v2+s10+$0x0], $0xffff  }
0x24e: {  	v2 =	vld [tilespmem:$0x29F0];
	_ =	sdelay $0x4  }
0x24f: {  	v0 =	vmul.f32 v1, v0;
	_ =	sdelay $0x1  }
0x250: {  	[tilespmem:$0xB460] =	vst v0;
	v0 =	vld [tilespmem:$0x31F0]  }
0x251: {  	v1 =	vld.idx.msk [tilespmem:v2+s10+$0x0], $0xffff;
	_ =	sdelay $0x3  }
0x252: {  	v2 =	vmov s10  }
0x253: {  	v0 =	vmul.f32 v1, v0;
	v1 =	vand.u32 $0xFFFFFFFE, v2  }
0x254: {  	v1 =	vbroadcast v1, $0x0;
	_ =	sdelay $0x3  }
0x255: {  	s10 =	simm.s32 $0x7480;
	[tilespmem:$0xB470] =	vst v0  }
0x256: {  	v4 =	vld [tilespmem:s10+$0xFFFFFFF0]  }
0x257: {  	v5 =	vld.idx.msk [tilespmem:v1+s8+$0x0], $0xffff  }
0x258: {  	v6 =	vld [tilespmem:s10+$0xFFFFFF80]  }
0x259: {  	v7 =	vld [tilespmem:s10+$0xFFFFFFA0]  }
0x25a: {  	v3 =	vld [tilespmem:s10+$0xFFFFFFB0]  }
0x25b: {  	v2 =	vld [tilespmem:s10+$0xFFFFFFD0]  }
0x25c: {  	v9 =	vld [tilespmem:s10+$0xFFFFFF90];
	v4 =	vmul.f32 v4, v5  }
0x25d: {  	v63 =	vld [tilespmem:s10+$0xFFFFFFE0];
	v6 =	vmul.f32 v6, v5  }
0x25e: {  	v10 =	vld [tilespmem:s10+$0xFFFFFFC0];
	v7 =	vmul.f32 v7, v5;
	[tilespmem:s10+$0xFFFFFFF0] =	vst v4  }
0x25f: {  	v3 =	vmul.f32 v3, v5;
	[tilespmem:s10+$0xFFFFFF80] =	vst v6  }
0x260: {  	s11 =	simm.s32 $0x1;
	v2 =	vmul.f32 v2, v5;
	[tilespmem:s10+$0xFFFFFFA0] =	vst v7  }
0x261: {  	v4 =	vmul.f32 v9, v5;
	[tilespmem:s10+$0xFFFFFFB0] =	vst v3;
	v6 =	vmov s11  }
0x262: {  	v0 =	vld [tilespmem:s10+$0x0];
	v3 =	vmul.f32 v63, v5;
	[tilespmem:s10+$0xFFFFFFD0] =	vst v2  }
0x263: {  	v1 =	vld [tilespmem:s10+$0x10];
	v2 =	vmul.f32 v10, v5;
	[tilespmem:s10+$0xFFFFFF90] =	vst v4  }
0x264: {  	[tilespmem:s10+$0xFFFFFFE0] =	vst v3;
	v4 =	vld [tilespmem:s10+$0x30]  }
0x265: {  	[tilespmem:s10+$0xFFFFFFC0] =	vst v2;
	v3 =	vld [tilespmem:s10+$0x70]  }
0x266: {  	s6 =	simm.s32 $0x2;
	s7 =	simm.s32 $0x7480;
	v2 =	vld.idx.msk [tilespmem:v6+s8+$0x0], $0xffff  }
.LBB2_13:
0x267: {  	p0 =	slt.u32 s6, $0x7E  }
0x268: {  	v5 =	vld [tilespmem:s10+$0x20];
	s7 =	sadd.s32 $0x100, s7;
	s11 =	smov.u32 s6;
	s6 =	sadd.s32 $0x2, s6  }
0x269: {  	v6 =	vld [tilespmem:s10+$0x40]  }
0x26a: {  	v7 =	vld [tilespmem:s10+$0x50]  }
0x26b: {  	v8 =	vld [tilespmem:s10+$0x60];
	_ =	sdelay $0x1  }
0x26c: {  	v0 =	vmul.f32 v0, v2;
	v1 =	vmul.f32 v1, v2  }
0x26d: {  	v4 =	vmul.f32 v4, v2;
	v5 =	vmul.f32 v5, v2  }
0x26e: {  	v9 =	vmov s11;
	v6 =	vmul.f32 v6, v2;
	[tilespmem:s10+$0x0] =	vst v0;
	v7 =	vmul.f32 v7, v2  }
0x26f: {  	v9 =	vand.u32 $0xFFFFFFFE, v9;
	v0 =	vld [tilespmem:s7+$0x0];
	[tilespmem:s10+$0x30] =	vst v4;
	v4 =	vmul.f32 v8, v2;
	v2 =	vmul.f32 v3, v2  }
0x270: {  	v3 =	vbroadcast v9, $0x0;
	[tilespmem:s10+$0x10] =	vst v1  }
0x271: {  	[tilespmem:s10+$0x70] =	vst v2  }
0x272: {  	v2 =	vld [tilespmem:s7+$0xFFFFFFD0];
	[tilespmem:s10+$0x20] =	vst v5  }
0x273: {  	v5 =	vld [tilespmem:s7+$0xFFFFFFB0];
	[tilespmem:s10+$0x60] =	vst v4  }
0x274: {  	v4 =	vld [tilespmem:s7+$0xFFFFFFE0];
	[tilespmem:s10+$0x40] =	vst v6  }
0x275: {  	v6 =	vld [tilespmem:s7+$0xFFFFFFF0];
	[tilespmem:s10+$0x50] =	vst v7;
	s10 =	smov.u32 s7  }
0x276: {  	v3 =	vld.idx.msk [tilespmem:v3+s8+$0x0], $0xffff  }
0x277: {  	v7 =	vld [tilespmem:s7+$0xFFFFFF80]  }
0x278: {  	v8 =	vld [tilespmem:s7+$0xFFFFFFA0]  }
0x279: {  	v9 =	vld [tilespmem:s7+$0xFFFFFF90]  }
0x27a: {  	v10 =	vld [tilespmem:s7+$0xFFFFFFC0]  }
0x27b: {  	v1 =	vld [tilespmem:s7+$0x10]  }
0x27c: {  	v6 =	vmul.f32 v6, v3;
	v7 =	vmul.f32 v7, v3  }
0x27d: {  	v4 =	vmul.f32 v4, v3;
	v8 =	vmul.f32 v8, v3  }
0x27e: {  	v5 =	vmul.f32 v5, v3;
	v9 =	vmul.f32 v9, v3;
	[tilespmem:s7+$0xFFFFFFF0] =	vst v6  }
0x27f: {  	v2 =	vmul.f32 v2, v3;
	[tilespmem:s7+$0xFFFFFF80] =	vst v7;
	v6 =	vmul.f32 v10, v3  }
0x280: {  	s11 =	sadd.s32 $0x1, s11;
	[tilespmem:s7+$0xFFFFFFA0] =	vst v8  }
0x281: {  	[tilespmem:s7+$0xFFFFFFB0] =	vst v5;
	v5 =	vmov s11  }
.Ltmp5:
0x282: {  	[tilespmem:s7+$0xFFFFFFD0] =	vst v2;
	(pc) =	sbr.rel @p0 .LBB2_13-.Ltmp5, $4  }
0x283: {  	[tilespmem:s7+$0xFFFFFF90] =	vst v9  }
0x284: {  	[tilespmem:s7+$0xFFFFFFE0] =	vst v4;
	v4 =	vld [tilespmem:s7+$0x30]  }
0x285: {  	[tilespmem:s7+$0xFFFFFFC0] =	vst v6;
	v3 =	vld [tilespmem:s7+$0x70]  }
0x286: {  	v2 =	vld.idx.msk [tilespmem:v5+s8+$0x0], $0xffff  }
0x287: {  	_ =	sdelay $0x2  }
0x288: {  	v5 =	vld [tilespmem:s10+$0x20]  }
0x289: {  	v6 =	vld [tilespmem:s10+$0x60];
	v0 =	vmul.f32 v0, v2  }
0x28a: {  	v7 =	vld [tilespmem:s10+$0x40];
	v4 =	vmul.f32 v4, v2  }
0x28b: {  	v8 =	vld [tilespmem:s10+$0x50];
	v1 =	vmul.f32 v1, v2;
	[tilespmem:s10+$0x0] =	vst v0  }
0x28c: {  	[tilespmem:s10+$0x30] =	vst v4;
	v0 =	vmul.f32 v3, v2  }
0x28d: {  	v3 =	vmul.f32 v5, v2;
	[tilespmem:s10+$0x10] =	vst v1  }
0x28e: {  	v1 =	vmul.f32 v6, v2;
	[tilespmem:s10+$0x70] =	vst v0  }
0x28f: {  	v0 =	vmul.f32 v7, v2;
	[tilespmem:s10+$0x20] =	vst v3  }
0x290: {  	v2 =	vmul.f32 v8, v2;
	[tilespmem:s10+$0x60] =	vst v1  }
0x291: {  	[tilespmem:s10+$0x40] =	vst v0  }
0x292: {  	s6 =	rddreg [dreg:$0x3];
	s1 =	simm.s32 $0x4;
	[tilespmem:s10+$0x50] =	vst v2  }
0x293: {  	[spmem:s6] =	stream.indirect.scatter.add.f32 [tilespmem:s20], [sflag:$0x4], $0x80, s29, s23, $0xb8;
	[tilespmem:$0x1F700] =	vst v63  }
0x294: {  	_ =	swait.ge [sflag:s1], $0x4000  }
0x295: {  	[sflag:s1] =	ssyncset.done $0x0  }
0x296: {  	[sflag:s1] =	ssyncadd.s32 $0xFFFFC000  }
0x297: {  	s7 =	simm.s32 $0x2A80;
	s10 =	simm.s32 $0x1;
	s1 =	rddreg [dreg:$0x0]  }
0x298: {  	[tilespmem:s20], [sflag:$0x2] =	stream.indirect.gather [hbm4b:s1+s23], $0x80, s7, s23, $0xb8;
	[tilespmem:$0x1F700] =	vst v63  }
0x299: {  	_ =	swait.ge [sflag:s10], $0x4000  }
0x29a: {  	[sflag:s10] =	ssyncset.done $0x0  }
0x29b: {  	[sflag:s10] =	ssyncadd.s32 $0xFFFFC000  }
0x29c: {  	v0 =	vld [tilespmem:$0x2A00];
	_ =	sdelay $0x5  }
0x29d: {  	v1 =	vld [tilespmem:$0x3200]  }
0x29e: {  	s11 =	simm.s32 $0x0;
	v2 =	vld [tilespmem:$0x2A10]  }
0x29f: {  	v0 =	vld.idx.msk [tilespmem:v0+s11+$0x0], $0xffff;
	_ =	sdelay $0x4  }
0x2a0: {  	v0 =	vmul.f32 v0, v1;
	_ =	sdelay $0x1  }
0x2a1: {  	[tilespmem:$0xB400] =	vst v0;
	v0 =	vld [tilespmem:$0x3210]  }
0x2a2: {  	v1 =	vld.idx.msk [tilespmem:v2+s11+$0x0], $0xffff  }
0x2a3: {  	v2 =	vld [tilespmem:$0x2A20];
	_ =	sdelay $0x4  }
0x2a4: {  	v0 =	vmul.f32 v1, v0;
	_ =	sdelay $0x1  }
0x2a5: {  	[tilespmem:$0xB410] =	vst v0;
	v0 =	vld [tilespmem:$0x3220]  }
0x2a6: {  	v1 =	vld.idx.msk [tilespmem:v2+s11+$0x0], $0xffff  }
0x2a7: {  	v2 =	vld [tilespmem:$0x2A30];
	_ =	sdelay $0x4  }
0x2a8: {  	v0 =	vmul.f32 v1, v0;
	_ =	sdelay $0x1  }
0x2a9: {  	[tilespmem:$0xB420] =	vst v0;
	v0 =	vld [tilespmem:$0x3230]  }
0x2aa: {  	v1 =	vld.idx.msk [tilespmem:v2+s11+$0x0], $0xffff  }
0x2ab: {  	v2 =	vld [tilespmem:$0x2A40];
	_ =	sdelay $0x4  }
0x2ac: {  	v0 =	vmul.f32 v1, v0;
	_ =	sdelay $0x1  }
0x2ad: {  	[tilespmem:$0xB430] =	vst v0;
	v0 =	vld [tilespmem:$0x3240]  }
0x2ae: {  	v1 =	vld.idx.msk [tilespmem:v2+s11+$0x0], $0xffff  }
0x2af: {  	v2 =	vld [tilespmem:$0x2A50];
	_ =	sdelay $0x4  }
0x2b0: {  	v0 =	vmul.f32 v1, v0;
	_ =	sdelay $0x1  }
0x2b1: {  	[tilespmem:$0xB440] =	vst v0;
	v0 =	vld [tilespmem:$0x3250]  }
0x2b2: {  	v1 =	vld.idx.msk [tilespmem:v2+s11+$0x0], $0xffff  }
0x2b3: {  	v2 =	vld [tilespmem:$0x2A60];
	_ =	sdelay $0x4  }
0x2b4: {  	v0 =	vmul.f32 v1, v0;
	_ =	sdelay $0x1  }
0x2b5: {  	[tilespmem:$0xB450] =	vst v0;
	v0 =	vld [tilespmem:$0x3260]  }
0x2b6: {  	v1 =	vld.idx.msk [tilespmem:v2+s11+$0x0], $0xffff  }
0x2b7: {  	v2 =	vld [tilespmem:$0x2A70];
	_ =	sdelay $0x4  }
0x2b8: {  	v0 =	vmul.f32 v1, v0;
	_ =	sdelay $0x1  }
0x2b9: {  	[tilespmem:$0xB460] =	vst v0;
	v0 =	vld [tilespmem:$0x3270]  }
0x2ba: {  	v1 =	vld.idx.msk [tilespmem:v2+s11+$0x0], $0xffff;
	_ =	sdelay $0x3  }
0x2bb: {  	v2 =	vmov s11  }
0x2bc: {  	v0 =	vmul.f32 v1, v0;
	v1 =	vand.u32 $0xFFFFFFFE, v2  }
0x2bd: {  	v1 =	vbroadcast v1, $0x0;
	_ =	sdelay $0x3  }
0x2be: {  	s10 =	simm.s32 $0x3480;
	[tilespmem:$0xB470] =	vst v0  }
0x2bf: {  	v4 =	vld [tilespmem:s10+$0xFFFFFFF0]  }
0x2c0: {  	v5 =	vld.idx.msk [tilespmem:v1+s8+$0x0], $0xffff  }
0x2c1: {  	v6 =	vld [tilespmem:s10+$0xFFFFFF80]  }
0x2c2: {  	v7 =	vld [tilespmem:s10+$0xFFFFFFA0]  }
0x2c3: {  	v3 =	vld [tilespmem:s10+$0xFFFFFFB0]  }
0x2c4: {  	v2 =	vld [tilespmem:s10+$0xFFFFFFD0]  }
0x2c5: {  	v9 =	vld [tilespmem:s10+$0xFFFFFF90];
	v4 =	vmul.f32 v4, v5  }
0x2c6: {  	v63 =	vld [tilespmem:s10+$0xFFFFFFE0];
	v6 =	vmul.f32 v6, v5  }
0x2c7: {  	v10 =	vld [tilespmem:s10+$0xFFFFFFC0];
	v7 =	vmul.f32 v7, v5;
	[tilespmem:s10+$0xFFFFFFF0] =	vst v4  }
0x2c8: {  	v3 =	vmul.f32 v3, v5;
	[tilespmem:s10+$0xFFFFFF80] =	vst v6  }
0x2c9: {  	s20 =	simm.s32 $0x1;
	v2 =	vmul.f32 v2, v5;
	[tilespmem:s10+$0xFFFFFFA0] =	vst v7  }
0x2ca: {  	v4 =	vmul.f32 v9, v5;
	[tilespmem:s10+$0xFFFFFFB0] =	vst v3;
	v6 =	vmov s20  }
0x2cb: {  	v0 =	vld [tilespmem:s10+$0x0];
	v3 =	vmul.f32 v63, v5;
	[tilespmem:s10+$0xFFFFFFD0] =	vst v2  }
0x2cc: {  	v1 =	vld [tilespmem:s10+$0x10];
	v2 =	vmul.f32 v10, v5;
	[tilespmem:s10+$0xFFFFFF90] =	vst v4  }
0x2cd: {  	[tilespmem:s10+$0xFFFFFFE0] =	vst v3;
	v4 =	vld [tilespmem:s10+$0x30]  }
0x2ce: {  	[tilespmem:s10+$0xFFFFFFC0] =	vst v2;
	v3 =	vld [tilespmem:s10+$0x70]  }
0x2cf: {  	s6 =	simm.s32 $0x2;
	s7 =	simm.s32 $0x3480;
	v2 =	vld.idx.msk [tilespmem:v6+s8+$0x0], $0xffff  }
.LBB2_15:
0x2d0: {  	p0 =	slt.u32 s6, $0x7E  }
0x2d1: {  	v5 =	vld [tilespmem:s10+$0x20];
	s7 =	sadd.s32 $0x100, s7;
	s11 =	smov.u32 s6;
	s6 =	sadd.s32 $0x2, s6  }
0x2d2: {  	v6 =	vld [tilespmem:s10+$0x40]  }
0x2d3: {  	v7 =	vld [tilespmem:s10+$0x50]  }
0x2d4: {  	v8 =	vld [tilespmem:s10+$0x60];
	_ =	sdelay $0x1  }
0x2d5: {  	v0 =	vmul.f32 v0, v2;
	v1 =	vmul.f32 v1, v2  }
0x2d6: {  	v4 =	vmul.f32 v4, v2;
	v5 =	vmul.f32 v5, v2  }
0x2d7: {  	v9 =	vmov s11;
	v6 =	vmul.f32 v6, v2;
	[tilespmem:s10+$0x0] =	vst v0;
	v7 =	vmul.f32 v7, v2  }
0x2d8: {  	v9 =	vand.u32 $0xFFFFFFFE, v9;
	v0 =	vld [tilespmem:s7+$0x0];
	[tilespmem:s10+$0x30] =	vst v4;
	v4 =	vmul.f32 v8, v2;
	v2 =	vmul.f32 v3, v2  }
0x2d9: {  	v3 =	vbroadcast v9, $0x0;
	[tilespmem:s10+$0x10] =	vst v1  }
0x2da: {  	[tilespmem:s10+$0x70] =	vst v2  }
0x2db: {  	v2 =	vld [tilespmem:s7+$0xFFFFFFD0];
	[tilespmem:s10+$0x20] =	vst v5  }
0x2dc: {  	v5 =	vld [tilespmem:s7+$0xFFFFFFB0];
	[tilespmem:s10+$0x60] =	vst v4  }
0x2dd: {  	v4 =	vld [tilespmem:s7+$0xFFFFFFE0];
	[tilespmem:s10+$0x40] =	vst v6  }
0x2de: {  	v6 =	vld [tilespmem:s7+$0xFFFFFFF0];
	[tilespmem:s10+$0x50] =	vst v7;
	s10 =	smov.u32 s7  }
0x2df: {  	v3 =	vld.idx.msk [tilespmem:v3+s8+$0x0], $0xffff  }
0x2e0: {  	v7 =	vld [tilespmem:s7+$0xFFFFFF80]  }
0x2e1: {  	v8 =	vld [tilespmem:s7+$0xFFFFFFA0]  }
0x2e2: {  	v9 =	vld [tilespmem:s7+$0xFFFFFF90]  }
0x2e3: {  	v10 =	vld [tilespmem:s7+$0xFFFFFFC0]  }
0x2e4: {  	v1 =	vld [tilespmem:s7+$0x10]  }
0x2e5: {  	v6 =	vmul.f32 v6, v3;
	v7 =	vmul.f32 v7, v3  }
0x2e6: {  	v4 =	vmul.f32 v4, v3;
	v8 =	vmul.f32 v8, v3  }
0x2e7: {  	v5 =	vmul.f32 v5, v3;
	v9 =	vmul.f32 v9, v3;
	[tilespmem:s7+$0xFFFFFFF0] =	vst v6  }
0x2e8: {  	v2 =	vmul.f32 v2, v3;
	[tilespmem:s7+$0xFFFFFF80] =	vst v7;
	v6 =	vmul.f32 v10, v3  }
0x2e9: {  	s11 =	sadd.s32 $0x1, s11;
	[tilespmem:s7+$0xFFFFFFA0] =	vst v8  }
0x2ea: {  	[tilespmem:s7+$0xFFFFFFB0] =	vst v5;
	v5 =	vmov s11  }
.Ltmp6:
0x2eb: {  	[tilespmem:s7+$0xFFFFFFD0] =	vst v2;
	(pc) =	sbr.rel @p0 .LBB2_15-.Ltmp6, $4  }
0x2ec: {  	[tilespmem:s7+$0xFFFFFF90] =	vst v9  }
0x2ed: {  	[tilespmem:s7+$0xFFFFFFE0] =	vst v4;
	v4 =	vld [tilespmem:s7+$0x30]  }
0x2ee: {  	[tilespmem:s7+$0xFFFFFFC0] =	vst v6;
	v3 =	vld [tilespmem:s7+$0x70]  }
0x2ef: {  	v2 =	vld.idx.msk [tilespmem:v5+s8+$0x0], $0xffff  }
0x2f0: {  	_ =	sdelay $0x2  }
0x2f1: {  	v5 =	vld [tilespmem:s10+$0x20]  }
0x2f2: {  	v6 =	vld [tilespmem:s10+$0x60];
	v0 =	vmul.f32 v0, v2  }
0x2f3: {  	v7 =	vld [tilespmem:s10+$0x40];
	v4 =	vmul.f32 v4, v2  }
0x2f4: {  	v8 =	vld [tilespmem:s10+$0x50];
	v1 =	vmul.f32 v1, v2;
	[tilespmem:s10+$0x0] =	vst v0  }
0x2f5: {  	[tilespmem:s10+$0x30] =	vst v4;
	v0 =	vmul.f32 v3, v2  }
0x2f6: {  	v3 =	vmul.f32 v5, v2;
	[tilespmem:s10+$0x10] =	vst v1  }
0x2f7: {  	v1 =	vmul.f32 v6, v2;
	[tilespmem:s10+$0x70] =	vst v0  }
0x2f8: {  	v0 =	vmul.f32 v7, v2;
	[tilespmem:s10+$0x20] =	vst v3  }
0x2f9: {  	v2 =	vmul.f32 v8, v2;
	[tilespmem:s10+$0x60] =	vst v1  }
0x2fa: {  	[tilespmem:s10+$0x40] =	vst v0  }
0x2fb: {  	s6 =	rddreg [dreg:$0x3];
	s7 =	simm.s32 $0x3400;
	s1 =	simm.s32 $0x3;
	[tilespmem:s10+$0x50] =	vst v2  }
0x2fc: {  	[spmem:s6] =	stream.indirect.scatter.add.f32 [tilespmem:s7], [sflag:$0x3], $0x80, s31, s23, $0xb8;
	[tilespmem:$0x1F700] =	vst v63  }
0x2fd: {  	_ =	swait.ge [sflag:s1], $0x4000  }
0x2fe: {  	[sflag:s1] =	ssyncset.done $0x0  }
0x2ff: {  	[sflag:s1] =	ssyncadd.s32 $0xFFFFC000  }
0x300: {  	s11 =	simm.s32 $0x2B00;
	s10 =	rddreg [dreg:$0x0]  }
0x301: {  	[tilespmem:s7], [sflag:$0x1] =	stream.indirect.gather [hbm4b:s10+s23], $0x80, s11, s23, $0xb8;
	[tilespmem:$0x1F700] =	vst v63  }
0x302: {  	s7 =	simm.s32 $0x2  }
0x303: {  	_ =	swait.ge [sflag:s7], $0x4000  }
0x304: {  	[sflag:s7] =	ssyncset.done $0x0  }
0x305: {  	[sflag:s7] =	ssyncadd.s32 $0xFFFFC000  }
0x306: {  	v0 =	vld [tilespmem:$0x2A80];
	_ =	sdelay $0x5  }
0x307: {  	v1 =	vld [tilespmem:$0x3280]  }
0x308: {  	s10 =	simm.s32 $0x0;
	v2 =	vld [tilespmem:$0x2A90]  }
0x309: {  	v0 =	vld.idx.msk [tilespmem:v0+s10+$0x0], $0xffff;
	_ =	sdelay $0x4  }
0x30a: {  	v0 =	vmul.f32 v0, v1;
	_ =	sdelay $0x1  }
0x30b: {  	[tilespmem:$0xB400] =	vst v0;
	v0 =	vld [tilespmem:$0x3290]  }
0x30c: {  	v1 =	vld.idx.msk [tilespmem:v2+s10+$0x0], $0xffff  }
0x30d: {  	v2 =	vld [tilespmem:$0x2AA0];
	_ =	sdelay $0x4  }
0x30e: {  	v0 =	vmul.f32 v1, v0;
	_ =	sdelay $0x1  }
0x30f: {  	[tilespmem:$0xB410] =	vst v0;
	v0 =	vld [tilespmem:$0x32A0]  }
0x310: {  	v1 =	vld.idx.msk [tilespmem:v2+s10+$0x0], $0xffff  }
0x311: {  	v2 =	vld [tilespmem:$0x2AB0];
	_ =	sdelay $0x4  }
0x312: {  	v0 =	vmul.f32 v1, v0;
	_ =	sdelay $0x1  }
0x313: {  	[tilespmem:$0xB420] =	vst v0;
	v0 =	vld [tilespmem:$0x32B0]  }
0x314: {  	v1 =	vld.idx.msk [tilespmem:v2+s10+$0x0], $0xffff  }
0x315: {  	v2 =	vld [tilespmem:$0x2AC0];
	_ =	sdelay $0x4  }
0x316: {  	v0 =	vmul.f32 v1, v0;
	_ =	sdelay $0x1  }
0x317: {  	[tilespmem:$0xB430] =	vst v0;
	v0 =	vld [tilespmem:$0x32C0]  }
0x318: {  	v1 =	vld.idx.msk [tilespmem:v2+s10+$0x0], $0xffff  }
0x319: {  	v2 =	vld [tilespmem:$0x2AD0];
	_ =	sdelay $0x4  }
0x31a: {  	v0 =	vmul.f32 v1, v0;
	_ =	sdelay $0x1  }
0x31b: {  	[tilespmem:$0xB440] =	vst v0;
	v0 =	vld [tilespmem:$0x32D0]  }
0x31c: {  	v1 =	vld.idx.msk [tilespmem:v2+s10+$0x0], $0xffff  }
0x31d: {  	v2 =	vld [tilespmem:$0x2AE0];
	_ =	sdelay $0x4  }
0x31e: {  	v0 =	vmul.f32 v1, v0;
	_ =	sdelay $0x1  }
0x31f: {  	[tilespmem:$0xB450] =	vst v0;
	v0 =	vld [tilespmem:$0x32E0]  }
0x320: {  	v1 =	vld.idx.msk [tilespmem:v2+s10+$0x0], $0xffff  }
0x321: {  	v2 =	vld [tilespmem:$0x2AF0];
	_ =	sdelay $0x4  }
0x322: {  	v0 =	vmul.f32 v1, v0;
	_ =	sdelay $0x1  }
0x323: {  	[tilespmem:$0xB460] =	vst v0;
	v0 =	vld [tilespmem:$0x32F0]  }
0x324: {  	v1 =	vld.idx.msk [tilespmem:v2+s10+$0x0], $0xffff;
	_ =	sdelay $0x3  }
0x325: {  	v2 =	vmov s10  }
0x326: {  	v0 =	vmul.f32 v1, v0;
	v1 =	vand.u32 $0xFFFFFFFE, v2  }
0x327: {  	v1 =	vbroadcast v1, $0x0;
	_ =	sdelay $0x3  }
0x328: {  	s10 =	simm.s32 $0x7480;
	[tilespmem:$0xB470] =	vst v0  }
0x329: {  	v4 =	vld [tilespmem:s10+$0xFFFFFFF0]  }
0x32a: {  	v5 =	vld.idx.msk [tilespmem:v1+s8+$0x0], $0xffff  }
0x32b: {  	v6 =	vld [tilespmem:s10+$0xFFFFFF80]  }
0x32c: {  	v7 =	vld [tilespmem:s10+$0xFFFFFFA0]  }
0x32d: {  	v3 =	vld [tilespmem:s10+$0xFFFFFFB0]  }
0x32e: {  	v2 =	vld [tilespmem:s10+$0xFFFFFFD0]  }
0x32f: {  	v9 =	vld [tilespmem:s10+$0xFFFFFF90];
	v4 =	vmul.f32 v4, v5  }
0x330: {  	v63 =	vld [tilespmem:s10+$0xFFFFFFE0];
	v6 =	vmul.f32 v6, v5  }
0x331: {  	v10 =	vld [tilespmem:s10+$0xFFFFFFC0];
	v7 =	vmul.f32 v7, v5;
	[tilespmem:s10+$0xFFFFFFF0] =	vst v4  }
0x332: {  	v3 =	vmul.f32 v3, v5;
	[tilespmem:s10+$0xFFFFFF80] =	vst v6  }
0x333: {  	s11 =	simm.s32 $0x1;
	v2 =	vmul.f32 v2, v5;
	[tilespmem:s10+$0xFFFFFFA0] =	vst v7  }
0x334: {  	v4 =	vmul.f32 v9, v5;
	[tilespmem:s10+$0xFFFFFFB0] =	vst v3;
	v6 =	vmov s11  }
0x335: {  	v0 =	vld [tilespmem:s10+$0x0];
	v3 =	vmul.f32 v63, v5;
	[tilespmem:s10+$0xFFFFFFD0] =	vst v2  }
0x336: {  	v1 =	vld [tilespmem:s10+$0x10];
	v2 =	vmul.f32 v10, v5;
	[tilespmem:s10+$0xFFFFFF90] =	vst v4  }
0x337: {  	[tilespmem:s10+$0xFFFFFFE0] =	vst v3;
	v4 =	vld [tilespmem:s10+$0x30]  }
0x338: {  	[tilespmem:s10+$0xFFFFFFC0] =	vst v2;
	v3 =	vld [tilespmem:s10+$0x70]  }
0x339: {  	s20 =	simm.s32 $0x3400;
	s6 =	simm.s32 $0x2;
	s7 =	simm.s32 $0x7480;
	v2 =	vld.idx.msk [tilespmem:v6+s8+$0x0], $0xffff  }
.LBB2_17:
0x33a: {  	p0 =	slt.u32 s6, $0x7E  }
0x33b: {  	v5 =	vld [tilespmem:s10+$0x20];
	s7 =	sadd.s32 $0x100, s7;
	s11 =	smov.u32 s6;
	s6 =	sadd.s32 $0x2, s6  }
0x33c: {  	v6 =	vld [tilespmem:s10+$0x40]  }
0x33d: {  	v7 =	vld [tilespmem:s10+$0x50]  }
0x33e: {  	v8 =	vld [tilespmem:s10+$0x60];
	_ =	sdelay $0x1  }
0x33f: {  	v0 =	vmul.f32 v0, v2;
	v1 =	vmul.f32 v1, v2  }
0x340: {  	v4 =	vmul.f32 v4, v2;
	v5 =	vmul.f32 v5, v2  }
0x341: {  	v9 =	vmov s11;
	v6 =	vmul.f32 v6, v2;
	[tilespmem:s10+$0x0] =	vst v0;
	v7 =	vmul.f32 v7, v2  }
0x342: {  	v9 =	vand.u32 $0xFFFFFFFE, v9;
	v0 =	vld [tilespmem:s7+$0x0];
	[tilespmem:s10+$0x30] =	vst v4;
	v4 =	vmul.f32 v8, v2;
	v2 =	vmul.f32 v3, v2  }
0x343: {  	v3 =	vbroadcast v9, $0x0;
	[tilespmem:s10+$0x10] =	vst v1  }
0x344: {  	[tilespmem:s10+$0x70] =	vst v2  }
0x345: {  	v2 =	vld [tilespmem:s7+$0xFFFFFFD0];
	[tilespmem:s10+$0x20] =	vst v5  }
0x346: {  	v5 =	vld [tilespmem:s7+$0xFFFFFFB0];
	[tilespmem:s10+$0x60] =	vst v4  }
0x347: {  	v4 =	vld [tilespmem:s7+$0xFFFFFFE0];
	[tilespmem:s10+$0x40] =	vst v6  }
0x348: {  	v6 =	vld [tilespmem:s7+$0xFFFFFFF0];
	[tilespmem:s10+$0x50] =	vst v7;
	s10 =	smov.u32 s7  }
0x349: {  	v3 =	vld.idx.msk [tilespmem:v3+s8+$0x0], $0xffff  }
0x34a: {  	v7 =	vld [tilespmem:s7+$0xFFFFFF80]  }
0x34b: {  	v8 =	vld [tilespmem:s7+$0xFFFFFFA0]  }
0x34c: {  	v9 =	vld [tilespmem:s7+$0xFFFFFF90]  }
0x34d: {  	v10 =	vld [tilespmem:s7+$0xFFFFFFC0]  }
0x34e: {  	v1 =	vld [tilespmem:s7+$0x10]  }
0x34f: {  	v6 =	vmul.f32 v6, v3;
	v7 =	vmul.f32 v7, v3  }
0x350: {  	v4 =	vmul.f32 v4, v3;
	v8 =	vmul.f32 v8, v3  }
0x351: {  	v5 =	vmul.f32 v5, v3;
	v9 =	vmul.f32 v9, v3;
	[tilespmem:s7+$0xFFFFFFF0] =	vst v6  }
0x352: {  	v2 =	vmul.f32 v2, v3;
	[tilespmem:s7+$0xFFFFFF80] =	vst v7;
	v6 =	vmul.f32 v10, v3  }
0x353: {  	s11 =	sadd.s32 $0x1, s11;
	[tilespmem:s7+$0xFFFFFFA0] =	vst v8  }
0x354: {  	[tilespmem:s7+$0xFFFFFFB0] =	vst v5;
	v5 =	vmov s11  }
.Ltmp7:
0x355: {  	[tilespmem:s7+$0xFFFFFFD0] =	vst v2;
	(pc) =	sbr.rel @p0 .LBB2_17-.Ltmp7, $4  }
0x356: {  	[tilespmem:s7+$0xFFFFFF90] =	vst v9  }
0x357: {  	[tilespmem:s7+$0xFFFFFFE0] =	vst v4;
	v4 =	vld [tilespmem:s7+$0x30]  }
0x358: {  	[tilespmem:s7+$0xFFFFFFC0] =	vst v6;
	v3 =	vld [tilespmem:s7+$0x70]  }
0x359: {  	v2 =	vld.idx.msk [tilespmem:v5+s8+$0x0], $0xffff  }
0x35a: {  	_ =	sdelay $0x2  }
0x35b: {  	v5 =	vld [tilespmem:s10+$0x20]  }
0x35c: {  	v6 =	vld [tilespmem:s10+$0x60];
	v0 =	vmul.f32 v0, v2  }
0x35d: {  	v7 =	vld [tilespmem:s10+$0x40];
	v4 =	vmul.f32 v4, v2  }
0x35e: {  	v8 =	vld [tilespmem:s10+$0x50];
	v1 =	vmul.f32 v1, v2;
	[tilespmem:s10+$0x0] =	vst v0  }
0x35f: {  	[tilespmem:s10+$0x30] =	vst v4;
	v0 =	vmul.f32 v3, v2  }
0x360: {  	v3 =	vmul.f32 v5, v2;
	[tilespmem:s10+$0x10] =	vst v1  }
0x361: {  	v1 =	vmul.f32 v6, v2;
	[tilespmem:s10+$0x70] =	vst v0  }
0x362: {  	v0 =	vmul.f32 v7, v2;
	[tilespmem:s10+$0x20] =	vst v3  }
0x363: {  	v2 =	vmul.f32 v8, v2;
	[tilespmem:s10+$0x60] =	vst v1  }
0x364: {  	[tilespmem:s10+$0x40] =	vst v0  }
0x365: {  	s6 =	rddreg [dreg:$0x3];
	s1 =	simm.s32 $0x7400;
	s11 =	simm.s32 $0x4;
	[tilespmem:s10+$0x50] =	vst v2  }
0x366: {  	[spmem:s6] =	stream.indirect.scatter.add.f32 [tilespmem:s1], [sflag:$0x4], $0x80, s2, s23, $0xb8;
	[tilespmem:$0x1F700] =	vst v63  }
0x367: {  	_ =	swait.ge [sflag:s11], $0x4000  }
0x368: {  	[sflag:s11] =	ssyncset.done $0x0  }
0x369: {  	[sflag:s11] =	ssyncadd.s32 $0xFFFFC000  }
0x36a: {  	s7 =	simm.s32 $0x2B80;
	s6 =	rddreg [dreg:$0x0]  }
0x36b: {  	[tilespmem:s1], [sflag:$0x2] =	stream.indirect.gather [hbm4b:s6+s23], $0x80, s7, s23, $0xb8;
	[tilespmem:$0x1F700] =	vst v63  }
0x36c: {  	s7 =	simm.s32 $0x1  }
0x36d: {  	_ =	swait.ge [sflag:s7], $0x4000  }
0x36e: {  	[sflag:s7] =	ssyncset.done $0x0  }
0x36f: {  	[sflag:s7] =	ssyncadd.s32 $0xFFFFC000  }
0x370: {  	v0 =	vld [tilespmem:$0x2B00];
	_ =	sdelay $0x5  }
0x371: {  	v1 =	vld [tilespmem:$0x3300]  }
0x372: {  	s10 =	simm.s32 $0x0;
	v2 =	vld [tilespmem:$0x2B10]  }
0x373: {  	v0 =	vld.idx.msk [tilespmem:v0+s10+$0x0], $0xffff;
	_ =	sdelay $0x4  }
0x374: {  	v0 =	vmul.f32 v0, v1;
	_ =	sdelay $0x1  }
0x375: {  	[tilespmem:$0xB400] =	vst v0;
	v0 =	vld [tilespmem:$0x3310]  }
0x376: {  	v1 =	vld.idx.msk [tilespmem:v2+s10+$0x0], $0xffff  }
0x377: {  	v2 =	vld [tilespmem:$0x2B20];
	_ =	sdelay $0x4  }
0x378: {  	v0 =	vmul.f32 v1, v0;
	_ =	sdelay $0x1  }
0x379: {  	[tilespmem:$0xB410] =	vst v0;
	v0 =	vld [tilespmem:$0x3320]  }
0x37a: {  	v1 =	vld.idx.msk [tilespmem:v2+s10+$0x0], $0xffff  }
0x37b: {  	v2 =	vld [tilespmem:$0x2B30];
	_ =	sdelay $0x4  }
0x37c: {  	v0 =	vmul.f32 v1, v0;
	_ =	sdelay $0x1  }
0x37d: {  	[tilespmem:$0xB420] =	vst v0;
	v0 =	vld [tilespmem:$0x3330]  }
0x37e: {  	v1 =	vld.idx.msk [tilespmem:v2+s10+$0x0], $0xffff  }
0x37f: {  	v2 =	vld [tilespmem:$0x2B40];
	_ =	sdelay $0x4  }
0x380: {  	v0 =	vmul.f32 v1, v0;
	_ =	sdelay $0x1  }
0x381: {  	[tilespmem:$0xB430] =	vst v0;
	v0 =	vld [tilespmem:$0x3340]  }
0x382: {  	v1 =	vld.idx.msk [tilespmem:v2+s10+$0x0], $0xffff  }
0x383: {  	v2 =	vld [tilespmem:$0x2B50];
	_ =	sdelay $0x4  }
0x384: {  	v0 =	vmul.f32 v1, v0;
	_ =	sdelay $0x1  }
0x385: {  	[tilespmem:$0xB440] =	vst v0;
	v0 =	vld [tilespmem:$0x3350]  }
0x386: {  	v1 =	vld.idx.msk [tilespmem:v2+s10+$0x0], $0xffff  }
0x387: {  	v2 =	vld [tilespmem:$0x2B60];
	_ =	sdelay $0x4  }
0x388: {  	v0 =	vmul.f32 v1, v0;
	_ =	sdelay $0x1  }
0x389: {  	[tilespmem:$0xB450] =	vst v0;
	v0 =	vld [tilespmem:$0x3360]  }
0x38a: {  	v1 =	vld.idx.msk [tilespmem:v2+s10+$0x0], $0xffff  }
0x38b: {  	v2 =	vld [tilespmem:$0x2B70];
	_ =	sdelay $0x4  }
0x38c: {  	v0 =	vmul.f32 v1, v0;
	_ =	sdelay $0x1  }
0x38d: {  	[tilespmem:$0xB460] =	vst v0;
	v0 =	vld [tilespmem:$0x3370]  }
0x38e: {  	v1 =	vld.idx.msk [tilespmem:v2+s10+$0x0], $0xffff;
	_ =	sdelay $0x3  }
0x38f: {  	v2 =	vmov s10  }
0x390: {  	v0 =	vmul.f32 v1, v0;
	v1 =	vand.u32 $0xFFFFFFFE, v2  }
0x391: {  	v1 =	vbroadcast v1, $0x0;
	_ =	sdelay $0x3  }
0x392: {  	s10 =	simm.s32 $0x3480;
	[tilespmem:$0xB470] =	vst v0  }
0x393: {  	v4 =	vld [tilespmem:s10+$0xFFFFFFF0]  }
0x394: {  	v5 =	vld.idx.msk [tilespmem:v1+s8+$0x0], $0xffff  }
0x395: {  	v6 =	vld [tilespmem:s10+$0xFFFFFF80]  }
0x396: {  	v7 =	vld [tilespmem:s10+$0xFFFFFFA0]  }
0x397: {  	v3 =	vld [tilespmem:s10+$0xFFFFFFB0]  }
0x398: {  	v2 =	vld [tilespmem:s10+$0xFFFFFFD0]  }
0x399: {  	v9 =	vld [tilespmem:s10+$0xFFFFFF90];
	v4 =	vmul.f32 v4, v5  }
0x39a: {  	v63 =	vld [tilespmem:s10+$0xFFFFFFE0];
	v6 =	vmul.f32 v6, v5  }
0x39b: {  	v10 =	vld [tilespmem:s10+$0xFFFFFFC0];
	v7 =	vmul.f32 v7, v5;
	[tilespmem:s10+$0xFFFFFFF0] =	vst v4  }
0x39c: {  	v3 =	vmul.f32 v3, v5;
	[tilespmem:s10+$0xFFFFFF80] =	vst v6  }
0x39d: {  	s11 =	simm.s32 $0x1;
	v2 =	vmul.f32 v2, v5;
	[tilespmem:s10+$0xFFFFFFA0] =	vst v7  }
0x39e: {  	v4 =	vmul.f32 v9, v5;
	[tilespmem:s10+$0xFFFFFFB0] =	vst v3;
	v6 =	vmov s11  }
0x39f: {  	v0 =	vld [tilespmem:s10+$0x0];
	v3 =	vmul.f32 v63, v5;
	[tilespmem:s10+$0xFFFFFFD0] =	vst v2  }
0x3a0: {  	v1 =	vld [tilespmem:s10+$0x10];
	v2 =	vmul.f32 v10, v5;
	[tilespmem:s10+$0xFFFFFF90] =	vst v4  }
0x3a1: {  	[tilespmem:s10+$0xFFFFFFE0] =	vst v3;
	v4 =	vld [tilespmem:s10+$0x30]  }
0x3a2: {  	[tilespmem:s10+$0xFFFFFFC0] =	vst v2;
	v3 =	vld [tilespmem:s10+$0x70]  }
0x3a3: {  	s6 =	simm.s32 $0x2;
	s7 =	simm.s32 $0x3480;
	v2 =	vld.idx.msk [tilespmem:v6+s8+$0x0], $0xffff  }
.LBB2_19:
0x3a4: {  	p0 =	slt.u32 s6, $0x7E  }
0x3a5: {  	v5 =	vld [tilespmem:s10+$0x20];
	s7 =	sadd.s32 $0x100, s7;
	s11 =	smov.u32 s6;
	s6 =	sadd.s32 $0x2, s6  }
0x3a6: {  	v6 =	vld [tilespmem:s10+$0x40]  }
0x3a7: {  	v7 =	vld [tilespmem:s10+$0x50]  }
0x3a8: {  	v8 =	vld [tilespmem:s10+$0x60];
	_ =	sdelay $0x1  }
0x3a9: {  	v0 =	vmul.f32 v0, v2;
	v1 =	vmul.f32 v1, v2  }
0x3aa: {  	v4 =	vmul.f32 v4, v2;
	v5 =	vmul.f32 v5, v2  }
0x3ab: {  	v9 =	vmov s11;
	v6 =	vmul.f32 v6, v2;
	[tilespmem:s10+$0x0] =	vst v0;
	v7 =	vmul.f32 v7, v2  }
0x3ac: {  	v9 =	vand.u32 $0xFFFFFFFE, v9;
	v0 =	vld [tilespmem:s7+$0x0];
	[tilespmem:s10+$0x30] =	vst v4;
	v4 =	vmul.f32 v8, v2;
	v2 =	vmul.f32 v3, v2  }
0x3ad: {  	v3 =	vbroadcast v9, $0x0;
	[tilespmem:s10+$0x10] =	vst v1  }
0x3ae: {  	[tilespmem:s10+$0x70] =	vst v2  }
0x3af: {  	v2 =	vld [tilespmem:s7+$0xFFFFFFD0];
	[tilespmem:s10+$0x20] =	vst v5  }
0x3b0: {  	v5 =	vld [tilespmem:s7+$0xFFFFFFB0];
	[tilespmem:s10+$0x60] =	vst v4  }
0x3b1: {  	v4 =	vld [tilespmem:s7+$0xFFFFFFE0];
	[tilespmem:s10+$0x40] =	vst v6  }
0x3b2: {  	v6 =	vld [tilespmem:s7+$0xFFFFFFF0];
	[tilespmem:s10+$0x50] =	vst v7;
	s10 =	smov.u32 s7  }
0x3b3: {  	v3 =	vld.idx.msk [tilespmem:v3+s8+$0x0], $0xffff  }
0x3b4: {  	v7 =	vld [tilespmem:s7+$0xFFFFFF80]  }
0x3b5: {  	v8 =	vld [tilespmem:s7+$0xFFFFFFA0]  }
0x3b6: {  	v9 =	vld [tilespmem:s7+$0xFFFFFF90]  }
0x3b7: {  	v10 =	vld [tilespmem:s7+$0xFFFFFFC0]  }
0x3b8: {  	v1 =	vld [tilespmem:s7+$0x10]  }
0x3b9: {  	v6 =	vmul.f32 v6, v3;
	v7 =	vmul.f32 v7, v3  }
0x3ba: {  	v4 =	vmul.f32 v4, v3;
	v8 =	vmul.f32 v8, v3  }
0x3bb: {  	v5 =	vmul.f32 v5, v3;
	v9 =	vmul.f32 v9, v3;
	[tilespmem:s7+$0xFFFFFFF0] =	vst v6  }
0x3bc: {  	v2 =	vmul.f32 v2, v3;
	[tilespmem:s7+$0xFFFFFF80] =	vst v7;
	v6 =	vmul.f32 v10, v3  }
0x3bd: {  	s11 =	sadd.s32 $0x1, s11;
	[tilespmem:s7+$0xFFFFFFA0] =	vst v8  }
0x3be: {  	[tilespmem:s7+$0xFFFFFFB0] =	vst v5;
	v5 =	vmov s11  }
.Ltmp8:
0x3bf: {  	[tilespmem:s7+$0xFFFFFFD0] =	vst v2;
	(pc) =	sbr.rel @p0 .LBB2_19-.Ltmp8, $4  }
0x3c0: {  	[tilespmem:s7+$0xFFFFFF90] =	vst v9  }
0x3c1: {  	[tilespmem:s7+$0xFFFFFFE0] =	vst v4;
	v4 =	vld [tilespmem:s7+$0x30]  }
0x3c2: {  	[tilespmem:s7+$0xFFFFFFC0] =	vst v6;
	v3 =	vld [tilespmem:s7+$0x70]  }
0x3c3: {  	v2 =	vld.idx.msk [tilespmem:v5+s8+$0x0], $0xffff  }
0x3c4: {  	_ =	sdelay $0x2  }
0x3c5: {  	v5 =	vld [tilespmem:s10+$0x20]  }
0x3c6: {  	v6 =	vld [tilespmem:s10+$0x60];
	v0 =	vmul.f32 v0, v2  }
0x3c7: {  	v7 =	vld [tilespmem:s10+$0x40];
	v4 =	vmul.f32 v4, v2  }
0x3c8: {  	v8 =	vld [tilespmem:s10+$0x50];
	v1 =	vmul.f32 v1, v2;
	[tilespmem:s10+$0x0] =	vst v0  }
0x3c9: {  	[tilespmem:s10+$0x30] =	vst v4;
	v0 =	vmul.f32 v3, v2  }
0x3ca: {  	v3 =	vmul.f32 v5, v2;
	[tilespmem:s10+$0x10] =	vst v1  }
0x3cb: {  	v1 =	vmul.f32 v6, v2;
	[tilespmem:s10+$0x70] =	vst v0  }
0x3cc: {  	v0 =	vmul.f32 v7, v2;
	[tilespmem:s10+$0x20] =	vst v3  }
0x3cd: {  	v2 =	vmul.f32 v8, v2;
	[tilespmem:s10+$0x60] =	vst v1  }
0x3ce: {  	[tilespmem:s10+$0x40] =	vst v0  }
0x3cf: {  	s6 =	rddreg [dreg:$0x3];
	s1 =	simm.s32 $0x2;
	[tilespmem:s10+$0x50] =	vst v2  }
0x3d0: {  	[spmem:s6] =	stream.indirect.scatter.add.f32 [tilespmem:s20], [sflag:$0x3], $0x80, s12, s23, $0xb8;
	[tilespmem:$0x1F700] =	vst v63  }
0x3d1: {  	_ =	swait.ge [sflag:s1], $0x4000  }
0x3d2: {  	[sflag:s1] =	ssyncset.done $0x0  }
0x3d3: {  	[sflag:s1] =	ssyncadd.s32 $0xFFFFC000  }
0x3d4: {  	v0 =	vld [tilespmem:$0x2B80];
	_ =	sdelay $0x5  }
0x3d5: {  	v1 =	vld [tilespmem:$0x3380]  }
0x3d6: {  	s10 =	simm.s32 $0x0;
	v2 =	vld [tilespmem:$0x2B90]  }
0x3d7: {  	v0 =	vld.idx.msk [tilespmem:v0+s10+$0x0], $0xffff;
	_ =	sdelay $0x4  }
0x3d8: {  	v0 =	vmul.f32 v0, v1;
	_ =	sdelay $0x1  }
0x3d9: {  	[tilespmem:$0xB400] =	vst v0;
	v0 =	vld [tilespmem:$0x3390]  }
0x3da: {  	v1 =	vld.idx.msk [tilespmem:v2+s10+$0x0], $0xffff  }
0x3db: {  	v2 =	vld [tilespmem:$0x2BA0];
	_ =	sdelay $0x4  }
0x3dc: {  	v0 =	vmul.f32 v1, v0;
	_ =	sdelay $0x1  }
0x3dd: {  	[tilespmem:$0xB410] =	vst v0;
	v0 =	vld [tilespmem:$0x33A0]  }
0x3de: {  	v1 =	vld.idx.msk [tilespmem:v2+s10+$0x0], $0xffff  }
0x3df: {  	v2 =	vld [tilespmem:$0x2BB0];
	_ =	sdelay $0x4  }
0x3e0: {  	v0 =	vmul.f32 v1, v0;
	_ =	sdelay $0x1  }
0x3e1: {  	[tilespmem:$0xB420] =	vst v0;
	v0 =	vld [tilespmem:$0x33B0]  }
0x3e2: {  	v1 =	vld.idx.msk [tilespmem:v2+s10+$0x0], $0xffff  }
0x3e3: {  	v2 =	vld [tilespmem:$0x2BC0];
	_ =	sdelay $0x4  }
0x3e4: {  	v0 =	vmul.f32 v1, v0;
	_ =	sdelay $0x1  }
0x3e5: {  	[tilespmem:$0xB430] =	vst v0;
	v0 =	vld [tilespmem:$0x33C0]  }
0x3e6: {  	v1 =	vld.idx.msk [tilespmem:v2+s10+$0x0], $0xffff  }
0x3e7: {  	v2 =	vld [tilespmem:$0x2BD0];
	_ =	sdelay $0x4  }
0x3e8: {  	v0 =	vmul.f32 v1, v0;
	_ =	sdelay $0x1  }
0x3e9: {  	[tilespmem:$0xB440] =	vst v0;
	v0 =	vld [tilespmem:$0x33D0]  }
0x3ea: {  	v1 =	vld.idx.msk [tilespmem:v2+s10+$0x0], $0xffff  }
0x3eb: {  	v2 =	vld [tilespmem:$0x2BE0];
	_ =	sdelay $0x4  }
0x3ec: {  	v0 =	vmul.f32 v1, v0;
	_ =	sdelay $0x1  }
0x3ed: {  	[tilespmem:$0xB450] =	vst v0;
	v0 =	vld [tilespmem:$0x33E0]  }
0x3ee: {  	v1 =	vld.idx.msk [tilespmem:v2+s10+$0x0], $0xffff  }
0x3ef: {  	v2 =	vld [tilespmem:$0x2BF0];
	_ =	sdelay $0x4  }
0x3f0: {  	v0 =	vmul.f32 v1, v0;
	_ =	sdelay $0x1  }
0x3f1: {  	[tilespmem:$0xB460] =	vst v0;
	v0 =	vld [tilespmem:$0x33F0]  }
0x3f2: {  	v1 =	vld.idx.msk [tilespmem:v2+s10+$0x0], $0xffff;
	_ =	sdelay $0x3  }
0x3f3: {  	v2 =	vmov s10  }
0x3f4: {  	v0 =	vmul.f32 v1, v0;
	v1 =	vand.u32 $0xFFFFFFFE, v2  }
0x3f5: {  	v1 =	vbroadcast v1, $0x0;
	_ =	sdelay $0x3  }
0x3f6: {  	s10 =	simm.s32 $0x7480;
	[tilespmem:$0xB470] =	vst v0  }
0x3f7: {  	v4 =	vld [tilespmem:s10+$0xFFFFFFF0]  }
0x3f8: {  	v5 =	vld.idx.msk [tilespmem:v1+s8+$0x0], $0xffff  }
0x3f9: {  	v6 =	vld [tilespmem:s10+$0xFFFFFF80]  }
0x3fa: {  	v7 =	vld [tilespmem:s10+$0xFFFFFFA0]  }
0x3fb: {  	v3 =	vld [tilespmem:s10+$0xFFFFFFB0]  }
0x3fc: {  	v2 =	vld [tilespmem:s10+$0xFFFFFFD0]  }
0x3fd: {  	v9 =	vld [tilespmem:s10+$0xFFFFFF90];
	v4 =	vmul.f32 v4, v5  }
0x3fe: {  	v63 =	vld [tilespmem:s10+$0xFFFFFFE0];
	v6 =	vmul.f32 v6, v5  }
0x3ff: {  	v10 =	vld [tilespmem:s10+$0xFFFFFFC0];
	v7 =	vmul.f32 v7, v5;
	[tilespmem:s10+$0xFFFFFFF0] =	vst v4  }
0x400: {  	v3 =	vmul.f32 v3, v5;
	[tilespmem:s10+$0xFFFFFF80] =	vst v6  }
0x401: {  	s11 =	simm.s32 $0x1;
	v2 =	vmul.f32 v2, v5;
	[tilespmem:s10+$0xFFFFFFA0] =	vst v7  }
0x402: {  	v4 =	vmul.f32 v9, v5;
	[tilespmem:s10+$0xFFFFFFB0] =	vst v3;
	v6 =	vmov s11  }
0x403: {  	v0 =	vld [tilespmem:s10+$0x0];
	v3 =	vmul.f32 v63, v5;
	[tilespmem:s10+$0xFFFFFFD0] =	vst v2  }
0x404: {  	v1 =	vld [tilespmem:s10+$0x10];
	v2 =	vmul.f32 v10, v5;
	[tilespmem:s10+$0xFFFFFF90] =	vst v4  }
0x405: {  	[tilespmem:s10+$0xFFFFFFE0] =	vst v3;
	v4 =	vld [tilespmem:s10+$0x30]  }
0x406: {  	[tilespmem:s10+$0xFFFFFFC0] =	vst v2;
	v3 =	vld [tilespmem:s10+$0x70]  }
0x407: {  	s7 =	simm.s32 $0x7480;
	s6 =	simm.s32 $0x2;
	v2 =	vld.idx.msk [tilespmem:v6+s8+$0x0], $0xffff  }
.LBB2_21:
0x408: {  	p0 =	slt.u32 s6, $0x7E  }
0x409: {  	v5 =	vld [tilespmem:s10+$0x20];
	s7 =	sadd.s32 $0x100, s7;
	s11 =	smov.u32 s6;
	s6 =	sadd.s32 $0x2, s6  }
0x40a: {  	v6 =	vld [tilespmem:s10+$0x40]  }
0x40b: {  	v7 =	vld [tilespmem:s10+$0x50]  }
0x40c: {  	v8 =	vld [tilespmem:s10+$0x60];
	_ =	sdelay $0x1  }
0x40d: {  	v0 =	vmul.f32 v0, v2;
	v1 =	vmul.f32 v1, v2  }
0x40e: {  	v4 =	vmul.f32 v4, v2;
	v5 =	vmul.f32 v5, v2  }
0x40f: {  	v9 =	vmov s11;
	v6 =	vmul.f32 v6, v2;
	[tilespmem:s10+$0x0] =	vst v0;
	v7 =	vmul.f32 v7, v2  }
0x410: {  	v9 =	vand.u32 $0xFFFFFFFE, v9;
	v0 =	vld [tilespmem:s7+$0x0];
	[tilespmem:s10+$0x30] =	vst v4;
	v4 =	vmul.f32 v8, v2;
	v2 =	vmul.f32 v3, v2  }
0x411: {  	v3 =	vbroadcast v9, $0x0;
	[tilespmem:s10+$0x10] =	vst v1  }
0x412: {  	[tilespmem:s10+$0x70] =	vst v2  }
0x413: {  	v2 =	vld [tilespmem:s7+$0xFFFFFFD0];
	[tilespmem:s10+$0x20] =	vst v5  }
0x414: {  	v5 =	vld [tilespmem:s7+$0xFFFFFFB0];
	[tilespmem:s10+$0x60] =	vst v4  }
0x415: {  	v4 =	vld [tilespmem:s7+$0xFFFFFFE0];
	[tilespmem:s10+$0x40] =	vst v6  }
0x416: {  	v6 =	vld [tilespmem:s7+$0xFFFFFFF0];
	[tilespmem:s10+$0x50] =	vst v7;
	s10 =	smov.u32 s7  }
0x417: {  	v3 =	vld.idx.msk [tilespmem:v3+s8+$0x0], $0xffff  }
0x418: {  	v7 =	vld [tilespmem:s7+$0xFFFFFF80]  }
0x419: {  	v8 =	vld [tilespmem:s7+$0xFFFFFFA0]  }
0x41a: {  	v9 =	vld [tilespmem:s7+$0xFFFFFF90]  }
0x41b: {  	v10 =	vld [tilespmem:s7+$0xFFFFFFC0]  }
0x41c: {  	v1 =	vld [tilespmem:s7+$0x10]  }
0x41d: {  	v6 =	vmul.f32 v6, v3;
	v7 =	vmul.f32 v7, v3  }
0x41e: {  	v4 =	vmul.f32 v4, v3;
	v8 =	vmul.f32 v8, v3  }
0x41f: {  	v5 =	vmul.f32 v5, v3;
	v9 =	vmul.f32 v9, v3;
	[tilespmem:s7+$0xFFFFFFF0] =	vst v6  }
0x420: {  	v2 =	vmul.f32 v2, v3;
	[tilespmem:s7+$0xFFFFFF80] =	vst v7;
	v6 =	vmul.f32 v10, v3  }
0x421: {  	s11 =	sadd.s32 $0x1, s11;
	[tilespmem:s7+$0xFFFFFFA0] =	vst v8  }
0x422: {  	[tilespmem:s7+$0xFFFFFFB0] =	vst v5;
	v5 =	vmov s11  }
.Ltmp9:
0x423: {  	[tilespmem:s7+$0xFFFFFFD0] =	vst v2;
	(pc) =	sbr.rel @p0 .LBB2_21-.Ltmp9, $4  }
0x424: {  	[tilespmem:s7+$0xFFFFFF90] =	vst v9  }
0x425: {  	[tilespmem:s7+$0xFFFFFFE0] =	vst v4;
	v4 =	vld [tilespmem:s7+$0x30]  }
0x426: {  	[tilespmem:s7+$0xFFFFFFC0] =	vst v6;
	v3 =	vld [tilespmem:s7+$0x70]  }
0x427: {  	v2 =	vld.idx.msk [tilespmem:v5+s8+$0x0], $0xffff  }
0x428: {  	_ =	sdelay $0x2  }
0x429: {  	v5 =	vld [tilespmem:s10+$0x20]  }
0x42a: {  	v6 =	vld [tilespmem:s10+$0x60];
	v0 =	vmul.f32 v0, v2  }
0x42b: {  	v7 =	vld [tilespmem:s10+$0x40];
	v4 =	vmul.f32 v4, v2  }
0x42c: {  	v8 =	vld [tilespmem:s10+$0x50];
	v1 =	vmul.f32 v1, v2;
	[tilespmem:s10+$0x0] =	vst v0  }
0x42d: {  	v59 =	vmul.f32 v3, v2;
	[tilespmem:s10+$0x30] =	vst v4  }
0x42e: {  	v60 =	vmul.f32 v5, v2;
	[tilespmem:s10+$0x10] =	vst v1  }
0x42f: {  	v61 =	vmul.f32 v6, v2;
	[tilespmem:s10+$0x70] =	vst v59  }
0x430: {  	v62 =	vmul.f32 v7, v2;
	[tilespmem:s10+$0x20] =	vst v60  }
0x431: {  	v63 =	vmul.f32 v8, v2;
	[tilespmem:s10+$0x60] =	vst v61  }
0x432: {  	s6 =	rddreg [dreg:$0x3];
	[tilespmem:s10+$0x40] =	vst v62  }
0x433: {  	s1 =	simm.s32 $0x7400;
	s3 =	sadd.s32 $0x1, s3;
	[tilespmem:s10+$0x50] =	vst v63;
	s10 =	simm.s32 $0x3  }
0x434: {  	[spmem:s6] =	stream.indirect.scatter.add.f32 [tilespmem:s1], [sflag:$0x4], $0x80, s14, s23, $0xb8;
	[tilespmem:$0x1F700] =	vst v63  }
0x435: {  	p0 =	sne.s32 s3, $0xA;
	_ =	swait.ge [sflag:s10], $0x4000  }
.Ltmp10:
0x436: {  	[sflag:s10] =	ssyncset.done $0x0;
	(pc) =	sbr.rel @p0 .LBB2_6-.Ltmp10, $4  }
0x437: {  	s11 =	simm.s32 $0x4;
	[sflag:s10] =	ssyncadd.s32 $0xFFFFC000  }
0x438: {  	_ =	swait.ge [sflag:s11], $0x4000  }
0x439: {  	[sflag:s11] =	ssyncset.done $0x0  }
0x43a: {  	[sflag:s11] =	ssyncadd.s32 $0xFFFFC000  }
0x43b: {  	[bflag:$0x0] =	sbarrier.arrive $0xFFFF  }
0x43c: {  	s10 =	rddreg [dreg:$0xa]  }
0x43d: {  	s3 =	rddreg [dreg:$0xd]  }
0x43e: {  	s6 =	rddreg [dreg:$0x10]  }
0x43f: {  	[hbm:s3], [sflag:s10] =	dma.local [spmem:s6], $0x2800  }
0x440: {  	_ =	swait.ge [sflag:s19], $0x2800  }
0x441: {  	[sflag:s19] =	ssyncset.done $0x0;
	s1 =	rddreg [dreg:$0xe]  }
0x442: {  	s7 =	rddreg [dreg:$0x11];
	[sflag:s19] =	ssyncadd.s32 $0xFFFFD800  }
0x443: {  	[hbm:s1], [sflag:s10] =	dma.local [spmem:s7], $0x50  }
0x444: {  	_ =	swait.ge [sflag:s19], $0x50  }
0x445: {  	s1 =	rddreg [dreg:$0x12]  }
0x446: {  	s11 =	rddreg [dreg:$0xf];
	s1 =	sadd.s32 $0x1, s1  }
0x447: {  	p0 =	sne.s32 s1, s11  }
.Ltmp11:
0x448: {  	_ = 	snop;
	(pc) =	sbr.rel @p0 .LBB2_1-.Ltmp11, $3  }
0x449: {  	_ =	sdelay $0x1  }
0x44a: {  	[sflag:s19] =	ssyncset.done $0x0  }
0x44b: {  	[sflag:s19] =	ssyncadd.s32 $0xFFFFFFB0  }
0x44c: {  	_ =	sfence.sel $0x180000  }
0x44d: {  	[bflag:$0x0] =	sbarrier.arrive $0xFFFF  }
0x44e: {  	_ =	strace $0x90000047  }
0x44f: {  	s0 =	stileid.u32;
	[bflag:$0x2] =	sbarrier.arrive $0xFFFF  }
0x450: {  	p0 =	sne.s32 s0, $0x0;
	s0 =	rddreg [dreg:$0x5]  }
0x451: {  	s0 =	sadd.s32 @!p0 $0x100000, s0  }
0x452: {  	[sflag:s0] =	ssyncadd.tile.s32 @!p0 $0x1;
	_ =	shalt  }
.Lfunc_end2:
_tile_overlayer_lowered:
.L_overlay_start_2:
0x453: {  	(tag) =	ssettag $0x2  }
0x454: {  	s0 =	rddreg [dreg:$0x0];
	s2 =	stileid.u32  }
0x455: {  	s1 =	rddreg [dreg:$0x1];
	p0 =	sne.s32 s2, $0x0  }
0x456: {  	s3 =	rddreg [dreg:$0x2];
	[bflag:$0x3] =	sbarrier.arrive $0xFFFF;
	s2 =	simm.s32 @!p0 $0x1C06  }
0x457: {  	[timem:s3], [sflag:s2] =	dma.local @!p0 [hbm:s0], s1  }
0x458: {  	s0 =	simm.s32 @!p0 $0x6  }
0x459: {  	_ =	swait.ge @!p0 [sflag:s0], s1  }
0x45a: {  	s1 =	ssub.s32 @!p0 $0x0, s1;
	[sflag:s0] =	ssyncset.done @!p0 $0x0  }
0x45b: {  	[sflag:s0] =	ssyncadd.s32 @!p0 s1  }
0x45c: {  	[bflag:$0x3] =	sbarrier.arrive $0xFFFF  }
0x45d: {  	_ =	shalt  }

</sc_bundles>
